<compile_context>
chip_gen: v7x
topology: tpu7x:2x2x1
jax: 0.10.2.dev20260603
libtpu: 0.0.44.dev20260713+nightly
codegen_flags: <defaults>
</compile_context>

<pallas_src>
import functools

import jax
import jax.numpy as jnp
from jax import lax
from jax.experimental import pallas as pl
from jax.experimental.pallas import tpu as pltpu
from jax.experimental.pallas import tpu_sc as plsc

D = 128
CW = 144
NEG = 0.2
NC, NS = 2, 16
NW = NC * NS
K = 48
SUP = 30
NUB = 3
NVB = 2
STEP = 6
BLK = 256



def _prep_body(x_ref, wl_ref, wr_ref, bl_ref, br_ref, att_ref, xl_ref, xr_ref):
    xb = x_ref[...]
    xl = jnp.dot(xb, wl_ref[...], preferred_element_type=jnp.float32) + bl_ref[...]
    xr = jnp.dot(xb, wr_ref[...], preferred_element_type=jnp.float32) + br_ref[...]
    z = xl + xr
    z = jnp.maximum(z, NEG * z)
    m = jnp.sum(z * att_ref[...], axis=1, keepdims=True)
    b = xb.shape[0]
    sh = m * (1.0 / 1.2)
    xl_ref[...] = jnp.concatenate(
        [xl, jnp.ones((b, 1), jnp.float32), jnp.zeros((b, CW - D - 1), jnp.float32)],
        axis=1)
    xr_ref[...] = jnp.concatenate(
        [xr, sh - 1.0, -sh, jnp.zeros((b, CW - D - 2), jnp.float32)], axis=1)


def _tc_prep(xp, Wl, bl, Wr, br, att):
    np_ = xp.shape[0]
    grid = (np_ // BLK,)
    return pl.pallas_call(
        _prep_body,
        grid=grid,
        in_specs=[
            pl.BlockSpec((BLK, D), lambda i: (i, 0)),
            pl.BlockSpec((D, D), lambda i: (0, 0)),
            pl.BlockSpec((D, D), lambda i: (0, 0)),
            pl.BlockSpec((1, D), lambda i: (0, 0)),
            pl.BlockSpec((1, D), lambda i: (0, 0)),
            pl.BlockSpec((1, D), lambda i: (0, 0)),
        ],
        out_specs=[
            pl.BlockSpec((BLK, CW), lambda i: (i, 0)),
            pl.BlockSpec((BLK, CW), lambda i: (i, 0)),
        ],
        out_shape=[
            jax.ShapeDtypeStruct((np_, CW), jnp.float32),
            jax.ShapeDtypeStruct((np_, CW), jnp.float32),
        ],
    )(xp, Wl, Wr, bl.reshape(1, D), br.reshape(1, D), att.reshape(1, D))



def _sc_edge_fn(np_, ep):
    chunks = ep // (NW * K)
    assert chunks % SUP == 0 and SUP % STEP == 0
    nsuper = chunks // SUP
    nii = SUP // STEP
    rows_per_tile = np_ // NS
    mesh = plsc.VectorSubcoreMesh(core_axis_name="c", subcore_axis_name="s",
                                  num_cores=NC, num_subcores=NS)

    @functools.partial(
        pl.kernel,
        out_type=jax.ShapeDtypeStruct((NC, np_, CW), jnp.float32),
        mesh=mesh,
        compiler_params=pltpu.CompilerParams(use_tc_tiling_on_sc=False),
        scratch_types=[
            pltpu.VMEM((SUP, K), jnp.int32),
            pltpu.VMEM((SUP, K), jnp.int32),
            pltpu.VMEM((K, CW), jnp.float32),
            pltpu.VMEM((K, CW), jnp.float32),
            pltpu.VMEM((K, CW), jnp.float32),
            pltpu.VMEM((K, CW), jnp.float32),
            pltpu.VMEM((K, CW), jnp.float32),
            pltpu.VMEM((CW,), jnp.float32),
            pltpu.VMEM_SHARED((np_, CW), jnp.float32),
            pltpu.SemaphoreType.DMA,
            pltpu.SemaphoreType.DMA,
            pltpu.SemaphoreType.DMA,
            pltpu.SemaphoreType.DMA,
            pltpu.SemaphoreType.DMA,
            pltpu.SemaphoreType.DMA,
            pltpu.SemaphoreType.DMA,
            pltpu.SemaphoreType.DMA,
        ],
    )
    def sc_edge(xl_hbm, xr_hbm, src_hbm, dst_hbm, zero_hbm, att_hbm, out_hbm,
                srcv, dstv, ub0, ub1, ub2, vb0, vb1, attv, accsh,
                sgu0, sgu1, sgu2, sgv0, sgv1, ss0, ss1, ss2):
        cid = lax.axis_index("c")
        sid = lax.axis_index("s")
        base_chunk = (sid * NC + cid) * chunks
        ub = [ub0, ub1, ub2]
        vb = [vb0, vb1]
        sem_gu = [sgu0, sgu1, sgu2]
        sem_gv = [sgv0, sgv1]
        sem_s = [ss0, ss1, ss2]
        pltpu.sync_copy(zero_hbm, accsh.at[pl.ds(sid * rows_per_tile, rows_per_tile)])
        pltpu.sync_copy(att_hbm, attv)
        att_regs = [attv[pl.ds(16 * j, 16)] for j in range(CW // 16)]
        iof = lax.iota(jnp.int32, 16).astype(jnp.float32)
        u8c = jnp.maximum(1.0 - iof, 0.0)
        plsc.subcore_barrier()

        def gather_start(uslot, vslot, row):
            pltpu.async_copy(xl_hbm.at[srcv.at[row]], ub[uslot], sem_gu[uslot])
            pltpu.async_copy(xr_hbm.at[dstv.at[row]], vb[vslot], sem_gv[vslot])

        def gather_wait(uslot, vslot, row):
            pltpu.make_async_copy(xl_hbm.at[srcv.at[row]], ub[uslot],
                                  sem_gu[uslot]).wait()
            pltpu.make_async_copy(xr_hbm.at[dstv.at[row]], vb[vslot],
                                  sem_gv[vslot]).wait()

        def scatter_start(uslot, row):
            pltpu.async_copy(ub[uslot], accsh.at[dstv.at[row]], sem_s[uslot],
                             add=True)

        def scatter_wait(uslot, row):
            pltpu.make_async_copy(ub[uslot], accsh.at[dstv.at[row]],
                                  sem_s[uslot]).wait()

        def compute(uslot, vslot):
            up, vp = ub[uslot], vb[vslot]

            @plsc.parallel_loop(0, K, step=1, unroll=1)
            def _edge(e):
                us = [up[e, pl.ds(16 * j, 16)] for j in range(8)]
                acc = [None, None, None]
                for j in range(8):
                    z = us[j] + vp[e, pl.ds(16 * j, 16)]
                    z = jnp.maximum(z, NEG * z)
                    za = z * att_regs[j]
                    k = j % 3
                    acc[k] = za if acc[k] is None else acc[k] + za
                z8 = u8c + vp[e, pl.ds(128, 16)]
                z8 = jnp.maximum(z8, NEG * z8)
                s = (acc[0] + acc[1]) + (acc[2] + z8 * att_regs[8])
                s = s + lax.rev(s, (0,))
                t = ((s[0] + s[1]) + (s[2] + s[3])) \
                    + ((s[4] + s[5]) + (s[6] + s[7]))
                wv = jnp.exp(jnp.full((16,), t, jnp.float32))
                for j in range(8):
                    up[e, pl.ds(16 * j, 16)] = us[j] * wv
                up[e, pl.ds(128, 16)] = u8c * wv

        def super_body(sp, carry):
            idx_base = base_chunk + sp * SUP
            pltpu.sync_copy(src_hbm.at[pl.ds(idx_base, SUP)], srcv)
            pltpu.sync_copy(dst_hbm.at[pl.ds(idx_base, SUP)], dstv)
            gather_start(0, 0, 0)
            gather_start(1, 1, 1)

            def inner(ii, c2):
                cc0 = ii * STEP
                for ph in range(STEP):
                    cc = cc0 + ph
                    uslot, vslot = ph % NUB, ph % NVB
                    gather_wait(uslot, vslot, cc)
                    compute(uslot, vslot)
                    scatter_start(uslot, cc)
                    nslot = (ph + 2) % NUB
                    if ph == 0:
                        @pl.when(ii > 0)
                        def _():
                            scatter_wait(nslot, cc0 - 1)
                    else:
                        scatter_wait(nslot, cc - 1)
                    nvslot = (ph + 2) % NVB
                    if ph >= STEP - 2:
                        @pl.when(ii < nii - 1)
                        def _():
                            gather_start(nslot, nvslot, cc + 2)
                    else:
                        gather_start(nslot, nvslot, cc + 2)
                return c2

            lax.fori_loop(0, nii, inner, 0)
            scatter_wait((SUP - 1) % NUB, SUP - 1)
            return carry

        lax.fori_loop(0, nsuper, super_body, 0)
        plsc.subcore_barrier()
        pltpu.sync_copy(
            accsh.at[pl.ds(sid * rows_per_tile, rows_per_tile)],
            out_hbm.at[cid, pl.ds(sid * rows_per_tile, rows_per_tile)])

    return sc_edge



def _final_body(acc_ref, xl_ref, bias_ref, w2_ref, b2_ref, o_ref):
    a = acc_ref[0] + acc_ref[1]
    num = a[:, 0:D] + xl_ref[:, 0:D]
    den = a[:, D:D + 1] + (1.0 + 1e-16)
    h = num / den + bias_ref[...]
    h = jnp.where(h > 0, h, jnp.exp(jnp.minimum(h, 0.0)) - 1.0)
    o_ref[...] = jnp.dot(h, w2_ref[...], preferred_element_type=jnp.float32) \
        + b2_ref[...]


def _tc_final(accs, XL, bias, W2, b2):
    np_ = XL.shape[0]
    grid = (np_ // BLK,)
    return pl.pallas_call(
        _final_body,
        grid=grid,
        in_specs=[
            pl.BlockSpec((NC, BLK, CW), lambda i: (0, i, 0)),
            pl.BlockSpec((BLK, CW), lambda i: (i, 0)),
            pl.BlockSpec((1, D), lambda i: (0, 0)),
            pl.BlockSpec((D, D), lambda i: (0, 0)),
            pl.BlockSpec((1, D), lambda i: (0, 0)),
        ],
        out_specs=pl.BlockSpec((BLK, D), lambda i: (i, 0)),
        out_shape=jax.ShapeDtypeStruct((np_, D), jnp.float32),
    )(accs, XL, bias.reshape(1, D), W2, b2.reshape(1, D))



def kernel(x, edge_index, edge_weight, Wl, bl, Wr, br, att, bias, W2, b2):
    n = x.shape[0]
    e = edge_index.shape[1]
    np_ = ((n + 16) + 255) // 256 * 256
    gran = NW * K * SUP
    ep = (e + gran - 1) // gran * gran

    xp = jnp.pad(x, ((0, np_ - n), (0, 0)))
    dummy = jnp.full((ep - e,), n, jnp.int32)
    srcp = jnp.concatenate([edge_index[0], dummy]).reshape(ep // K, K)
    dstp = jnp.concatenate([edge_index[1], dummy]).reshape(ep // K, K)
    att_ext = jnp.concatenate(
        [att, jnp.array([-1.0, 1.0], jnp.float32),
         jnp.zeros((CW - D - 2,), jnp.float32)])

    XL, XR = _tc_prep(xp, Wl, bl, Wr, br, att)
    zeros_tile = jnp.zeros((np_ // NS, CW), jnp.float32)
    accs = _sc_edge_fn(np_, ep)(XL, XR, srcp, dstp, zeros_tile, att_ext)
    outp = _tc_final(accs, XL, bias, W2, b2)
    return outp[:n]

# --- scband reference (transcript-rebuilt; emitter-appended) ---
"""Pipeline reference for scband-gatv2-conv-nn-86938728005830 (READ-ONLY COPY).

The authoritative reference and input builder live on the scoring server;
editing this copy changes nothing except your own understanding.
"""

import jax, jax.numpy as jnp
import numpy as np

N = 10000
E = 320000
D = 128   # in_channels
H = 128   # hidden_channels (heads=1)
O = 128   # out_channels
NEG_SLOPE = 0.2


def setup_inputs(seed: int = 0) -> dict:
    key = jax.random.key(seed)
    ks = jax.random.split(key, 12)
    x = jax.random.normal(ks[0], (N, D), dtype=jnp.float32)
    edge_index = jax.random.randint(ks[1], (2, E), 0, N, dtype=jnp.int32)
    edge_weight = jax.random.uniform(ks[2], (E,), dtype=jnp.float32)
    s = 1.0 / np.sqrt(D)
    Wl = jax.random.normal(ks[3], (D, H), dtype=jnp.float32) * s
    bl = jnp.zeros((H,), dtype=jnp.float32)
    Wr = jax.random.normal(ks[4], (D, H), dtype=jnp.float32) * s
    br = jnp.zeros((H,), dtype=jnp.float32)
    att = jax.random.normal(ks[5], (H,), dtype=jnp.float32) * (1.0 / np.sqrt(H))
    bias = jnp.zeros((H,), dtype=jnp.float32)
    W2 = jax.random.normal(ks[6], (H, O), dtype=jnp.float32) * (1.0 / np.sqrt(H))
    b2 = jnp.zeros((O,), dtype=jnp.float32)
    return {"x": x, "edge_index": edge_index, "edge_weight": edge_weight,
            "Wl": Wl, "bl": bl, "Wr": Wr, "br": br, "att": att, "bias": bias,
            "W2": W2, "b2": b2}


def _gatv2_conv(x, src, dst, Wl, bl, Wr, br, att, bias):
    # GATv2Conv, heads=1, add_self_loops=True, dropout inactive (eval mode).
    n = x.shape[0]
    loops = jnp.arange(n, dtype=src.dtype)
    src = jnp.concatenate([src, loops])
    dst = jnp.concatenate([dst, loops])
    x_l = x @ Wl + bl  # source-side transform
    x_r = x @ Wr + br  # target-side transform
    m = x_l[src] + x_r[dst]                      # gather, [E+N, H]
    m = jax.nn.leaky_relu(m, NEG_SLOPE)
    alpha = m @ att                              # [E+N]
    amax = jax.ops.segment_max(alpha, dst, num_segments=n)
    alpha = jnp.exp(alpha - amax[dst])
    denom = jax.ops.segment_sum(alpha, dst, num_segments=n)
    alpha = alpha / (denom[dst] + 1e-16)
    out = jax.ops.segment_sum(x_l[src] * alpha[:, None], dst, num_segments=n)
    return out + bias


def reference(x, edge_index, edge_weight, Wl, bl, Wr, br, att, bias, W2, b2):
    # edge_weight is passed to GATv2Conv as edge_attr, but since edge_dim is
    # None the layer has no lin_edge and the weights do not enter the math.
    src = edge_index[0]
    dst = edge_index[1]
    h = _gatv2_conv(x, src, dst, Wl, bl, Wr, br, att, bias)
    h = jax.nn.elu(h)
    return h @ W2 + b2

if __name__ == "__main__":
    import jax
    _d = setup_inputs()
    print(jax.jit(kernel)(*tuple(_d.values())))

</pallas_src>

<mosaic_0001>
#map = affine_map<(d0, d1) -> (0, 0)>
#map1 = affine_map<(d0, d1) -> (0)>
#map2 = affine_map<(d0, d1) -> (0, 0, 0)>
module attributes {stable_mosaic.version = 14 : i64} {
  func.func @sc_edge(%arg0: i32, %arg1: i32, %arg2: memref<10240x144xf32, #tpu.memory_space<hbm>>, %arg3: memref<10240x144xf32, #tpu.memory_space<hbm>>, %arg4: memref<6720x48xi32, #tpu.memory_space<hbm>>, %arg5: memref<6720x48xi32, #tpu.memory_space<hbm>>, %arg6: memref<640x144xf32, #tpu.memory_space<hbm>>, %arg7: memref<144xf32, #tpu.memory_space<hbm>>, %arg8: memref<2x10240x144xf32, #tpu.memory_space<hbm>>, %arg9: memref<30x48xi32, #tpu.memory_space<vmem>>, %arg10: memref<30x48xi32, #tpu.memory_space<vmem>>, %arg11: memref<48x144xf32, #tpu.memory_space<vmem>>, %arg12: memref<48x144xf32, #tpu.memory_space<vmem>>, %arg13: memref<48x144xf32, #tpu.memory_space<vmem>>, %arg14: memref<48x144xf32, #tpu.memory_space<vmem>>, %arg15: memref<48x144xf32, #tpu.memory_space<vmem>>, %arg16: memref<144xf32, #tpu.memory_space<vmem>>, %arg17: memref<10240x144xf32, #tpu.memory_space<vmem_shared>>, %arg18: memref<!tpu.dma_semaphore, #tpu.memory_space<semaphore_mem>>, %arg19: memref<!tpu.dma_semaphore, #tpu.memory_space<semaphore_mem>>, %arg20: memref<!tpu.dma_semaphore, #tpu.memory_space<semaphore_mem>>, %arg21: memref<!tpu.dma_semaphore, #tpu.memory_space<semaphore_mem>>, %arg22: memref<!tpu.dma_semaphore, #tpu.memory_space<semaphore_mem>>, %arg23: memref<!tpu.dma_semaphore, #tpu.memory_space<semaphore_mem>>, %arg24: memref<!tpu.dma_semaphore, #tpu.memory_space<semaphore_mem>>, %arg25: memref<!tpu.dma_semaphore, #tpu.memory_space<semaphore_mem>>) attributes {dimension_semantics = [#tpu.dimension_semantics<core_parallel>, #tpu.dimension_semantics<subcore_parallel>], iteration_bounds = array<i64: 2, 16>, scalar_prefetch = 0 : i64, scratch_operands = 17 : i64, tpu.core_type = #tpu.core_type<sc_vector_subcore>, window_params = [{transform_indices = #map}, {transform_indices = #map}, {transform_indices = #map}, {transform_indices = #map}, {transform_indices = #map}, {transform_indices = #map1}, {transform_indices = #map2}]} {
    %mul3A = arith.constant 2 : i32
    %mul3A_0 = arith.muli %arg1, %mul3A : i32
    %add3A = arith.addi %mul3A_0, %arg0 : i32
    %mul3A_1 = arith.constant 210 : i32
    %mul3A_2 = arith.muli %add3A, %mul3A_1 : i32
    %mul3A_3 = arith.constant 640 : i32
    %mul3A_4 = arith.muli %arg1, %mul3A_3 : i32
    "tpu.region"() ({
      %run_scoped3A = tpu.sem_alloc : memref<!tpu.dma_semaphore, #tpu.memory_space<semaphore_mem>>
      %dma_start3A = arith.constant 0 : i32
      %dma_start3A_45 = tpu.memref_slice %arg17[%mul3A_4, %dma_start3A] : memref<10240x144xf32, #tpu.memory_space<vmem_shared>> -> memref<640x144xf32, #tpu.memory_space<vmem_shared>>
      tpu.enqueue_dma source(%arg6 : memref<640x144xf32, #tpu.memory_space<hbm>>) target(%dma_start3A_45 : memref<640x144xf32, #tpu.memory_space<vmem_shared>>) target_semaphore(%run_scoped3A : memref<!tpu.dma_semaphore, #tpu.memory_space<semaphore_mem>>)
      %dma_wait3A = arith.constant 0 : i32
      %dma_wait3A_46 = tpu.memref_slice %arg17[%mul3A_4, %dma_wait3A] : memref<10240x144xf32, #tpu.memory_space<vmem_shared>> -> memref<640x144xf32, #tpu.memory_space<vmem_shared>>
      tpu.wait_dma2 semaphore(%run_scoped3A : memref<!tpu.dma_semaphore, #tpu.memory_space<semaphore_mem>>) src(%arg6 : memref<640x144xf32, #tpu.memory_space<hbm>>) dst(%dma_wait3A_46 : memref<640x144xf32, #tpu.memory_space<vmem_shared>>)
      tpu.yield
    }) : () -> ()
    "tpu.region"() ({
      %run_scoped3A = tpu.sem_alloc : memref<!tpu.dma_semaphore, #tpu.memory_space<semaphore_mem>>
      tpu.enqueue_dma source(%arg7 : memref<144xf32, #tpu.memory_space<hbm>>) target(%arg16 : memref<144xf32, #tpu.memory_space<vmem>>) target_semaphore(%run_scoped3A : memref<!tpu.dma_semaphore, #tpu.memory_space<semaphore_mem>>)
      tpu.wait_dma2 semaphore(%run_scoped3A : memref<!tpu.dma_semaphore, #tpu.memory_space<semaphore_mem>>) src(%arg7 : memref<144xf32, #tpu.memory_space<hbm>>) dst(%arg16 : memref<144xf32, #tpu.memory_space<vmem>>)
      tpu.yield
    }) : () -> ()
    %get3A = arith.constant 0 : index
    %get3A_5 = tpu.vector_load %arg16[%get3A] {strides = array<i32>} : memref<144xf32, #tpu.memory_space<vmem>>, vector<16xf32>,
    %get3A_6 = vector.shape_cast %get3A_5 : vector<16xf32> to vector<16xf32>
    %get3A_7 = arith.constant 16 : index
    %get3A_8 = tpu.vector_load %arg16[%get3A_7] {strides = array<i32>} : memref<144xf32, #tpu.memory_space<vmem>>, vector<16xf32>,
    %get3A_9 = vector.shape_cast %get3A_8 : vector<16xf32> to vector<16xf32>
    %get3A_10 = arith.constant 32 : index
    %get3A_11 = tpu.vector_load %arg16[%get3A_10] {strides = array<i32>} : memref<144xf32, #tpu.memory_space<vmem>>, vector<16xf32>,
    %get3A_12 = vector.shape_cast %get3A_11 : vector<16xf32> to vector<16xf32>
    %get3A_13 = arith.constant 48 : index
    %get3A_14 = tpu.vector_load %arg16[%get3A_13] {strides = array<i32>} : memref<144xf32, #tpu.memory_space<vmem>>, vector<16xf32>,
    %get3A_15 = vector.shape_cast %get3A_14 : vector<16xf32> to vector<16xf32>
    %get3A_16 = arith.constant 64 : index
    %get3A_17 = tpu.vector_load %arg16[%get3A_16] {strides = array<i32>} : memref<144xf32, #tpu.memory_space<vmem>>, vector<16xf32>,
    %get3A_18 = vector.shape_cast %get3A_17 : vector<16xf32> to vector<16xf32>
    %get3A_19 = arith.constant 80 : index
    %get3A_20 = tpu.vector_load %arg16[%get3A_19] {strides = array<i32>} : memref<144xf32, #tpu.memory_space<vmem>>, vector<16xf32>,
    %get3A_21 = vector.shape_cast %get3A_20 : vector<16xf32> to vector<16xf32>
    %get3A_22 = arith.constant 96 : index
    %get3A_23 = tpu.vector_load %arg16[%get3A_22] {strides = array<i32>} : memref<144xf32, #tpu.memory_space<vmem>>, vector<16xf32>,
    %get3A_24 = vector.shape_cast %get3A_23 : vector<16xf32> to vector<16xf32>
    %get3A_25 = arith.constant 112 : index
    %get3A_26 = tpu.vector_load %arg16[%get3A_25] {strides = array<i32>} : memref<144xf32, #tpu.memory_space<vmem>>, vector<16xf32>,
    %get3A_27 = vector.shape_cast %get3A_26 : vector<16xf32> to vector<16xf32>
    %get3A_28 = arith.constant 128 : index
    %get3A_29 = tpu.vector_load %arg16[%get3A_28] {strides = array<i32>} : memref<144xf32, #tpu.memory_space<vmem>>, vector<16xf32>,
    %get3A_30 = vector.shape_cast %get3A_29 : vector<16xf32> to vector<16xf32>
    %iota3A = tpu.iota {dimensions = array<i32: 0>} : vector<16xi32>
    %convert_element_type3A = arith.sitofp %iota3A : vector<16xi32> to vector<16xf32>
    %sub3A = arith.constant 1.000000e+00 : f32
    %sub3A_31 = vector.broadcast %sub3A : f32 to vector<16xf32>
    %sub3A_32 = arith.subf %sub3A_31, %convert_element_type3A : vector<16xf32>
    %max3A = arith.constant 0.000000e+00 : f32
    %max3A_33 = vector.broadcast %max3A : f32 to vector<16xf32>
    %max3A_34 = arith.maximumf %sub3A_32, %max3A_33 : vector<16xf32>
    %barrier3A = arith.constant 0 : index
    tpu.barrier barrier_id(%barrier3A)
    %scan3A = arith.constant 0 : i32
    %scan3A_35 = arith.constant 0 : i32
    %scan3A_36 = arith.constant 7 : i32
    %scan3A_37 = arith.addi %scan3A_35, %scan3A_36 : i32
    %scan3A_38 = arith.constant 1 : i32
    scf.for %scan3A_45 = %scan3A_35 to %scan3A_37 step %scan3A_38  : i32 {
      %mul3A_46 = arith.constant 30 : i32
      %mul3A_47 = arith.muli %scan3A_45, %mul3A_46 : i32
      %add3A_48 = arith.addi %mul3A_2, %mul3A_47 : i32
      "tpu.region"() ({
        %run_scoped3A = tpu.sem_alloc : memref<!tpu.dma_semaphore, #tpu.memory_space<semaphore_mem>>
        %dma_start3A_88 = arith.constant 0 : i32
        %dma_start3A_89 = tpu.memref_slice %arg4[%add3A_48, %dma_start3A_88] : memref<6720x48xi32, #tpu.memory_space<hbm>> -> memref<30x48xi32, #tpu.memory_space<hbm>>
        %dma_start3A_90 = arith.constant 0 : i32
        %dma_start3A_91 = tpu.memref_slice %arg4[%add3A_48, %dma_start3A_90] : memref<6720x48xi32, #tpu.memory_space<hbm>> -> memref<30x48xi32, #tpu.memory_space<hbm>>
        tpu.enqueue_dma source(%dma_start3A_91 : memref<30x48xi32, #tpu.memory_space<hbm>>) target(%arg9 : memref<30x48xi32, #tpu.memory_space<vmem>>) target_semaphore(%run_scoped3A : memref<!tpu.dma_semaphore, #tpu.memory_space<semaphore_mem>>)
        %dma_wait3A_92 = arith.constant 0 : i32
        %dma_wait3A_93 = tpu.memref_slice %arg4[%add3A_48, %dma_wait3A_92] : memref<6720x48xi32, #tpu.memory_space<hbm>> -> memref<30x48xi32, #tpu.memory_space<hbm>>
        %dma_wait3A_94 = arith.constant 0 : i32
        %dma_wait3A_95 = tpu.memref_slice %arg4[%add3A_48, %dma_wait3A_94] : memref<6720x48xi32, #tpu.memory_space<hbm>> -> memref<30x48xi32, #tpu.memory_space<hbm>>
        tpu.wait_dma2 semaphore(%run_scoped3A : memref<!tpu.dma_semaphore, #tpu.memory_space<semaphore_mem>>) src(%dma_wait3A_95 : memref<30x48xi32, #tpu.memory_space<hbm>>) dst(%arg9 : memref<30x48xi32, #tpu.memory_space<vmem>>)
        tpu.yield
      }) : () -> ()
      "tpu.region"() ({
        %run_scoped3A = tpu.sem_alloc : memref<!tpu.dma_semaphore, #tpu.memory_space<semaphore_mem>>
        %dma_start3A_88 = arith.constant 0 : i32
        %dma_start3A_89 = tpu.memref_slice %arg5[%add3A_48, %dma_start3A_88] : memref<6720x48xi32, #tpu.memory_space<hbm>> -> memref<30x48xi32, #tpu.memory_space<hbm>>
        %dma_start3A_90 = arith.constant 0 : i32
        %dma_start3A_91 = tpu.memref_slice %arg5[%add3A_48, %dma_start3A_90] : memref<6720x48xi32, #tpu.memory_space<hbm>> -> memref<30x48xi32, #tpu.memory_space<hbm>>
        tpu.enqueue_dma source(%dma_start3A_91 : memref<30x48xi32, #tpu.memory_space<hbm>>) target(%arg10 : memref<30x48xi32, #tpu.memory_space<vmem>>) target_semaphore(%run_scoped3A : memref<!tpu.dma_semaphore, #tpu.memory_space<semaphore_mem>>)
        %dma_wait3A_92 = arith.constant 0 : i32
        %dma_wait3A_93 = tpu.memref_slice %arg5[%add3A_48, %dma_wait3A_92] : memref<6720x48xi32, #tpu.memory_space<hbm>> -> memref<30x48xi32, #tpu.memory_space<hbm>>
        %dma_wait3A_94 = arith.constant 0 : i32
        %dma_wait3A_95 = tpu.memref_slice %arg5[%add3A_48, %dma_wait3A_94] : memref<6720x48xi32, #tpu.memory_space<hbm>> -> memref<30x48xi32, #tpu.memory_space<hbm>>
        tpu.wait_dma2 semaphore(%run_scoped3A : memref<!tpu.dma_semaphore, #tpu.memory_space<semaphore_mem>>) src(%dma_wait3A_95 : memref<30x48xi32, #tpu.memory_space<hbm>>) dst(%arg10 : memref<30x48xi32, #tpu.memory_space<vmem>>)
        tpu.yield
      }) : () -> ()
      %dma_start3A = arith.constant 0 : i32
      %dma_start3A_49 = arith.constant 0 : i32
      %dma_start3A_50 = tpu.memref_slice %arg9[%dma_start3A, %dma_start3A_49] : memref<30x48xi32, #tpu.memory_space<vmem>> -> memref<1x48xi32, #tpu.memory_space<vmem>>
      %dma_start3A_51 = tpu.memref_squeeze %dma_start3A_50 : memref<1x48xi32, #tpu.memory_space<vmem>> -> memref<48xi32, #tpu.memory_space<vmem>>
      %dma_start3A_52 = arith.constant 0 : i32
      %dma_start3A_53 = arith.constant 0 : i32
      %dma_start3A_54 = tpu.memref_slice %arg2[%dma_start3A_52, %dma_start3A_53] : memref<10240x144xf32, #tpu.memory_space<hbm>> -> memref<10240x144xf32, #tpu.memory_space<hbm>>
      tpu.enqueue_indirect_dma source(%dma_start3A_54 : memref<10240x144xf32, #tpu.memory_space<hbm>>) target(%arg11 : memref<48x144xf32, #tpu.memory_space<vmem>>) offsets(%dma_start3A_51 : memref<48xi32, #tpu.memory_space<vmem>>) semaphore(%arg18 : memref<!tpu.dma_semaphore, #tpu.memory_space<semaphore_mem>>)
      %dma_start3A_55 = arith.constant 0 : i32
      %dma_start3A_56 = arith.constant 0 : i32
      %dma_start3A_57 = tpu.memref_slice %arg10[%dma_start3A_55, %dma_start3A_56] : memref<30x48xi32, #tpu.memory_space<vmem>> -> memref<1x48xi32, #tpu.memory_space<vmem>>
      %dma_start3A_58 = tpu.memref_squeeze %dma_start3A_57 : memref<1x48xi32, #tpu.memory_space<vmem>> -> memref<48xi32, #tpu.memory_space<vmem>>
      %dma_start3A_59 = arith.constant 0 : i32
      %dma_start3A_60 = arith.constant 0 : i32
      %dma_start3A_61 = tpu.memref_slice %arg3[%dma_start3A_59, %dma_start3A_60] : memref<10240x144xf32, #tpu.memory_space<hbm>> -> memref<10240x144xf32, #tpu.memory_space<hbm>>
      tpu.enqueue_indirect_dma source(%dma_start3A_61 : memref<10240x144xf32, #tpu.memory_space<hbm>>) target(%arg14 : memref<48x144xf32, #tpu.memory_space<vmem>>) offsets(%dma_start3A_58 : memref<48xi32, #tpu.memory_space<vmem>>) semaphore(%arg21 : memref<!tpu.dma_semaphore, #tpu.memory_space<semaphore_mem>>)
      %dma_start3A_62 = arith.constant 1 : i32
      %dma_start3A_63 = arith.constant 0 : i32
      %dma_start3A_64 = tpu.memref_slice %arg9[%dma_start3A_62, %dma_start3A_63] : memref<30x48xi32, #tpu.memory_space<vmem>> -> memref<1x48xi32, #tpu.memory_space<vmem>>
      %dma_start3A_65 = tpu.memref_squeeze %dma_start3A_64 : memref<1x48xi32, #tpu.memory_space<vmem>> -> memref<48xi32, #tpu.memory_space<vmem>>
      %dma_start3A_66 = arith.constant 0 : i32
      %dma_start3A_67 = arith.constant 0 : i32
      %dma_start3A_68 = tpu.memref_slice %arg2[%dma_start3A_66, %dma_start3A_67] : memref<10240x144xf32, #tpu.memory_space<hbm>> -> memref<10240x144xf32, #tpu.memory_space<hbm>>
      tpu.enqueue_indirect_dma source(%dma_start3A_68 : memref<10240x144xf32, #tpu.memory_space<hbm>>) target(%arg12 : memref<48x144xf32, #tpu.memory_space<vmem>>) offsets(%dma_start3A_65 : memref<48xi32, #tpu.memory_space<vmem>>) semaphore(%arg19 : memref<!tpu.dma_semaphore, #tpu.memory_space<semaphore_mem>>)
      %dma_start3A_69 = arith.constant 1 : i32
      %dma_start3A_70 = arith.constant 0 : i32
      %dma_start3A_71 = tpu.memref_slice %arg10[%dma_start3A_69, %dma_start3A_70] : memref<30x48xi32, #tpu.memory_space<vmem>> -> memref<1x48xi32, #tpu.memory_space<vmem>>
      %dma_start3A_72 = tpu.memref_squeeze %dma_start3A_71 : memref<1x48xi32, #tpu.memory_space<vmem>> -> memref<48xi32, #tpu.memory_space<vmem>>
      %dma_start3A_73 = arith.constant 0 : i32
      %dma_start3A_74 = arith.constant 0 : i32
      %dma_start3A_75 = tpu.memref_slice %arg3[%dma_start3A_73, %dma_start3A_74] : memref<10240x144xf32, #tpu.memory_space<hbm>> -> memref<10240x144xf32, #tpu.memory_space<hbm>>
      tpu.enqueue_indirect_dma source(%dma_start3A_75 : memref<10240x144xf32, #tpu.memory_space<hbm>>) target(%arg15 : memref<48x144xf32, #tpu.memory_space<vmem>>) offsets(%dma_start3A_72 : memref<48xi32, #tpu.memory_space<vmem>>) semaphore(%arg22 : memref<!tpu.dma_semaphore, #tpu.memory_space<semaphore_mem>>)
      %scan3A_76 = arith.constant 0 : i32
      %scan3A_77 = arith.constant 0 : i32
      %scan3A_78 = arith.constant 5 : i32
      %scan3A_79 = arith.addi %scan3A_77, %scan3A_78 : i32
      %scan3A_80 = arith.constant 1 : i32
      scf.for %scan3A_88 = %scan3A_77 to %scan3A_79 step %scan3A_80  : i32 {
        %mul3A_89 = arith.constant 6 : i32
        %mul3A_90 = arith.muli %scan3A_88, %mul3A_89 : i32
        %add3A_91 = arith.constant 0 : i32
        %add3A_92 = arith.addi %mul3A_90, %add3A_91 : i32
        %dma_wait3A_93 = arith.constant 0 : i32
        %dma_wait3A_94 = tpu.memref_slice %arg9[%add3A_92, %dma_wait3A_93] : memref<30x48xi32, #tpu.memory_space<vmem>> -> memref<1x48xi32, #tpu.memory_space<vmem>>
        %dma_wait3A_95 = tpu.memref_squeeze %dma_wait3A_94 : memref<1x48xi32, #tpu.memory_space<vmem>> -> memref<48xi32, #tpu.memory_space<vmem>>
        %dma_wait3A_96 = arith.constant 0 : i32
        %dma_wait3A_97 = arith.constant 0 : i32
        %dma_wait3A_98 = tpu.memref_slice %arg2[%dma_wait3A_96, %dma_wait3A_97] : memref<10240x144xf32, #tpu.memory_space<hbm>> -> memref<10240x144xf32, #tpu.memory_space<hbm>>
        tpu.wait_indirect_dma semaphore(%arg18 : memref<!tpu.dma_semaphore, #tpu.memory_space<semaphore_mem>>) src(%dma_wait3A_98 : memref<10240x144xf32, #tpu.memory_space<hbm>>) dst(%arg11 : memref<48x144xf32, #tpu.memory_space<vmem>>)
        %dma_wait3A_99 = arith.constant 0 : i32
        %dma_wait3A_100 = tpu.memref_slice %arg10[%add3A_92, %dma_wait3A_99] : memref<30x48xi32, #tpu.memory_space<vmem>> -> memref<1x48xi32, #tpu.memory_space<vmem>>
        %dma_wait3A_101 = tpu.memref_squeeze %dma_wait3A_100 : memref<1x48xi32, #tpu.memory_space<vmem>> -> memref<48xi32, #tpu.memory_space<vmem>>
        %dma_wait3A_102 = arith.constant 0 : i32
        %dma_wait3A_103 = arith.constant 0 : i32
        %dma_wait3A_104 = tpu.memref_slice %arg3[%dma_wait3A_102, %dma_wait3A_103] : memref<10240x144xf32, #tpu.memory_space<hbm>> -> memref<10240x144xf32, #tpu.memory_space<hbm>>
        tpu.wait_indirect_dma semaphore(%arg21 : memref<!tpu.dma_semaphore, #tpu.memory_space<semaphore_mem>>) src(%dma_wait3A_104 : memref<10240x144xf32, #tpu.memory_space<hbm>>) dst(%arg14 : memref<48x144xf32, #tpu.memory_space<vmem>>)
        %parallel_loop3A = arith.constant 0 : i32
        %parallel_loop3A_105 = arith.constant 48 : i32
        %parallel_loop3A_106 = arith.constant 1 : i32
        scf.for %parallel_loop3A_336 = %parallel_loop3A to %parallel_loop3A_105 step %parallel_loop3A_106  : i32 {
          %parallel_loop3A_337 = arith.index_cast %parallel_loop3A_336 : i32 to index
          %parallel_loop3A_338 = arith.constant 0 : index
          %parallel_loop3A_339 = tpu.vector_load %arg11[%parallel_loop3A_337, %parallel_loop3A_338] {strides = array<i32>} : memref<48x144xf32, #tpu.memory_space<vmem>>, vector<1x16xf32>,
          %parallel_loop3A_340 = vector.shape_cast %parallel_loop3A_339 : vector<1x16xf32> to vector<16xf32>
          %parallel_loop3A_341 = arith.index_cast %parallel_loop3A_336 : i32 to index
          %parallel_loop3A_342 = arith.constant 16 : index
          %parallel_loop3A_343 = tpu.vector_load %arg11[%parallel_loop3A_341, %parallel_loop3A_342] {strides = array<i32>} : memref<48x144xf32, #tpu.memory_space<vmem>>, vector<1x16xf32>,
          %parallel_loop3A_344 = vector.shape_cast %parallel_loop3A_343 : vector<1x16xf32> to vector<16xf32>
          %parallel_loop3A_345 = arith.index_cast %parallel_loop3A_336 : i32 to index
          %parallel_loop3A_346 = arith.constant 32 : index
          %parallel_loop3A_347 = tpu.vector_load %arg11[%parallel_loop3A_345, %parallel_loop3A_346] {strides = array<i32>} : memref<48x144xf32, #tpu.memory_space<vmem>>, vector<1x16xf32>,
          %parallel_loop3A_348 = vector.shape_cast %parallel_loop3A_347 : vector<1x16xf32> to vector<16xf32>
          %parallel_loop3A_349 = arith.index_cast %parallel_loop3A_336 : i32 to index
          %parallel_loop3A_350 = arith.constant 48 : index
          %parallel_loop3A_351 = tpu.vector_load %arg11[%parallel_loop3A_349, %parallel_loop3A_350] {strides = array<i32>} : memref<48x144xf32, #tpu.memory_space<vmem>>, vector<1x16xf32>,
          %parallel_loop3A_352 = vector.shape_cast %parallel_loop3A_351 : vector<1x16xf32> to vector<16xf32>
          %parallel_loop3A_353 = arith.index_cast %parallel_loop3A_336 : i32 to index
          %parallel_loop3A_354 = arith.constant 64 : index
          %parallel_loop3A_355 = tpu.vector_load %arg11[%parallel_loop3A_353, %parallel_loop3A_354] {strides = array<i32>} : memref<48x144xf32, #tpu.memory_space<vmem>>, vector<1x16xf32>,
          %parallel_loop3A_356 = vector.shape_cast %parallel_loop3A_355 : vector<1x16xf32> to vector<16xf32>
          %parallel_loop3A_357 = arith.index_cast %parallel_loop3A_336 : i32 to index
          %parallel_loop3A_358 = arith.constant 80 : index
          %parallel_loop3A_359 = tpu.vector_load %arg11[%parallel_loop3A_357, %parallel_loop3A_358] {strides = array<i32>} : memref<48x144xf32, #tpu.memory_space<vmem>>, vector<1x16xf32>,
          %parallel_loop3A_360 = vector.shape_cast %parallel_loop3A_359 : vector<1x16xf32> to vector<16xf32>
          %parallel_loop3A_361 = arith.index_cast %parallel_loop3A_336 : i32 to index
          %parallel_loop3A_362 = arith.constant 96 : index
          %parallel_loop3A_363 = tpu.vector_load %arg11[%parallel_loop3A_361, %parallel_loop3A_362] {strides = array<i32>} : memref<48x144xf32, #tpu.memory_space<vmem>>, vector<1x16xf32>,
          %parallel_loop3A_364 = vector.shape_cast %parallel_loop3A_363 : vector<1x16xf32> to vector<16xf32>
          %parallel_loop3A_365 = arith.index_cast %parallel_loop3A_336 : i32 to index
          %parallel_loop3A_366 = arith.constant 112 : index
          %parallel_loop3A_367 = tpu.vector_load %arg11[%parallel_loop3A_365, %parallel_loop3A_366] {strides = array<i32>} : memref<48x144xf32, #tpu.memory_space<vmem>>, vector<1x16xf32>,
          %parallel_loop3A_368 = vector.shape_cast %parallel_loop3A_367 : vector<1x16xf32> to vector<16xf32>
          %parallel_loop3A_369 = arith.index_cast %parallel_loop3A_336 : i32 to index
          %parallel_loop3A_370 = arith.constant 0 : index
          %parallel_loop3A_371 = tpu.vector_load %arg14[%parallel_loop3A_369, %parallel_loop3A_370] {strides = array<i32>} : memref<48x144xf32, #tpu.memory_space<vmem>>, vector<1x16xf32>,
          %parallel_loop3A_372 = vector.shape_cast %parallel_loop3A_371 : vector<1x16xf32> to vector<16xf32>
          %parallel_loop3A_373 = arith.addf %parallel_loop3A_340, %parallel_loop3A_372 : vector<16xf32>
          %parallel_loop3A_374 = arith.constant 2.000000e-01 : f32
          %parallel_loop3A_375 = vector.broadcast %parallel_loop3A_374 : f32 to vector<16xf32>
          %parallel_loop3A_376 = arith.mulf %parallel_loop3A_375, %parallel_loop3A_373 : vector<16xf32>
          %parallel_loop3A_377 = arith.maximumf %parallel_loop3A_373, %parallel_loop3A_376 : vector<16xf32>
          %parallel_loop3A_378 = arith.mulf %parallel_loop3A_377, %get3A_6 : vector<16xf32>
          %parallel_loop3A_379 = arith.index_cast %parallel_loop3A_336 : i32 to index
          %parallel_loop3A_380 = arith.constant 16 : index
          %parallel_loop3A_381 = tpu.vector_load %arg14[%parallel_loop3A_379, %parallel_loop3A_380] {strides = array<i32>} : memref<48x144xf32, #tpu.memory_space<vmem>>, vector<1x16xf32>,
          %parallel_loop3A_382 = vector.shape_cast %parallel_loop3A_381 : vector<1x16xf32> to vector<16xf32>
          %parallel_loop3A_383 = arith.addf %parallel_loop3A_344, %parallel_loop3A_382 : vector<16xf32>
          %parallel_loop3A_384 = arith.constant 2.000000e-01 : f32
          %parallel_loop3A_385 = vector.broadcast %parallel_loop3A_384 : f32 to vector<16xf32>
          %parallel_loop3A_386 = arith.mulf %parallel_loop3A_385, %parallel_loop3A_383 : vector<16xf32>
          %parallel_loop3A_387 = arith.maximumf %parallel_loop3A_383, %parallel_loop3A_386 : vector<16xf32>
          %parallel_loop3A_388 = arith.mulf %parallel_loop3A_387, %get3A_9 : vector<16xf32>
          %parallel_loop3A_389 = arith.index_cast %parallel_loop3A_336 : i32 to index
          %parallel_loop3A_390 = arith.constant 32 : index
          %parallel_loop3A_391 = tpu.vector_load %arg14[%parallel_loop3A_389, %parallel_loop3A_390] {strides = array<i32>} : memref<48x144xf32, #tpu.memory_space<vmem>>, vector<1x16xf32>,
          %parallel_loop3A_392 = vector.shape_cast %parallel_loop3A_391 : vector<1x16xf32> to vector<16xf32>
          %parallel_loop3A_393 = arith.addf %parallel_loop3A_348, %parallel_loop3A_392 : vector<16xf32>
          %parallel_loop3A_394 = arith.constant 2.000000e-01 : f32
          %parallel_loop3A_395 = vector.broadcast %parallel_loop3A_394 : f32 to vector<16xf32>
          %parallel_loop3A_396 = arith.mulf %parallel_loop3A_395, %parallel_loop3A_393 : vector<16xf32>
          %parallel_loop3A_397 = arith.maximumf %parallel_loop3A_393, %parallel_loop3A_396 : vector<16xf32>
          %parallel_loop3A_398 = arith.mulf %parallel_loop3A_397, %get3A_12 : vector<16xf32>
          %parallel_loop3A_399 = arith.index_cast %parallel_loop3A_336 : i32 to index
          %parallel_loop3A_400 = arith.constant 48 : index
          %parallel_loop3A_401 = tpu.vector_load %arg14[%parallel_loop3A_399, %parallel_loop3A_400] {strides = array<i32>} : memref<48x144xf32, #tpu.memory_space<vmem>>, vector<1x16xf32>,
          %parallel_loop3A_402 = vector.shape_cast %parallel_loop3A_401 : vector<1x16xf32> to vector<16xf32>
          %parallel_loop3A_403 = arith.addf %parallel_loop3A_352, %parallel_loop3A_402 : vector<16xf32>
          %parallel_loop3A_404 = arith.constant 2.000000e-01 : f32
          %parallel_loop3A_405 = vector.broadcast %parallel_loop3A_404 : f32 to vector<16xf32>
          %parallel_loop3A_406 = arith.mulf %parallel_loop3A_405, %parallel_loop3A_403 : vector<16xf32>
          %parallel_loop3A_407 = arith.maximumf %parallel_loop3A_403, %parallel_loop3A_406 : vector<16xf32>
          %parallel_loop3A_408 = arith.mulf %parallel_loop3A_407, %get3A_15 : vector<16xf32>
          %parallel_loop3A_409 = arith.addf %parallel_loop3A_378, %parallel_loop3A_408 : vector<16xf32>
          %parallel_loop3A_410 = arith.index_cast %parallel_loop3A_336 : i32 to index
          %parallel_loop3A_411 = arith.constant 64 : index
          %parallel_loop3A_412 = tpu.vector_load %arg14[%parallel_loop3A_410, %parallel_loop3A_411] {strides = array<i32>} : memref<48x144xf32, #tpu.memory_space<vmem>>, vector<1x16xf32>,
          %parallel_loop3A_413 = vector.shape_cast %parallel_loop3A_412 : vector<1x16xf32> to vector<16xf32>
          %parallel_loop3A_414 = arith.addf %parallel_loop3A_356, %parallel_loop3A_413 : vector<16xf32>
          %parallel_loop3A_415 = arith.constant 2.000000e-01 : f32
          %parallel_loop3A_416 = vector.broadcast %parallel_loop3A_415 : f32 to vector<16xf32>
          %parallel_loop3A_417 = arith.mulf %parallel_loop3A_416, %parallel_loop3A_414 : vector<16xf32>
          %parallel_loop3A_418 = arith.maximumf %parallel_loop3A_414, %parallel_loop3A_417 : vector<16xf32>
          %parallel_loop3A_419 = arith.mulf %parallel_loop3A_418, %get3A_18 : vector<16xf32>
          %parallel_loop3A_420 = arith.addf %parallel_loop3A_388, %parallel_loop3A_419 : vector<16xf32>
          %parallel_loop3A_421 = arith.index_cast %parallel_loop3A_336 : i32 to index
          %parallel_loop3A_422 = arith.constant 80 : index
          %parallel_loop3A_423 = tpu.vector_load %arg14[%parallel_loop3A_421, %parallel_loop3A_422] {strides = array<i32>} : memref<48x144xf32, #tpu.memory_space<vmem>>, vector<1x16xf32>,
          %parallel_loop3A_424 = vector.shape_cast %parallel_loop3A_423 : vector<1x16xf32> to vector<16xf32>
          %parallel_loop3A_425 = arith.addf %parallel_loop3A_360, %parallel_loop3A_424 : vector<16xf32>
          %parallel_loop3A_426 = arith.constant 2.000000e-01 : f32
          %parallel_loop3A_427 = vector.broadcast %parallel_loop3A_426 : f32 to vector<16xf32>
          %parallel_loop3A_428 = arith.mulf %parallel_loop3A_427, %parallel_loop3A_425 : vector<16xf32>
          %parallel_loop3A_429 = arith.maximumf %parallel_loop3A_425, %parallel_loop3A_428 : vector<16xf32>
          %parallel_loop3A_430 = arith.mulf %parallel_loop3A_429, %get3A_21 : vector<16xf32>
          %parallel_loop3A_431 = arith.addf %parallel_loop3A_398, %parallel_loop3A_430 : vector<16xf32>
          %parallel_loop3A_432 = arith.index_cast %parallel_loop3A_336 : i32 to index
          %parallel_loop3A_433 = arith.constant 96 : index
          %parallel_loop3A_434 = tpu.vector_load %arg14[%parallel_loop3A_432, %parallel_loop3A_433] {strides = array<i32>} : memref<48x144xf32, #tpu.memory_space<vmem>>, vector<1x16xf32>,
          %parallel_loop3A_435 = vector.shape_cast %parallel_loop3A_434 : vector<1x16xf32> to vector<16xf32>
          %parallel_loop3A_436 = arith.addf %parallel_loop3A_364, %parallel_loop3A_435 : vector<16xf32>
          %parallel_loop3A_437 = arith.constant 2.000000e-01 : f32
          %parallel_loop3A_438 = vector.broadcast %parallel_loop3A_437 : f32 to vector<16xf32>
          %parallel_loop3A_439 = arith.mulf %parallel_loop3A_438, %parallel_loop3A_436 : vector<16xf32>
          %parallel_loop3A_440 = arith.maximumf %parallel_loop3A_436, %parallel_loop3A_439 : vector<16xf32>
          %parallel_loop3A_441 = arith.mulf %parallel_loop3A_440, %get3A_24 : vector<16xf32>
          %parallel_loop3A_442 = arith.addf %parallel_loop3A_409, %parallel_loop3A_441 : vector<16xf32>
          %parallel_loop3A_443 = arith.index_cast %parallel_loop3A_336 : i32 to index
          %parallel_loop3A_444 = arith.constant 112 : index
          %parallel_loop3A_445 = tpu.vector_load %arg14[%parallel_loop3A_443, %parallel_loop3A_444] {strides = array<i32>} : memref<48x144xf32, #tpu.memory_space<vmem>>, vector<1x16xf32>,
          %parallel_loop3A_446 = vector.shape_cast %parallel_loop3A_445 : vector<1x16xf32> to vector<16xf32>
          %parallel_loop3A_447 = arith.addf %parallel_loop3A_368, %parallel_loop3A_446 : vector<16xf32>
          %parallel_loop3A_448 = arith.constant 2.000000e-01 : f32
          %parallel_loop3A_449 = vector.broadcast %parallel_loop3A_448 : f32 to vector<16xf32>
          %parallel_loop3A_450 = arith.mulf %parallel_loop3A_449, %parallel_loop3A_447 : vector<16xf32>
          %parallel_loop3A_451 = arith.maximumf %parallel_loop3A_447, %parallel_loop3A_450 : vector<16xf32>
          %parallel_loop3A_452 = arith.mulf %parallel_loop3A_451, %get3A_27 : vector<16xf32>
          %parallel_loop3A_453 = arith.addf %parallel_loop3A_420, %parallel_loop3A_452 : vector<16xf32>
          %parallel_loop3A_454 = arith.index_cast %parallel_loop3A_336 : i32 to index
          %parallel_loop3A_455 = arith.constant 128 : index
          %parallel_loop3A_456 = tpu.vector_load %arg14[%parallel_loop3A_454, %parallel_loop3A_455] {strides = array<i32>} : memref<48x144xf32, #tpu.memory_space<vmem>>, vector<1x16xf32>,
          %parallel_loop3A_457 = vector.shape_cast %parallel_loop3A_456 : vector<1x16xf32> to vector<16xf32>
          %parallel_loop3A_458 = arith.addf %max3A_34, %parallel_loop3A_457 : vector<16xf32>
          %parallel_loop3A_459 = arith.constant 2.000000e-01 : f32
          %parallel_loop3A_460 = vector.broadcast %parallel_loop3A_459 : f32 to vector<16xf32>
          %parallel_loop3A_461 = arith.mulf %parallel_loop3A_460, %parallel_loop3A_458 : vector<16xf32>
          %parallel_loop3A_462 = arith.maximumf %parallel_loop3A_458, %parallel_loop3A_461 : vector<16xf32>
          %parallel_loop3A_463 = arith.addf %parallel_loop3A_442, %parallel_loop3A_453 : vector<16xf32>
          %parallel_loop3A_464 = arith.mulf %parallel_loop3A_462, %get3A_30 : vector<16xf32>
          %parallel_loop3A_465 = arith.addf %parallel_loop3A_431, %parallel_loop3A_464 : vector<16xf32>
          %parallel_loop3A_466 = arith.addf %parallel_loop3A_463, %parallel_loop3A_465 : vector<16xf32>
          %parallel_loop3A_467 = arith.constant 15 : i32
          %parallel_loop3A_468 = vector.broadcast %parallel_loop3A_467 : i32 to vector<16xi32>
          %parallel_loop3A_469 = tpu.iota {dimensions = array<i32: 0>} : vector<16xi32>
          %parallel_loop3A_470 = arith.subi %parallel_loop3A_468, %parallel_loop3A_469 : vector<16xi32>
          %parallel_loop3A_471 = tpu.dynamic_gather %parallel_loop3A_466[%parallel_loop3A_470] in [0] : vector<16xf32>, vector<16xi32> -> vector<16xf32>
          %parallel_loop3A_472 = arith.addf %parallel_loop3A_466, %parallel_loop3A_471 : vector<16xf32>
          %parallel_loop3A_473 = vector.extract_strided_slice %parallel_loop3A_472 {offsets = [0], sizes = [1], strides = [1]} : vector<16xf32> to vector<1xf32>
          %parallel_loop3A_474 = vector.extract %parallel_loop3A_473[0] : f32 from vector<1xf32>
          %parallel_loop3A_475 = vector.extract_strided_slice %parallel_loop3A_472 {offsets = [1], sizes = [1], strides = [1]} : vector<16xf32> to vector<1xf32>
          %parallel_loop3A_476 = vector.extract %parallel_loop3A_475[0] : f32 from vector<1xf32>
          %parallel_loop3A_477 = arith.addf %parallel_loop3A_474, %parallel_loop3A_476 : f32
          %parallel_loop3A_478 = vector.extract_strided_slice %parallel_loop3A_472 {offsets = [2], sizes = [1], strides = [1]} : vector<16xf32> to vector<1xf32>
          %parallel_loop3A_479 = vector.extract %parallel_loop3A_478[0] : f32 from vector<1xf32>
          %parallel_loop3A_480 = vector.extract_strided_slice %parallel_loop3A_472 {offsets = [3], sizes = [1], strides = [1]} : vector<16xf32> to vector<1xf32>
          %parallel_loop3A_481 = vector.extract %parallel_loop3A_480[0] : f32 from vector<1xf32>
          %parallel_loop3A_482 = arith.addf %parallel_loop3A_479, %parallel_loop3A_481 : f32
          %parallel_loop3A_483 = arith.addf %parallel_loop3A_477, %parallel_loop3A_482 : f32
          %parallel_loop3A_484 = vector.extract_strided_slice %parallel_loop3A_472 {offsets = [4], sizes = [1], strides = [1]} : vector<16xf32> to vector<1xf32>
          %parallel_loop3A_485 = vector.extract %parallel_loop3A_484[0] : f32 from vector<1xf32>
          %parallel_loop3A_486 = vector.extract_strided_slice %parallel_loop3A_472 {offsets = [5], sizes = [1], strides = [1]} : vector<16xf32> to vector<1xf32>
          %parallel_loop3A_487 = vector.extract %parallel_loop3A_486[0] : f32 from vector<1xf32>
          %parallel_loop3A_488 = arith.addf %parallel_loop3A_485, %parallel_loop3A_487 : f32
          %parallel_loop3A_489 = vector.extract_strided_slice %parallel_loop3A_472 {offsets = [6], sizes = [1], strides = [1]} : vector<16xf32> to vector<1xf32>
          %parallel_loop3A_490 = vector.extract %parallel_loop3A_489[0] : f32 from vector<1xf32>
          %parallel_loop3A_491 = vector.extract_strided_slice %parallel_loop3A_472 {offsets = [7], sizes = [1], strides = [1]} : vector<16xf32> to vector<1xf32>
          %parallel_loop3A_492 = vector.extract %parallel_loop3A_491[0] : f32 from vector<1xf32>
          %parallel_loop3A_493 = arith.addf %parallel_loop3A_490, %parallel_loop3A_492 : f32
          %parallel_loop3A_494 = arith.addf %parallel_loop3A_488, %parallel_loop3A_493 : f32
          %parallel_loop3A_495 = arith.addf %parallel_loop3A_483, %parallel_loop3A_494 : f32
          %parallel_loop3A_496 = vector.broadcast %parallel_loop3A_495 : f32 to vector<16xf32>
          %parallel_loop3A_497 = math.exp %parallel_loop3A_496 : vector<16xf32>
          %parallel_loop3A_498 = arith.mulf %parallel_loop3A_340, %parallel_loop3A_497 : vector<16xf32>
          %parallel_loop3A_499 = arith.index_cast %parallel_loop3A_336 : i32 to index
          %parallel_loop3A_500 = arith.constant 0 : index
          %parallel_loop3A_501 = tpu.vector_load %arg11[%parallel_loop3A_499, %parallel_loop3A_500] {strides = array<i32>} : memref<48x144xf32, #tpu.memory_space<vmem>>, vector<1x16xf32>,
          %parallel_loop3A_502 = vector.shape_cast %parallel_loop3A_501 : vector<1x16xf32> to vector<16xf32>
          %parallel_loop3A_503 = vector.shape_cast %parallel_loop3A_498 : vector<16xf32> to vector<1x16xf32>
          tpu.vector_store %arg11[%parallel_loop3A_499, %parallel_loop3A_500], %parallel_loop3A_503 {strides = array<i32>} : memref<48x144xf32, #tpu.memory_space<vmem>>, vector<1x16xf32>,
          %parallel_loop3A_504 = arith.mulf %parallel_loop3A_344, %parallel_loop3A_497 : vector<16xf32>
          %parallel_loop3A_505 = arith.index_cast %parallel_loop3A_336 : i32 to index
          %parallel_loop3A_506 = arith.constant 16 : index
          %parallel_loop3A_507 = tpu.vector_load %arg11[%parallel_loop3A_505, %parallel_loop3A_506] {strides = array<i32>} : memref<48x144xf32, #tpu.memory_space<vmem>>, vector<1x16xf32>,
          %parallel_loop3A_508 = vector.shape_cast %parallel_loop3A_507 : vector<1x16xf32> to vector<16xf32>
          %parallel_loop3A_509 = vector.shape_cast %parallel_loop3A_504 : vector<16xf32> to vector<1x16xf32>
          tpu.vector_store %arg11[%parallel_loop3A_505, %parallel_loop3A_506], %parallel_loop3A_509 {strides = array<i32>} : memref<48x144xf32, #tpu.memory_space<vmem>>, vector<1x16xf32>,
          %parallel_loop3A_510 = arith.mulf %parallel_loop3A_348, %parallel_loop3A_497 : vector<16xf32>
          %parallel_loop3A_511 = arith.index_cast %parallel_loop3A_336 : i32 to index
          %parallel_loop3A_512 = arith.constant 32 : index
          %parallel_loop3A_513 = tpu.vector_load %arg11[%parallel_loop3A_511, %parallel_loop3A_512] {strides = array<i32>} : memref<48x144xf32, #tpu.memory_space<vmem>>, vector<1x16xf32>,
          %parallel_loop3A_514 = vector.shape_cast %parallel_loop3A_513 : vector<1x16xf32> to vector<16xf32>
          %parallel_loop3A_515 = vector.shape_cast %parallel_loop3A_510 : vector<16xf32> to vector<1x16xf32>
          tpu.vector_store %arg11[%parallel_loop3A_511, %parallel_loop3A_512], %parallel_loop3A_515 {strides = array<i32>} : memref<48x144xf32, #tpu.memory_space<vmem>>, vector<1x16xf32>,
          %parallel_loop3A_516 = arith.mulf %parallel_loop3A_352, %parallel_loop3A_497 : vector<16xf32>
          %parallel_loop3A_517 = arith.index_cast %parallel_loop3A_336 : i32 to index
          %parallel_loop3A_518 = arith.constant 48 : index
          %parallel_loop3A_519 = tpu.vector_load %arg11[%parallel_loop3A_517, %parallel_loop3A_518] {strides = array<i32>} : memref<48x144xf32, #tpu.memory_space<vmem>>, vector<1x16xf32>,
          %parallel_loop3A_520 = vector.shape_cast %parallel_loop3A_519 : vector<1x16xf32> to vector<16xf32>
          %parallel_loop3A_521 = vector.shape_cast %parallel_loop3A_516 : vector<16xf32> to vector<1x16xf32>
          tpu.vector_store %arg11[%parallel_loop3A_517, %parallel_loop3A_518], %parallel_loop3A_521 {strides = array<i32>} : memref<48x144xf32, #tpu.memory_space<vmem>>, vector<1x16xf32>,
          %parallel_loop3A_522 = arith.mulf %parallel_loop3A_356, %parallel_loop3A_497 : vector<16xf32>
          %parallel_loop3A_523 = arith.index_cast %parallel_loop3A_336 : i32 to index
          %parallel_loop3A_524 = arith.constant 64 : index
          %parallel_loop3A_525 = tpu.vector_load %arg11[%parallel_loop3A_523, %parallel_loop3A_524] {strides = array<i32>} : memref<48x144xf32, #tpu.memory_space<vmem>>, vector<1x16xf32>,
          %parallel_loop3A_526 = vector.shape_cast %parallel_loop3A_525 : vector<1x16xf32> to vector<16xf32>
          %parallel_loop3A_527 = vector.shape_cast %parallel_loop3A_522 : vector<16xf32> to vector<1x16xf32>
          tpu.vector_store %arg11[%parallel_loop3A_523, %parallel_loop3A_524], %parallel_loop3A_527 {strides = array<i32>} : memref<48x144xf32, #tpu.memory_space<vmem>>, vector<1x16xf32>,
          %parallel_loop3A_528 = arith.mulf %parallel_loop3A_360, %parallel_loop3A_497 : vector<16xf32>
          %parallel_loop3A_529 = arith.index_cast %parallel_loop3A_336 : i32 to index
          %parallel_loop3A_530 = arith.constant 80 : index
          %parallel_loop3A_531 = tpu.vector_load %arg11[%parallel_loop3A_529, %parallel_loop3A_530] {strides = array<i32>} : memref<48x144xf32, #tpu.memory_space<vmem>>, vector<1x16xf32>,
          %parallel_loop3A_532 = vector.shape_cast %parallel_loop3A_531 : vector<1x16xf32> to vector<16xf32>
          %parallel_loop3A_533 = vector.shape_cast %parallel_loop3A_528 : vector<16xf32> to vector<1x16xf32>
          tpu.vector_store %arg11[%parallel_loop3A_529, %parallel_loop3A_530], %parallel_loop3A_533 {strides = array<i32>} : memref<48x144xf32, #tpu.memory_space<vmem>>, vector<1x16xf32>,
          %parallel_loop3A_534 = arith.mulf %parallel_loop3A_364, %parallel_loop3A_497 : vector<16xf32>
          %parallel_loop3A_535 = arith.index_cast %parallel_loop3A_336 : i32 to index
          %parallel_loop3A_536 = arith.constant 96 : index
          %parallel_loop3A_537 = tpu.vector_load %arg11[%parallel_loop3A_535, %parallel_loop3A_536] {strides = array<i32>} : memref<48x144xf32, #tpu.memory_space<vmem>>, vector<1x16xf32>,
          %parallel_loop3A_538 = vector.shape_cast %parallel_loop3A_537 : vector<1x16xf32> to vector<16xf32>
          %parallel_loop3A_539 = vector.shape_cast %parallel_loop3A_534 : vector<16xf32> to vector<1x16xf32>
          tpu.vector_store %arg11[%parallel_loop3A_535, %parallel_loop3A_536], %parallel_loop3A_539 {strides = array<i32>} : memref<48x144xf32, #tpu.memory_space<vmem>>, vector<1x16xf32>,
          %parallel_loop3A_540 = arith.mulf %parallel_loop3A_368, %parallel_loop3A_497 : vector<16xf32>
          %parallel_loop3A_541 = arith.index_cast %parallel_loop3A_336 : i32 to index
          %parallel_loop3A_542 = arith.constant 112 : index
          %parallel_loop3A_543 = tpu.vector_load %arg11[%parallel_loop3A_541, %parallel_loop3A_542] {strides = array<i32>} : memref<48x144xf32, #tpu.memory_space<vmem>>, vector<1x16xf32>,
          %parallel_loop3A_544 = vector.shape_cast %parallel_loop3A_543 : vector<1x16xf32> to vector<16xf32>
          %parallel_loop3A_545 = vector.shape_cast %parallel_loop3A_540 : vector<16xf32> to vector<1x16xf32>
          tpu.vector_store %arg11[%parallel_loop3A_541, %parallel_loop3A_542], %parallel_loop3A_545 {strides = array<i32>} : memref<48x144xf32, #tpu.memory_space<vmem>>, vector<1x16xf32>,
          %parallel_loop3A_546 = arith.mulf %max3A_34, %parallel_loop3A_497 : vector<16xf32>
          %parallel_loop3A_547 = arith.index_cast %parallel_loop3A_336 : i32 to index
          %parallel_loop3A_548 = arith.constant 128 : index
          %parallel_loop3A_549 = tpu.vector_load %arg11[%parallel_loop3A_547, %parallel_loop3A_548] {strides = array<i32>} : memref<48x144xf32, #tpu.memory_space<vmem>>, vector<1x16xf32>,
          %parallel_loop3A_550 = vector.shape_cast %parallel_loop3A_549 : vector<1x16xf32> to vector<16xf32>
          %parallel_loop3A_551 = vector.shape_cast %parallel_loop3A_546 : vector<16xf32> to vector<1x16xf32>
          tpu.vector_store %arg11[%parallel_loop3A_547, %parallel_loop3A_548], %parallel_loop3A_551 {strides = array<i32>} : memref<48x144xf32, #tpu.memory_space<vmem>>, vector<1x16xf32>,
        } {sc.loop_unroll_factor = 1 : i64, sc.parallel_access}
        %dma_start3A_107 = arith.constant 0 : i32
        %dma_start3A_108 = tpu.memref_slice %arg10[%add3A_92, %dma_start3A_107] : memref<30x48xi32, #tpu.memory_space<vmem>> -> memref<1x48xi32, #tpu.memory_space<vmem>>
        %dma_start3A_109 = tpu.memref_squeeze %dma_start3A_108 : memref<1x48xi32, #tpu.memory_space<vmem>> -> memref<48xi32, #tpu.memory_space<vmem>>
        %dma_start3A_110 = arith.constant 0 : i32
        %dma_start3A_111 = arith.constant 0 : i32
        %dma_start3A_112 = tpu.memref_slice %arg17[%dma_start3A_110, %dma_start3A_111] : memref<10240x144xf32, #tpu.memory_space<vmem_shared>> -> memref<10240x144xf32, #tpu.memory_space<vmem_shared>>
        tpu.enqueue_indirect_dma source(%arg11 : memref<48x144xf32, #tpu.memory_space<vmem>>) target(%dma_start3A_112 : memref<10240x144xf32, #tpu.memory_space<vmem_shared>>) offsets(%dma_start3A_109 : memref<48xi32, #tpu.memory_space<vmem>>) semaphore(%arg23 : memref<!tpu.dma_semaphore, #tpu.memory_space<semaphore_mem>>) {add = true}
        %gt3A = arith.constant 0 : i32
        %gt3A_113 = arith.cmpi sgt, %scan3A_88, %gt3A : i32
        %convert_element_type3A_114 = arith.extui %gt3A_113 : i1 to i32
        %cond3A = arith.constant 0 : i32
        %cond3A_115 = arith.cmpi ne, %convert_element_type3A_114, %cond3A : i32
        scf.if %cond3A_115 {
          %sub3A_336 = arith.constant 1 : i32
          %sub3A_337 = arith.subi %mul3A_90, %sub3A_336 : i32
          %dma_wait3A_338 = arith.constant 0 : i32
          %dma_wait3A_339 = tpu.memref_slice %arg10[%sub3A_337, %dma_wait3A_338] : memref<30x48xi32, #tpu.memory_space<vmem>> -> memref<1x48xi32, #tpu.memory_space<vmem>>
          %dma_wait3A_340 = tpu.memref_squeeze %dma_wait3A_339 : memref<1x48xi32, #tpu.memory_space<vmem>> -> memref<48xi32, #tpu.memory_space<vmem>>
          %dma_wait3A_341 = arith.constant 0 : i32
          %dma_wait3A_342 = arith.constant 0 : i32
          %dma_wait3A_343 = tpu.memref_slice %arg17[%dma_wait3A_341, %dma_wait3A_342] : memref<10240x144xf32, #tpu.memory_space<vmem_shared>> -> memref<10240x144xf32, #tpu.memory_space<vmem_shared>>
          tpu.wait_indirect_dma semaphore(%arg25 : memref<!tpu.dma_semaphore, #tpu.memory_space<semaphore_mem>>) src(%arg13 : memref<48x144xf32, #tpu.memory_space<vmem>>) dst(%dma_wait3A_343 : memref<10240x144xf32, #tpu.memory_space<vmem_shared>>)
        } else {
        }
        %add3A_116 = arith.constant 2 : i32
        %add3A_117 = arith.addi %add3A_92, %add3A_116 : i32
        %dma_start3A_118 = arith.constant 0 : i32
        %dma_start3A_119 = tpu.memref_slice %arg9[%add3A_117, %dma_start3A_118] : memref<30x48xi32, #tpu.memory_space<vmem>> -> memref<1x48xi32, #tpu.memory_space<vmem>>
        %dma_start3A_120 = tpu.memref_squeeze %dma_start3A_119 : memref<1x48xi32, #tpu.memory_space<vmem>> -> memref<48xi32, #tpu.memory_space<vmem>>
        %dma_start3A_121 = arith.constant 0 : i32
        %dma_start3A_122 = arith.constant 0 : i32
        %dma_start3A_123 = tpu.memref_slice %arg2[%dma_start3A_121, %dma_start3A_122] : memref<10240x144xf32, #tpu.memory_space<hbm>> -> memref<10240x144xf32, #tpu.memory_space<hbm>>
        tpu.enqueue_indirect_dma source(%dma_start3A_123 : memref<10240x144xf32, #tpu.memory_space<hbm>>) target(%arg13 : memref<48x144xf32, #tpu.memory_space<vmem>>) offsets(%dma_start3A_120 : memref<48xi32, #tpu.memory_space<vmem>>) semaphore(%arg20 : memref<!tpu.dma_semaphore, #tpu.memory_space<semaphore_mem>>)
        %dma_start3A_124 = arith.constant 0 : i32
        %dma_start3A_125 = tpu.memref_slice %arg10[%add3A_117, %dma_start3A_124] : memref<30x48xi32, #tpu.memory_space<vmem>> -> memref<1x48xi32, #tpu.memory_space<vmem>>
        %dma_start3A_126 = tpu.memref_squeeze %dma_start3A_125 : memref<1x48xi32, #tpu.memory_space<vmem>> -> memref<48xi32, #tpu.memory_space<vmem>>
        %dma_start3A_127 = arith.constant 0 : i32
        %dma_start3A_128 = arith.constant 0 : i32
        %dma_start3A_129 = tpu.memref_slice %arg3[%dma_start3A_127, %dma_start3A_128] : memref<10240x144xf32, #tpu.memory_space<hbm>> -> memref<10240x144xf32, #tpu.memory_space<hbm>>
        tpu.enqueue_indirect_dma source(%dma_start3A_129 : memref<10240x144xf32, #tpu.memory_space<hbm>>) target(%arg14 : memref<48x144xf32, #tpu.memory_space<vmem>>) offsets(%dma_start3A_126 : memref<48xi32, #tpu.memory_space<vmem>>) semaphore(%arg21 : memref<!tpu.dma_semaphore, #tpu.memory_space<semaphore_mem>>)
        %add3A_130 = arith.constant 1 : i32
        %add3A_131 = arith.addi %mul3A_90, %add3A_130 : i32
        %dma_wait3A_132 = arith.constant 0 : i32
        %dma_wait3A_133 = tpu.memref_slice %arg9[%add3A_131, %dma_wait3A_132] : memref<30x48xi32, #tpu.memory_space<vmem>> -> memref<1x48xi32, #tpu.memory_space<vmem>>
        %dma_wait3A_134 = tpu.memref_squeeze %dma_wait3A_133 : memref<1x48xi32, #tpu.memory_space<vmem>> -> memref<48xi32, #tpu.memory_space<vmem>>
        %dma_wait3A_135 = arith.constant 0 : i32
        %dma_wait3A_136 = arith.constant 0 : i32
        %dma_wait3A_137 = tpu.memref_slice %arg2[%dma_wait3A_135, %dma_wait3A_136] : memref<10240x144xf32, #tpu.memory_space<hbm>> -> memref<10240x144xf32, #tpu.memory_space<hbm>>
        tpu.wait_indirect_dma semaphore(%arg19 : memref<!tpu.dma_semaphore, #tpu.memory_space<semaphore_mem>>) src(%dma_wait3A_137 : memref<10240x144xf32, #tpu.memory_space<hbm>>) dst(%arg12 : memref<48x144xf32, #tpu.memory_space<vmem>>)
        %dma_wait3A_138 = arith.constant 0 : i32
        %dma_wait3A_139 = tpu.memref_slice %arg10[%add3A_131, %dma_wait3A_138] : memref<30x48xi32, #tpu.memory_space<vmem>> -> memref<1x48xi32, #tpu.memory_space<vmem>>
        %dma_wait3A_140 = tpu.memref_squeeze %dma_wait3A_139 : memref<1x48xi32, #tpu.memory_space<vmem>> -> memref<48xi32, #tpu.memory_space<vmem>>
        %dma_wait3A_141 = arith.constant 0 : i32
        %dma_wait3A_142 = arith.constant 0 : i32
        %dma_wait3A_143 = tpu.memref_slice %arg3[%dma_wait3A_141, %dma_wait3A_142] : memref<10240x144xf32, #tpu.memory_space<hbm>> -> memref<10240x144xf32, #tpu.memory_space<hbm>>
        tpu.wait_indirect_dma semaphore(%arg22 : memref<!tpu.dma_semaphore, #tpu.memory_space<semaphore_mem>>) src(%dma_wait3A_143 : memref<10240x144xf32, #tpu.memory_space<hbm>>) dst(%arg15 : memref<48x144xf32, #tpu.memory_space<vmem>>)
        %parallel_loop3A_144 = arith.constant 0 : i32
        %parallel_loop3A_145 = arith.constant 48 : i32
        %parallel_loop3A_146 = arith.constant 1 : i32
        scf.for %parallel_loop3A_336 = %parallel_loop3A_144 to %parallel_loop3A_145 step %parallel_loop3A_146  : i32 {
          %parallel_loop3A_337 = arith.index_cast %parallel_loop3A_336 : i32 to index
          %parallel_loop3A_338 = arith.constant 0 : index
          %parallel_loop3A_339 = tpu.vector_load %arg12[%parallel_loop3A_337, %parallel_loop3A_338] {strides = array<i32>} : memref<48x144xf32, #tpu.memory_space<vmem>>, vector<1x16xf32>,
          %parallel_loop3A_340 = vector.shape_cast %parallel_loop3A_339 : vector<1x16xf32> to vector<16xf32>
          %parallel_loop3A_341 = arith.index_cast %parallel_loop3A_336 : i32 to index
          %parallel_loop3A_342 = arith.constant 16 : index
          %parallel_loop3A_343 = tpu.vector_load %arg12[%parallel_loop3A_341, %parallel_loop3A_342] {strides = array<i32>} : memref<48x144xf32, #tpu.memory_space<vmem>>, vector<1x16xf32>,
          %parallel_loop3A_344 = vector.shape_cast %parallel_loop3A_343 : vector<1x16xf32> to vector<16xf32>
          %parallel_loop3A_345 = arith.index_cast %parallel_loop3A_336 : i32 to index
          %parallel_loop3A_346 = arith.constant 32 : index
          %parallel_loop3A_347 = tpu.vector_load %arg12[%parallel_loop3A_345, %parallel_loop3A_346] {strides = array<i32>} : memref<48x144xf32, #tpu.memory_space<vmem>>, vector<1x16xf32>,
          %parallel_loop3A_348 = vector.shape_cast %parallel_loop3A_347 : vector<1x16xf32> to vector<16xf32>
          %parallel_loop3A_349 = arith.index_cast %parallel_loop3A_336 : i32 to index
          %parallel_loop3A_350 = arith.constant 48 : index
          %parallel_loop3A_351 = tpu.vector_load %arg12[%parallel_loop3A_349, %parallel_loop3A_350] {strides = array<i32>} : memref<48x144xf32, #tpu.memory_space<vmem>>, vector<1x16xf32>,
          %parallel_loop3A_352 = vector.shape_cast %parallel_loop3A_351 : vector<1x16xf32> to vector<16xf32>
          %parallel_loop3A_353 = arith.index_cast %parallel_loop3A_336 : i32 to index
          %parallel_loop3A_354 = arith.constant 64 : index
          %parallel_loop3A_355 = tpu.vector_load %arg12[%parallel_loop3A_353, %parallel_loop3A_354] {strides = array<i32>} : memref<48x144xf32, #tpu.memory_space<vmem>>, vector<1x16xf32>,
          %parallel_loop3A_356 = vector.shape_cast %parallel_loop3A_355 : vector<1x16xf32> to vector<16xf32>
          %parallel_loop3A_357 = arith.index_cast %parallel_loop3A_336 : i32 to index
          %parallel_loop3A_358 = arith.constant 80 : index
          %parallel_loop3A_359 = tpu.vector_load %arg12[%parallel_loop3A_357, %parallel_loop3A_358] {strides = array<i32>} : memref<48x144xf32, #tpu.memory_space<vmem>>, vector<1x16xf32>,
          %parallel_loop3A_360 = vector.shape_cast %parallel_loop3A_359 : vector<1x16xf32> to vector<16xf32>
          %parallel_loop3A_361 = arith.index_cast %parallel_loop3A_336 : i32 to index
          %parallel_loop3A_362 = arith.constant 96 : index
          %parallel_loop3A_363 = tpu.vector_load %arg12[%parallel_loop3A_361, %parallel_loop3A_362] {strides = array<i32>} : memref<48x144xf32, #tpu.memory_space<vmem>>, vector<1x16xf32>,
          %parallel_loop3A_364 = vector.shape_cast %parallel_loop3A_363 : vector<1x16xf32> to vector<16xf32>
          %parallel_loop3A_365 = arith.index_cast %parallel_loop3A_336 : i32 to index
          %parallel_loop3A_366 = arith.constant 112 : index
          %parallel_loop3A_367 = tpu.vector_load %arg12[%parallel_loop3A_365, %parallel_loop3A_366] {strides = array<i32>} : memref<48x144xf32, #tpu.memory_space<vmem>>, vector<1x16xf32>,
          %parallel_loop3A_368 = vector.shape_cast %parallel_loop3A_367 : vector<1x16xf32> to vector<16xf32>
          %parallel_loop3A_369 = arith.index_cast %parallel_loop3A_336 : i32 to index
          %parallel_loop3A_370 = arith.constant 0 : index
          %parallel_loop3A_371 = tpu.vector_load %arg15[%parallel_loop3A_369, %parallel_loop3A_370] {strides = array<i32>} : memref<48x144xf32, #tpu.memory_space<vmem>>, vector<1x16xf32>,
          %parallel_loop3A_372 = vector.shape_cast %parallel_loop3A_371 : vector<1x16xf32> to vector<16xf32>
          %parallel_loop3A_373 = arith.addf %parallel_loop3A_340, %parallel_loop3A_372 : vector<16xf32>
          %parallel_loop3A_374 = arith.constant 2.000000e-01 : f32
          %parallel_loop3A_375 = vector.broadcast %parallel_loop3A_374 : f32 to vector<16xf32>
          %parallel_loop3A_376 = arith.mulf %parallel_loop3A_375, %parallel_loop3A_373 : vector<16xf32>
          %parallel_loop3A_377 = arith.maximumf %parallel_loop3A_373, %parallel_loop3A_376 : vector<16xf32>
          %parallel_loop3A_378 = arith.mulf %parallel_loop3A_377, %get3A_6 : vector<16xf32>
          %parallel_loop3A_379 = arith.index_cast %parallel_loop3A_336 : i32 to index
          %parallel_loop3A_380 = arith.constant 16 : index
          %parallel_loop3A_381 = tpu.vector_load %arg15[%parallel_loop3A_379, %parallel_loop3A_380] {strides = array<i32>} : memref<48x144xf32, #tpu.memory_space<vmem>>, vector<1x16xf32>,
          %parallel_loop3A_382 = vector.shape_cast %parallel_loop3A_381 : vector<1x16xf32> to vector<16xf32>
          %parallel_loop3A_383 = arith.addf %parallel_loop3A_344, %parallel_loop3A_382 : vector<16xf32>
          %parallel_loop3A_384 = arith.constant 2.000000e-01 : f32
          %parallel_loop3A_385 = vector.broadcast %parallel_loop3A_384 : f32 to vector<16xf32>
          %parallel_loop3A_386 = arith.mulf %parallel_loop3A_385, %parallel_loop3A_383 : vector<16xf32>
          %parallel_loop3A_387 = arith.maximumf %parallel_loop3A_383, %parallel_loop3A_386 : vector<16xf32>
          %parallel_loop3A_388 = arith.mulf %parallel_loop3A_387, %get3A_9 : vector<16xf32>
          %parallel_loop3A_389 = arith.index_cast %parallel_loop3A_336 : i32 to index
          %parallel_loop3A_390 = arith.constant 32 : index
          %parallel_loop3A_391 = tpu.vector_load %arg15[%parallel_loop3A_389, %parallel_loop3A_390] {strides = array<i32>} : memref<48x144xf32, #tpu.memory_space<vmem>>, vector<1x16xf32>,
          %parallel_loop3A_392 = vector.shape_cast %parallel_loop3A_391 : vector<1x16xf32> to vector<16xf32>
          %parallel_loop3A_393 = arith.addf %parallel_loop3A_348, %parallel_loop3A_392 : vector<16xf32>
          %parallel_loop3A_394 = arith.constant 2.000000e-01 : f32
          %parallel_loop3A_395 = vector.broadcast %parallel_loop3A_394 : f32 to vector<16xf32>
          %parallel_loop3A_396 = arith.mulf %parallel_loop3A_395, %parallel_loop3A_393 : vector<16xf32>
          %parallel_loop3A_397 = arith.maximumf %parallel_loop3A_393, %parallel_loop3A_396 : vector<16xf32>
          %parallel_loop3A_398 = arith.mulf %parallel_loop3A_397, %get3A_12 : vector<16xf32>
          %parallel_loop3A_399 = arith.index_cast %parallel_loop3A_336 : i32 to index
          %parallel_loop3A_400 = arith.constant 48 : index
          %parallel_loop3A_401 = tpu.vector_load %arg15[%parallel_loop3A_399, %parallel_loop3A_400] {strides = array<i32>} : memref<48x144xf32, #tpu.memory_space<vmem>>, vector<1x16xf32>,
          %parallel_loop3A_402 = vector.shape_cast %parallel_loop3A_401 : vector<1x16xf32> to vector<16xf32>
          %parallel_loop3A_403 = arith.addf %parallel_loop3A_352, %parallel_loop3A_402 : vector<16xf32>
          %parallel_loop3A_404 = arith.constant 2.000000e-01 : f32
          %parallel_loop3A_405 = vector.broadcast %parallel_loop3A_404 : f32 to vector<16xf32>
          %parallel_loop3A_406 = arith.mulf %parallel_loop3A_405, %parallel_loop3A_403 : vector<16xf32>
          %parallel_loop3A_407 = arith.maximumf %parallel_loop3A_403, %parallel_loop3A_406 : vector<16xf32>
          %parallel_loop3A_408 = arith.mulf %parallel_loop3A_407, %get3A_15 : vector<16xf32>
          %parallel_loop3A_409 = arith.addf %parallel_loop3A_378, %parallel_loop3A_408 : vector<16xf32>
          %parallel_loop3A_410 = arith.index_cast %parallel_loop3A_336 : i32 to index
          %parallel_loop3A_411 = arith.constant 64 : index
          %parallel_loop3A_412 = tpu.vector_load %arg15[%parallel_loop3A_410, %parallel_loop3A_411] {strides = array<i32>} : memref<48x144xf32, #tpu.memory_space<vmem>>, vector<1x16xf32>,
          %parallel_loop3A_413 = vector.shape_cast %parallel_loop3A_412 : vector<1x16xf32> to vector<16xf32>
          %parallel_loop3A_414 = arith.addf %parallel_loop3A_356, %parallel_loop3A_413 : vector<16xf32>
          %parallel_loop3A_415 = arith.constant 2.000000e-01 : f32
          %parallel_loop3A_416 = vector.broadcast %parallel_loop3A_415 : f32 to vector<16xf32>
          %parallel_loop3A_417 = arith.mulf %parallel_loop3A_416, %parallel_loop3A_414 : vector<16xf32>
          %parallel_loop3A_418 = arith.maximumf %parallel_loop3A_414, %parallel_loop3A_417 : vector<16xf32>
          %parallel_loop3A_419 = arith.mulf %parallel_loop3A_418, %get3A_18 : vector<16xf32>
          %parallel_loop3A_420 = arith.addf %parallel_loop3A_388, %parallel_loop3A_419 : vector<16xf32>
          %parallel_loop3A_421 = arith.index_cast %parallel_loop3A_336 : i32 to index
          %parallel_loop3A_422 = arith.constant 80 : index
          %parallel_loop3A_423 = tpu.vector_load %arg15[%parallel_loop3A_421, %parallel_loop3A_422] {strides = array<i32>} : memref<48x144xf32, #tpu.memory_space<vmem>>, vector<1x16xf32>,
          %parallel_loop3A_424 = vector.shape_cast %parallel_loop3A_423 : vector<1x16xf32> to vector<16xf32>
          %parallel_loop3A_425 = arith.addf %parallel_loop3A_360, %parallel_loop3A_424 : vector<16xf32>
          %parallel_loop3A_426 = arith.constant 2.000000e-01 : f32
          %parallel_loop3A_427 = vector.broadcast %parallel_loop3A_426 : f32 to vector<16xf32>
          %parallel_loop3A_428 = arith.mulf %parallel_loop3A_427, %parallel_loop3A_425 : vector<16xf32>
          %parallel_loop3A_429 = arith.maximumf %parallel_loop3A_425, %parallel_loop3A_428 : vector<16xf32>
          %parallel_loop3A_430 = arith.mulf %parallel_loop3A_429, %get3A_21 : vector<16xf32>
          %parallel_loop3A_431 = arith.addf %parallel_loop3A_398, %parallel_loop3A_430 : vector<16xf32>
          %parallel_loop3A_432 = arith.index_cast %parallel_loop3A_336 : i32 to index
          %parallel_loop3A_433 = arith.constant 96 : index
          %parallel_loop3A_434 = tpu.vector_load %arg15[%parallel_loop3A_432, %parallel_loop3A_433] {strides = array<i32>} : memref<48x144xf32, #tpu.memory_space<vmem>>, vector<1x16xf32>,
          %parallel_loop3A_435 = vector.shape_cast %parallel_loop3A_434 : vector<1x16xf32> to vector<16xf32>
          %parallel_loop3A_436 = arith.addf %parallel_loop3A_364, %parallel_loop3A_435 : vector<16xf32>
          %parallel_loop3A_437 = arith.constant 2.000000e-01 : f32
          %parallel_loop3A_438 = vector.broadcast %parallel_loop3A_437 : f32 to vector<16xf32>
          %parallel_loop3A_439 = arith.mulf %parallel_loop3A_438, %parallel_loop3A_436 : vector<16xf32>
          %parallel_loop3A_440 = arith.maximumf %parallel_loop3A_436, %parallel_loop3A_439 : vector<16xf32>
          %parallel_loop3A_441 = arith.mulf %parallel_loop3A_440, %get3A_24 : vector<16xf32>
          %parallel_loop3A_442 = arith.addf %parallel_loop3A_409, %parallel_loop3A_441 : vector<16xf32>
          %parallel_loop3A_443 = arith.index_cast %parallel_loop3A_336 : i32 to index
          %parallel_loop3A_444 = arith.constant 112 : index
          %parallel_loop3A_445 = tpu.vector_load %arg15[%parallel_loop3A_443, %parallel_loop3A_444] {strides = array<i32>} : memref<48x144xf32, #tpu.memory_space<vmem>>, vector<1x16xf32>,
          %parallel_loop3A_446 = vector.shape_cast %parallel_loop3A_445 : vector<1x16xf32> to vector<16xf32>
          %parallel_loop3A_447 = arith.addf %parallel_loop3A_368, %parallel_loop3A_446 : vector<16xf32>
          %parallel_loop3A_448 = arith.constant 2.000000e-01 : f32
          %parallel_loop3A_449 = vector.broadcast %parallel_loop3A_448 : f32 to vector<16xf32>
          %parallel_loop3A_450 = arith.mulf %parallel_loop3A_449, %parallel_loop3A_447 : vector<16xf32>
          %parallel_loop3A_451 = arith.maximumf %parallel_loop3A_447, %parallel_loop3A_450 : vector<16xf32>
          %parallel_loop3A_452 = arith.mulf %parallel_loop3A_451, %get3A_27 : vector<16xf32>
          %parallel_loop3A_453 = arith.addf %parallel_loop3A_420, %parallel_loop3A_452 : vector<16xf32>
          %parallel_loop3A_454 = arith.index_cast %parallel_loop3A_336 : i32 to index
          %parallel_loop3A_455 = arith.constant 128 : index
          %parallel_loop3A_456 = tpu.vector_load %arg15[%parallel_loop3A_454, %parallel_loop3A_455] {strides = array<i32>} : memref<48x144xf32, #tpu.memory_space<vmem>>, vector<1x16xf32>,
          %parallel_loop3A_457 = vector.shape_cast %parallel_loop3A_456 : vector<1x16xf32> to vector<16xf32>
          %parallel_loop3A_458 = arith.addf %max3A_34, %parallel_loop3A_457 : vector<16xf32>
          %parallel_loop3A_459 = arith.constant 2.000000e-01 : f32
          %parallel_loop3A_460 = vector.broadcast %parallel_loop3A_459 : f32 to vector<16xf32>
          %parallel_loop3A_461 = arith.mulf %parallel_loop3A_460, %parallel_loop3A_458 : vector<16xf32>
          %parallel_loop3A_462 = arith.maximumf %parallel_loop3A_458, %parallel_loop3A_461 : vector<16xf32>
          %parallel_loop3A_463 = arith.addf %parallel_loop3A_442, %parallel_loop3A_453 : vector<16xf32>
          %parallel_loop3A_464 = arith.mulf %parallel_loop3A_462, %get3A_30 : vector<16xf32>
          %parallel_loop3A_465 = arith.addf %parallel_loop3A_431, %parallel_loop3A_464 : vector<16xf32>
          %parallel_loop3A_466 = arith.addf %parallel_loop3A_463, %parallel_loop3A_465 : vector<16xf32>
          %parallel_loop3A_467 = arith.constant 15 : i32
          %parallel_loop3A_468 = vector.broadcast %parallel_loop3A_467 : i32 to vector<16xi32>
          %parallel_loop3A_469 = tpu.iota {dimensions = array<i32: 0>} : vector<16xi32>
          %parallel_loop3A_470 = arith.subi %parallel_loop3A_468, %parallel_loop3A_469 : vector<16xi32>
          %parallel_loop3A_471 = tpu.dynamic_gather %parallel_loop3A_466[%parallel_loop3A_470] in [0] : vector<16xf32>, vector<16xi32> -> vector<16xf32>
          %parallel_loop3A_472 = arith.addf %parallel_loop3A_466, %parallel_loop3A_471 : vector<16xf32>
          %parallel_loop3A_473 = vector.extract_strided_slice %parallel_loop3A_472 {offsets = [0], sizes = [1], strides = [1]} : vector<16xf32> to vector<1xf32>
          %parallel_loop3A_474 = vector.extract %parallel_loop3A_473[0] : f32 from vector<1xf32>
          %parallel_loop3A_475 = vector.extract_strided_slice %parallel_loop3A_472 {offsets = [1], sizes = [1], strides = [1]} : vector<16xf32> to vector<1xf32>
          %parallel_loop3A_476 = vector.extract %parallel_loop3A_475[0] : f32 from vector<1xf32>
          %parallel_loop3A_477 = arith.addf %parallel_loop3A_474, %parallel_loop3A_476 : f32
          %parallel_loop3A_478 = vector.extract_strided_slice %parallel_loop3A_472 {offsets = [2], sizes = [1], strides = [1]} : vector<16xf32> to vector<1xf32>
          %parallel_loop3A_479 = vector.extract %parallel_loop3A_478[0] : f32 from vector<1xf32>
          %parallel_loop3A_480 = vector.extract_strided_slice %parallel_loop3A_472 {offsets = [3], sizes = [1], strides = [1]} : vector<16xf32> to vector<1xf32>
          %parallel_loop3A_481 = vector.extract %parallel_loop3A_480[0] : f32 from vector<1xf32>
          %parallel_loop3A_482 = arith.addf %parallel_loop3A_479, %parallel_loop3A_481 : f32
          %parallel_loop3A_483 = arith.addf %parallel_loop3A_477, %parallel_loop3A_482 : f32
          %parallel_loop3A_484 = vector.extract_strided_slice %parallel_loop3A_472 {offsets = [4], sizes = [1], strides = [1]} : vector<16xf32> to vector<1xf32>
          %parallel_loop3A_485 = vector.extract %parallel_loop3A_484[0] : f32 from vector<1xf32>
          %parallel_loop3A_486 = vector.extract_strided_slice %parallel_loop3A_472 {offsets = [5], sizes = [1], strides = [1]} : vector<16xf32> to vector<1xf32>
          %parallel_loop3A_487 = vector.extract %parallel_loop3A_486[0] : f32 from vector<1xf32>
          %parallel_loop3A_488 = arith.addf %parallel_loop3A_485, %parallel_loop3A_487 : f32
          %parallel_loop3A_489 = vector.extract_strided_slice %parallel_loop3A_472 {offsets = [6], sizes = [1], strides = [1]} : vector<16xf32> to vector<1xf32>
          %parallel_loop3A_490 = vector.extract %parallel_loop3A_489[0] : f32 from vector<1xf32>
          %parallel_loop3A_491 = vector.extract_strided_slice %parallel_loop3A_472 {offsets = [7], sizes = [1], strides = [1]} : vector<16xf32> to vector<1xf32>
          %parallel_loop3A_492 = vector.extract %parallel_loop3A_491[0] : f32 from vector<1xf32>
          %parallel_loop3A_493 = arith.addf %parallel_loop3A_490, %parallel_loop3A_492 : f32
          %parallel_loop3A_494 = arith.addf %parallel_loop3A_488, %parallel_loop3A_493 : f32
          %parallel_loop3A_495 = arith.addf %parallel_loop3A_483, %parallel_loop3A_494 : f32
          %parallel_loop3A_496 = vector.broadcast %parallel_loop3A_495 : f32 to vector<16xf32>
          %parallel_loop3A_497 = math.exp %parallel_loop3A_496 : vector<16xf32>
          %parallel_loop3A_498 = arith.mulf %parallel_loop3A_340, %parallel_loop3A_497 : vector<16xf32>
          %parallel_loop3A_499 = arith.index_cast %parallel_loop3A_336 : i32 to index
          %parallel_loop3A_500 = arith.constant 0 : index
          %parallel_loop3A_501 = tpu.vector_load %arg12[%parallel_loop3A_499, %parallel_loop3A_500] {strides = array<i32>} : memref<48x144xf32, #tpu.memory_space<vmem>>, vector<1x16xf32>,
          %parallel_loop3A_502 = vector.shape_cast %parallel_loop3A_501 : vector<1x16xf32> to vector<16xf32>
          %parallel_loop3A_503 = vector.shape_cast %parallel_loop3A_498 : vector<16xf32> to vector<1x16xf32>
          tpu.vector_store %arg12[%parallel_loop3A_499, %parallel_loop3A_500], %parallel_loop3A_503 {strides = array<i32>} : memref<48x144xf32, #tpu.memory_space<vmem>>, vector<1x16xf32>,
          %parallel_loop3A_504 = arith.mulf %parallel_loop3A_344, %parallel_loop3A_497 : vector<16xf32>
          %parallel_loop3A_505 = arith.index_cast %parallel_loop3A_336 : i32 to index
          %parallel_loop3A_506 = arith.constant 16 : index
          %parallel_loop3A_507 = tpu.vector_load %arg12[%parallel_loop3A_505, %parallel_loop3A_506] {strides = array<i32>} : memref<48x144xf32, #tpu.memory_space<vmem>>, vector<1x16xf32>,
          %parallel_loop3A_508 = vector.shape_cast %parallel_loop3A_507 : vector<1x16xf32> to vector<16xf32>
          %parallel_loop3A_509 = vector.shape_cast %parallel_loop3A_504 : vector<16xf32> to vector<1x16xf32>
          tpu.vector_store %arg12[%parallel_loop3A_505, %parallel_loop3A_506], %parallel_loop3A_509 {strides = array<i32>} : memref<48x144xf32, #tpu.memory_space<vmem>>, vector<1x16xf32>,
          %parallel_loop3A_510 = arith.mulf %parallel_loop3A_348, %parallel_loop3A_497 : vector<16xf32>
          %parallel_loop3A_511 = arith.index_cast %parallel_loop3A_336 : i32 to index
          %parallel_loop3A_512 = arith.constant 32 : index
          %parallel_loop3A_513 = tpu.vector_load %arg12[%parallel_loop3A_511, %parallel_loop3A_512] {strides = array<i32>} : memref<48x144xf32, #tpu.memory_space<vmem>>, vector<1x16xf32>,
          %parallel_loop3A_514 = vector.shape_cast %parallel_loop3A_513 : vector<1x16xf32> to vector<16xf32>
          %parallel_loop3A_515 = vector.shape_cast %parallel_loop3A_510 : vector<16xf32> to vector<1x16xf32>
          tpu.vector_store %arg12[%parallel_loop3A_511, %parallel_loop3A_512], %parallel_loop3A_515 {strides = array<i32>} : memref<48x144xf32, #tpu.memory_space<vmem>>, vector<1x16xf32>,
          %parallel_loop3A_516 = arith.mulf %parallel_loop3A_352, %parallel_loop3A_497 : vector<16xf32>
          %parallel_loop3A_517 = arith.index_cast %parallel_loop3A_336 : i32 to index
          %parallel_loop3A_518 = arith.constant 48 : index
          %parallel_loop3A_519 = tpu.vector_load %arg12[%parallel_loop3A_517, %parallel_loop3A_518] {strides = array<i32>} : memref<48x144xf32, #tpu.memory_space<vmem>>, vector<1x16xf32>,
          %parallel_loop3A_520 = vector.shape_cast %parallel_loop3A_519 : vector<1x16xf32> to vector<16xf32>
          %parallel_loop3A_521 = vector.shape_cast %parallel_loop3A_516 : vector<16xf32> to vector<1x16xf32>
          tpu.vector_store %arg12[%parallel_loop3A_517, %parallel_loop3A_518], %parallel_loop3A_521 {strides = array<i32>} : memref<48x144xf32, #tpu.memory_space<vmem>>, vector<1x16xf32>,
          %parallel_loop3A_522 = arith.mulf %parallel_loop3A_356, %parallel_loop3A_497 : vector<16xf32>
          %parallel_loop3A_523 = arith.index_cast %parallel_loop3A_336 : i32 to index
          %parallel_loop3A_524 = arith.constant 64 : index
          %parallel_loop3A_525 = tpu.vector_load %arg12[%parallel_loop3A_523, %parallel_loop3A_524] {strides = array<i32>} : memref<48x144xf32, #tpu.memory_space<vmem>>, vector<1x16xf32>,
          %parallel_loop3A_526 = vector.shape_cast %parallel_loop3A_525 : vector<1x16xf32> to vector<16xf32>
          %parallel_loop3A_527 = vector.shape_cast %parallel_loop3A_522 : vector<16xf32> to vector<1x16xf32>
          tpu.vector_store %arg12[%parallel_loop3A_523, %parallel_loop3A_524], %parallel_loop3A_527 {strides = array<i32>} : memref<48x144xf32, #tpu.memory_space<vmem>>, vector<1x16xf32>,
          %parallel_loop3A_528 = arith.mulf %parallel_loop3A_360, %parallel_loop3A_497 : vector<16xf32>
          %parallel_loop3A_529 = arith.index_cast %parallel_loop3A_336 : i32 to index
          %parallel_loop3A_530 = arith.constant 80 : index
          %parallel_loop3A_531 = tpu.vector_load %arg12[%parallel_loop3A_529, %parallel_loop3A_530] {strides = array<i32>} : memref<48x144xf32, #tpu.memory_space<vmem>>, vector<1x16xf32>,
          %parallel_loop3A_532 = vector.shape_cast %parallel_loop3A_531 : vector<1x16xf32> to vector<16xf32>
          %parallel_loop3A_533 = vector.shape_cast %parallel_loop3A_528 : vector<16xf32> to vector<1x16xf32>
          tpu.vector_store %arg12[%parallel_loop3A_529, %parallel_loop3A_530], %parallel_loop3A_533 {strides = array<i32>} : memref<48x144xf32, #tpu.memory_space<vmem>>, vector<1x16xf32>,
          %parallel_loop3A_534 = arith.mulf %parallel_loop3A_364, %parallel_loop3A_497 : vector<16xf32>
          %parallel_loop3A_535 = arith.index_cast %parallel_loop3A_336 : i32 to index
          %parallel_loop3A_536 = arith.constant 96 : index
          %parallel_loop3A_537 = tpu.vector_load %arg12[%parallel_loop3A_535, %parallel_loop3A_536] {strides = array<i32>} : memref<48x144xf32, #tpu.memory_space<vmem>>, vector<1x16xf32>,
          %parallel_loop3A_538 = vector.shape_cast %parallel_loop3A_537 : vector<1x16xf32> to vector<16xf32>
          %parallel_loop3A_539 = vector.shape_cast %parallel_loop3A_534 : vector<16xf32> to vector<1x16xf32>
          tpu.vector_store %arg12[%parallel_loop3A_535, %parallel_loop3A_536], %parallel_loop3A_539 {strides = array<i32>} : memref<48x144xf32, #tpu.memory_space<vmem>>, vector<1x16xf32>,
          %parallel_loop3A_540 = arith.mulf %parallel_loop3A_368, %parallel_loop3A_497 : vector<16xf32>
          %parallel_loop3A_541 = arith.index_cast %parallel_loop3A_336 : i32 to index
          %parallel_loop3A_542 = arith.constant 112 : index
          %parallel_loop3A_543 = tpu.vector_load %arg12[%parallel_loop3A_541, %parallel_loop3A_542] {strides = array<i32>} : memref<48x144xf32, #tpu.memory_space<vmem>>, vector<1x16xf32>,
          %parallel_loop3A_544 = vector.shape_cast %parallel_loop3A_543 : vector<1x16xf32> to vector<16xf32>
          %parallel_loop3A_545 = vector.shape_cast %parallel_loop3A_540 : vector<16xf32> to vector<1x16xf32>
          tpu.vector_store %arg12[%parallel_loop3A_541, %parallel_loop3A_542], %parallel_loop3A_545 {strides = array<i32>} : memref<48x144xf32, #tpu.memory_space<vmem>>, vector<1x16xf32>,
          %parallel_loop3A_546 = arith.mulf %max3A_34, %parallel_loop3A_497 : vector<16xf32>
          %parallel_loop3A_547 = arith.index_cast %parallel_loop3A_336 : i32 to index
          %parallel_loop3A_548 = arith.constant 128 : index
          %parallel_loop3A_549 = tpu.vector_load %arg12[%parallel_loop3A_547, %parallel_loop3A_548] {strides = array<i32>} : memref<48x144xf32, #tpu.memory_space<vmem>>, vector<1x16xf32>,
          %parallel_loop3A_550 = vector.shape_cast %parallel_loop3A_549 : vector<1x16xf32> to vector<16xf32>
          %parallel_loop3A_551 = vector.shape_cast %parallel_loop3A_546 : vector<16xf32> to vector<1x16xf32>
          tpu.vector_store %arg12[%parallel_loop3A_547, %parallel_loop3A_548], %parallel_loop3A_551 {strides = array<i32>} : memref<48x144xf32, #tpu.memory_space<vmem>>, vector<1x16xf32>,
        } {sc.loop_unroll_factor = 1 : i64, sc.parallel_access}
        %dma_start3A_147 = arith.constant 0 : i32
        %dma_start3A_148 = tpu.memref_slice %arg10[%add3A_131, %dma_start3A_147] : memref<30x48xi32, #tpu.memory_space<vmem>> -> memref<1x48xi32, #tpu.memory_space<vmem>>
        %dma_start3A_149 = tpu.memref_squeeze %dma_start3A_148 : memref<1x48xi32, #tpu.memory_space<vmem>> -> memref<48xi32, #tpu.memory_space<vmem>>
        %dma_start3A_150 = arith.constant 0 : i32
        %dma_start3A_151 = arith.constant 0 : i32
        %dma_start3A_152 = tpu.memref_slice %arg17[%dma_start3A_150, %dma_start3A_151] : memref<10240x144xf32, #tpu.memory_space<vmem_shared>> -> memref<10240x144xf32, #tpu.memory_space<vmem_shared>>
        tpu.enqueue_indirect_dma source(%arg12 : memref<48x144xf32, #tpu.memory_space<vmem>>) target(%dma_start3A_152 : memref<10240x144xf32, #tpu.memory_space<vmem_shared>>) offsets(%dma_start3A_149 : memref<48xi32, #tpu.memory_space<vmem>>) semaphore(%arg24 : memref<!tpu.dma_semaphore, #tpu.memory_space<semaphore_mem>>) {add = true}
        %sub3A_153 = arith.constant 1 : i32
        %sub3A_154 = arith.subi %add3A_131, %sub3A_153 : i32
        %dma_wait3A_155 = arith.constant 0 : i32
        %dma_wait3A_156 = tpu.memref_slice %arg10[%sub3A_154, %dma_wait3A_155] : memref<30x48xi32, #tpu.memory_space<vmem>> -> memref<1x48xi32, #tpu.memory_space<vmem>>
        %dma_wait3A_157 = tpu.memref_squeeze %dma_wait3A_156 : memref<1x48xi32, #tpu.memory_space<vmem>> -> memref<48xi32, #tpu.memory_space<vmem>>
        %dma_wait3A_158 = arith.constant 0 : i32
        %dma_wait3A_159 = arith.constant 0 : i32
        %dma_wait3A_160 = tpu.memref_slice %arg17[%dma_wait3A_158, %dma_wait3A_159] : memref<10240x144xf32, #tpu.memory_space<vmem_shared>> -> memref<10240x144xf32, #tpu.memory_space<vmem_shared>>
        tpu.wait_indirect_dma semaphore(%arg23 : memref<!tpu.dma_semaphore, #tpu.memory_space<semaphore_mem>>) src(%arg11 : memref<48x144xf32, #tpu.memory_space<vmem>>) dst(%dma_wait3A_160 : memref<10240x144xf32, #tpu.memory_space<vmem_shared>>)
        %add3A_161 = arith.constant 2 : i32
        %add3A_162 = arith.addi %add3A_131, %add3A_161 : i32
        %dma_start3A_163 = arith.constant 0 : i32
        %dma_start3A_164 = tpu.memref_slice %arg9[%add3A_162, %dma_start3A_163] : memref<30x48xi32, #tpu.memory_space<vmem>> -> memref<1x48xi32, #tpu.memory_space<vmem>>
        %dma_start3A_165 = tpu.memref_squeeze %dma_start3A_164 : memref<1x48xi32, #tpu.memory_space<vmem>> -> memref<48xi32, #tpu.memory_space<vmem>>
        %dma_start3A_166 = arith.constant 0 : i32
        %dma_start3A_167 = arith.constant 0 : i32
        %dma_start3A_168 = tpu.memref_slice %arg2[%dma_start3A_166, %dma_start3A_167] : memref<10240x144xf32, #tpu.memory_space<hbm>> -> memref<10240x144xf32, #tpu.memory_space<hbm>>
        tpu.enqueue_indirect_dma source(%dma_start3A_168 : memref<10240x144xf32, #tpu.memory_space<hbm>>) target(%arg11 : memref<48x144xf32, #tpu.memory_space<vmem>>) offsets(%dma_start3A_165 : memref<48xi32, #tpu.memory_space<vmem>>) semaphore(%arg18 : memref<!tpu.dma_semaphore, #tpu.memory_space<semaphore_mem>>)
        %dma_start3A_169 = arith.constant 0 : i32
        %dma_start3A_170 = tpu.memref_slice %arg10[%add3A_162, %dma_start3A_169] : memref<30x48xi32, #tpu.memory_space<vmem>> -> memref<1x48xi32, #tpu.memory_space<vmem>>
        %dma_start3A_171 = tpu.memref_squeeze %dma_start3A_170 : memref<1x48xi32, #tpu.memory_space<vmem>> -> memref<48xi32, #tpu.memory_space<vmem>>
        %dma_start3A_172 = arith.constant 0 : i32
        %dma_start3A_173 = arith.constant 0 : i32
        %dma_start3A_174 = tpu.memref_slice %arg3[%dma_start3A_172, %dma_start3A_173] : memref<10240x144xf32, #tpu.memory_space<hbm>> -> memref<10240x144xf32, #tpu.memory_space<hbm>>
        tpu.enqueue_indirect_dma source(%dma_start3A_174 : memref<10240x144xf32, #tpu.memory_space<hbm>>) target(%arg15 : memref<48x144xf32, #tpu.memory_space<vmem>>) offsets(%dma_start3A_171 : memref<48xi32, #tpu.memory_space<vmem>>) semaphore(%arg22 : memref<!tpu.dma_semaphore, #tpu.memory_space<semaphore_mem>>)
        %add3A_175 = arith.constant 2 : i32
        %add3A_176 = arith.addi %mul3A_90, %add3A_175 : i32
        %dma_wait3A_177 = arith.constant 0 : i32
        %dma_wait3A_178 = tpu.memref_slice %arg9[%add3A_176, %dma_wait3A_177] : memref<30x48xi32, #tpu.memory_space<vmem>> -> memref<1x48xi32, #tpu.memory_space<vmem>>
        %dma_wait3A_179 = tpu.memref_squeeze %dma_wait3A_178 : memref<1x48xi32, #tpu.memory_space<vmem>> -> memref<48xi32, #tpu.memory_space<vmem>>
        %dma_wait3A_180 = arith.constant 0 : i32
        %dma_wait3A_181 = arith.constant 0 : i32
        %dma_wait3A_182 = tpu.memref_slice %arg2[%dma_wait3A_180, %dma_wait3A_181] : memref<10240x144xf32, #tpu.memory_space<hbm>> -> memref<10240x144xf32, #tpu.memory_space<hbm>>
        tpu.wait_indirect_dma semaphore(%arg20 : memref<!tpu.dma_semaphore, #tpu.memory_space<semaphore_mem>>) src(%dma_wait3A_182 : memref<10240x144xf32, #tpu.memory_space<hbm>>) dst(%arg13 : memref<48x144xf32, #tpu.memory_space<vmem>>)
        %dma_wait3A_183 = arith.constant 0 : i32
        %dma_wait3A_184 = tpu.memref_slice %arg10[%add3A_176, %dma_wait3A_183] : memref<30x48xi32, #tpu.memory_space<vmem>> -> memref<1x48xi32, #tpu.memory_space<vmem>>
        %dma_wait3A_185 = tpu.memref_squeeze %dma_wait3A_184 : memref<1x48xi32, #tpu.memory_space<vmem>> -> memref<48xi32, #tpu.memory_space<vmem>>
        %dma_wait3A_186 = arith.constant 0 : i32
        %dma_wait3A_187 = arith.constant 0 : i32
        %dma_wait3A_188 = tpu.memref_slice %arg3[%dma_wait3A_186, %dma_wait3A_187] : memref<10240x144xf32, #tpu.memory_space<hbm>> -> memref<10240x144xf32, #tpu.memory_space<hbm>>
        tpu.wait_indirect_dma semaphore(%arg21 : memref<!tpu.dma_semaphore, #tpu.memory_space<semaphore_mem>>) src(%dma_wait3A_188 : memref<10240x144xf32, #tpu.memory_space<hbm>>) dst(%arg14 : memref<48x144xf32, #tpu.memory_space<vmem>>)
        %parallel_loop3A_189 = arith.constant 0 : i32
        %parallel_loop3A_190 = arith.constant 48 : i32
        %parallel_loop3A_191 = arith.constant 1 : i32
        scf.for %parallel_loop3A_336 = %parallel_loop3A_189 to %parallel_loop3A_190 step %parallel_loop3A_191  : i32 {
          %parallel_loop3A_337 = arith.index_cast %parallel_loop3A_336 : i32 to index
          %parallel_loop3A_338 = arith.constant 0 : index
          %parallel_loop3A_339 = tpu.vector_load %arg13[%parallel_loop3A_337, %parallel_loop3A_338] {strides = array<i32>} : memref<48x144xf32, #tpu.memory_space<vmem>>, vector<1x16xf32>,
          %parallel_loop3A_340 = vector.shape_cast %parallel_loop3A_339 : vector<1x16xf32> to vector<16xf32>
          %parallel_loop3A_341 = arith.index_cast %parallel_loop3A_336 : i32 to index
          %parallel_loop3A_342 = arith.constant 16 : index
          %parallel_loop3A_343 = tpu.vector_load %arg13[%parallel_loop3A_341, %parallel_loop3A_342] {strides = array<i32>} : memref<48x144xf32, #tpu.memory_space<vmem>>, vector<1x16xf32>,
          %parallel_loop3A_344 = vector.shape_cast %parallel_loop3A_343 : vector<1x16xf32> to vector<16xf32>
          %parallel_loop3A_345 = arith.index_cast %parallel_loop3A_336 : i32 to index
          %parallel_loop3A_346 = arith.constant 32 : index
          %parallel_loop3A_347 = tpu.vector_load %arg13[%parallel_loop3A_345, %parallel_loop3A_346] {strides = array<i32>} : memref<48x144xf32, #tpu.memory_space<vmem>>, vector<1x16xf32>,
          %parallel_loop3A_348 = vector.shape_cast %parallel_loop3A_347 : vector<1x16xf32> to vector<16xf32>
          %parallel_loop3A_349 = arith.index_cast %parallel_loop3A_336 : i32 to index
          %parallel_loop3A_350 = arith.constant 48 : index
          %parallel_loop3A_351 = tpu.vector_load %arg13[%parallel_loop3A_349, %parallel_loop3A_350] {strides = array<i32>} : memref<48x144xf32, #tpu.memory_space<vmem>>, vector<1x16xf32>,
          %parallel_loop3A_352 = vector.shape_cast %parallel_loop3A_351 : vector<1x16xf32> to vector<16xf32>
          %parallel_loop3A_353 = arith.index_cast %parallel_loop3A_336 : i32 to index
          %parallel_loop3A_354 = arith.constant 64 : index
          %parallel_loop3A_355 = tpu.vector_load %arg13[%parallel_loop3A_353, %parallel_loop3A_354] {strides = array<i32>} : memref<48x144xf32, #tpu.memory_space<vmem>>, vector<1x16xf32>,
          %parallel_loop3A_356 = vector.shape_cast %parallel_loop3A_355 : vector<1x16xf32> to vector<16xf32>
          %parallel_loop3A_357 = arith.index_cast %parallel_loop3A_336 : i32 to index
          %parallel_loop3A_358 = arith.constant 80 : index
          %parallel_loop3A_359 = tpu.vector_load %arg13[%parallel_loop3A_357, %parallel_loop3A_358] {strides = array<i32>} : memref<48x144xf32, #tpu.memory_space<vmem>>, vector<1x16xf32>,
          %parallel_loop3A_360 = vector.shape_cast %parallel_loop3A_359 : vector<1x16xf32> to vector<16xf32>
          %parallel_loop3A_361 = arith.index_cast %parallel_loop3A_336 : i32 to index
          %parallel_loop3A_362 = arith.constant 96 : index
          %parallel_loop3A_363 = tpu.vector_load %arg13[%parallel_loop3A_361, %parallel_loop3A_362] {strides = array<i32>} : memref<48x144xf32, #tpu.memory_space<vmem>>, vector<1x16xf32>,
          %parallel_loop3A_364 = vector.shape_cast %parallel_loop3A_363 : vector<1x16xf32> to vector<16xf32>
          %parallel_loop3A_365 = arith.index_cast %parallel_loop3A_336 : i32 to index
          %parallel_loop3A_366 = arith.constant 112 : index
          %parallel_loop3A_367 = tpu.vector_load %arg13[%parallel_loop3A_365, %parallel_loop3A_366] {strides = array<i32>} : memref<48x144xf32, #tpu.memory_space<vmem>>, vector<1x16xf32>,
          %parallel_loop3A_368 = vector.shape_cast %parallel_loop3A_367 : vector<1x16xf32> to vector<16xf32>
          %parallel_loop3A_369 = arith.index_cast %parallel_loop3A_336 : i32 to index
          %parallel_loop3A_370 = arith.constant 0 : index
          %parallel_loop3A_371 = tpu.vector_load %arg14[%parallel_loop3A_369, %parallel_loop3A_370] {strides = array<i32>} : memref<48x144xf32, #tpu.memory_space<vmem>>, vector<1x16xf32>,
          %parallel_loop3A_372 = vector.shape_cast %parallel_loop3A_371 : vector<1x16xf32> to vector<16xf32>
          %parallel_loop3A_373 = arith.addf %parallel_loop3A_340, %parallel_loop3A_372 : vector<16xf32>
          %parallel_loop3A_374 = arith.constant 2.000000e-01 : f32
          %parallel_loop3A_375 = vector.broadcast %parallel_loop3A_374 : f32 to vector<16xf32>
          %parallel_loop3A_376 = arith.mulf %parallel_loop3A_375, %parallel_loop3A_373 : vector<16xf32>
          %parallel_loop3A_377 = arith.maximumf %parallel_loop3A_373, %parallel_loop3A_376 : vector<16xf32>
          %parallel_loop3A_378 = arith.mulf %parallel_loop3A_377, %get3A_6 : vector<16xf32>
          %parallel_loop3A_379 = arith.index_cast %parallel_loop3A_336 : i32 to index
          %parallel_loop3A_380 = arith.constant 16 : index
          %parallel_loop3A_381 = tpu.vector_load %arg14[%parallel_loop3A_379, %parallel_loop3A_380] {strides = array<i32>} : memref<48x144xf32, #tpu.memory_space<vmem>>, vector<1x16xf32>,
          %parallel_loop3A_382 = vector.shape_cast %parallel_loop3A_381 : vector<1x16xf32> to vector<16xf32>
          %parallel_loop3A_383 = arith.addf %parallel_loop3A_344, %parallel_loop3A_382 : vector<16xf32>
          %parallel_loop3A_384 = arith.constant 2.000000e-01 : f32
          %parallel_loop3A_385 = vector.broadcast %parallel_loop3A_384 : f32 to vector<16xf32>
          %parallel_loop3A_386 = arith.mulf %parallel_loop3A_385, %parallel_loop3A_383 : vector<16xf32>
          %parallel_loop3A_387 = arith.maximumf %parallel_loop3A_383, %parallel_loop3A_386 : vector<16xf32>
          %parallel_loop3A_388 = arith.mulf %parallel_loop3A_387, %get3A_9 : vector<16xf32>
          %parallel_loop3A_389 = arith.index_cast %parallel_loop3A_336 : i32 to index
          %parallel_loop3A_390 = arith.constant 32 : index
          %parallel_loop3A_391 = tpu.vector_load %arg14[%parallel_loop3A_389, %parallel_loop3A_390] {strides = array<i32>} : memref<48x144xf32, #tpu.memory_space<vmem>>, vector<1x16xf32>,
          %parallel_loop3A_392 = vector.shape_cast %parallel_loop3A_391 : vector<1x16xf32> to vector<16xf32>
          %parallel_loop3A_393 = arith.addf %parallel_loop3A_348, %parallel_loop3A_392 : vector<16xf32>
          %parallel_loop3A_394 = arith.constant 2.000000e-01 : f32
          %parallel_loop3A_395 = vector.broadcast %parallel_loop3A_394 : f32 to vector<16xf32>
          %parallel_loop3A_396 = arith.mulf %parallel_loop3A_395, %parallel_loop3A_393 : vector<16xf32>
          %parallel_loop3A_397 = arith.maximumf %parallel_loop3A_393, %parallel_loop3A_396 : vector<16xf32>
          %parallel_loop3A_398 = arith.mulf %parallel_loop3A_397, %get3A_12 : vector<16xf32>
          %parallel_loop3A_399 = arith.index_cast %parallel_loop3A_336 : i32 to index
          %parallel_loop3A_400 = arith.constant 48 : index
          %parallel_loop3A_401 = tpu.vector_load %arg14[%parallel_loop3A_399, %parallel_loop3A_400] {strides = array<i32>} : memref<48x144xf32, #tpu.memory_space<vmem>>, vector<1x16xf32>,
          %parallel_loop3A_402 = vector.shape_cast %parallel_loop3A_401 : vector<1x16xf32> to vector<16xf32>
          %parallel_loop3A_403 = arith.addf %parallel_loop3A_352, %parallel_loop3A_402 : vector<16xf32>
          %parallel_loop3A_404 = arith.constant 2.000000e-01 : f32
          %parallel_loop3A_405 = vector.broadcast %parallel_loop3A_404 : f32 to vector<16xf32>
          %parallel_loop3A_406 = arith.mulf %parallel_loop3A_405, %parallel_loop3A_403 : vector<16xf32>
          %parallel_loop3A_407 = arith.maximumf %parallel_loop3A_403, %parallel_loop3A_406 : vector<16xf32>
          %parallel_loop3A_408 = arith.mulf %parallel_loop3A_407, %get3A_15 : vector<16xf32>
          %parallel_loop3A_409 = arith.addf %parallel_loop3A_378, %parallel_loop3A_408 : vector<16xf32>
          %parallel_loop3A_410 = arith.index_cast %parallel_loop3A_336 : i32 to index
          %parallel_loop3A_411 = arith.constant 64 : index
          %parallel_loop3A_412 = tpu.vector_load %arg14[%parallel_loop3A_410, %parallel_loop3A_411] {strides = array<i32>} : memref<48x144xf32, #tpu.memory_space<vmem>>, vector<1x16xf32>,
          %parallel_loop3A_413 = vector.shape_cast %parallel_loop3A_412 : vector<1x16xf32> to vector<16xf32>
          %parallel_loop3A_414 = arith.addf %parallel_loop3A_356, %parallel_loop3A_413 : vector<16xf32>
          %parallel_loop3A_415 = arith.constant 2.000000e-01 : f32
          %parallel_loop3A_416 = vector.broadcast %parallel_loop3A_415 : f32 to vector<16xf32>
          %parallel_loop3A_417 = arith.mulf %parallel_loop3A_416, %parallel_loop3A_414 : vector<16xf32>
          %parallel_loop3A_418 = arith.maximumf %parallel_loop3A_414, %parallel_loop3A_417 : vector<16xf32>
          %parallel_loop3A_419 = arith.mulf %parallel_loop3A_418, %get3A_18 : vector<16xf32>
          %parallel_loop3A_420 = arith.addf %parallel_loop3A_388, %parallel_loop3A_419 : vector<16xf32>
          %parallel_loop3A_421 = arith.index_cast %parallel_loop3A_336 : i32 to index
          %parallel_loop3A_422 = arith.constant 80 : index
          %parallel_loop3A_423 = tpu.vector_load %arg14[%parallel_loop3A_421, %parallel_loop3A_422] {strides = array<i32>} : memref<48x144xf32, #tpu.memory_space<vmem>>, vector<1x16xf32>,
          %parallel_loop3A_424 = vector.shape_cast %parallel_loop3A_423 : vector<1x16xf32> to vector<16xf32>
          %parallel_loop3A_425 = arith.addf %parallel_loop3A_360, %parallel_loop3A_424 : vector<16xf32>
          %parallel_loop3A_426 = arith.constant 2.000000e-01 : f32
          %parallel_loop3A_427 = vector.broadcast %parallel_loop3A_426 : f32 to vector<16xf32>
          %parallel_loop3A_428 = arith.mulf %parallel_loop3A_427, %parallel_loop3A_425 : vector<16xf32>
          %parallel_loop3A_429 = arith.maximumf %parallel_loop3A_425, %parallel_loop3A_428 : vector<16xf32>
          %parallel_loop3A_430 = arith.mulf %parallel_loop3A_429, %get3A_21 : vector<16xf32>
          %parallel_loop3A_431 = arith.addf %parallel_loop3A_398, %parallel_loop3A_430 : vector<16xf32>
          %parallel_loop3A_432 = arith.index_cast %parallel_loop3A_336 : i32 to index
          %parallel_loop3A_433 = arith.constant 96 : index
          %parallel_loop3A_434 = tpu.vector_load %arg14[%parallel_loop3A_432, %parallel_loop3A_433] {strides = array<i32>} : memref<48x144xf32, #tpu.memory_space<vmem>>, vector<1x16xf32>,
          %parallel_loop3A_435 = vector.shape_cast %parallel_loop3A_434 : vector<1x16xf32> to vector<16xf32>
          %parallel_loop3A_436 = arith.addf %parallel_loop3A_364, %parallel_loop3A_435 : vector<16xf32>
          %parallel_loop3A_437 = arith.constant 2.000000e-01 : f32
          %parallel_loop3A_438 = vector.broadcast %parallel_loop3A_437 : f32 to vector<16xf32>
          %parallel_loop3A_439 = arith.mulf %parallel_loop3A_438, %parallel_loop3A_436 : vector<16xf32>
          %parallel_loop3A_440 = arith.maximumf %parallel_loop3A_436, %parallel_loop3A_439 : vector<16xf32>
          %parallel_loop3A_441 = arith.mulf %parallel_loop3A_440, %get3A_24 : vector<16xf32>
          %parallel_loop3A_442 = arith.addf %parallel_loop3A_409, %parallel_loop3A_441 : vector<16xf32>
          %parallel_loop3A_443 = arith.index_cast %parallel_loop3A_336 : i32 to index
          %parallel_loop3A_444 = arith.constant 112 : index
          %parallel_loop3A_445 = tpu.vector_load %arg14[%parallel_loop3A_443, %parallel_loop3A_444] {strides = array<i32>} : memref<48x144xf32, #tpu.memory_space<vmem>>, vector<1x16xf32>,
          %parallel_loop3A_446 = vector.shape_cast %parallel_loop3A_445 : vector<1x16xf32> to vector<16xf32>
          %parallel_loop3A_447 = arith.addf %parallel_loop3A_368, %parallel_loop3A_446 : vector<16xf32>
          %parallel_loop3A_448 = arith.constant 2.000000e-01 : f32
          %parallel_loop3A_449 = vector.broadcast %parallel_loop3A_448 : f32 to vector<16xf32>
          %parallel_loop3A_450 = arith.mulf %parallel_loop3A_449, %parallel_loop3A_447 : vector<16xf32>
          %parallel_loop3A_451 = arith.maximumf %parallel_loop3A_447, %parallel_loop3A_450 : vector<16xf32>
          %parallel_loop3A_452 = arith.mulf %parallel_loop3A_451, %get3A_27 : vector<16xf32>
          %parallel_loop3A_453 = arith.addf %parallel_loop3A_420, %parallel_loop3A_452 : vector<16xf32>
          %parallel_loop3A_454 = arith.index_cast %parallel_loop3A_336 : i32 to index
          %parallel_loop3A_455 = arith.constant 128 : index
          %parallel_loop3A_456 = tpu.vector_load %arg14[%parallel_loop3A_454, %parallel_loop3A_455] {strides = array<i32>} : memref<48x144xf32, #tpu.memory_space<vmem>>, vector<1x16xf32>,
          %parallel_loop3A_457 = vector.shape_cast %parallel_loop3A_456 : vector<1x16xf32> to vector<16xf32>
          %parallel_loop3A_458 = arith.addf %max3A_34, %parallel_loop3A_457 : vector<16xf32>
          %parallel_loop3A_459 = arith.constant 2.000000e-01 : f32
          %parallel_loop3A_460 = vector.broadcast %parallel_loop3A_459 : f32 to vector<16xf32>
          %parallel_loop3A_461 = arith.mulf %parallel_loop3A_460, %parallel_loop3A_458 : vector<16xf32>
          %parallel_loop3A_462 = arith.maximumf %parallel_loop3A_458, %parallel_loop3A_461 : vector<16xf32>
          %parallel_loop3A_463 = arith.addf %parallel_loop3A_442, %parallel_loop3A_453 : vector<16xf32>
          %parallel_loop3A_464 = arith.mulf %parallel_loop3A_462, %get3A_30 : vector<16xf32>
          %parallel_loop3A_465 = arith.addf %parallel_loop3A_431, %parallel_loop3A_464 : vector<16xf32>
          %parallel_loop3A_466 = arith.addf %parallel_loop3A_463, %parallel_loop3A_465 : vector<16xf32>
          %parallel_loop3A_467 = arith.constant 15 : i32
          %parallel_loop3A_468 = vector.broadcast %parallel_loop3A_467 : i32 to vector<16xi32>
          %parallel_loop3A_469 = tpu.iota {dimensions = array<i32: 0>} : vector<16xi32>
          %parallel_loop3A_470 = arith.subi %parallel_loop3A_468, %parallel_loop3A_469 : vector<16xi32>
          %parallel_loop3A_471 = tpu.dynamic_gather %parallel_loop3A_466[%parallel_loop3A_470] in [0] : vector<16xf32>, vector<16xi32> -> vector<16xf32>
          %parallel_loop3A_472 = arith.addf %parallel_loop3A_466, %parallel_loop3A_471 : vector<16xf32>
          %parallel_loop3A_473 = vector.extract_strided_slice %parallel_loop3A_472 {offsets = [0], sizes = [1], strides = [1]} : vector<16xf32> to vector<1xf32>
          %parallel_loop3A_474 = vector.extract %parallel_loop3A_473[0] : f32 from vector<1xf32>
          %parallel_loop3A_475 = vector.extract_strided_slice %parallel_loop3A_472 {offsets = [1], sizes = [1], strides = [1]} : vector<16xf32> to vector<1xf32>
          %parallel_loop3A_476 = vector.extract %parallel_loop3A_475[0] : f32 from vector<1xf32>
          %parallel_loop3A_477 = arith.addf %parallel_loop3A_474, %parallel_loop3A_476 : f32
          %parallel_loop3A_478 = vector.extract_strided_slice %parallel_loop3A_472 {offsets = [2], sizes = [1], strides = [1]} : vector<16xf32> to vector<1xf32>
          %parallel_loop3A_479 = vector.extract %parallel_loop3A_478[0] : f32 from vector<1xf32>
          %parallel_loop3A_480 = vector.extract_strided_slice %parallel_loop3A_472 {offsets = [3], sizes = [1], strides = [1]} : vector<16xf32> to vector<1xf32>
          %parallel_loop3A_481 = vector.extract %parallel_loop3A_480[0] : f32 from vector<1xf32>
          %parallel_loop3A_482 = arith.addf %parallel_loop3A_479, %parallel_loop3A_481 : f32
          %parallel_loop3A_483 = arith.addf %parallel_loop3A_477, %parallel_loop3A_482 : f32
          %parallel_loop3A_484 = vector.extract_strided_slice %parallel_loop3A_472 {offsets = [4], sizes = [1], strides = [1]} : vector<16xf32> to vector<1xf32>
          %parallel_loop3A_485 = vector.extract %parallel_loop3A_484[0] : f32 from vector<1xf32>
          %parallel_loop3A_486 = vector.extract_strided_slice %parallel_loop3A_472 {offsets = [5], sizes = [1], strides = [1]} : vector<16xf32> to vector<1xf32>
          %parallel_loop3A_487 = vector.extract %parallel_loop3A_486[0] : f32 from vector<1xf32>
          %parallel_loop3A_488 = arith.addf %parallel_loop3A_485, %parallel_loop3A_487 : f32
          %parallel_loop3A_489 = vector.extract_strided_slice %parallel_loop3A_472 {offsets = [6], sizes = [1], strides = [1]} : vector<16xf32> to vector<1xf32>
          %parallel_loop3A_490 = vector.extract %parallel_loop3A_489[0] : f32 from vector<1xf32>
          %parallel_loop3A_491 = vector.extract_strided_slice %parallel_loop3A_472 {offsets = [7], sizes = [1], strides = [1]} : vector<16xf32> to vector<1xf32>
          %parallel_loop3A_492 = vector.extract %parallel_loop3A_491[0] : f32 from vector<1xf32>
          %parallel_loop3A_493 = arith.addf %parallel_loop3A_490, %parallel_loop3A_492 : f32
          %parallel_loop3A_494 = arith.addf %parallel_loop3A_488, %parallel_loop3A_493 : f32
          %parallel_loop3A_495 = arith.addf %parallel_loop3A_483, %parallel_loop3A_494 : f32
          %parallel_loop3A_496 = vector.broadcast %parallel_loop3A_495 : f32 to vector<16xf32>
          %parallel_loop3A_497 = math.exp %parallel_loop3A_496 : vector<16xf32>
          %parallel_loop3A_498 = arith.mulf %parallel_loop3A_340, %parallel_loop3A_497 : vector<16xf32>
          %parallel_loop3A_499 = arith.index_cast %parallel_loop3A_336 : i32 to index
          %parallel_loop3A_500 = arith.constant 0 : index
          %parallel_loop3A_501 = tpu.vector_load %arg13[%parallel_loop3A_499, %parallel_loop3A_500] {strides = array<i32>} : memref<48x144xf32, #tpu.memory_space<vmem>>, vector<1x16xf32>,
          %parallel_loop3A_502 = vector.shape_cast %parallel_loop3A_501 : vector<1x16xf32> to vector<16xf32>
          %parallel_loop3A_503 = vector.shape_cast %parallel_loop3A_498 : vector<16xf32> to vector<1x16xf32>
          tpu.vector_store %arg13[%parallel_loop3A_499, %parallel_loop3A_500], %parallel_loop3A_503 {strides = array<i32>} : memref<48x144xf32, #tpu.memory_space<vmem>>, vector<1x16xf32>,
          %parallel_loop3A_504 = arith.mulf %parallel_loop3A_344, %parallel_loop3A_497 : vector<16xf32>
          %parallel_loop3A_505 = arith.index_cast %parallel_loop3A_336 : i32 to index
          %parallel_loop3A_506 = arith.constant 16 : index
          %parallel_loop3A_507 = tpu.vector_load %arg13[%parallel_loop3A_505, %parallel_loop3A_506] {strides = array<i32>} : memref<48x144xf32, #tpu.memory_space<vmem>>, vector<1x16xf32>,
          %parallel_loop3A_508 = vector.shape_cast %parallel_loop3A_507 : vector<1x16xf32> to vector<16xf32>
          %parallel_loop3A_509 = vector.shape_cast %parallel_loop3A_504 : vector<16xf32> to vector<1x16xf32>
          tpu.vector_store %arg13[%parallel_loop3A_505, %parallel_loop3A_506], %parallel_loop3A_509 {strides = array<i32>} : memref<48x144xf32, #tpu.memory_space<vmem>>, vector<1x16xf32>,
          %parallel_loop3A_510 = arith.mulf %parallel_loop3A_348, %parallel_loop3A_497 : vector<16xf32>
          %parallel_loop3A_511 = arith.index_cast %parallel_loop3A_336 : i32 to index
          %parallel_loop3A_512 = arith.constant 32 : index
          %parallel_loop3A_513 = tpu.vector_load %arg13[%parallel_loop3A_511, %parallel_loop3A_512] {strides = array<i32>} : memref<48x144xf32, #tpu.memory_space<vmem>>, vector<1x16xf32>,
          %parallel_loop3A_514 = vector.shape_cast %parallel_loop3A_513 : vector<1x16xf32> to vector<16xf32>
          %parallel_loop3A_515 = vector.shape_cast %parallel_loop3A_510 : vector<16xf32> to vector<1x16xf32>
          tpu.vector_store %arg13[%parallel_loop3A_511, %parallel_loop3A_512], %parallel_loop3A_515 {strides = array<i32>} : memref<48x144xf32, #tpu.memory_space<vmem>>, vector<1x16xf32>,
          %parallel_loop3A_516 = arith.mulf %parallel_loop3A_352, %parallel_loop3A_497 : vector<16xf32>
          %parallel_loop3A_517 = arith.index_cast %parallel_loop3A_336 : i32 to index
          %parallel_loop3A_518 = arith.constant 48 : index
          %parallel_loop3A_519 = tpu.vector_load %arg13[%parallel_loop3A_517, %parallel_loop3A_518] {strides = array<i32>} : memref<48x144xf32, #tpu.memory_space<vmem>>, vector<1x16xf32>,
          %parallel_loop3A_520 = vector.shape_cast %parallel_loop3A_519 : vector<1x16xf32> to vector<16xf32>
          %parallel_loop3A_521 = vector.shape_cast %parallel_loop3A_516 : vector<16xf32> to vector<1x16xf32>
          tpu.vector_store %arg13[%parallel_loop3A_517, %parallel_loop3A_518], %parallel_loop3A_521 {strides = array<i32>} : memref<48x144xf32, #tpu.memory_space<vmem>>, vector<1x16xf32>,
          %parallel_loop3A_522 = arith.mulf %parallel_loop3A_356, %parallel_loop3A_497 : vector<16xf32>
          %parallel_loop3A_523 = arith.index_cast %parallel_loop3A_336 : i32 to index
          %parallel_loop3A_524 = arith.constant 64 : index
          %parallel_loop3A_525 = tpu.vector_load %arg13[%parallel_loop3A_523, %parallel_loop3A_524] {strides = array<i32>} : memref<48x144xf32, #tpu.memory_space<vmem>>, vector<1x16xf32>,
          %parallel_loop3A_526 = vector.shape_cast %parallel_loop3A_525 : vector<1x16xf32> to vector<16xf32>
          %parallel_loop3A_527 = vector.shape_cast %parallel_loop3A_522 : vector<16xf32> to vector<1x16xf32>
          tpu.vector_store %arg13[%parallel_loop3A_523, %parallel_loop3A_524], %parallel_loop3A_527 {strides = array<i32>} : memref<48x144xf32, #tpu.memory_space<vmem>>, vector<1x16xf32>,
          %parallel_loop3A_528 = arith.mulf %parallel_loop3A_360, %parallel_loop3A_497 : vector<16xf32>
          %parallel_loop3A_529 = arith.index_cast %parallel_loop3A_336 : i32 to index
          %parallel_loop3A_530 = arith.constant 80 : index
          %parallel_loop3A_531 = tpu.vector_load %arg13[%parallel_loop3A_529, %parallel_loop3A_530] {strides = array<i32>} : memref<48x144xf32, #tpu.memory_space<vmem>>, vector<1x16xf32>,
          %parallel_loop3A_532 = vector.shape_cast %parallel_loop3A_531 : vector<1x16xf32> to vector<16xf32>
          %parallel_loop3A_533 = vector.shape_cast %parallel_loop3A_528 : vector<16xf32> to vector<1x16xf32>
          tpu.vector_store %arg13[%parallel_loop3A_529, %parallel_loop3A_530], %parallel_loop3A_533 {strides = array<i32>} : memref<48x144xf32, #tpu.memory_space<vmem>>, vector<1x16xf32>,
          %parallel_loop3A_534 = arith.mulf %parallel_loop3A_364, %parallel_loop3A_497 : vector<16xf32>
          %parallel_loop3A_535 = arith.index_cast %parallel_loop3A_336 : i32 to index
          %parallel_loop3A_536 = arith.constant 96 : index
          %parallel_loop3A_537 = tpu.vector_load %arg13[%parallel_loop3A_535, %parallel_loop3A_536] {strides = array<i32>} : memref<48x144xf32, #tpu.memory_space<vmem>>, vector<1x16xf32>,
          %parallel_loop3A_538 = vector.shape_cast %parallel_loop3A_537 : vector<1x16xf32> to vector<16xf32>
          %parallel_loop3A_539 = vector.shape_cast %parallel_loop3A_534 : vector<16xf32> to vector<1x16xf32>
          tpu.vector_store %arg13[%parallel_loop3A_535, %parallel_loop3A_536], %parallel_loop3A_539 {strides = array<i32>} : memref<48x144xf32, #tpu.memory_space<vmem>>, vector<1x16xf32>,
          %parallel_loop3A_540 = arith.mulf %parallel_loop3A_368, %parallel_loop3A_497 : vector<16xf32>
          %parallel_loop3A_541 = arith.index_cast %parallel_loop3A_336 : i32 to index
          %parallel_loop3A_542 = arith.constant 112 : index
          %parallel_loop3A_543 = tpu.vector_load %arg13[%parallel_loop3A_541, %parallel_loop3A_542] {strides = array<i32>} : memref<48x144xf32, #tpu.memory_space<vmem>>, vector<1x16xf32>,
          %parallel_loop3A_544 = vector.shape_cast %parallel_loop3A_543 : vector<1x16xf32> to vector<16xf32>
          %parallel_loop3A_545 = vector.shape_cast %parallel_loop3A_540 : vector<16xf32> to vector<1x16xf32>
          tpu.vector_store %arg13[%parallel_loop3A_541, %parallel_loop3A_542], %parallel_loop3A_545 {strides = array<i32>} : memref<48x144xf32, #tpu.memory_space<vmem>>, vector<1x16xf32>,
          %parallel_loop3A_546 = arith.mulf %max3A_34, %parallel_loop3A_497 : vector<16xf32>
          %parallel_loop3A_547 = arith.index_cast %parallel_loop3A_336 : i32 to index
          %parallel_loop3A_548 = arith.constant 128 : index
          %parallel_loop3A_549 = tpu.vector_load %arg13[%parallel_loop3A_547, %parallel_loop3A_548] {strides = array<i32>} : memref<48x144xf32, #tpu.memory_space<vmem>>, vector<1x16xf32>,
          %parallel_loop3A_550 = vector.shape_cast %parallel_loop3A_549 : vector<1x16xf32> to vector<16xf32>
          %parallel_loop3A_551 = vector.shape_cast %parallel_loop3A_546 : vector<16xf32> to vector<1x16xf32>
          tpu.vector_store %arg13[%parallel_loop3A_547, %parallel_loop3A_548], %parallel_loop3A_551 {strides = array<i32>} : memref<48x144xf32, #tpu.memory_space<vmem>>, vector<1x16xf32>,
        } {sc.loop_unroll_factor = 1 : i64, sc.parallel_access}
        %dma_start3A_192 = arith.constant 0 : i32
        %dma_start3A_193 = tpu.memref_slice %arg10[%add3A_176, %dma_start3A_192] : memref<30x48xi32, #tpu.memory_space<vmem>> -> memref<1x48xi32, #tpu.memory_space<vmem>>
        %dma_start3A_194 = tpu.memref_squeeze %dma_start3A_193 : memref<1x48xi32, #tpu.memory_space<vmem>> -> memref<48xi32, #tpu.memory_space<vmem>>
        %dma_start3A_195 = arith.constant 0 : i32
        %dma_start3A_196 = arith.constant 0 : i32
        %dma_start3A_197 = tpu.memref_slice %arg17[%dma_start3A_195, %dma_start3A_196] : memref<10240x144xf32, #tpu.memory_space<vmem_shared>> -> memref<10240x144xf32, #tpu.memory_space<vmem_shared>>
        tpu.enqueue_indirect_dma source(%arg13 : memref<48x144xf32, #tpu.memory_space<vmem>>) target(%dma_start3A_197 : memref<10240x144xf32, #tpu.memory_space<vmem_shared>>) offsets(%dma_start3A_194 : memref<48xi32, #tpu.memory_space<vmem>>) semaphore(%arg25 : memref<!tpu.dma_semaphore, #tpu.memory_space<semaphore_mem>>) {add = true}
        %sub3A_198 = arith.constant 1 : i32
        %sub3A_199 = arith.subi %add3A_176, %sub3A_198 : i32
        %dma_wait3A_200 = arith.constant 0 : i32
        %dma_wait3A_201 = tpu.memref_slice %arg10[%sub3A_199, %dma_wait3A_200] : memref<30x48xi32, #tpu.memory_space<vmem>> -> memref<1x48xi32, #tpu.memory_space<vmem>>
        %dma_wait3A_202 = tpu.memref_squeeze %dma_wait3A_201 : memref<1x48xi32, #tpu.memory_space<vmem>> -> memref<48xi32, #tpu.memory_space<vmem>>
        %dma_wait3A_203 = arith.constant 0 : i32
        %dma_wait3A_204 = arith.constant 0 : i32
        %dma_wait3A_205 = tpu.memref_slice %arg17[%dma_wait3A_203, %dma_wait3A_204] : memref<10240x144xf32, #tpu.memory_space<vmem_shared>> -> memref<10240x144xf32, #tpu.memory_space<vmem_shared>>
        tpu.wait_indirect_dma semaphore(%arg24 : memref<!tpu.dma_semaphore, #tpu.memory_space<semaphore_mem>>) src(%arg12 : memref<48x144xf32, #tpu.memory_space<vmem>>) dst(%dma_wait3A_205 : memref<10240x144xf32, #tpu.memory_space<vmem_shared>>)
        %add3A_206 = arith.constant 2 : i32
        %add3A_207 = arith.addi %add3A_176, %add3A_206 : i32
        %dma_start3A_208 = arith.constant 0 : i32
        %dma_start3A_209 = tpu.memref_slice %arg9[%add3A_207, %dma_start3A_208] : memref<30x48xi32, #tpu.memory_space<vmem>> -> memref<1x48xi32, #tpu.memory_space<vmem>>
        %dma_start3A_210 = tpu.memref_squeeze %dma_start3A_209 : memref<1x48xi32, #tpu.memory_space<vmem>> -> memref<48xi32, #tpu.memory_space<vmem>>
        %dma_start3A_211 = arith.constant 0 : i32
        %dma_start3A_212 = arith.constant 0 : i32
        %dma_start3A_213 = tpu.memref_slice %arg2[%dma_start3A_211, %dma_start3A_212] : memref<10240x144xf32, #tpu.memory_space<hbm>> -> memref<10240x144xf32, #tpu.memory_space<hbm>>
        tpu.enqueue_indirect_dma source(%dma_start3A_213 : memref<10240x144xf32, #tpu.memory_space<hbm>>) target(%arg12 : memref<48x144xf32, #tpu.memory_space<vmem>>) offsets(%dma_start3A_210 : memref<48xi32, #tpu.memory_space<vmem>>) semaphore(%arg19 : memref<!tpu.dma_semaphore, #tpu.memory_space<semaphore_mem>>)
        %dma_start3A_214 = arith.constant 0 : i32
        %dma_start3A_215 = tpu.memref_slice %arg10[%add3A_207, %dma_start3A_214] : memref<30x48xi32, #tpu.memory_space<vmem>> -> memref<1x48xi32, #tpu.memory_space<vmem>>
        %dma_start3A_216 = tpu.memref_squeeze %dma_start3A_215 : memref<1x48xi32, #tpu.memory_space<vmem>> -> memref<48xi32, #tpu.memory_space<vmem>>
        %dma_start3A_217 = arith.constant 0 : i32
        %dma_start3A_218 = arith.constant 0 : i32
        %dma_start3A_219 = tpu.memref_slice %arg3[%dma_start3A_217, %dma_start3A_218] : memref<10240x144xf32, #tpu.memory_space<hbm>> -> memref<10240x144xf32, #tpu.memory_space<hbm>>
        tpu.enqueue_indirect_dma source(%dma_start3A_219 : memref<10240x144xf32, #tpu.memory_space<hbm>>) target(%arg14 : memref<48x144xf32, #tpu.memory_space<vmem>>) offsets(%dma_start3A_216 : memref<48xi32, #tpu.memory_space<vmem>>) semaphore(%arg21 : memref<!tpu.dma_semaphore, #tpu.memory_space<semaphore_mem>>)
        %add3A_220 = arith.constant 3 : i32
        %add3A_221 = arith.addi %mul3A_90, %add3A_220 : i32
        %dma_wait3A_222 = arith.constant 0 : i32
        %dma_wait3A_223 = tpu.memref_slice %arg9[%add3A_221, %dma_wait3A_222] : memref<30x48xi32, #tpu.memory_space<vmem>> -> memref<1x48xi32, #tpu.memory_space<vmem>>
        %dma_wait3A_224 = tpu.memref_squeeze %dma_wait3A_223 : memref<1x48xi32, #tpu.memory_space<vmem>> -> memref<48xi32, #tpu.memory_space<vmem>>
        %dma_wait3A_225 = arith.constant 0 : i32
        %dma_wait3A_226 = arith.constant 0 : i32
        %dma_wait3A_227 = tpu.memref_slice %arg2[%dma_wait3A_225, %dma_wait3A_226] : memref<10240x144xf32, #tpu.memory_space<hbm>> -> memref<10240x144xf32, #tpu.memory_space<hbm>>
        tpu.wait_indirect_dma semaphore(%arg18 : memref<!tpu.dma_semaphore, #tpu.memory_space<semaphore_mem>>) src(%dma_wait3A_227 : memref<10240x144xf32, #tpu.memory_space<hbm>>) dst(%arg11 : memref<48x144xf32, #tpu.memory_space<vmem>>)
        %dma_wait3A_228 = arith.constant 0 : i32
        %dma_wait3A_229 = tpu.memref_slice %arg10[%add3A_221, %dma_wait3A_228] : memref<30x48xi32, #tpu.memory_space<vmem>> -> memref<1x48xi32, #tpu.memory_space<vmem>>
        %dma_wait3A_230 = tpu.memref_squeeze %dma_wait3A_229 : memref<1x48xi32, #tpu.memory_space<vmem>> -> memref<48xi32, #tpu.memory_space<vmem>>
        %dma_wait3A_231 = arith.constant 0 : i32
        %dma_wait3A_232 = arith.constant 0 : i32
        %dma_wait3A_233 = tpu.memref_slice %arg3[%dma_wait3A_231, %dma_wait3A_232] : memref<10240x144xf32, #tpu.memory_space<hbm>> -> memref<10240x144xf32, #tpu.memory_space<hbm>>
        tpu.wait_indirect_dma semaphore(%arg22 : memref<!tpu.dma_semaphore, #tpu.memory_space<semaphore_mem>>) src(%dma_wait3A_233 : memref<10240x144xf32, #tpu.memory_space<hbm>>) dst(%arg15 : memref<48x144xf32, #tpu.memory_space<vmem>>)
        %parallel_loop3A_234 = arith.constant 0 : i32
        %parallel_loop3A_235 = arith.constant 48 : i32
        %parallel_loop3A_236 = arith.constant 1 : i32
        scf.for %parallel_loop3A_336 = %parallel_loop3A_234 to %parallel_loop3A_235 step %parallel_loop3A_236  : i32 {
          %parallel_loop3A_337 = arith.index_cast %parallel_loop3A_336 : i32 to index
          %parallel_loop3A_338 = arith.constant 0 : index
          %parallel_loop3A_339 = tpu.vector_load %arg11[%parallel_loop3A_337, %parallel_loop3A_338] {strides = array<i32>} : memref<48x144xf32, #tpu.memory_space<vmem>>, vector<1x16xf32>,
          %parallel_loop3A_340 = vector.shape_cast %parallel_loop3A_339 : vector<1x16xf32> to vector<16xf32>
          %parallel_loop3A_341 = arith.index_cast %parallel_loop3A_336 : i32 to index
          %parallel_loop3A_342 = arith.constant 16 : index
          %parallel_loop3A_343 = tpu.vector_load %arg11[%parallel_loop3A_341, %parallel_loop3A_342] {strides = array<i32>} : memref<48x144xf32, #tpu.memory_space<vmem>>, vector<1x16xf32>,
          %parallel_loop3A_344 = vector.shape_cast %parallel_loop3A_343 : vector<1x16xf32> to vector<16xf32>
          %parallel_loop3A_345 = arith.index_cast %parallel_loop3A_336 : i32 to index
          %parallel_loop3A_346 = arith.constant 32 : index
          %parallel_loop3A_347 = tpu.vector_load %arg11[%parallel_loop3A_345, %parallel_loop3A_346] {strides = array<i32>} : memref<48x144xf32, #tpu.memory_space<vmem>>, vector<1x16xf32>,
          %parallel_loop3A_348 = vector.shape_cast %parallel_loop3A_347 : vector<1x16xf32> to vector<16xf32>
          %parallel_loop3A_349 = arith.index_cast %parallel_loop3A_336 : i32 to index
          %parallel_loop3A_350 = arith.constant 48 : index
          %parallel_loop3A_351 = tpu.vector_load %arg11[%parallel_loop3A_349, %parallel_loop3A_350] {strides = array<i32>} : memref<48x144xf32, #tpu.memory_space<vmem>>, vector<1x16xf32>,
          %parallel_loop3A_352 = vector.shape_cast %parallel_loop3A_351 : vector<1x16xf32> to vector<16xf32>
          %parallel_loop3A_353 = arith.index_cast %parallel_loop3A_336 : i32 to index
          %parallel_loop3A_354 = arith.constant 64 : index
          %parallel_loop3A_355 = tpu.vector_load %arg11[%parallel_loop3A_353, %parallel_loop3A_354] {strides = array<i32>} : memref<48x144xf32, #tpu.memory_space<vmem>>, vector<1x16xf32>,
          %parallel_loop3A_356 = vector.shape_cast %parallel_loop3A_355 : vector<1x16xf32> to vector<16xf32>
          %parallel_loop3A_357 = arith.index_cast %parallel_loop3A_336 : i32 to index
          %parallel_loop3A_358 = arith.constant 80 : index
          %parallel_loop3A_359 = tpu.vector_load %arg11[%parallel_loop3A_357, %parallel_loop3A_358] {strides = array<i32>} : memref<48x144xf32, #tpu.memory_space<vmem>>, vector<1x16xf32>,
          %parallel_loop3A_360 = vector.shape_cast %parallel_loop3A_359 : vector<1x16xf32> to vector<16xf32>
          %parallel_loop3A_361 = arith.index_cast %parallel_loop3A_336 : i32 to index
          %parallel_loop3A_362 = arith.constant 96 : index
          %parallel_loop3A_363 = tpu.vector_load %arg11[%parallel_loop3A_361, %parallel_loop3A_362] {strides = array<i32>} : memref<48x144xf32, #tpu.memory_space<vmem>>, vector<1x16xf32>,
          %parallel_loop3A_364 = vector.shape_cast %parallel_loop3A_363 : vector<1x16xf32> to vector<16xf32>
          %parallel_loop3A_365 = arith.index_cast %parallel_loop3A_336 : i32 to index
          %parallel_loop3A_366 = arith.constant 112 : index
          %parallel_loop3A_367 = tpu.vector_load %arg11[%parallel_loop3A_365, %parallel_loop3A_366] {strides = array<i32>} : memref<48x144xf32, #tpu.memory_space<vmem>>, vector<1x16xf32>,
          %parallel_loop3A_368 = vector.shape_cast %parallel_loop3A_367 : vector<1x16xf32> to vector<16xf32>
          %parallel_loop3A_369 = arith.index_cast %parallel_loop3A_336 : i32 to index
          %parallel_loop3A_370 = arith.constant 0 : index
          %parallel_loop3A_371 = tpu.vector_load %arg15[%parallel_loop3A_369, %parallel_loop3A_370] {strides = array<i32>} : memref<48x144xf32, #tpu.memory_space<vmem>>, vector<1x16xf32>,
          %parallel_loop3A_372 = vector.shape_cast %parallel_loop3A_371 : vector<1x16xf32> to vector<16xf32>
          %parallel_loop3A_373 = arith.addf %parallel_loop3A_340, %parallel_loop3A_372 : vector<16xf32>
          %parallel_loop3A_374 = arith.constant 2.000000e-01 : f32
          %parallel_loop3A_375 = vector.broadcast %parallel_loop3A_374 : f32 to vector<16xf32>
          %parallel_loop3A_376 = arith.mulf %parallel_loop3A_375, %parallel_loop3A_373 : vector<16xf32>
          %parallel_loop3A_377 = arith.maximumf %parallel_loop3A_373, %parallel_loop3A_376 : vector<16xf32>
          %parallel_loop3A_378 = arith.mulf %parallel_loop3A_377, %get3A_6 : vector<16xf32>
          %parallel_loop3A_379 = arith.index_cast %parallel_loop3A_336 : i32 to index
          %parallel_loop3A_380 = arith.constant 16 : index
          %parallel_loop3A_381 = tpu.vector_load %arg15[%parallel_loop3A_379, %parallel_loop3A_380] {strides = array<i32>} : memref<48x144xf32, #tpu.memory_space<vmem>>, vector<1x16xf32>,
          %parallel_loop3A_382 = vector.shape_cast %parallel_loop3A_381 : vector<1x16xf32> to vector<16xf32>
          %parallel_loop3A_383 = arith.addf %parallel_loop3A_344, %parallel_loop3A_382 : vector<16xf32>
          %parallel_loop3A_384 = arith.constant 2.000000e-01 : f32
          %parallel_loop3A_385 = vector.broadcast %parallel_loop3A_384 : f32 to vector<16xf32>
          %parallel_loop3A_386 = arith.mulf %parallel_loop3A_385, %parallel_loop3A_383 : vector<16xf32>
          %parallel_loop3A_387 = arith.maximumf %parallel_loop3A_383, %parallel_loop3A_386 : vector<16xf32>
          %parallel_loop3A_388 = arith.mulf %parallel_loop3A_387, %get3A_9 : vector<16xf32>
          %parallel_loop3A_389 = arith.index_cast %parallel_loop3A_336 : i32 to index
          %parallel_loop3A_390 = arith.constant 32 : index
          %parallel_loop3A_391 = tpu.vector_load %arg15[%parallel_loop3A_389, %parallel_loop3A_390] {strides = array<i32>} : memref<48x144xf32, #tpu.memory_space<vmem>>, vector<1x16xf32>,
          %parallel_loop3A_392 = vector.shape_cast %parallel_loop3A_391 : vector<1x16xf32> to vector<16xf32>
          %parallel_loop3A_393 = arith.addf %parallel_loop3A_348, %parallel_loop3A_392 : vector<16xf32>
          %parallel_loop3A_394 = arith.constant 2.000000e-01 : f32
          %parallel_loop3A_395 = vector.broadcast %parallel_loop3A_394 : f32 to vector<16xf32>
          %parallel_loop3A_396 = arith.mulf %parallel_loop3A_395, %parallel_loop3A_393 : vector<16xf32>
          %parallel_loop3A_397 = arith.maximumf %parallel_loop3A_393, %parallel_loop3A_396 : vector<16xf32>
          %parallel_loop3A_398 = arith.mulf %parallel_loop3A_397, %get3A_12 : vector<16xf32>
          %parallel_loop3A_399 = arith.index_cast %parallel_loop3A_336 : i32 to index
          %parallel_loop3A_400 = arith.constant 48 : index
          %parallel_loop3A_401 = tpu.vector_load %arg15[%parallel_loop3A_399, %parallel_loop3A_400] {strides = array<i32>} : memref<48x144xf32, #tpu.memory_space<vmem>>, vector<1x16xf32>,
          %parallel_loop3A_402 = vector.shape_cast %parallel_loop3A_401 : vector<1x16xf32> to vector<16xf32>
          %parallel_loop3A_403 = arith.addf %parallel_loop3A_352, %parallel_loop3A_402 : vector<16xf32>
          %parallel_loop3A_404 = arith.constant 2.000000e-01 : f32
          %parallel_loop3A_405 = vector.broadcast %parallel_loop3A_404 : f32 to vector<16xf32>
          %parallel_loop3A_406 = arith.mulf %parallel_loop3A_405, %parallel_loop3A_403 : vector<16xf32>
          %parallel_loop3A_407 = arith.maximumf %parallel_loop3A_403, %parallel_loop3A_406 : vector<16xf32>
          %parallel_loop3A_408 = arith.mulf %parallel_loop3A_407, %get3A_15 : vector<16xf32>
          %parallel_loop3A_409 = arith.addf %parallel_loop3A_378, %parallel_loop3A_408 : vector<16xf32>
          %parallel_loop3A_410 = arith.index_cast %parallel_loop3A_336 : i32 to index
          %parallel_loop3A_411 = arith.constant 64 : index
          %parallel_loop3A_412 = tpu.vector_load %arg15[%parallel_loop3A_410, %parallel_loop3A_411] {strides = array<i32>} : memref<48x144xf32, #tpu.memory_space<vmem>>, vector<1x16xf32>,
          %parallel_loop3A_413 = vector.shape_cast %parallel_loop3A_412 : vector<1x16xf32> to vector<16xf32>
          %parallel_loop3A_414 = arith.addf %parallel_loop3A_356, %parallel_loop3A_413 : vector<16xf32>
          %parallel_loop3A_415 = arith.constant 2.000000e-01 : f32
          %parallel_loop3A_416 = vector.broadcast %parallel_loop3A_415 : f32 to vector<16xf32>
          %parallel_loop3A_417 = arith.mulf %parallel_loop3A_416, %parallel_loop3A_414 : vector<16xf32>
          %parallel_loop3A_418 = arith.maximumf %parallel_loop3A_414, %parallel_loop3A_417 : vector<16xf32>
          %parallel_loop3A_419 = arith.mulf %parallel_loop3A_418, %get3A_18 : vector<16xf32>
          %parallel_loop3A_420 = arith.addf %parallel_loop3A_388, %parallel_loop3A_419 : vector<16xf32>
          %parallel_loop3A_421 = arith.index_cast %parallel_loop3A_336 : i32 to index
          %parallel_loop3A_422 = arith.constant 80 : index
          %parallel_loop3A_423 = tpu.vector_load %arg15[%parallel_loop3A_421, %parallel_loop3A_422] {strides = array<i32>} : memref<48x144xf32, #tpu.memory_space<vmem>>, vector<1x16xf32>,
          %parallel_loop3A_424 = vector.shape_cast %parallel_loop3A_423 : vector<1x16xf32> to vector<16xf32>
          %parallel_loop3A_425 = arith.addf %parallel_loop3A_360, %parallel_loop3A_424 : vector<16xf32>
          %parallel_loop3A_426 = arith.constant 2.000000e-01 : f32
          %parallel_loop3A_427 = vector.broadcast %parallel_loop3A_426 : f32 to vector<16xf32>
          %parallel_loop3A_428 = arith.mulf %parallel_loop3A_427, %parallel_loop3A_425 : vector<16xf32>
          %parallel_loop3A_429 = arith.maximumf %parallel_loop3A_425, %parallel_loop3A_428 : vector<16xf32>
          %parallel_loop3A_430 = arith.mulf %parallel_loop3A_429, %get3A_21 : vector<16xf32>
          %parallel_loop3A_431 = arith.addf %parallel_loop3A_398, %parallel_loop3A_430 : vector<16xf32>
          %parallel_loop3A_432 = arith.index_cast %parallel_loop3A_336 : i32 to index
          %parallel_loop3A_433 = arith.constant 96 : index
          %parallel_loop3A_434 = tpu.vector_load %arg15[%parallel_loop3A_432, %parallel_loop3A_433] {strides = array<i32>} : memref<48x144xf32, #tpu.memory_space<vmem>>, vector<1x16xf32>,
          %parallel_loop3A_435 = vector.shape_cast %parallel_loop3A_434 : vector<1x16xf32> to vector<16xf32>
          %parallel_loop3A_436 = arith.addf %parallel_loop3A_364, %parallel_loop3A_435 : vector<16xf32>
          %parallel_loop3A_437 = arith.constant 2.000000e-01 : f32
          %parallel_loop3A_438 = vector.broadcast %parallel_loop3A_437 : f32 to vector<16xf32>
          %parallel_loop3A_439 = arith.mulf %parallel_loop3A_438, %parallel_loop3A_436 : vector<16xf32>
          %parallel_loop3A_440 = arith.maximumf %parallel_loop3A_436, %parallel_loop3A_439 : vector<16xf32>
          %parallel_loop3A_441 = arith.mulf %parallel_loop3A_440, %get3A_24 : vector<16xf32>
          %parallel_loop3A_442 = arith.addf %parallel_loop3A_409, %parallel_loop3A_441 : vector<16xf32>
          %parallel_loop3A_443 = arith.index_cast %parallel_loop3A_336 : i32 to index
          %parallel_loop3A_444 = arith.constant 112 : index
          %parallel_loop3A_445 = tpu.vector_load %arg15[%parallel_loop3A_443, %parallel_loop3A_444] {strides = array<i32>} : memref<48x144xf32, #tpu.memory_space<vmem>>, vector<1x16xf32>,
          %parallel_loop3A_446 = vector.shape_cast %parallel_loop3A_445 : vector<1x16xf32> to vector<16xf32>
          %parallel_loop3A_447 = arith.addf %parallel_loop3A_368, %parallel_loop3A_446 : vector<16xf32>
          %parallel_loop3A_448 = arith.constant 2.000000e-01 : f32
          %parallel_loop3A_449 = vector.broadcast %parallel_loop3A_448 : f32 to vector<16xf32>
          %parallel_loop3A_450 = arith.mulf %parallel_loop3A_449, %parallel_loop3A_447 : vector<16xf32>
          %parallel_loop3A_451 = arith.maximumf %parallel_loop3A_447, %parallel_loop3A_450 : vector<16xf32>
          %parallel_loop3A_452 = arith.mulf %parallel_loop3A_451, %get3A_27 : vector<16xf32>
          %parallel_loop3A_453 = arith.addf %parallel_loop3A_420, %parallel_loop3A_452 : vector<16xf32>
          %parallel_loop3A_454 = arith.index_cast %parallel_loop3A_336 : i32 to index
          %parallel_loop3A_455 = arith.constant 128 : index
          %parallel_loop3A_456 = tpu.vector_load %arg15[%parallel_loop3A_454, %parallel_loop3A_455] {strides = array<i32>} : memref<48x144xf32, #tpu.memory_space<vmem>>, vector<1x16xf32>,
          %parallel_loop3A_457 = vector.shape_cast %parallel_loop3A_456 : vector<1x16xf32> to vector<16xf32>
          %parallel_loop3A_458 = arith.addf %max3A_34, %parallel_loop3A_457 : vector<16xf32>
          %parallel_loop3A_459 = arith.constant 2.000000e-01 : f32
          %parallel_loop3A_460 = vector.broadcast %parallel_loop3A_459 : f32 to vector<16xf32>
          %parallel_loop3A_461 = arith.mulf %parallel_loop3A_460, %parallel_loop3A_458 : vector<16xf32>
          %parallel_loop3A_462 = arith.maximumf %parallel_loop3A_458, %parallel_loop3A_461 : vector<16xf32>
          %parallel_loop3A_463 = arith.addf %parallel_loop3A_442, %parallel_loop3A_453 : vector<16xf32>
          %parallel_loop3A_464 = arith.mulf %parallel_loop3A_462, %get3A_30 : vector<16xf32>
          %parallel_loop3A_465 = arith.addf %parallel_loop3A_431, %parallel_loop3A_464 : vector<16xf32>
          %parallel_loop3A_466 = arith.addf %parallel_loop3A_463, %parallel_loop3A_465 : vector<16xf32>
          %parallel_loop3A_467 = arith.constant 15 : i32
          %parallel_loop3A_468 = vector.broadcast %parallel_loop3A_467 : i32 to vector<16xi32>
          %parallel_loop3A_469 = tpu.iota {dimensions = array<i32: 0>} : vector<16xi32>
          %parallel_loop3A_470 = arith.subi %parallel_loop3A_468, %parallel_loop3A_469 : vector<16xi32>
          %parallel_loop3A_471 = tpu.dynamic_gather %parallel_loop3A_466[%parallel_loop3A_470] in [0] : vector<16xf32>, vector<16xi32> -> vector<16xf32>
          %parallel_loop3A_472 = arith.addf %parallel_loop3A_466, %parallel_loop3A_471 : vector<16xf32>
          %parallel_loop3A_473 = vector.extract_strided_slice %parallel_loop3A_472 {offsets = [0], sizes = [1], strides = [1]} : vector<16xf32> to vector<1xf32>
          %parallel_loop3A_474 = vector.extract %parallel_loop3A_473[0] : f32 from vector<1xf32>
          %parallel_loop3A_475 = vector.extract_strided_slice %parallel_loop3A_472 {offsets = [1], sizes = [1], strides = [1]} : vector<16xf32> to vector<1xf32>
          %parallel_loop3A_476 = vector.extract %parallel_loop3A_475[0] : f32 from vector<1xf32>
          %parallel_loop3A_477 = arith.addf %parallel_loop3A_474, %parallel_loop3A_476 : f32
          %parallel_loop3A_478 = vector.extract_strided_slice %parallel_loop3A_472 {offsets = [2], sizes = [1], strides = [1]} : vector<16xf32> to vector<1xf32>
          %parallel_loop3A_479 = vector.extract %parallel_loop3A_478[0] : f32 from vector<1xf32>
          %parallel_loop3A_480 = vector.extract_strided_slice %parallel_loop3A_472 {offsets = [3], sizes = [1], strides = [1]} : vector<16xf32> to vector<1xf32>
          %parallel_loop3A_481 = vector.extract %parallel_loop3A_480[0] : f32 from vector<1xf32>
          %parallel_loop3A_482 = arith.addf %parallel_loop3A_479, %parallel_loop3A_481 : f32
          %parallel_loop3A_483 = arith.addf %parallel_loop3A_477, %parallel_loop3A_482 : f32
          %parallel_loop3A_484 = vector.extract_strided_slice %parallel_loop3A_472 {offsets = [4], sizes = [1], strides = [1]} : vector<16xf32> to vector<1xf32>
          %parallel_loop3A_485 = vector.extract %parallel_loop3A_484[0] : f32 from vector<1xf32>
          %parallel_loop3A_486 = vector.extract_strided_slice %parallel_loop3A_472 {offsets = [5], sizes = [1], strides = [1]} : vector<16xf32> to vector<1xf32>
          %parallel_loop3A_487 = vector.extract %parallel_loop3A_486[0] : f32 from vector<1xf32>
          %parallel_loop3A_488 = arith.addf %parallel_loop3A_485, %parallel_loop3A_487 : f32
          %parallel_loop3A_489 = vector.extract_strided_slice %parallel_loop3A_472 {offsets = [6], sizes = [1], strides = [1]} : vector<16xf32> to vector<1xf32>
          %parallel_loop3A_490 = vector.extract %parallel_loop3A_489[0] : f32 from vector<1xf32>
          %parallel_loop3A_491 = vector.extract_strided_slice %parallel_loop3A_472 {offsets = [7], sizes = [1], strides = [1]} : vector<16xf32> to vector<1xf32>
          %parallel_loop3A_492 = vector.extract %parallel_loop3A_491[0] : f32 from vector<1xf32>
          %parallel_loop3A_493 = arith.addf %parallel_loop3A_490, %parallel_loop3A_492 : f32
          %parallel_loop3A_494 = arith.addf %parallel_loop3A_488, %parallel_loop3A_493 : f32
          %parallel_loop3A_495 = arith.addf %parallel_loop3A_483, %parallel_loop3A_494 : f32
          %parallel_loop3A_496 = vector.broadcast %parallel_loop3A_495 : f32 to vector<16xf32>
          %parallel_loop3A_497 = math.exp %parallel_loop3A_496 : vector<16xf32>
          %parallel_loop3A_498 = arith.mulf %parallel_loop3A_340, %parallel_loop3A_497 : vector<16xf32>
          %parallel_loop3A_499 = arith.index_cast %parallel_loop3A_336 : i32 to index
          %parallel_loop3A_500 = arith.constant 0 : index
          %parallel_loop3A_501 = tpu.vector_load %arg11[%parallel_loop3A_499, %parallel_loop3A_500] {strides = array<i32>} : memref<48x144xf32, #tpu.memory_space<vmem>>, vector<1x16xf32>,
          %parallel_loop3A_502 = vector.shape_cast %parallel_loop3A_501 : vector<1x16xf32> to vector<16xf32>
          %parallel_loop3A_503 = vector.shape_cast %parallel_loop3A_498 : vector<16xf32> to vector<1x16xf32>
          tpu.vector_store %arg11[%parallel_loop3A_499, %parallel_loop3A_500], %parallel_loop3A_503 {strides = array<i32>} : memref<48x144xf32, #tpu.memory_space<vmem>>, vector<1x16xf32>,
          %parallel_loop3A_504 = arith.mulf %parallel_loop3A_344, %parallel_loop3A_497 : vector<16xf32>
          %parallel_loop3A_505 = arith.index_cast %parallel_loop3A_336 : i32 to index
          %parallel_loop3A_506 = arith.constant 16 : index
          %parallel_loop3A_507 = tpu.vector_load %arg11[%parallel_loop3A_505, %parallel_loop3A_506] {strides = array<i32>} : memref<48x144xf32, #tpu.memory_space<vmem>>, vector<1x16xf32>,
          %parallel_loop3A_508 = vector.shape_cast %parallel_loop3A_507 : vector<1x16xf32> to vector<16xf32>
          %parallel_loop3A_509 = vector.shape_cast %parallel_loop3A_504 : vector<16xf32> to vector<1x16xf32>
          tpu.vector_store %arg11[%parallel_loop3A_505, %parallel_loop3A_506], %parallel_loop3A_509 {strides = array<i32>} : memref<48x144xf32, #tpu.memory_space<vmem>>, vector<1x16xf32>,
          %parallel_loop3A_510 = arith.mulf %parallel_loop3A_348, %parallel_loop3A_497 : vector<16xf32>
          %parallel_loop3A_511 = arith.index_cast %parallel_loop3A_336 : i32 to index
          %parallel_loop3A_512 = arith.constant 32 : index
          %parallel_loop3A_513 = tpu.vector_load %arg11[%parallel_loop3A_511, %parallel_loop3A_512] {strides = array<i32>} : memref<48x144xf32, #tpu.memory_space<vmem>>, vector<1x16xf32>,
          %parallel_loop3A_514 = vector.shape_cast %parallel_loop3A_513 : vector<1x16xf32> to vector<16xf32>
          %parallel_loop3A_515 = vector.shape_cast %parallel_loop3A_510 : vector<16xf32> to vector<1x16xf32>
          tpu.vector_store %arg11[%parallel_loop3A_511, %parallel_loop3A_512], %parallel_loop3A_515 {strides = array<i32>} : memref<48x144xf32, #tpu.memory_space<vmem>>, vector<1x16xf32>,
          %parallel_loop3A_516 = arith.mulf %parallel_loop3A_352, %parallel_loop3A_497 : vector<16xf32>
          %parallel_loop3A_517 = arith.index_cast %parallel_loop3A_336 : i32 to index
          %parallel_loop3A_518 = arith.constant 48 : index
          %parallel_loop3A_519 = tpu.vector_load %arg11[%parallel_loop3A_517, %parallel_loop3A_518] {strides = array<i32>} : memref<48x144xf32, #tpu.memory_space<vmem>>, vector<1x16xf32>,
          %parallel_loop3A_520 = vector.shape_cast %parallel_loop3A_519 : vector<1x16xf32> to vector<16xf32>
          %parallel_loop3A_521 = vector.shape_cast %parallel_loop3A_516 : vector<16xf32> to vector<1x16xf32>
          tpu.vector_store %arg11[%parallel_loop3A_517, %parallel_loop3A_518], %parallel_loop3A_521 {strides = array<i32>} : memref<48x144xf32, #tpu.memory_space<vmem>>, vector<1x16xf32>,
          %parallel_loop3A_522 = arith.mulf %parallel_loop3A_356, %parallel_loop3A_497 : vector<16xf32>
          %parallel_loop3A_523 = arith.index_cast %parallel_loop3A_336 : i32 to index
          %parallel_loop3A_524 = arith.constant 64 : index
          %parallel_loop3A_525 = tpu.vector_load %arg11[%parallel_loop3A_523, %parallel_loop3A_524] {strides = array<i32>} : memref<48x144xf32, #tpu.memory_space<vmem>>, vector<1x16xf32>,
          %parallel_loop3A_526 = vector.shape_cast %parallel_loop3A_525 : vector<1x16xf32> to vector<16xf32>
          %parallel_loop3A_527 = vector.shape_cast %parallel_loop3A_522 : vector<16xf32> to vector<1x16xf32>
          tpu.vector_store %arg11[%parallel_loop3A_523, %parallel_loop3A_524], %parallel_loop3A_527 {strides = array<i32>} : memref<48x144xf32, #tpu.memory_space<vmem>>, vector<1x16xf32>,
          %parallel_loop3A_528 = arith.mulf %parallel_loop3A_360, %parallel_loop3A_497 : vector<16xf32>
          %parallel_loop3A_529 = arith.index_cast %parallel_loop3A_336 : i32 to index
          %parallel_loop3A_530 = arith.constant 80 : index
          %parallel_loop3A_531 = tpu.vector_load %arg11[%parallel_loop3A_529, %parallel_loop3A_530] {strides = array<i32>} : memref<48x144xf32, #tpu.memory_space<vmem>>, vector<1x16xf32>,
          %parallel_loop3A_532 = vector.shape_cast %parallel_loop3A_531 : vector<1x16xf32> to vector<16xf32>
          %parallel_loop3A_533 = vector.shape_cast %parallel_loop3A_528 : vector<16xf32> to vector<1x16xf32>
          tpu.vector_store %arg11[%parallel_loop3A_529, %parallel_loop3A_530], %parallel_loop3A_533 {strides = array<i32>} : memref<48x144xf32, #tpu.memory_space<vmem>>, vector<1x16xf32>,
          %parallel_loop3A_534 = arith.mulf %parallel_loop3A_364, %parallel_loop3A_497 : vector<16xf32>
          %parallel_loop3A_535 = arith.index_cast %parallel_loop3A_336 : i32 to index
          %parallel_loop3A_536 = arith.constant 96 : index
          %parallel_loop3A_537 = tpu.vector_load %arg11[%parallel_loop3A_535, %parallel_loop3A_536] {strides = array<i32>} : memref<48x144xf32, #tpu.memory_space<vmem>>, vector<1x16xf32>,
          %parallel_loop3A_538 = vector.shape_cast %parallel_loop3A_537 : vector<1x16xf32> to vector<16xf32>
          %parallel_loop3A_539 = vector.shape_cast %parallel_loop3A_534 : vector<16xf32> to vector<1x16xf32>
          tpu.vector_store %arg11[%parallel_loop3A_535, %parallel_loop3A_536], %parallel_loop3A_539 {strides = array<i32>} : memref<48x144xf32, #tpu.memory_space<vmem>>, vector<1x16xf32>,
          %parallel_loop3A_540 = arith.mulf %parallel_loop3A_368, %parallel_loop3A_497 : vector<16xf32>
          %parallel_loop3A_541 = arith.index_cast %parallel_loop3A_336 : i32 to index
          %parallel_loop3A_542 = arith.constant 112 : index
          %parallel_loop3A_543 = tpu.vector_load %arg11[%parallel_loop3A_541, %parallel_loop3A_542] {strides = array<i32>} : memref<48x144xf32, #tpu.memory_space<vmem>>, vector<1x16xf32>,
          %parallel_loop3A_544 = vector.shape_cast %parallel_loop3A_543 : vector<1x16xf32> to vector<16xf32>
          %parallel_loop3A_545 = vector.shape_cast %parallel_loop3A_540 : vector<16xf32> to vector<1x16xf32>
          tpu.vector_store %arg11[%parallel_loop3A_541, %parallel_loop3A_542], %parallel_loop3A_545 {strides = array<i32>} : memref<48x144xf32, #tpu.memory_space<vmem>>, vector<1x16xf32>,
          %parallel_loop3A_546 = arith.mulf %max3A_34, %parallel_loop3A_497 : vector<16xf32>
          %parallel_loop3A_547 = arith.index_cast %parallel_loop3A_336 : i32 to index
          %parallel_loop3A_548 = arith.constant 128 : index
          %parallel_loop3A_549 = tpu.vector_load %arg11[%parallel_loop3A_547, %parallel_loop3A_548] {strides = array<i32>} : memref<48x144xf32, #tpu.memory_space<vmem>>, vector<1x16xf32>,
          %parallel_loop3A_550 = vector.shape_cast %parallel_loop3A_549 : vector<1x16xf32> to vector<16xf32>
          %parallel_loop3A_551 = vector.shape_cast %parallel_loop3A_546 : vector<16xf32> to vector<1x16xf32>
          tpu.vector_store %arg11[%parallel_loop3A_547, %parallel_loop3A_548], %parallel_loop3A_551 {strides = array<i32>} : memref<48x144xf32, #tpu.memory_space<vmem>>, vector<1x16xf32>,
        } {sc.loop_unroll_factor = 1 : i64, sc.parallel_access}
        %dma_start3A_237 = arith.constant 0 : i32
        %dma_start3A_238 = tpu.memref_slice %arg10[%add3A_221, %dma_start3A_237] : memref<30x48xi32, #tpu.memory_space<vmem>> -> memref<1x48xi32, #tpu.memory_space<vmem>>
        %dma_start3A_239 = tpu.memref_squeeze %dma_start3A_238 : memref<1x48xi32, #tpu.memory_space<vmem>> -> memref<48xi32, #tpu.memory_space<vmem>>
        %dma_start3A_240 = arith.constant 0 : i32
        %dma_start3A_241 = arith.constant 0 : i32
        %dma_start3A_242 = tpu.memref_slice %arg17[%dma_start3A_240, %dma_start3A_241] : memref<10240x144xf32, #tpu.memory_space<vmem_shared>> -> memref<10240x144xf32, #tpu.memory_space<vmem_shared>>
        tpu.enqueue_indirect_dma source(%arg11 : memref<48x144xf32, #tpu.memory_space<vmem>>) target(%dma_start3A_242 : memref<10240x144xf32, #tpu.memory_space<vmem_shared>>) offsets(%dma_start3A_239 : memref<48xi32, #tpu.memory_space<vmem>>) semaphore(%arg23 : memref<!tpu.dma_semaphore, #tpu.memory_space<semaphore_mem>>) {add = true}
        %sub3A_243 = arith.constant 1 : i32
        %sub3A_244 = arith.subi %add3A_221, %sub3A_243 : i32
        %dma_wait3A_245 = arith.constant 0 : i32
        %dma_wait3A_246 = tpu.memref_slice %arg10[%sub3A_244, %dma_wait3A_245] : memref<30x48xi32, #tpu.memory_space<vmem>> -> memref<1x48xi32, #tpu.memory_space<vmem>>
        %dma_wait3A_247 = tpu.memref_squeeze %dma_wait3A_246 : memref<1x48xi32, #tpu.memory_space<vmem>> -> memref<48xi32, #tpu.memory_space<vmem>>
        %dma_wait3A_248 = arith.constant 0 : i32
        %dma_wait3A_249 = arith.constant 0 : i32
        %dma_wait3A_250 = tpu.memref_slice %arg17[%dma_wait3A_248, %dma_wait3A_249] : memref<10240x144xf32, #tpu.memory_space<vmem_shared>> -> memref<10240x144xf32, #tpu.memory_space<vmem_shared>>
        tpu.wait_indirect_dma semaphore(%arg25 : memref<!tpu.dma_semaphore, #tpu.memory_space<semaphore_mem>>) src(%arg13 : memref<48x144xf32, #tpu.memory_space<vmem>>) dst(%dma_wait3A_250 : memref<10240x144xf32, #tpu.memory_space<vmem_shared>>)
        %add3A_251 = arith.constant 2 : i32
        %add3A_252 = arith.addi %add3A_221, %add3A_251 : i32
        %dma_start3A_253 = arith.constant 0 : i32
        %dma_start3A_254 = tpu.memref_slice %arg9[%add3A_252, %dma_start3A_253] : memref<30x48xi32, #tpu.memory_space<vmem>> -> memref<1x48xi32, #tpu.memory_space<vmem>>
        %dma_start3A_255 = tpu.memref_squeeze %dma_start3A_254 : memref<1x48xi32, #tpu.memory_space<vmem>> -> memref<48xi32, #tpu.memory_space<vmem>>
        %dma_start3A_256 = arith.constant 0 : i32
        %dma_start3A_257 = arith.constant 0 : i32
        %dma_start3A_258 = tpu.memref_slice %arg2[%dma_start3A_256, %dma_start3A_257] : memref<10240x144xf32, #tpu.memory_space<hbm>> -> memref<10240x144xf32, #tpu.memory_space<hbm>>
        tpu.enqueue_indirect_dma source(%dma_start3A_258 : memref<10240x144xf32, #tpu.memory_space<hbm>>) target(%arg13 : memref<48x144xf32, #tpu.memory_space<vmem>>) offsets(%dma_start3A_255 : memref<48xi32, #tpu.memory_space<vmem>>) semaphore(%arg20 : memref<!tpu.dma_semaphore, #tpu.memory_space<semaphore_mem>>)
        %dma_start3A_259 = arith.constant 0 : i32
        %dma_start3A_260 = tpu.memref_slice %arg10[%add3A_252, %dma_start3A_259] : memref<30x48xi32, #tpu.memory_space<vmem>> -> memref<1x48xi32, #tpu.memory_space<vmem>>
        %dma_start3A_261 = tpu.memref_squeeze %dma_start3A_260 : memref<1x48xi32, #tpu.memory_space<vmem>> -> memref<48xi32, #tpu.memory_space<vmem>>
        %dma_start3A_262 = arith.constant 0 : i32
        %dma_start3A_263 = arith.constant 0 : i32
        %dma_start3A_264 = tpu.memref_slice %arg3[%dma_start3A_262, %dma_start3A_263] : memref<10240x144xf32, #tpu.memory_space<hbm>> -> memref<10240x144xf32, #tpu.memory_space<hbm>>
        tpu.enqueue_indirect_dma source(%dma_start3A_264 : memref<10240x144xf32, #tpu.memory_space<hbm>>) target(%arg15 : memref<48x144xf32, #tpu.memory_space<vmem>>) offsets(%dma_start3A_261 : memref<48xi32, #tpu.memory_space<vmem>>) semaphore(%arg22 : memref<!tpu.dma_semaphore, #tpu.memory_space<semaphore_mem>>)
        %add3A_265 = arith.constant 4 : i32
        %add3A_266 = arith.addi %mul3A_90, %add3A_265 : i32
        %dma_wait3A_267 = arith.constant 0 : i32
        %dma_wait3A_268 = tpu.memref_slice %arg9[%add3A_266, %dma_wait3A_267] : memref<30x48xi32, #tpu.memory_space<vmem>> -> memref<1x48xi32, #tpu.memory_space<vmem>>
        %dma_wait3A_269 = tpu.memref_squeeze %dma_wait3A_268 : memref<1x48xi32, #tpu.memory_space<vmem>> -> memref<48xi32, #tpu.memory_space<vmem>>
        %dma_wait3A_270 = arith.constant 0 : i32
        %dma_wait3A_271 = arith.constant 0 : i32
        %dma_wait3A_272 = tpu.memref_slice %arg2[%dma_wait3A_270, %dma_wait3A_271] : memref<10240x144xf32, #tpu.memory_space<hbm>> -> memref<10240x144xf32, #tpu.memory_space<hbm>>
        tpu.wait_indirect_dma semaphore(%arg19 : memref<!tpu.dma_semaphore, #tpu.memory_space<semaphore_mem>>) src(%dma_wait3A_272 : memref<10240x144xf32, #tpu.memory_space<hbm>>) dst(%arg12 : memref<48x144xf32, #tpu.memory_space<vmem>>)
        %dma_wait3A_273 = arith.constant 0 : i32
        %dma_wait3A_274 = tpu.memref_slice %arg10[%add3A_266, %dma_wait3A_273] : memref<30x48xi32, #tpu.memory_space<vmem>> -> memref<1x48xi32, #tpu.memory_space<vmem>>
        %dma_wait3A_275 = tpu.memref_squeeze %dma_wait3A_274 : memref<1x48xi32, #tpu.memory_space<vmem>> -> memref<48xi32, #tpu.memory_space<vmem>>
        %dma_wait3A_276 = arith.constant 0 : i32
        %dma_wait3A_277 = arith.constant 0 : i32
        %dma_wait3A_278 = tpu.memref_slice %arg3[%dma_wait3A_276, %dma_wait3A_277] : memref<10240x144xf32, #tpu.memory_space<hbm>> -> memref<10240x144xf32, #tpu.memory_space<hbm>>
        tpu.wait_indirect_dma semaphore(%arg21 : memref<!tpu.dma_semaphore, #tpu.memory_space<semaphore_mem>>) src(%dma_wait3A_278 : memref<10240x144xf32, #tpu.memory_space<hbm>>) dst(%arg14 : memref<48x144xf32, #tpu.memory_space<vmem>>)
        %parallel_loop3A_279 = arith.constant 0 : i32
        %parallel_loop3A_280 = arith.constant 48 : i32
        %parallel_loop3A_281 = arith.constant 1 : i32
        scf.for %parallel_loop3A_336 = %parallel_loop3A_279 to %parallel_loop3A_280 step %parallel_loop3A_281  : i32 {
          %parallel_loop3A_337 = arith.index_cast %parallel_loop3A_336 : i32 to index
          %parallel_loop3A_338 = arith.constant 0 : index
          %parallel_loop3A_339 = tpu.vector_load %arg12[%parallel_loop3A_337, %parallel_loop3A_338] {strides = array<i32>} : memref<48x144xf32, #tpu.memory_space<vmem>>, vector<1x16xf32>,
          %parallel_loop3A_340 = vector.shape_cast %parallel_loop3A_339 : vector<1x16xf32> to vector<16xf32>
          %parallel_loop3A_341 = arith.index_cast %parallel_loop3A_336 : i32 to index
          %parallel_loop3A_342 = arith.constant 16 : index
          %parallel_loop3A_343 = tpu.vector_load %arg12[%parallel_loop3A_341, %parallel_loop3A_342] {strides = array<i32>} : memref<48x144xf32, #tpu.memory_space<vmem>>, vector<1x16xf32>,
          %parallel_loop3A_344 = vector.shape_cast %parallel_loop3A_343 : vector<1x16xf32> to vector<16xf32>
          %parallel_loop3A_345 = arith.index_cast %parallel_loop3A_336 : i32 to index
          %parallel_loop3A_346 = arith.constant 32 : index
          %parallel_loop3A_347 = tpu.vector_load %arg12[%parallel_loop3A_345, %parallel_loop3A_346] {strides = array<i32>} : memref<48x144xf32, #tpu.memory_space<vmem>>, vector<1x16xf32>,
          %parallel_loop3A_348 = vector.shape_cast %parallel_loop3A_347 : vector<1x16xf32> to vector<16xf32>
          %parallel_loop3A_349 = arith.index_cast %parallel_loop3A_336 : i32 to index
          %parallel_loop3A_350 = arith.constant 48 : index
          %parallel_loop3A_351 = tpu.vector_load %arg12[%parallel_loop3A_349, %parallel_loop3A_350] {strides = array<i32>} : memref<48x144xf32, #tpu.memory_space<vmem>>, vector<1x16xf32>,
          %parallel_loop3A_352 = vector.shape_cast %parallel_loop3A_351 : vector<1x16xf32> to vector<16xf32>
          %parallel_loop3A_353 = arith.index_cast %parallel_loop3A_336 : i32 to index
          %parallel_loop3A_354 = arith.constant 64 : index
          %parallel_loop3A_355 = tpu.vector_load %arg12[%parallel_loop3A_353, %parallel_loop3A_354] {strides = array<i32>} : memref<48x144xf32, #tpu.memory_space<vmem>>, vector<1x16xf32>,
          %parallel_loop3A_356 = vector.shape_cast %parallel_loop3A_355 : vector<1x16xf32> to vector<16xf32>
          %parallel_loop3A_357 = arith.index_cast %parallel_loop3A_336 : i32 to index
          %parallel_loop3A_358 = arith.constant 80 : index
          %parallel_loop3A_359 = tpu.vector_load %arg12[%parallel_loop3A_357, %parallel_loop3A_358] {strides = array<i32>} : memref<48x144xf32, #tpu.memory_space<vmem>>, vector<1x16xf32>,
          %parallel_loop3A_360 = vector.shape_cast %parallel_loop3A_359 : vector<1x16xf32> to vector<16xf32>
          %parallel_loop3A_361 = arith.index_cast %parallel_loop3A_336 : i32 to index
          %parallel_loop3A_362 = arith.constant 96 : index
          %parallel_loop3A_363 = tpu.vector_load %arg12[%parallel_loop3A_361, %parallel_loop3A_362] {strides = array<i32>} : memref<48x144xf32, #tpu.memory_space<vmem>>, vector<1x16xf32>,
          %parallel_loop3A_364 = vector.shape_cast %parallel_loop3A_363 : vector<1x16xf32> to vector<16xf32>
          %parallel_loop3A_365 = arith.index_cast %parallel_loop3A_336 : i32 to index
          %parallel_loop3A_366 = arith.constant 112 : index
          %parallel_loop3A_367 = tpu.vector_load %arg12[%parallel_loop3A_365, %parallel_loop3A_366] {strides = array<i32>} : memref<48x144xf32, #tpu.memory_space<vmem>>, vector<1x16xf32>,
          %parallel_loop3A_368 = vector.shape_cast %parallel_loop3A_367 : vector<1x16xf32> to vector<16xf32>
          %parallel_loop3A_369 = arith.index_cast %parallel_loop3A_336 : i32 to index
          %parallel_loop3A_370 = arith.constant 0 : index
          %parallel_loop3A_371 = tpu.vector_load %arg14[%parallel_loop3A_369, %parallel_loop3A_370] {strides = array<i32>} : memref<48x144xf32, #tpu.memory_space<vmem>>, vector<1x16xf32>,
          %parallel_loop3A_372 = vector.shape_cast %parallel_loop3A_371 : vector<1x16xf32> to vector<16xf32>
          %parallel_loop3A_373 = arith.addf %parallel_loop3A_340, %parallel_loop3A_372 : vector<16xf32>
          %parallel_loop3A_374 = arith.constant 2.000000e-01 : f32
          %parallel_loop3A_375 = vector.broadcast %parallel_loop3A_374 : f32 to vector<16xf32>
          %parallel_loop3A_376 = arith.mulf %parallel_loop3A_375, %parallel_loop3A_373 : vector<16xf32>
          %parallel_loop3A_377 = arith.maximumf %parallel_loop3A_373, %parallel_loop3A_376 : vector<16xf32>
          %parallel_loop3A_378 = arith.mulf %parallel_loop3A_377, %get3A_6 : vector<16xf32>
          %parallel_loop3A_379 = arith.index_cast %parallel_loop3A_336 : i32 to index
          %parallel_loop3A_380 = arith.constant 16 : index
          %parallel_loop3A_381 = tpu.vector_load %arg14[%parallel_loop3A_379, %parallel_loop3A_380] {strides = array<i32>} : memref<48x144xf32, #tpu.memory_space<vmem>>, vector<1x16xf32>,
          %parallel_loop3A_382 = vector.shape_cast %parallel_loop3A_381 : vector<1x16xf32> to vector<16xf32>
          %parallel_loop3A_383 = arith.addf %parallel_loop3A_344, %parallel_loop3A_382 : vector<16xf32>
          %parallel_loop3A_384 = arith.constant 2.000000e-01 : f32
          %parallel_loop3A_385 = vector.broadcast %parallel_loop3A_384 : f32 to vector<16xf32>
          %parallel_loop3A_386 = arith.mulf %parallel_loop3A_385, %parallel_loop3A_383 : vector<16xf32>
          %parallel_loop3A_387 = arith.maximumf %parallel_loop3A_383, %parallel_loop3A_386 : vector<16xf32>
          %parallel_loop3A_388 = arith.mulf %parallel_loop3A_387, %get3A_9 : vector<16xf32>
          %parallel_loop3A_389 = arith.index_cast %parallel_loop3A_336 : i32 to index
          %parallel_loop3A_390 = arith.constant 32 : index
          %parallel_loop3A_391 = tpu.vector_load %arg14[%parallel_loop3A_389, %parallel_loop3A_390] {strides = array<i32>} : memref<48x144xf32, #tpu.memory_space<vmem>>, vector<1x16xf32>,
          %parallel_loop3A_392 = vector.shape_cast %parallel_loop3A_391 : vector<1x16xf32> to vector<16xf32>
          %parallel_loop3A_393 = arith.addf %parallel_loop3A_348, %parallel_loop3A_392 : vector<16xf32>
          %parallel_loop3A_394 = arith.constant 2.000000e-01 : f32
          %parallel_loop3A_395 = vector.broadcast %parallel_loop3A_394 : f32 to vector<16xf32>
          %parallel_loop3A_396 = arith.mulf %parallel_loop3A_395, %parallel_loop3A_393 : vector<16xf32>
          %parallel_loop3A_397 = arith.maximumf %parallel_loop3A_393, %parallel_loop3A_396 : vector<16xf32>
          %parallel_loop3A_398 = arith.mulf %parallel_loop3A_397, %get3A_12 : vector<16xf32>
          %parallel_loop3A_399 = arith.index_cast %parallel_loop3A_336 : i32 to index
          %parallel_loop3A_400 = arith.constant 48 : index
          %parallel_loop3A_401 = tpu.vector_load %arg14[%parallel_loop3A_399, %parallel_loop3A_400] {strides = array<i32>} : memref<48x144xf32, #tpu.memory_space<vmem>>, vector<1x16xf32>,
          %parallel_loop3A_402 = vector.shape_cast %parallel_loop3A_401 : vector<1x16xf32> to vector<16xf32>
          %parallel_loop3A_403 = arith.addf %parallel_loop3A_352, %parallel_loop3A_402 : vector<16xf32>
          %parallel_loop3A_404 = arith.constant 2.000000e-01 : f32
          %parallel_loop3A_405 = vector.broadcast %parallel_loop3A_404 : f32 to vector<16xf32>
          %parallel_loop3A_406 = arith.mulf %parallel_loop3A_405, %parallel_loop3A_403 : vector<16xf32>
          %parallel_loop3A_407 = arith.maximumf %parallel_loop3A_403, %parallel_loop3A_406 : vector<16xf32>
          %parallel_loop3A_408 = arith.mulf %parallel_loop3A_407, %get3A_15 : vector<16xf32>
          %parallel_loop3A_409 = arith.addf %parallel_loop3A_378, %parallel_loop3A_408 : vector<16xf32>
          %parallel_loop3A_410 = arith.index_cast %parallel_loop3A_336 : i32 to index
          %parallel_loop3A_411 = arith.constant 64 : index
          %parallel_loop3A_412 = tpu.vector_load %arg14[%parallel_loop3A_410, %parallel_loop3A_411] {strides = array<i32>} : memref<48x144xf32, #tpu.memory_space<vmem>>, vector<1x16xf32>,
          %parallel_loop3A_413 = vector.shape_cast %parallel_loop3A_412 : vector<1x16xf32> to vector<16xf32>
          %parallel_loop3A_414 = arith.addf %parallel_loop3A_356, %parallel_loop3A_413 : vector<16xf32>
          %parallel_loop3A_415 = arith.constant 2.000000e-01 : f32
          %parallel_loop3A_416 = vector.broadcast %parallel_loop3A_415 : f32 to vector<16xf32>
          %parallel_loop3A_417 = arith.mulf %parallel_loop3A_416, %parallel_loop3A_414 : vector<16xf32>
          %parallel_loop3A_418 = arith.maximumf %parallel_loop3A_414, %parallel_loop3A_417 : vector<16xf32>
          %parallel_loop3A_419 = arith.mulf %parallel_loop3A_418, %get3A_18 : vector<16xf32>
          %parallel_loop3A_420 = arith.addf %parallel_loop3A_388, %parallel_loop3A_419 : vector<16xf32>
          %parallel_loop3A_421 = arith.index_cast %parallel_loop3A_336 : i32 to index
          %parallel_loop3A_422 = arith.constant 80 : index
          %parallel_loop3A_423 = tpu.vector_load %arg14[%parallel_loop3A_421, %parallel_loop3A_422] {strides = array<i32>} : memref<48x144xf32, #tpu.memory_space<vmem>>, vector<1x16xf32>,
          %parallel_loop3A_424 = vector.shape_cast %parallel_loop3A_423 : vector<1x16xf32> to vector<16xf32>
          %parallel_loop3A_425 = arith.addf %parallel_loop3A_360, %parallel_loop3A_424 : vector<16xf32>
          %parallel_loop3A_426 = arith.constant 2.000000e-01 : f32
          %parallel_loop3A_427 = vector.broadcast %parallel_loop3A_426 : f32 to vector<16xf32>
          %parallel_loop3A_428 = arith.mulf %parallel_loop3A_427, %parallel_loop3A_425 : vector<16xf32>
          %parallel_loop3A_429 = arith.maximumf %parallel_loop3A_425, %parallel_loop3A_428 : vector<16xf32>
          %parallel_loop3A_430 = arith.mulf %parallel_loop3A_429, %get3A_21 : vector<16xf32>
          %parallel_loop3A_431 = arith.addf %parallel_loop3A_398, %parallel_loop3A_430 : vector<16xf32>
          %parallel_loop3A_432 = arith.index_cast %parallel_loop3A_336 : i32 to index
          %parallel_loop3A_433 = arith.constant 96 : index
          %parallel_loop3A_434 = tpu.vector_load %arg14[%parallel_loop3A_432, %parallel_loop3A_433] {strides = array<i32>} : memref<48x144xf32, #tpu.memory_space<vmem>>, vector<1x16xf32>,
          %parallel_loop3A_435 = vector.shape_cast %parallel_loop3A_434 : vector<1x16xf32> to vector<16xf32>
          %parallel_loop3A_436 = arith.addf %parallel_loop3A_364, %parallel_loop3A_435 : vector<16xf32>
          %parallel_loop3A_437 = arith.constant 2.000000e-01 : f32
          %parallel_loop3A_438 = vector.broadcast %parallel_loop3A_437 : f32 to vector<16xf32>
          %parallel_loop3A_439 = arith.mulf %parallel_loop3A_438, %parallel_loop3A_436 : vector<16xf32>
          %parallel_loop3A_440 = arith.maximumf %parallel_loop3A_436, %parallel_loop3A_439 : vector<16xf32>
          %parallel_loop3A_441 = arith.mulf %parallel_loop3A_440, %get3A_24 : vector<16xf32>
          %parallel_loop3A_442 = arith.addf %parallel_loop3A_409, %parallel_loop3A_441 : vector<16xf32>
          %parallel_loop3A_443 = arith.index_cast %parallel_loop3A_336 : i32 to index
          %parallel_loop3A_444 = arith.constant 112 : index
          %parallel_loop3A_445 = tpu.vector_load %arg14[%parallel_loop3A_443, %parallel_loop3A_444] {strides = array<i32>} : memref<48x144xf32, #tpu.memory_space<vmem>>, vector<1x16xf32>,
          %parallel_loop3A_446 = vector.shape_cast %parallel_loop3A_445 : vector<1x16xf32> to vector<16xf32>
          %parallel_loop3A_447 = arith.addf %parallel_loop3A_368, %parallel_loop3A_446 : vector<16xf32>
          %parallel_loop3A_448 = arith.constant 2.000000e-01 : f32
          %parallel_loop3A_449 = vector.broadcast %parallel_loop3A_448 : f32 to vector<16xf32>
          %parallel_loop3A_450 = arith.mulf %parallel_loop3A_449, %parallel_loop3A_447 : vector<16xf32>
          %parallel_loop3A_451 = arith.maximumf %parallel_loop3A_447, %parallel_loop3A_450 : vector<16xf32>
          %parallel_loop3A_452 = arith.mulf %parallel_loop3A_451, %get3A_27 : vector<16xf32>
          %parallel_loop3A_453 = arith.addf %parallel_loop3A_420, %parallel_loop3A_452 : vector<16xf32>
          %parallel_loop3A_454 = arith.index_cast %parallel_loop3A_336 : i32 to index
          %parallel_loop3A_455 = arith.constant 128 : index
          %parallel_loop3A_456 = tpu.vector_load %arg14[%parallel_loop3A_454, %parallel_loop3A_455] {strides = array<i32>} : memref<48x144xf32, #tpu.memory_space<vmem>>, vector<1x16xf32>,
          %parallel_loop3A_457 = vector.shape_cast %parallel_loop3A_456 : vector<1x16xf32> to vector<16xf32>
          %parallel_loop3A_458 = arith.addf %max3A_34, %parallel_loop3A_457 : vector<16xf32>
          %parallel_loop3A_459 = arith.constant 2.000000e-01 : f32
          %parallel_loop3A_460 = vector.broadcast %parallel_loop3A_459 : f32 to vector<16xf32>
          %parallel_loop3A_461 = arith.mulf %parallel_loop3A_460, %parallel_loop3A_458 : vector<16xf32>
          %parallel_loop3A_462 = arith.maximumf %parallel_loop3A_458, %parallel_loop3A_461 : vector<16xf32>
          %parallel_loop3A_463 = arith.addf %parallel_loop3A_442, %parallel_loop3A_453 : vector<16xf32>
          %parallel_loop3A_464 = arith.mulf %parallel_loop3A_462, %get3A_30 : vector<16xf32>
          %parallel_loop3A_465 = arith.addf %parallel_loop3A_431, %parallel_loop3A_464 : vector<16xf32>
          %parallel_loop3A_466 = arith.addf %parallel_loop3A_463, %parallel_loop3A_465 : vector<16xf32>
          %parallel_loop3A_467 = arith.constant 15 : i32
          %parallel_loop3A_468 = vector.broadcast %parallel_loop3A_467 : i32 to vector<16xi32>
          %parallel_loop3A_469 = tpu.iota {dimensions = array<i32: 0>} : vector<16xi32>
          %parallel_loop3A_470 = arith.subi %parallel_loop3A_468, %parallel_loop3A_469 : vector<16xi32>
          %parallel_loop3A_471 = tpu.dynamic_gather %parallel_loop3A_466[%parallel_loop3A_470] in [0] : vector<16xf32>, vector<16xi32> -> vector<16xf32>
          %parallel_loop3A_472 = arith.addf %parallel_loop3A_466, %parallel_loop3A_471 : vector<16xf32>
          %parallel_loop3A_473 = vector.extract_strided_slice %parallel_loop3A_472 {offsets = [0], sizes = [1], strides = [1]} : vector<16xf32> to vector<1xf32>
          %parallel_loop3A_474 = vector.extract %parallel_loop3A_473[0] : f32 from vector<1xf32>
          %parallel_loop3A_475 = vector.extract_strided_slice %parallel_loop3A_472 {offsets = [1], sizes = [1], strides = [1]} : vector<16xf32> to vector<1xf32>
          %parallel_loop3A_476 = vector.extract %parallel_loop3A_475[0] : f32 from vector<1xf32>
          %parallel_loop3A_477 = arith.addf %parallel_loop3A_474, %parallel_loop3A_476 : f32
          %parallel_loop3A_478 = vector.extract_strided_slice %parallel_loop3A_472 {offsets = [2], sizes = [1], strides = [1]} : vector<16xf32> to vector<1xf32>
          %parallel_loop3A_479 = vector.extract %parallel_loop3A_478[0] : f32 from vector<1xf32>
          %parallel_loop3A_480 = vector.extract_strided_slice %parallel_loop3A_472 {offsets = [3], sizes = [1], strides = [1]} : vector<16xf32> to vector<1xf32>
          %parallel_loop3A_481 = vector.extract %parallel_loop3A_480[0] : f32 from vector<1xf32>
          %parallel_loop3A_482 = arith.addf %parallel_loop3A_479, %parallel_loop3A_481 : f32
          %parallel_loop3A_483 = arith.addf %parallel_loop3A_477, %parallel_loop3A_482 : f32
          %parallel_loop3A_484 = vector.extract_strided_slice %parallel_loop3A_472 {offsets = [4], sizes = [1], strides = [1]} : vector<16xf32> to vector<1xf32>
          %parallel_loop3A_485 = vector.extract %parallel_loop3A_484[0] : f32 from vector<1xf32>
          %parallel_loop3A_486 = vector.extract_strided_slice %parallel_loop3A_472 {offsets = [5], sizes = [1], strides = [1]} : vector<16xf32> to vector<1xf32>
          %parallel_loop3A_487 = vector.extract %parallel_loop3A_486[0] : f32 from vector<1xf32>
          %parallel_loop3A_488 = arith.addf %parallel_loop3A_485, %parallel_loop3A_487 : f32
          %parallel_loop3A_489 = vector.extract_strided_slice %parallel_loop3A_472 {offsets = [6], sizes = [1], strides = [1]} : vector<16xf32> to vector<1xf32>
          %parallel_loop3A_490 = vector.extract %parallel_loop3A_489[0] : f32 from vector<1xf32>
          %parallel_loop3A_491 = vector.extract_strided_slice %parallel_loop3A_472 {offsets = [7], sizes = [1], strides = [1]} : vector<16xf32> to vector<1xf32>
          %parallel_loop3A_492 = vector.extract %parallel_loop3A_491[0] : f32 from vector<1xf32>
          %parallel_loop3A_493 = arith.addf %parallel_loop3A_490, %parallel_loop3A_492 : f32
          %parallel_loop3A_494 = arith.addf %parallel_loop3A_488, %parallel_loop3A_493 : f32
          %parallel_loop3A_495 = arith.addf %parallel_loop3A_483, %parallel_loop3A_494 : f32
          %parallel_loop3A_496 = vector.broadcast %parallel_loop3A_495 : f32 to vector<16xf32>
          %parallel_loop3A_497 = math.exp %parallel_loop3A_496 : vector<16xf32>
          %parallel_loop3A_498 = arith.mulf %parallel_loop3A_340, %parallel_loop3A_497 : vector<16xf32>
          %parallel_loop3A_499 = arith.index_cast %parallel_loop3A_336 : i32 to index
          %parallel_loop3A_500 = arith.constant 0 : index
          %parallel_loop3A_501 = tpu.vector_load %arg12[%parallel_loop3A_499, %parallel_loop3A_500] {strides = array<i32>} : memref<48x144xf32, #tpu.memory_space<vmem>>, vector<1x16xf32>,
          %parallel_loop3A_502 = vector.shape_cast %parallel_loop3A_501 : vector<1x16xf32> to vector<16xf32>
          %parallel_loop3A_503 = vector.shape_cast %parallel_loop3A_498 : vector<16xf32> to vector<1x16xf32>
          tpu.vector_store %arg12[%parallel_loop3A_499, %parallel_loop3A_500], %parallel_loop3A_503 {strides = array<i32>} : memref<48x144xf32, #tpu.memory_space<vmem>>, vector<1x16xf32>,
          %parallel_loop3A_504 = arith.mulf %parallel_loop3A_344, %parallel_loop3A_497 : vector<16xf32>
          %parallel_loop3A_505 = arith.index_cast %parallel_loop3A_336 : i32 to index
          %parallel_loop3A_506 = arith.constant 16 : index
          %parallel_loop3A_507 = tpu.vector_load %arg12[%parallel_loop3A_505, %parallel_loop3A_506] {strides = array<i32>} : memref<48x144xf32, #tpu.memory_space<vmem>>, vector<1x16xf32>,
          %parallel_loop3A_508 = vector.shape_cast %parallel_loop3A_507 : vector<1x16xf32> to vector<16xf32>
          %parallel_loop3A_509 = vector.shape_cast %parallel_loop3A_504 : vector<16xf32> to vector<1x16xf32>
          tpu.vector_store %arg12[%parallel_loop3A_505, %parallel_loop3A_506], %parallel_loop3A_509 {strides = array<i32>} : memref<48x144xf32, #tpu.memory_space<vmem>>, vector<1x16xf32>,
          %parallel_loop3A_510 = arith.mulf %parallel_loop3A_348, %parallel_loop3A_497 : vector<16xf32>
          %parallel_loop3A_511 = arith.index_cast %parallel_loop3A_336 : i32 to index
          %parallel_loop3A_512 = arith.constant 32 : index
          %parallel_loop3A_513 = tpu.vector_load %arg12[%parallel_loop3A_511, %parallel_loop3A_512] {strides = array<i32>} : memref<48x144xf32, #tpu.memory_space<vmem>>, vector<1x16xf32>,
          %parallel_loop3A_514 = vector.shape_cast %parallel_loop3A_513 : vector<1x16xf32> to vector<16xf32>
          %parallel_loop3A_515 = vector.shape_cast %parallel_loop3A_510 : vector<16xf32> to vector<1x16xf32>
          tpu.vector_store %arg12[%parallel_loop3A_511, %parallel_loop3A_512], %parallel_loop3A_515 {strides = array<i32>} : memref<48x144xf32, #tpu.memory_space<vmem>>, vector<1x16xf32>,
          %parallel_loop3A_516 = arith.mulf %parallel_loop3A_352, %parallel_loop3A_497 : vector<16xf32>
          %parallel_loop3A_517 = arith.index_cast %parallel_loop3A_336 : i32 to index
          %parallel_loop3A_518 = arith.constant 48 : index
          %parallel_loop3A_519 = tpu.vector_load %arg12[%parallel_loop3A_517, %parallel_loop3A_518] {strides = array<i32>} : memref<48x144xf32, #tpu.memory_space<vmem>>, vector<1x16xf32>,
          %parallel_loop3A_520 = vector.shape_cast %parallel_loop3A_519 : vector<1x16xf32> to vector<16xf32>
          %parallel_loop3A_521 = vector.shape_cast %parallel_loop3A_516 : vector<16xf32> to vector<1x16xf32>
          tpu.vector_store %arg12[%parallel_loop3A_517, %parallel_loop3A_518], %parallel_loop3A_521 {strides = array<i32>} : memref<48x144xf32, #tpu.memory_space<vmem>>, vector<1x16xf32>,
          %parallel_loop3A_522 = arith.mulf %parallel_loop3A_356, %parallel_loop3A_497 : vector<16xf32>
          %parallel_loop3A_523 = arith.index_cast %parallel_loop3A_336 : i32 to index
          %parallel_loop3A_524 = arith.constant 64 : index
          %parallel_loop3A_525 = tpu.vector_load %arg12[%parallel_loop3A_523, %parallel_loop3A_524] {strides = array<i32>} : memref<48x144xf32, #tpu.memory_space<vmem>>, vector<1x16xf32>,
          %parallel_loop3A_526 = vector.shape_cast %parallel_loop3A_525 : vector<1x16xf32> to vector<16xf32>
          %parallel_loop3A_527 = vector.shape_cast %parallel_loop3A_522 : vector<16xf32> to vector<1x16xf32>
          tpu.vector_store %arg12[%parallel_loop3A_523, %parallel_loop3A_524], %parallel_loop3A_527 {strides = array<i32>} : memref<48x144xf32, #tpu.memory_space<vmem>>, vector<1x16xf32>,
          %parallel_loop3A_528 = arith.mulf %parallel_loop3A_360, %parallel_loop3A_497 : vector<16xf32>
          %parallel_loop3A_529 = arith.index_cast %parallel_loop3A_336 : i32 to index
          %parallel_loop3A_530 = arith.constant 80 : index
          %parallel_loop3A_531 = tpu.vector_load %arg12[%parallel_loop3A_529, %parallel_loop3A_530] {strides = array<i32>} : memref<48x144xf32, #tpu.memory_space<vmem>>, vector<1x16xf32>,
          %parallel_loop3A_532 = vector.shape_cast %parallel_loop3A_531 : vector<1x16xf32> to vector<16xf32>
          %parallel_loop3A_533 = vector.shape_cast %parallel_loop3A_528 : vector<16xf32> to vector<1x16xf32>
          tpu.vector_store %arg12[%parallel_loop3A_529, %parallel_loop3A_530], %parallel_loop3A_533 {strides = array<i32>} : memref<48x144xf32, #tpu.memory_space<vmem>>, vector<1x16xf32>,
          %parallel_loop3A_534 = arith.mulf %parallel_loop3A_364, %parallel_loop3A_497 : vector<16xf32>
          %parallel_loop3A_535 = arith.index_cast %parallel_loop3A_336 : i32 to index
          %parallel_loop3A_536 = arith.constant 96 : index
          %parallel_loop3A_537 = tpu.vector_load %arg12[%parallel_loop3A_535, %parallel_loop3A_536] {strides = array<i32>} : memref<48x144xf32, #tpu.memory_space<vmem>>, vector<1x16xf32>,
          %parallel_loop3A_538 = vector.shape_cast %parallel_loop3A_537 : vector<1x16xf32> to vector<16xf32>
          %parallel_loop3A_539 = vector.shape_cast %parallel_loop3A_534 : vector<16xf32> to vector<1x16xf32>
          tpu.vector_store %arg12[%parallel_loop3A_535, %parallel_loop3A_536], %parallel_loop3A_539 {strides = array<i32>} : memref<48x144xf32, #tpu.memory_space<vmem>>, vector<1x16xf32>,
          %parallel_loop3A_540 = arith.mulf %parallel_loop3A_368, %parallel_loop3A_497 : vector<16xf32>
          %parallel_loop3A_541 = arith.index_cast %parallel_loop3A_336 : i32 to index
          %parallel_loop3A_542 = arith.constant 112 : index
          %parallel_loop3A_543 = tpu.vector_load %arg12[%parallel_loop3A_541, %parallel_loop3A_542] {strides = array<i32>} : memref<48x144xf32, #tpu.memory_space<vmem>>, vector<1x16xf32>,
          %parallel_loop3A_544 = vector.shape_cast %parallel_loop3A_543 : vector<1x16xf32> to vector<16xf32>
          %parallel_loop3A_545 = vector.shape_cast %parallel_loop3A_540 : vector<16xf32> to vector<1x16xf32>
          tpu.vector_store %arg12[%parallel_loop3A_541, %parallel_loop3A_542], %parallel_loop3A_545 {strides = array<i32>} : memref<48x144xf32, #tpu.memory_space<vmem>>, vector<1x16xf32>,
          %parallel_loop3A_546 = arith.mulf %max3A_34, %parallel_loop3A_497 : vector<16xf32>
          %parallel_loop3A_547 = arith.index_cast %parallel_loop3A_336 : i32 to index
          %parallel_loop3A_548 = arith.constant 128 : index
          %parallel_loop3A_549 = tpu.vector_load %arg12[%parallel_loop3A_547, %parallel_loop3A_548] {strides = array<i32>} : memref<48x144xf32, #tpu.memory_space<vmem>>, vector<1x16xf32>,
          %parallel_loop3A_550 = vector.shape_cast %parallel_loop3A_549 : vector<1x16xf32> to vector<16xf32>
          %parallel_loop3A_551 = vector.shape_cast %parallel_loop3A_546 : vector<16xf32> to vector<1x16xf32>
          tpu.vector_store %arg12[%parallel_loop3A_547, %parallel_loop3A_548], %parallel_loop3A_551 {strides = array<i32>} : memref<48x144xf32, #tpu.memory_space<vmem>>, vector<1x16xf32>,
        } {sc.loop_unroll_factor = 1 : i64, sc.parallel_access}
        %dma_start3A_282 = arith.constant 0 : i32
        %dma_start3A_283 = tpu.memref_slice %arg10[%add3A_266, %dma_start3A_282] : memref<30x48xi32, #tpu.memory_space<vmem>> -> memref<1x48xi32, #tpu.memory_space<vmem>>
        %dma_start3A_284 = tpu.memref_squeeze %dma_start3A_283 : memref<1x48xi32, #tpu.memory_space<vmem>> -> memref<48xi32, #tpu.memory_space<vmem>>
        %dma_start3A_285 = arith.constant 0 : i32
        %dma_start3A_286 = arith.constant 0 : i32
        %dma_start3A_287 = tpu.memref_slice %arg17[%dma_start3A_285, %dma_start3A_286] : memref<10240x144xf32, #tpu.memory_space<vmem_shared>> -> memref<10240x144xf32, #tpu.memory_space<vmem_shared>>
        tpu.enqueue_indirect_dma source(%arg12 : memref<48x144xf32, #tpu.memory_space<vmem>>) target(%dma_start3A_287 : memref<10240x144xf32, #tpu.memory_space<vmem_shared>>) offsets(%dma_start3A_284 : memref<48xi32, #tpu.memory_space<vmem>>) semaphore(%arg24 : memref<!tpu.dma_semaphore, #tpu.memory_space<semaphore_mem>>) {add = true}
        %sub3A_288 = arith.constant 1 : i32
        %sub3A_289 = arith.subi %add3A_266, %sub3A_288 : i32
        %dma_wait3A_290 = arith.constant 0 : i32
        %dma_wait3A_291 = tpu.memref_slice %arg10[%sub3A_289, %dma_wait3A_290] : memref<30x48xi32, #tpu.memory_space<vmem>> -> memref<1x48xi32, #tpu.memory_space<vmem>>
        %dma_wait3A_292 = tpu.memref_squeeze %dma_wait3A_291 : memref<1x48xi32, #tpu.memory_space<vmem>> -> memref<48xi32, #tpu.memory_space<vmem>>
        %dma_wait3A_293 = arith.constant 0 : i32
        %dma_wait3A_294 = arith.constant 0 : i32
        %dma_wait3A_295 = tpu.memref_slice %arg17[%dma_wait3A_293, %dma_wait3A_294] : memref<10240x144xf32, #tpu.memory_space<vmem_shared>> -> memref<10240x144xf32, #tpu.memory_space<vmem_shared>>
        tpu.wait_indirect_dma semaphore(%arg23 : memref<!tpu.dma_semaphore, #tpu.memory_space<semaphore_mem>>) src(%arg11 : memref<48x144xf32, #tpu.memory_space<vmem>>) dst(%dma_wait3A_295 : memref<10240x144xf32, #tpu.memory_space<vmem_shared>>)
        %lt3A = arith.constant 4 : i32
        %lt3A_296 = arith.cmpi slt, %scan3A_88, %lt3A : i32
        %convert_element_type3A_297 = arith.extui %lt3A_296 : i1 to i32
        %cond3A_298 = arith.constant 0 : i32
        %cond3A_299 = arith.cmpi ne, %convert_element_type3A_297, %cond3A_298 : i32
        scf.if %cond3A_299 {
          %add3A_336 = arith.constant 2 : i32
          %add3A_337 = arith.addi %add3A_266, %add3A_336 : i32
          %dma_start3A_338 = arith.constant 0 : i32
          %dma_start3A_339 = tpu.memref_slice %arg9[%add3A_337, %dma_start3A_338] : memref<30x48xi32, #tpu.memory_space<vmem>> -> memref<1x48xi32, #tpu.memory_space<vmem>>
          %dma_start3A_340 = tpu.memref_squeeze %dma_start3A_339 : memref<1x48xi32, #tpu.memory_space<vmem>> -> memref<48xi32, #tpu.memory_space<vmem>>
          %dma_start3A_341 = arith.constant 0 : i32
          %dma_start3A_342 = arith.constant 0 : i32
          %dma_start3A_343 = tpu.memref_slice %arg2[%dma_start3A_341, %dma_start3A_342] : memref<10240x144xf32, #tpu.memory_space<hbm>> -> memref<10240x144xf32, #tpu.memory_space<hbm>>
          tpu.enqueue_indirect_dma source(%dma_start3A_343 : memref<10240x144xf32, #tpu.memory_space<hbm>>) target(%arg11 : memref<48x144xf32, #tpu.memory_space<vmem>>) offsets(%dma_start3A_340 : memref<48xi32, #tpu.memory_space<vmem>>) semaphore(%arg18 : memref<!tpu.dma_semaphore, #tpu.memory_space<semaphore_mem>>)
          %dma_start3A_344 = arith.constant 0 : i32
          %dma_start3A_345 = tpu.memref_slice %arg10[%add3A_337, %dma_start3A_344] : memref<30x48xi32, #tpu.memory_space<vmem>> -> memref<1x48xi32, #tpu.memory_space<vmem>>
          %dma_start3A_346 = tpu.memref_squeeze %dma_start3A_345 : memref<1x48xi32, #tpu.memory_space<vmem>> -> memref<48xi32, #tpu.memory_space<vmem>>
          %dma_start3A_347 = arith.constant 0 : i32
          %dma_start3A_348 = arith.constant 0 : i32
          %dma_start3A_349 = tpu.memref_slice %arg3[%dma_start3A_347, %dma_start3A_348] : memref<10240x144xf32, #tpu.memory_space<hbm>> -> memref<10240x144xf32, #tpu.memory_space<hbm>>
          tpu.enqueue_indirect_dma source(%dma_start3A_349 : memref<10240x144xf32, #tpu.memory_space<hbm>>) target(%arg14 : memref<48x144xf32, #tpu.memory_space<vmem>>) offsets(%dma_start3A_346 : memref<48xi32, #tpu.memory_space<vmem>>) semaphore(%arg21 : memref<!tpu.dma_semaphore, #tpu.memory_space<semaphore_mem>>)
        } else {
        }
        %add3A_300 = arith.constant 5 : i32
        %add3A_301 = arith.addi %mul3A_90, %add3A_300 : i32
        %dma_wait3A_302 = arith.constant 0 : i32
        %dma_wait3A_303 = tpu.memref_slice %arg9[%add3A_301, %dma_wait3A_302] : memref<30x48xi32, #tpu.memory_space<vmem>> -> memref<1x48xi32, #tpu.memory_space<vmem>>
        %dma_wait3A_304 = tpu.memref_squeeze %dma_wait3A_303 : memref<1x48xi32, #tpu.memory_space<vmem>> -> memref<48xi32, #tpu.memory_space<vmem>>
        %dma_wait3A_305 = arith.constant 0 : i32
        %dma_wait3A_306 = arith.constant 0 : i32
        %dma_wait3A_307 = tpu.memref_slice %arg2[%dma_wait3A_305, %dma_wait3A_306] : memref<10240x144xf32, #tpu.memory_space<hbm>> -> memref<10240x144xf32, #tpu.memory_space<hbm>>
        tpu.wait_indirect_dma semaphore(%arg20 : memref<!tpu.dma_semaphore, #tpu.memory_space<semaphore_mem>>) src(%dma_wait3A_307 : memref<10240x144xf32, #tpu.memory_space<hbm>>) dst(%arg13 : memref<48x144xf32, #tpu.memory_space<vmem>>)
        %dma_wait3A_308 = arith.constant 0 : i32
        %dma_wait3A_309 = tpu.memref_slice %arg10[%add3A_301, %dma_wait3A_308] : memref<30x48xi32, #tpu.memory_space<vmem>> -> memref<1x48xi32, #tpu.memory_space<vmem>>
        %dma_wait3A_310 = tpu.memref_squeeze %dma_wait3A_309 : memref<1x48xi32, #tpu.memory_space<vmem>> -> memref<48xi32, #tpu.memory_space<vmem>>
        %dma_wait3A_311 = arith.constant 0 : i32
        %dma_wait3A_312 = arith.constant 0 : i32
        %dma_wait3A_313 = tpu.memref_slice %arg3[%dma_wait3A_311, %dma_wait3A_312] : memref<10240x144xf32, #tpu.memory_space<hbm>> -> memref<10240x144xf32, #tpu.memory_space<hbm>>
        tpu.wait_indirect_dma semaphore(%arg22 : memref<!tpu.dma_semaphore, #tpu.memory_space<semaphore_mem>>) src(%dma_wait3A_313 : memref<10240x144xf32, #tpu.memory_space<hbm>>) dst(%arg15 : memref<48x144xf32, #tpu.memory_space<vmem>>)
        %parallel_loop3A_314 = arith.constant 0 : i32
        %parallel_loop3A_315 = arith.constant 48 : i32
        %parallel_loop3A_316 = arith.constant 1 : i32
        scf.for %parallel_loop3A_336 = %parallel_loop3A_314 to %parallel_loop3A_315 step %parallel_loop3A_316  : i32 {
          %parallel_loop3A_337 = arith.index_cast %parallel_loop3A_336 : i32 to index
          %parallel_loop3A_338 = arith.constant 0 : index
          %parallel_loop3A_339 = tpu.vector_load %arg13[%parallel_loop3A_337, %parallel_loop3A_338] {strides = array<i32>} : memref<48x144xf32, #tpu.memory_space<vmem>>, vector<1x16xf32>,
          %parallel_loop3A_340 = vector.shape_cast %parallel_loop3A_339 : vector<1x16xf32> to vector<16xf32>
          %parallel_loop3A_341 = arith.index_cast %parallel_loop3A_336 : i32 to index
          %parallel_loop3A_342 = arith.constant 16 : index
          %parallel_loop3A_343 = tpu.vector_load %arg13[%parallel_loop3A_341, %parallel_loop3A_342] {strides = array<i32>} : memref<48x144xf32, #tpu.memory_space<vmem>>, vector<1x16xf32>,
          %parallel_loop3A_344 = vector.shape_cast %parallel_loop3A_343 : vector<1x16xf32> to vector<16xf32>
          %parallel_loop3A_345 = arith.index_cast %parallel_loop3A_336 : i32 to index
          %parallel_loop3A_346 = arith.constant 32 : index
          %parallel_loop3A_347 = tpu.vector_load %arg13[%parallel_loop3A_345, %parallel_loop3A_346] {strides = array<i32>} : memref<48x144xf32, #tpu.memory_space<vmem>>, vector<1x16xf32>,
          %parallel_loop3A_348 = vector.shape_cast %parallel_loop3A_347 : vector<1x16xf32> to vector<16xf32>
          %parallel_loop3A_349 = arith.index_cast %parallel_loop3A_336 : i32 to index
          %parallel_loop3A_350 = arith.constant 48 : index
          %parallel_loop3A_351 = tpu.vector_load %arg13[%parallel_loop3A_349, %parallel_loop3A_350] {strides = array<i32>} : memref<48x144xf32, #tpu.memory_space<vmem>>, vector<1x16xf32>,
          %parallel_loop3A_352 = vector.shape_cast %parallel_loop3A_351 : vector<1x16xf32> to vector<16xf32>
          %parallel_loop3A_353 = arith.index_cast %parallel_loop3A_336 : i32 to index
          %parallel_loop3A_354 = arith.constant 64 : index
          %parallel_loop3A_355 = tpu.vector_load %arg13[%parallel_loop3A_353, %parallel_loop3A_354] {strides = array<i32>} : memref<48x144xf32, #tpu.memory_space<vmem>>, vector<1x16xf32>,
          %parallel_loop3A_356 = vector.shape_cast %parallel_loop3A_355 : vector<1x16xf32> to vector<16xf32>
          %parallel_loop3A_357 = arith.index_cast %parallel_loop3A_336 : i32 to index
          %parallel_loop3A_358 = arith.constant 80 : index
          %parallel_loop3A_359 = tpu.vector_load %arg13[%parallel_loop3A_357, %parallel_loop3A_358] {strides = array<i32>} : memref<48x144xf32, #tpu.memory_space<vmem>>, vector<1x16xf32>,
          %parallel_loop3A_360 = vector.shape_cast %parallel_loop3A_359 : vector<1x16xf32> to vector<16xf32>
          %parallel_loop3A_361 = arith.index_cast %parallel_loop3A_336 : i32 to index
          %parallel_loop3A_362 = arith.constant 96 : index
          %parallel_loop3A_363 = tpu.vector_load %arg13[%parallel_loop3A_361, %parallel_loop3A_362] {strides = array<i32>} : memref<48x144xf32, #tpu.memory_space<vmem>>, vector<1x16xf32>,
          %parallel_loop3A_364 = vector.shape_cast %parallel_loop3A_363 : vector<1x16xf32> to vector<16xf32>
          %parallel_loop3A_365 = arith.index_cast %parallel_loop3A_336 : i32 to index
          %parallel_loop3A_366 = arith.constant 112 : index
          %parallel_loop3A_367 = tpu.vector_load %arg13[%parallel_loop3A_365, %parallel_loop3A_366] {strides = array<i32>} : memref<48x144xf32, #tpu.memory_space<vmem>>, vector<1x16xf32>,
          %parallel_loop3A_368 = vector.shape_cast %parallel_loop3A_367 : vector<1x16xf32> to vector<16xf32>
          %parallel_loop3A_369 = arith.index_cast %parallel_loop3A_336 : i32 to index
          %parallel_loop3A_370 = arith.constant 0 : index
          %parallel_loop3A_371 = tpu.vector_load %arg15[%parallel_loop3A_369, %parallel_loop3A_370] {strides = array<i32>} : memref<48x144xf32, #tpu.memory_space<vmem>>, vector<1x16xf32>,
          %parallel_loop3A_372 = vector.shape_cast %parallel_loop3A_371 : vector<1x16xf32> to vector<16xf32>
          %parallel_loop3A_373 = arith.addf %parallel_loop3A_340, %parallel_loop3A_372 : vector<16xf32>
          %parallel_loop3A_374 = arith.constant 2.000000e-01 : f32
          %parallel_loop3A_375 = vector.broadcast %parallel_loop3A_374 : f32 to vector<16xf32>
          %parallel_loop3A_376 = arith.mulf %parallel_loop3A_375, %parallel_loop3A_373 : vector<16xf32>
          %parallel_loop3A_377 = arith.maximumf %parallel_loop3A_373, %parallel_loop3A_376 : vector<16xf32>
          %parallel_loop3A_378 = arith.mulf %parallel_loop3A_377, %get3A_6 : vector<16xf32>
          %parallel_loop3A_379 = arith.index_cast %parallel_loop3A_336 : i32 to index
          %parallel_loop3A_380 = arith.constant 16 : index
          %parallel_loop3A_381 = tpu.vector_load %arg15[%parallel_loop3A_379, %parallel_loop3A_380] {strides = array<i32>} : memref<48x144xf32, #tpu.memory_space<vmem>>, vector<1x16xf32>,
          %parallel_loop3A_382 = vector.shape_cast %parallel_loop3A_381 : vector<1x16xf32> to vector<16xf32>
          %parallel_loop3A_383 = arith.addf %parallel_loop3A_344, %parallel_loop3A_382 : vector<16xf32>
          %parallel_loop3A_384 = arith.constant 2.000000e-01 : f32
          %parallel_loop3A_385 = vector.broadcast %parallel_loop3A_384 : f32 to vector<16xf32>
          %parallel_loop3A_386 = arith.mulf %parallel_loop3A_385, %parallel_loop3A_383 : vector<16xf32>
          %parallel_loop3A_387 = arith.maximumf %parallel_loop3A_383, %parallel_loop3A_386 : vector<16xf32>
          %parallel_loop3A_388 = arith.mulf %parallel_loop3A_387, %get3A_9 : vector<16xf32>
          %parallel_loop3A_389 = arith.index_cast %parallel_loop3A_336 : i32 to index
          %parallel_loop3A_390 = arith.constant 32 : index
          %parallel_loop3A_391 = tpu.vector_load %arg15[%parallel_loop3A_389, %parallel_loop3A_390] {strides = array<i32>} : memref<48x144xf32, #tpu.memory_space<vmem>>, vector<1x16xf32>,
          %parallel_loop3A_392 = vector.shape_cast %parallel_loop3A_391 : vector<1x16xf32> to vector<16xf32>
          %parallel_loop3A_393 = arith.addf %parallel_loop3A_348, %parallel_loop3A_392 : vector<16xf32>
          %parallel_loop3A_394 = arith.constant 2.000000e-01 : f32
          %parallel_loop3A_395 = vector.broadcast %parallel_loop3A_394 : f32 to vector<16xf32>
          %parallel_loop3A_396 = arith.mulf %parallel_loop3A_395, %parallel_loop3A_393 : vector<16xf32>
          %parallel_loop3A_397 = arith.maximumf %parallel_loop3A_393, %parallel_loop3A_396 : vector<16xf32>
          %parallel_loop3A_398 = arith.mulf %parallel_loop3A_397, %get3A_12 : vector<16xf32>
          %parallel_loop3A_399 = arith.index_cast %parallel_loop3A_336 : i32 to index
          %parallel_loop3A_400 = arith.constant 48 : index
          %parallel_loop3A_401 = tpu.vector_load %arg15[%parallel_loop3A_399, %parallel_loop3A_400] {strides = array<i32>} : memref<48x144xf32, #tpu.memory_space<vmem>>, vector<1x16xf32>,
          %parallel_loop3A_402 = vector.shape_cast %parallel_loop3A_401 : vector<1x16xf32> to vector<16xf32>
          %parallel_loop3A_403 = arith.addf %parallel_loop3A_352, %parallel_loop3A_402 : vector<16xf32>
          %parallel_loop3A_404 = arith.constant 2.000000e-01 : f32
          %parallel_loop3A_405 = vector.broadcast %parallel_loop3A_404 : f32 to vector<16xf32>
          %parallel_loop3A_406 = arith.mulf %parallel_loop3A_405, %parallel_loop3A_403 : vector<16xf32>
          %parallel_loop3A_407 = arith.maximumf %parallel_loop3A_403, %parallel_loop3A_406 : vector<16xf32>
          %parallel_loop3A_408 = arith.mulf %parallel_loop3A_407, %get3A_15 : vector<16xf32>
          %parallel_loop3A_409 = arith.addf %parallel_loop3A_378, %parallel_loop3A_408 : vector<16xf32>
          %parallel_loop3A_410 = arith.index_cast %parallel_loop3A_336 : i32 to index
          %parallel_loop3A_411 = arith.constant 64 : index
          %parallel_loop3A_412 = tpu.vector_load %arg15[%parallel_loop3A_410, %parallel_loop3A_411] {strides = array<i32>} : memref<48x144xf32, #tpu.memory_space<vmem>>, vector<1x16xf32>,
          %parallel_loop3A_413 = vector.shape_cast %parallel_loop3A_412 : vector<1x16xf32> to vector<16xf32>
          %parallel_loop3A_414 = arith.addf %parallel_loop3A_356, %parallel_loop3A_413 : vector<16xf32>
          %parallel_loop3A_415 = arith.constant 2.000000e-01 : f32
          %parallel_loop3A_416 = vector.broadcast %parallel_loop3A_415 : f32 to vector<16xf32>
          %parallel_loop3A_417 = arith.mulf %parallel_loop3A_416, %parallel_loop3A_414 : vector<16xf32>
          %parallel_loop3A_418 = arith.maximumf %parallel_loop3A_414, %parallel_loop3A_417 : vector<16xf32>
          %parallel_loop3A_419 = arith.mulf %parallel_loop3A_418, %get3A_18 : vector<16xf32>
          %parallel_loop3A_420 = arith.addf %parallel_loop3A_388, %parallel_loop3A_419 : vector<16xf32>
          %parallel_loop3A_421 = arith.index_cast %parallel_loop3A_336 : i32 to index
          %parallel_loop3A_422 = arith.constant 80 : index
          %parallel_loop3A_423 = tpu.vector_load %arg15[%parallel_loop3A_421, %parallel_loop3A_422] {strides = array<i32>} : memref<48x144xf32, #tpu.memory_space<vmem>>, vector<1x16xf32>,
          %parallel_loop3A_424 = vector.shape_cast %parallel_loop3A_423 : vector<1x16xf32> to vector<16xf32>
          %parallel_loop3A_425 = arith.addf %parallel_loop3A_360, %parallel_loop3A_424 : vector<16xf32>
          %parallel_loop3A_426 = arith.constant 2.000000e-01 : f32
          %parallel_loop3A_427 = vector.broadcast %parallel_loop3A_426 : f32 to vector<16xf32>
          %parallel_loop3A_428 = arith.mulf %parallel_loop3A_427, %parallel_loop3A_425 : vector<16xf32>
          %parallel_loop3A_429 = arith.maximumf %parallel_loop3A_425, %parallel_loop3A_428 : vector<16xf32>
          %parallel_loop3A_430 = arith.mulf %parallel_loop3A_429, %get3A_21 : vector<16xf32>
          %parallel_loop3A_431 = arith.addf %parallel_loop3A_398, %parallel_loop3A_430 : vector<16xf32>
          %parallel_loop3A_432 = arith.index_cast %parallel_loop3A_336 : i32 to index
          %parallel_loop3A_433 = arith.constant 96 : index
          %parallel_loop3A_434 = tpu.vector_load %arg15[%parallel_loop3A_432, %parallel_loop3A_433] {strides = array<i32>} : memref<48x144xf32, #tpu.memory_space<vmem>>, vector<1x16xf32>,
          %parallel_loop3A_435 = vector.shape_cast %parallel_loop3A_434 : vector<1x16xf32> to vector<16xf32>
          %parallel_loop3A_436 = arith.addf %parallel_loop3A_364, %parallel_loop3A_435 : vector<16xf32>
          %parallel_loop3A_437 = arith.constant 2.000000e-01 : f32
          %parallel_loop3A_438 = vector.broadcast %parallel_loop3A_437 : f32 to vector<16xf32>
          %parallel_loop3A_439 = arith.mulf %parallel_loop3A_438, %parallel_loop3A_436 : vector<16xf32>
          %parallel_loop3A_440 = arith.maximumf %parallel_loop3A_436, %parallel_loop3A_439 : vector<16xf32>
          %parallel_loop3A_441 = arith.mulf %parallel_loop3A_440, %get3A_24 : vector<16xf32>
          %parallel_loop3A_442 = arith.addf %parallel_loop3A_409, %parallel_loop3A_441 : vector<16xf32>
          %parallel_loop3A_443 = arith.index_cast %parallel_loop3A_336 : i32 to index
          %parallel_loop3A_444 = arith.constant 112 : index
          %parallel_loop3A_445 = tpu.vector_load %arg15[%parallel_loop3A_443, %parallel_loop3A_444] {strides = array<i32>} : memref<48x144xf32, #tpu.memory_space<vmem>>, vector<1x16xf32>,
          %parallel_loop3A_446 = vector.shape_cast %parallel_loop3A_445 : vector<1x16xf32> to vector<16xf32>
          %parallel_loop3A_447 = arith.addf %parallel_loop3A_368, %parallel_loop3A_446 : vector<16xf32>
          %parallel_loop3A_448 = arith.constant 2.000000e-01 : f32
          %parallel_loop3A_449 = vector.broadcast %parallel_loop3A_448 : f32 to vector<16xf32>
          %parallel_loop3A_450 = arith.mulf %parallel_loop3A_449, %parallel_loop3A_447 : vector<16xf32>
          %parallel_loop3A_451 = arith.maximumf %parallel_loop3A_447, %parallel_loop3A_450 : vector<16xf32>
          %parallel_loop3A_452 = arith.mulf %parallel_loop3A_451, %get3A_27 : vector<16xf32>
          %parallel_loop3A_453 = arith.addf %parallel_loop3A_420, %parallel_loop3A_452 : vector<16xf32>
          %parallel_loop3A_454 = arith.index_cast %parallel_loop3A_336 : i32 to index
          %parallel_loop3A_455 = arith.constant 128 : index
          %parallel_loop3A_456 = tpu.vector_load %arg15[%parallel_loop3A_454, %parallel_loop3A_455] {strides = array<i32>} : memref<48x144xf32, #tpu.memory_space<vmem>>, vector<1x16xf32>,
          %parallel_loop3A_457 = vector.shape_cast %parallel_loop3A_456 : vector<1x16xf32> to vector<16xf32>
          %parallel_loop3A_458 = arith.addf %max3A_34, %parallel_loop3A_457 : vector<16xf32>
          %parallel_loop3A_459 = arith.constant 2.000000e-01 : f32
          %parallel_loop3A_460 = vector.broadcast %parallel_loop3A_459 : f32 to vector<16xf32>
          %parallel_loop3A_461 = arith.mulf %parallel_loop3A_460, %parallel_loop3A_458 : vector<16xf32>
          %parallel_loop3A_462 = arith.maximumf %parallel_loop3A_458, %parallel_loop3A_461 : vector<16xf32>
          %parallel_loop3A_463 = arith.addf %parallel_loop3A_442, %parallel_loop3A_453 : vector<16xf32>
          %parallel_loop3A_464 = arith.mulf %parallel_loop3A_462, %get3A_30 : vector<16xf32>
          %parallel_loop3A_465 = arith.addf %parallel_loop3A_431, %parallel_loop3A_464 : vector<16xf32>
          %parallel_loop3A_466 = arith.addf %parallel_loop3A_463, %parallel_loop3A_465 : vector<16xf32>
          %parallel_loop3A_467 = arith.constant 15 : i32
          %parallel_loop3A_468 = vector.broadcast %parallel_loop3A_467 : i32 to vector<16xi32>
          %parallel_loop3A_469 = tpu.iota {dimensions = array<i32: 0>} : vector<16xi32>
          %parallel_loop3A_470 = arith.subi %parallel_loop3A_468, %parallel_loop3A_469 : vector<16xi32>
          %parallel_loop3A_471 = tpu.dynamic_gather %parallel_loop3A_466[%parallel_loop3A_470] in [0] : vector<16xf32>, vector<16xi32> -> vector<16xf32>
          %parallel_loop3A_472 = arith.addf %parallel_loop3A_466, %parallel_loop3A_471 : vector<16xf32>
          %parallel_loop3A_473 = vector.extract_strided_slice %parallel_loop3A_472 {offsets = [0], sizes = [1], strides = [1]} : vector<16xf32> to vector<1xf32>
          %parallel_loop3A_474 = vector.extract %parallel_loop3A_473[0] : f32 from vector<1xf32>
          %parallel_loop3A_475 = vector.extract_strided_slice %parallel_loop3A_472 {offsets = [1], sizes = [1], strides = [1]} : vector<16xf32> to vector<1xf32>
          %parallel_loop3A_476 = vector.extract %parallel_loop3A_475[0] : f32 from vector<1xf32>
          %parallel_loop3A_477 = arith.addf %parallel_loop3A_474, %parallel_loop3A_476 : f32
          %parallel_loop3A_478 = vector.extract_strided_slice %parallel_loop3A_472 {offsets = [2], sizes = [1], strides = [1]} : vector<16xf32> to vector<1xf32>
          %parallel_loop3A_479 = vector.extract %parallel_loop3A_478[0] : f32 from vector<1xf32>
          %parallel_loop3A_480 = vector.extract_strided_slice %parallel_loop3A_472 {offsets = [3], sizes = [1], strides = [1]} : vector<16xf32> to vector<1xf32>
          %parallel_loop3A_481 = vector.extract %parallel_loop3A_480[0] : f32 from vector<1xf32>
          %parallel_loop3A_482 = arith.addf %parallel_loop3A_479, %parallel_loop3A_481 : f32
          %parallel_loop3A_483 = arith.addf %parallel_loop3A_477, %parallel_loop3A_482 : f32
          %parallel_loop3A_484 = vector.extract_strided_slice %parallel_loop3A_472 {offsets = [4], sizes = [1], strides = [1]} : vector<16xf32> to vector<1xf32>
          %parallel_loop3A_485 = vector.extract %parallel_loop3A_484[0] : f32 from vector<1xf32>
          %parallel_loop3A_486 = vector.extract_strided_slice %parallel_loop3A_472 {offsets = [5], sizes = [1], strides = [1]} : vector<16xf32> to vector<1xf32>
          %parallel_loop3A_487 = vector.extract %parallel_loop3A_486[0] : f32 from vector<1xf32>
          %parallel_loop3A_488 = arith.addf %parallel_loop3A_485, %parallel_loop3A_487 : f32
          %parallel_loop3A_489 = vector.extract_strided_slice %parallel_loop3A_472 {offsets = [6], sizes = [1], strides = [1]} : vector<16xf32> to vector<1xf32>
          %parallel_loop3A_490 = vector.extract %parallel_loop3A_489[0] : f32 from vector<1xf32>
          %parallel_loop3A_491 = vector.extract_strided_slice %parallel_loop3A_472 {offsets = [7], sizes = [1], strides = [1]} : vector<16xf32> to vector<1xf32>
          %parallel_loop3A_492 = vector.extract %parallel_loop3A_491[0] : f32 from vector<1xf32>
          %parallel_loop3A_493 = arith.addf %parallel_loop3A_490, %parallel_loop3A_492 : f32
          %parallel_loop3A_494 = arith.addf %parallel_loop3A_488, %parallel_loop3A_493 : f32
          %parallel_loop3A_495 = arith.addf %parallel_loop3A_483, %parallel_loop3A_494 : f32
          %parallel_loop3A_496 = vector.broadcast %parallel_loop3A_495 : f32 to vector<16xf32>
          %parallel_loop3A_497 = math.exp %parallel_loop3A_496 : vector<16xf32>
          %parallel_loop3A_498 = arith.mulf %parallel_loop3A_340, %parallel_loop3A_497 : vector<16xf32>
          %parallel_loop3A_499 = arith.index_cast %parallel_loop3A_336 : i32 to index
          %parallel_loop3A_500 = arith.constant 0 : index
          %parallel_loop3A_501 = tpu.vector_load %arg13[%parallel_loop3A_499, %parallel_loop3A_500] {strides = array<i32>} : memref<48x144xf32, #tpu.memory_space<vmem>>, vector<1x16xf32>,
          %parallel_loop3A_502 = vector.shape_cast %parallel_loop3A_501 : vector<1x16xf32> to vector<16xf32>
          %parallel_loop3A_503 = vector.shape_cast %parallel_loop3A_498 : vector<16xf32> to vector<1x16xf32>
          tpu.vector_store %arg13[%parallel_loop3A_499, %parallel_loop3A_500], %parallel_loop3A_503 {strides = array<i32>} : memref<48x144xf32, #tpu.memory_space<vmem>>, vector<1x16xf32>,
          %parallel_loop3A_504 = arith.mulf %parallel_loop3A_344, %parallel_loop3A_497 : vector<16xf32>
          %parallel_loop3A_505 = arith.index_cast %parallel_loop3A_336 : i32 to index
          %parallel_loop3A_506 = arith.constant 16 : index
          %parallel_loop3A_507 = tpu.vector_load %arg13[%parallel_loop3A_505, %parallel_loop3A_506] {strides = array<i32>} : memref<48x144xf32, #tpu.memory_space<vmem>>, vector<1x16xf32>,
          %parallel_loop3A_508 = vector.shape_cast %parallel_loop3A_507 : vector<1x16xf32> to vector<16xf32>
          %parallel_loop3A_509 = vector.shape_cast %parallel_loop3A_504 : vector<16xf32> to vector<1x16xf32>
          tpu.vector_store %arg13[%parallel_loop3A_505, %parallel_loop3A_506], %parallel_loop3A_509 {strides = array<i32>} : memref<48x144xf32, #tpu.memory_space<vmem>>, vector<1x16xf32>,
          %parallel_loop3A_510 = arith.mulf %parallel_loop3A_348, %parallel_loop3A_497 : vector<16xf32>
          %parallel_loop3A_511 = arith.index_cast %parallel_loop3A_336 : i32 to index
          %parallel_loop3A_512 = arith.constant 32 : index
          %parallel_loop3A_513 = tpu.vector_load %arg13[%parallel_loop3A_511, %parallel_loop3A_512] {strides = array<i32>} : memref<48x144xf32, #tpu.memory_space<vmem>>, vector<1x16xf32>,
          %parallel_loop3A_514 = vector.shape_cast %parallel_loop3A_513 : vector<1x16xf32> to vector<16xf32>
          %parallel_loop3A_515 = vector.shape_cast %parallel_loop3A_510 : vector<16xf32> to vector<1x16xf32>
          tpu.vector_store %arg13[%parallel_loop3A_511, %parallel_loop3A_512], %parallel_loop3A_515 {strides = array<i32>} : memref<48x144xf32, #tpu.memory_space<vmem>>, vector<1x16xf32>,
          %parallel_loop3A_516 = arith.mulf %parallel_loop3A_352, %parallel_loop3A_497 : vector<16xf32>
          %parallel_loop3A_517 = arith.index_cast %parallel_loop3A_336 : i32 to index
          %parallel_loop3A_518 = arith.constant 48 : index
          %parallel_loop3A_519 = tpu.vector_load %arg13[%parallel_loop3A_517, %parallel_loop3A_518] {strides = array<i32>} : memref<48x144xf32, #tpu.memory_space<vmem>>, vector<1x16xf32>,
          %parallel_loop3A_520 = vector.shape_cast %parallel_loop3A_519 : vector<1x16xf32> to vector<16xf32>
          %parallel_loop3A_521 = vector.shape_cast %parallel_loop3A_516 : vector<16xf32> to vector<1x16xf32>
          tpu.vector_store %arg13[%parallel_loop3A_517, %parallel_loop3A_518], %parallel_loop3A_521 {strides = array<i32>} : memref<48x144xf32, #tpu.memory_space<vmem>>, vector<1x16xf32>,
          %parallel_loop3A_522 = arith.mulf %parallel_loop3A_356, %parallel_loop3A_497 : vector<16xf32>
          %parallel_loop3A_523 = arith.index_cast %parallel_loop3A_336 : i32 to index
          %parallel_loop3A_524 = arith.constant 64 : index
          %parallel_loop3A_525 = tpu.vector_load %arg13[%parallel_loop3A_523, %parallel_loop3A_524] {strides = array<i32>} : memref<48x144xf32, #tpu.memory_space<vmem>>, vector<1x16xf32>,
          %parallel_loop3A_526 = vector.shape_cast %parallel_loop3A_525 : vector<1x16xf32> to vector<16xf32>
          %parallel_loop3A_527 = vector.shape_cast %parallel_loop3A_522 : vector<16xf32> to vector<1x16xf32>
          tpu.vector_store %arg13[%parallel_loop3A_523, %parallel_loop3A_524], %parallel_loop3A_527 {strides = array<i32>} : memref<48x144xf32, #tpu.memory_space<vmem>>, vector<1x16xf32>,
          %parallel_loop3A_528 = arith.mulf %parallel_loop3A_360, %parallel_loop3A_497 : vector<16xf32>
          %parallel_loop3A_529 = arith.index_cast %parallel_loop3A_336 : i32 to index
          %parallel_loop3A_530 = arith.constant 80 : index
          %parallel_loop3A_531 = tpu.vector_load %arg13[%parallel_loop3A_529, %parallel_loop3A_530] {strides = array<i32>} : memref<48x144xf32, #tpu.memory_space<vmem>>, vector<1x16xf32>,
          %parallel_loop3A_532 = vector.shape_cast %parallel_loop3A_531 : vector<1x16xf32> to vector<16xf32>
          %parallel_loop3A_533 = vector.shape_cast %parallel_loop3A_528 : vector<16xf32> to vector<1x16xf32>
          tpu.vector_store %arg13[%parallel_loop3A_529, %parallel_loop3A_530], %parallel_loop3A_533 {strides = array<i32>} : memref<48x144xf32, #tpu.memory_space<vmem>>, vector<1x16xf32>,
          %parallel_loop3A_534 = arith.mulf %parallel_loop3A_364, %parallel_loop3A_497 : vector<16xf32>
          %parallel_loop3A_535 = arith.index_cast %parallel_loop3A_336 : i32 to index
          %parallel_loop3A_536 = arith.constant 96 : index
          %parallel_loop3A_537 = tpu.vector_load %arg13[%parallel_loop3A_535, %parallel_loop3A_536] {strides = array<i32>} : memref<48x144xf32, #tpu.memory_space<vmem>>, vector<1x16xf32>,
          %parallel_loop3A_538 = vector.shape_cast %parallel_loop3A_537 : vector<1x16xf32> to vector<16xf32>
          %parallel_loop3A_539 = vector.shape_cast %parallel_loop3A_534 : vector<16xf32> to vector<1x16xf32>
          tpu.vector_store %arg13[%parallel_loop3A_535, %parallel_loop3A_536], %parallel_loop3A_539 {strides = array<i32>} : memref<48x144xf32, #tpu.memory_space<vmem>>, vector<1x16xf32>,
          %parallel_loop3A_540 = arith.mulf %parallel_loop3A_368, %parallel_loop3A_497 : vector<16xf32>
          %parallel_loop3A_541 = arith.index_cast %parallel_loop3A_336 : i32 to index
          %parallel_loop3A_542 = arith.constant 112 : index
          %parallel_loop3A_543 = tpu.vector_load %arg13[%parallel_loop3A_541, %parallel_loop3A_542] {strides = array<i32>} : memref<48x144xf32, #tpu.memory_space<vmem>>, vector<1x16xf32>,
          %parallel_loop3A_544 = vector.shape_cast %parallel_loop3A_543 : vector<1x16xf32> to vector<16xf32>
          %parallel_loop3A_545 = vector.shape_cast %parallel_loop3A_540 : vector<16xf32> to vector<1x16xf32>
          tpu.vector_store %arg13[%parallel_loop3A_541, %parallel_loop3A_542], %parallel_loop3A_545 {strides = array<i32>} : memref<48x144xf32, #tpu.memory_space<vmem>>, vector<1x16xf32>,
          %parallel_loop3A_546 = arith.mulf %max3A_34, %parallel_loop3A_497 : vector<16xf32>
          %parallel_loop3A_547 = arith.index_cast %parallel_loop3A_336 : i32 to index
          %parallel_loop3A_548 = arith.constant 128 : index
          %parallel_loop3A_549 = tpu.vector_load %arg13[%parallel_loop3A_547, %parallel_loop3A_548] {strides = array<i32>} : memref<48x144xf32, #tpu.memory_space<vmem>>, vector<1x16xf32>,
          %parallel_loop3A_550 = vector.shape_cast %parallel_loop3A_549 : vector<1x16xf32> to vector<16xf32>
          %parallel_loop3A_551 = vector.shape_cast %parallel_loop3A_546 : vector<16xf32> to vector<1x16xf32>
          tpu.vector_store %arg13[%parallel_loop3A_547, %parallel_loop3A_548], %parallel_loop3A_551 {strides = array<i32>} : memref<48x144xf32, #tpu.memory_space<vmem>>, vector<1x16xf32>,
        } {sc.loop_unroll_factor = 1 : i64, sc.parallel_access}
        %dma_start3A_317 = arith.constant 0 : i32
        %dma_start3A_318 = tpu.memref_slice %arg10[%add3A_301, %dma_start3A_317] : memref<30x48xi32, #tpu.memory_space<vmem>> -> memref<1x48xi32, #tpu.memory_space<vmem>>
        %dma_start3A_319 = tpu.memref_squeeze %dma_start3A_318 : memref<1x48xi32, #tpu.memory_space<vmem>> -> memref<48xi32, #tpu.memory_space<vmem>>
        %dma_start3A_320 = arith.constant 0 : i32
        %dma_start3A_321 = arith.constant 0 : i32
        %dma_start3A_322 = tpu.memref_slice %arg17[%dma_start3A_320, %dma_start3A_321] : memref<10240x144xf32, #tpu.memory_space<vmem_shared>> -> memref<10240x144xf32, #tpu.memory_space<vmem_shared>>
        tpu.enqueue_indirect_dma source(%arg13 : memref<48x144xf32, #tpu.memory_space<vmem>>) target(%dma_start3A_322 : memref<10240x144xf32, #tpu.memory_space<vmem_shared>>) offsets(%dma_start3A_319 : memref<48xi32, #tpu.memory_space<vmem>>) semaphore(%arg25 : memref<!tpu.dma_semaphore, #tpu.memory_space<semaphore_mem>>) {add = true}
        %sub3A_323 = arith.constant 1 : i32
        %sub3A_324 = arith.subi %add3A_301, %sub3A_323 : i32
        %dma_wait3A_325 = arith.constant 0 : i32
        %dma_wait3A_326 = tpu.memref_slice %arg10[%sub3A_324, %dma_wait3A_325] : memref<30x48xi32, #tpu.memory_space<vmem>> -> memref<1x48xi32, #tpu.memory_space<vmem>>
        %dma_wait3A_327 = tpu.memref_squeeze %dma_wait3A_326 : memref<1x48xi32, #tpu.memory_space<vmem>> -> memref<48xi32, #tpu.memory_space<vmem>>
        %dma_wait3A_328 = arith.constant 0 : i32
        %dma_wait3A_329 = arith.constant 0 : i32
        %dma_wait3A_330 = tpu.memref_slice %arg17[%dma_wait3A_328, %dma_wait3A_329] : memref<10240x144xf32, #tpu.memory_space<vmem_shared>> -> memref<10240x144xf32, #tpu.memory_space<vmem_shared>>
        tpu.wait_indirect_dma semaphore(%arg24 : memref<!tpu.dma_semaphore, #tpu.memory_space<semaphore_mem>>) src(%arg12 : memref<48x144xf32, #tpu.memory_space<vmem>>) dst(%dma_wait3A_330 : memref<10240x144xf32, #tpu.memory_space<vmem_shared>>)
        %lt3A_331 = arith.constant 4 : i32
        %lt3A_332 = arith.cmpi slt, %scan3A_88, %lt3A_331 : i32
        %convert_element_type3A_333 = arith.extui %lt3A_332 : i1 to i32
        %cond3A_334 = arith.constant 0 : i32
        %cond3A_335 = arith.cmpi ne, %convert_element_type3A_333, %cond3A_334 : i32
        scf.if %cond3A_335 {
          %add3A_336 = arith.constant 2 : i32
          %add3A_337 = arith.addi %add3A_301, %add3A_336 : i32
          %dma_start3A_338 = arith.constant 0 : i32
          %dma_start3A_339 = tpu.memref_slice %arg9[%add3A_337, %dma_start3A_338] : memref<30x48xi32, #tpu.memory_space<vmem>> -> memref<1x48xi32, #tpu.memory_space<vmem>>
          %dma_start3A_340 = tpu.memref_squeeze %dma_start3A_339 : memref<1x48xi32, #tpu.memory_space<vmem>> -> memref<48xi32, #tpu.memory_space<vmem>>
          %dma_start3A_341 = arith.constant 0 : i32
          %dma_start3A_342 = arith.constant 0 : i32
          %dma_start3A_343 = tpu.memref_slice %arg2[%dma_start3A_341, %dma_start3A_342] : memref<10240x144xf32, #tpu.memory_space<hbm>> -> memref<10240x144xf32, #tpu.memory_space<hbm>>
          tpu.enqueue_indirect_dma source(%dma_start3A_343 : memref<10240x144xf32, #tpu.memory_space<hbm>>) target(%arg12 : memref<48x144xf32, #tpu.memory_space<vmem>>) offsets(%dma_start3A_340 : memref<48xi32, #tpu.memory_space<vmem>>) semaphore(%arg19 : memref<!tpu.dma_semaphore, #tpu.memory_space<semaphore_mem>>)
          %dma_start3A_344 = arith.constant 0 : i32
          %dma_start3A_345 = tpu.memref_slice %arg10[%add3A_337, %dma_start3A_344] : memref<30x48xi32, #tpu.memory_space<vmem>> -> memref<1x48xi32, #tpu.memory_space<vmem>>
          %dma_start3A_346 = tpu.memref_squeeze %dma_start3A_345 : memref<1x48xi32, #tpu.memory_space<vmem>> -> memref<48xi32, #tpu.memory_space<vmem>>
          %dma_start3A_347 = arith.constant 0 : i32
          %dma_start3A_348 = arith.constant 0 : i32
          %dma_start3A_349 = tpu.memref_slice %arg3[%dma_start3A_347, %dma_start3A_348] : memref<10240x144xf32, #tpu.memory_space<hbm>> -> memref<10240x144xf32, #tpu.memory_space<hbm>>
          tpu.enqueue_indirect_dma source(%dma_start3A_349 : memref<10240x144xf32, #tpu.memory_space<hbm>>) target(%arg15 : memref<48x144xf32, #tpu.memory_space<vmem>>) offsets(%dma_start3A_346 : memref<48xi32, #tpu.memory_space<vmem>>) semaphore(%arg22 : memref<!tpu.dma_semaphore, #tpu.memory_space<semaphore_mem>>)
        } else {
        }
      }
      %scan3A_81 = arith.constant 5 : i32
      %dma_wait3A = arith.constant 29 : i32
      %dma_wait3A_82 = arith.constant 0 : i32
      %dma_wait3A_83 = tpu.memref_slice %arg10[%dma_wait3A, %dma_wait3A_82] : memref<30x48xi32, #tpu.memory_space<vmem>> -> memref<1x48xi32, #tpu.memory_space<vmem>>
      %dma_wait3A_84 = tpu.memref_squeeze %dma_wait3A_83 : memref<1x48xi32, #tpu.memory_space<vmem>> -> memref<48xi32, #tpu.memory_space<vmem>>
      %dma_wait3A_85 = arith.constant 0 : i32
      %dma_wait3A_86 = arith.constant 0 : i32
      %dma_wait3A_87 = tpu.memref_slice %arg17[%dma_wait3A_85, %dma_wait3A_86] : memref<10240x144xf32, #tpu.memory_space<vmem_shared>> -> memref<10240x144xf32, #tpu.memory_space<vmem_shared>>
      tpu.wait_indirect_dma semaphore(%arg25 : memref<!tpu.dma_semaphore, #tpu.memory_space<semaphore_mem>>) src(%arg13 : memref<48x144xf32, #tpu.memory_space<vmem>>) dst(%dma_wait3A_87 : memref<10240x144xf32, #tpu.memory_space<vmem_shared>>)
    }
    %scan3A_39 = arith.constant 7 : i32
    %barrier3A_40 = arith.constant 0 : index
    tpu.barrier barrier_id(%barrier3A_40)
    %mul3A_41 = arith.constant 640 : i32
    %mul3A_42 = arith.muli %arg1, %mul3A_41 : i32
    %mul3A_43 = arith.constant 640 : i32
    %mul3A_44 = arith.muli %arg1, %mul3A_43 : i32
    "tpu.region"() ({
      %run_scoped3A = tpu.sem_alloc : memref<!tpu.dma_semaphore, #tpu.memory_space<semaphore_mem>>
      %dma_start3A = arith.constant 0 : i32
      %dma_start3A_45 = tpu.memref_slice %arg8[%arg0, %mul3A_44, %dma_start3A] : memref<2x10240x144xf32, #tpu.memory_space<hbm>> -> memref<1x640x144xf32, #tpu.memory_space<hbm>>
      %dma_start3A_46 = tpu.memref_squeeze %dma_start3A_45 : memref<1x640x144xf32, #tpu.memory_space<hbm>> -> memref<640x144xf32, #tpu.memory_space<hbm>>
      %dma_start3A_47 = arith.constant 0 : i32
      %dma_start3A_48 = tpu.memref_slice %arg17[%mul3A_42, %dma_start3A_47] : memref<10240x144xf32, #tpu.memory_space<vmem_shared>> -> memref<640x144xf32, #tpu.memory_space<vmem_shared>>
      tpu.enqueue_dma source(%dma_start3A_48 : memref<640x144xf32, #tpu.memory_space<vmem_shared>>) target(%dma_start3A_46 : memref<640x144xf32, #tpu.memory_space<hbm>>) target_semaphore(%run_scoped3A : memref<!tpu.dma_semaphore, #tpu.memory_space<semaphore_mem>>)
      %dma_wait3A = arith.constant 0 : i32
      %dma_wait3A_49 = tpu.memref_slice %arg8[%arg0, %mul3A_44, %dma_wait3A] : memref<2x10240x144xf32, #tpu.memory_space<hbm>> -> memref<1x640x144xf32, #tpu.memory_space<hbm>>
      %dma_wait3A_50 = tpu.memref_squeeze %dma_wait3A_49 : memref<1x640x144xf32, #tpu.memory_space<hbm>> -> memref<640x144xf32, #tpu.memory_space<hbm>>
      %dma_wait3A_51 = arith.constant 0 : i32
      %dma_wait3A_52 = tpu.memref_slice %arg17[%mul3A_42, %dma_wait3A_51] : memref<10240x144xf32, #tpu.memory_space<vmem_shared>> -> memref<640x144xf32, #tpu.memory_space<vmem_shared>>
      tpu.wait_dma2 semaphore(%run_scoped3A : memref<!tpu.dma_semaphore, #tpu.memory_space<semaphore_mem>>) src(%dma_wait3A_52 : memref<640x144xf32, #tpu.memory_space<vmem_shared>>) dst(%dma_wait3A_50 : memref<640x144xf32, #tpu.memory_space<hbm>>)
      tpu.yield
    }) : () -> ()
    return
  }
}

module attributes {stable_mosaic.version = 14 : i64} {
  func.func @_prep_body(%arg0: i32, %arg1: memref<256x128xf32, #tpu.memory_space<vmem>>, %arg2: memref<128x128xf32, #tpu.memory_space<vmem>>, %arg3: memref<128x128xf32, #tpu.memory_space<vmem>>, %arg4: memref<1x128xf32, #tpu.memory_space<vmem>>, %arg5: memref<1x128xf32, #tpu.memory_space<vmem>>, %arg6: memref<1x128xf32, #tpu.memory_space<vmem>>, %arg7: memref<256x144xf32, #tpu.memory_space<vmem>>, %arg8: memref<256x144xf32, #tpu.memory_space<vmem>>) attributes {dimension_semantics = [#tpu.dimension_semantics<arbitrary>], iteration_bounds = array<i64: 40>, scalar_prefetch = 0 : i64, scratch_operands = 0 : i64, tpu.core_type = #tpu.core_type<tc>, window_params = [{transform_indices = @transform_0, window_bounds = array<i64: 256, 128>}, {pipeline_mode = #tpu.pipeline_mode<synchronous>, transform_indices = @transform_1, window_bounds = array<i64: 128, 128>}, {pipeline_mode = #tpu.pipeline_mode<synchronous>, transform_indices = @transform_2, window_bounds = array<i64: 128, 128>}, {pipeline_mode = #tpu.pipeline_mode<synchronous>, transform_indices = @transform_3, window_bounds = array<i64: 1, 128>}, {pipeline_mode = #tpu.pipeline_mode<synchronous>, transform_indices = @transform_4, window_bounds = array<i64: 1, 128>}, {pipeline_mode = #tpu.pipeline_mode<synchronous>, transform_indices = @transform_5, window_bounds = array<i64: 1, 128>}, {transform_indices = @transform_6, window_bounds = array<i64: 256, 144>}, {transform_indices = @transform_7, window_bounds = array<i64: 256, 144>}]} {
    %get3A = arith.constant 0 : index
    %get3A_0 = arith.constant 0 : index
    %get3A_1 = vector.load %arg1[%get3A, %get3A_0] : memref<256x128xf32, #tpu.memory_space<vmem>>, vector<256x128xf32>
    %get3A_2 = arith.constant 0 : index
    %get3A_3 = arith.constant 0 : index
    %get3A_4 = vector.load %arg2[%get3A_2, %get3A_3] : memref<128x128xf32, #tpu.memory_space<vmem>>, vector<128x128xf32>
    %dot_general3A = arith.constant dense<0.000000e+00> : vector<256x128xf32>
    %dot_general3A_5 = tpu.matmul %get3A_1, %get3A_4, %dot_general3A {dimension_numbers = #tpu.dot_dimension_numbers<[1], [0], [0], [1], [0, 0, 1, 1], [], []>, transpose_lhs_hint = false} : vector<256x128xf32>, vector<128x128xf32>, vector<256x128xf32> -> vector<256x128xf32>
    %get3A_6 = arith.constant 0 : index
    %get3A_7 = arith.constant 0 : index
    %get3A_8 = vector.load %arg4[%get3A_6, %get3A_7] : memref<1x128xf32, #tpu.memory_space<vmem>>, vector<1x128xf32>
    %add3A = vector.broadcast %get3A_8 : vector<1x128xf32> to vector<256x128xf32>
    %add3A_9 = arith.addf %dot_general3A_5, %add3A : vector<256x128xf32>
    %get3A_10 = arith.constant 0 : index
    %get3A_11 = arith.constant 0 : index
    %get3A_12 = vector.load %arg3[%get3A_10, %get3A_11] : memref<128x128xf32, #tpu.memory_space<vmem>>, vector<128x128xf32>
    %dot_general3A_13 = arith.constant dense<0.000000e+00> : vector<256x128xf32>
    %dot_general3A_14 = tpu.matmul %get3A_1, %get3A_12, %dot_general3A_13 {dimension_numbers = #tpu.dot_dimension_numbers<[1], [0], [0], [1], [0, 0, 1, 1], [], []>, transpose_lhs_hint = false} : vector<256x128xf32>, vector<128x128xf32>, vector<256x128xf32> -> vector<256x128xf32>
    %get3A_15 = arith.constant 0 : index
    %get3A_16 = arith.constant 0 : index
    %get3A_17 = vector.load %arg5[%get3A_15, %get3A_16] : memref<1x128xf32, #tpu.memory_space<vmem>>, vector<1x128xf32>
    %add3A_18 = vector.broadcast %get3A_17 : vector<1x128xf32> to vector<256x128xf32>
    %add3A_19 = arith.addf %dot_general3A_14, %add3A_18 : vector<256x128xf32>
    %add3A_20 = arith.addf %add3A_9, %add3A_19 : vector<256x128xf32>
    %mul3A = arith.constant 2.000000e-01 : f32
    %mul3A_21 = vector.broadcast %mul3A : f32 to vector<256x128xf32>
    %mul3A_22 = arith.mulf %mul3A_21, %add3A_20 : vector<256x128xf32>
    %max3A = arith.maximumf %add3A_20, %mul3A_22 : vector<256x128xf32>
    %get3A_23 = arith.constant 0 : index
    %get3A_24 = arith.constant 0 : index
    %get3A_25 = vector.load %arg6[%get3A_23, %get3A_24] : memref<1x128xf32, #tpu.memory_space<vmem>>, vector<1x128xf32>
    %mul3A_26 = vector.broadcast %get3A_25 : vector<1x128xf32> to vector<256x128xf32>
    %mul3A_27 = arith.mulf %max3A, %mul3A_26 : vector<256x128xf32>
    %reduce_sum3A = arith.constant dense<0.000000e+00> : vector<256xf32>
    %reduce_sum3A_28 = vector.multi_reduction <add>, %mul3A_27, %reduce_sum3A [1] : vector<256x128xf32> to vector<256xf32>
    %broadcast_in_dim3A = vector.shape_cast %reduce_sum3A_28 : vector<256xf32> to vector<256x1xf32>
    %mul3A_29 = arith.constant 0.833333313 : f32
    %mul3A_30 = vector.broadcast %mul3A_29 : f32 to vector<256x1xf32>
    %mul3A_31 = arith.mulf %broadcast_in_dim3A, %mul3A_30 : vector<256x1xf32>
    %broadcast_in_dim3A_32 = arith.constant 1.000000e+00 : f32
    %broadcast_in_dim3A_33 = vector.broadcast %broadcast_in_dim3A_32 : f32 to vector<256x1xf32>
    %broadcast_in_dim3A_34 = arith.constant 0.000000e+00 : f32
    %broadcast_in_dim3A_35 = vector.broadcast %broadcast_in_dim3A_34 : f32 to vector<256x15xf32>
    %concatenate3A = tpu.concatenate %add3A_9, %broadcast_in_dim3A_33, %broadcast_in_dim3A_35 in 1 : vector<256x128xf32>, vector<256x1xf32>, vector<256x15xf32> -> vector<256x144xf32>
    %swap3A = arith.constant 0 : index
    %swap3A_36 = arith.constant 0 : index
    %swap3A_37 = vector.load %arg7[%swap3A, %swap3A_36] : memref<256x144xf32, #tpu.memory_space<vmem>>, vector<256x144xf32>
    tpu.vector_store %arg7[%swap3A, %swap3A_36], %concatenate3A {strides = array<i32>} : memref<256x144xf32, #tpu.memory_space<vmem>>, vector<256x144xf32>,
    %sub3A = arith.constant 1.000000e+00 : f32
    %sub3A_38 = vector.broadcast %sub3A : f32 to vector<256x1xf32>
    %sub3A_39 = arith.subf %mul3A_31, %sub3A_38 : vector<256x1xf32>
    %neg3A = arith.constant 0.000000e+00 : f32
    %neg3A_40 = vector.broadcast %neg3A : f32 to vector<256x1xf32>
    %neg3A_41 = arith.subf %neg3A_40, %mul3A_31 : vector<256x1xf32>
    %broadcast_in_dim3A_42 = arith.constant 0.000000e+00 : f32
    %broadcast_in_dim3A_43 = vector.broadcast %broadcast_in_dim3A_42 : f32 to vector<256x14xf32>
    %concatenate3A_44 = tpu.concatenate %add3A_19, %sub3A_39, %neg3A_41, %broadcast_in_dim3A_43 in 1 : vector<256x128xf32>, vector<256x1xf32>, vector<256x1xf32>, vector<256x14xf32> -> vector<256x144xf32>
    %swap3A_45 = arith.constant 0 : index
    %swap3A_46 = arith.constant 0 : index
    %swap3A_47 = vector.load %arg8[%swap3A_45, %swap3A_46] : memref<256x144xf32, #tpu.memory_space<vmem>>, vector<256x144xf32>
    tpu.vector_store %arg8[%swap3A_45, %swap3A_46], %concatenate3A_44 {strides = array<i32>} : memref<256x144xf32, #tpu.memory_space<vmem>>, vector<256x144xf32>,
    return
  }
  func.func @transform_0(%arg0: i32) -> (i32, i32) {
    %c0_i32 = arith.constant 0 : i32
    %c0_i32_0 = arith.constant 0 : i32
    return %arg0, %c0_i32 : i32, i32
  }
  func.func @transform_1(%arg0: i32) -> (i32, i32) {
    %c0_i32 = arith.constant 0 : i32
    %c0_i32_0 = arith.constant 0 : i32
    %c0_i32_1 = arith.constant 0 : i32
    return %c0_i32, %c0_i32_0 : i32, i32
  }
  func.func @transform_2(%arg0: i32) -> (i32, i32) {
    %c0_i32 = arith.constant 0 : i32
    %c0_i32_0 = arith.constant 0 : i32
    %c0_i32_1 = arith.constant 0 : i32
    return %c0_i32, %c0_i32_0 : i32, i32
  }
  func.func @transform_3(%arg0: i32) -> (i32, i32) {
    %c0_i32 = arith.constant 0 : i32
    %c0_i32_0 = arith.constant 0 : i32
    %c0_i32_1 = arith.constant 0 : i32
    return %c0_i32, %c0_i32_0 : i32, i32
  }
  func.func @transform_4(%arg0: i32) -> (i32, i32) {
    %c0_i32 = arith.constant 0 : i32
    %c0_i32_0 = arith.constant 0 : i32
    %c0_i32_1 = arith.constant 0 : i32
    return %c0_i32, %c0_i32_0 : i32, i32
  }
  func.func @transform_5(%arg0: i32) -> (i32, i32) {
    %c0_i32 = arith.constant 0 : i32
    %c0_i32_0 = arith.constant 0 : i32
    %c0_i32_1 = arith.constant 0 : i32
    return %c0_i32, %c0_i32_0 : i32, i32
  }
  func.func @transform_6(%arg0: i32) -> (i32, i32) {
    %c0_i32 = arith.constant 0 : i32
    %c0_i32_0 = arith.constant 0 : i32
    return %arg0, %c0_i32 : i32, i32
  }
  func.func @transform_7(%arg0: i32) -> (i32, i32) {
    %c0_i32 = arith.constant 0 : i32
    %c0_i32_0 = arith.constant 0 : i32
    return %arg0, %c0_i32 : i32, i32
  }
}

module attributes {stable_mosaic.version = 14 : i64} {
  func.func @_final_body(%arg0: i32, %arg1: memref<2x256x144xf32, #tpu.memory_space<vmem>>, %arg2: memref<256x144xf32, #tpu.memory_space<vmem>>, %arg3: memref<1x128xf32, #tpu.memory_space<vmem>>, %arg4: memref<128x128xf32, #tpu.memory_space<vmem>>, %arg5: memref<1x128xf32, #tpu.memory_space<vmem>>, %arg6: memref<256x128xf32, #tpu.memory_space<vmem>>) attributes {dimension_semantics = [#tpu.dimension_semantics<arbitrary>], iteration_bounds = array<i64: 40>, scalar_prefetch = 0 : i64, scratch_operands = 0 : i64, tpu.core_type = #tpu.core_type<tc>, window_params = [{transform_indices = @transform_0, window_bounds = array<i64: 2, 256, 144>}, {transform_indices = @transform_1, window_bounds = array<i64: 256, 144>}, {pipeline_mode = #tpu.pipeline_mode<synchronous>, transform_indices = @transform_2, window_bounds = array<i64: 1, 128>}, {pipeline_mode = #tpu.pipeline_mode<synchronous>, transform_indices = @transform_3, window_bounds = array<i64: 128, 128>}, {pipeline_mode = #tpu.pipeline_mode<synchronous>, transform_indices = @transform_4, window_bounds = array<i64: 1, 128>}, {transform_indices = @transform_5, window_bounds = array<i64: 256, 128>}]} {
    %get3A = arith.constant 0 : index
    %get3A_0 = arith.constant 0 : index
    %get3A_1 = arith.constant 0 : index
    %get3A_2 = vector.load %arg1[%get3A, %get3A_0, %get3A_1] : memref<2x256x144xf32, #tpu.memory_space<vmem>>, vector<1x256x144xf32>
    %get3A_3 = vector.shape_cast %get3A_2 : vector<1x256x144xf32> to vector<256x144xf32>
    %get3A_4 = arith.constant 1 : index
    %get3A_5 = arith.constant 0 : index
    %get3A_6 = arith.constant 0 : index
    %get3A_7 = vector.load %arg1[%get3A_4, %get3A_5, %get3A_6] : memref<2x256x144xf32, #tpu.memory_space<vmem>>, vector<1x256x144xf32>
    %get3A_8 = vector.shape_cast %get3A_7 : vector<1x256x144xf32> to vector<256x144xf32>
    %add3A = arith.addf %get3A_3, %get3A_8 : vector<256x144xf32>
    %slice3A = vector.extract_strided_slice %add3A {offsets = [0, 0], sizes = [256, 128], strides = [1, 1]} : vector<256x144xf32> to vector<256x128xf32>
    %get3A_9 = arith.constant 0 : index
    %get3A_10 = arith.constant 0 : index
    %get3A_11 = vector.load %arg2[%get3A_9, %get3A_10] : memref<256x144xf32, #tpu.memory_space<vmem>>, vector<256x128xf32>
    %add3A_12 = arith.addf %slice3A, %get3A_11 : vector<256x128xf32>
    %slice3A_13 = vector.extract_strided_slice %add3A {offsets = [0, 128], sizes = [256, 1], strides = [1, 1]} : vector<256x144xf32> to vector<256x1xf32>
    %add3A_14 = arith.constant 1.000000e+00 : f32
    %add3A_15 = vector.broadcast %add3A_14 : f32 to vector<256x1xf32>
    %add3A_16 = arith.addf %slice3A_13, %add3A_15 : vector<256x1xf32>
    %div3A = vector.broadcast %add3A_16 : vector<256x1xf32> to vector<256x128xf32>
    %div3A_17 = arith.divf %add3A_12, %div3A : vector<256x128xf32>
    %get3A_18 = arith.constant 0 : index
    %get3A_19 = arith.constant 0 : index
    %get3A_20 = vector.load %arg3[%get3A_18, %get3A_19] : memref<1x128xf32, #tpu.memory_space<vmem>>, vector<1x128xf32>
    %add3A_21 = vector.broadcast %get3A_20 : vector<1x128xf32> to vector<256x128xf32>
    %add3A_22 = arith.addf %div3A_17, %add3A_21 : vector<256x128xf32>
    %gt3A = arith.constant 0.000000e+00 : f32
    %gt3A_23 = vector.broadcast %gt3A : f32 to vector<256x128xf32>
    %gt3A_24 = arith.cmpf ogt, %add3A_22, %gt3A_23 : vector<256x128xf32>
    %min3A = arith.constant 0.000000e+00 : f32
    %min3A_25 = vector.broadcast %min3A : f32 to vector<256x128xf32>
    %min3A_26 = arith.minimumf %add3A_22, %min3A_25 : vector<256x128xf32>
    %exp3A = math.exp %min3A_26 : vector<256x128xf32>
    %sub3A = arith.constant 1.000000e+00 : f32
    %sub3A_27 = vector.broadcast %sub3A : f32 to vector<256x128xf32>
    %sub3A_28 = arith.subf %exp3A, %sub3A_27 : vector<256x128xf32>
    %select_n3A = arith.select %gt3A_24, %add3A_22, %sub3A_28 : vector<256x128xi1>, vector<256x128xf32>
    %get3A_29 = arith.constant 0 : index
    %get3A_30 = arith.constant 0 : index
    %get3A_31 = vector.load %arg4[%get3A_29, %get3A_30] : memref<128x128xf32, #tpu.memory_space<vmem>>, vector<128x128xf32>
    %dot_general3A = arith.constant dense<0.000000e+00> : vector<256x128xf32>
    %dot_general3A_32 = tpu.matmul %select_n3A, %get3A_31, %dot_general3A {dimension_numbers = #tpu.dot_dimension_numbers<[1], [0], [0], [1], [0, 0, 1, 1], [], []>, transpose_lhs_hint = false} : vector<256x128xf32>, vector<128x128xf32>, vector<256x128xf32> -> vector<256x128xf32>
    %get3A_33 = arith.constant 0 : index
    %get3A_34 = arith.constant 0 : index
    %get3A_35 = vector.load %arg5[%get3A_33, %get3A_34] : memref<1x128xf32, #tpu.memory_space<vmem>>, vector<1x128xf32>
    %add3A_36 = vector.broadcast %get3A_35 : vector<1x128xf32> to vector<256x128xf32>
    %add3A_37 = arith.addf %dot_general3A_32, %add3A_36 : vector<256x128xf32>
    %swap3A = arith.constant 0 : index
    %swap3A_38 = arith.constant 0 : index
    %swap3A_39 = vector.load %arg6[%swap3A, %swap3A_38] : memref<256x128xf32, #tpu.memory_space<vmem>>, vector<256x128xf32>
    tpu.vector_store %arg6[%swap3A, %swap3A_38], %add3A_37 {strides = array<i32>} : memref<256x128xf32, #tpu.memory_space<vmem>>, vector<256x128xf32>,
    return
  }
  func.func @transform_0(%arg0: i32) -> (i32, i32, i32) {
    %c0_i32 = arith.constant 0 : i32
    %c0_i32_0 = arith.constant 0 : i32
    %c0_i32_1 = arith.constant 0 : i32
    return %c0_i32, %arg0, %c0_i32_0 : i32, i32, i32
  }
  func.func @transform_1(%arg0: i32) -> (i32, i32) {
    %c0_i32 = arith.constant 0 : i32
    %c0_i32_0 = arith.constant 0 : i32
    return %arg0, %c0_i32 : i32, i32
  }
  func.func @transform_2(%arg0: i32) -> (i32, i32) {
    %c0_i32 = arith.constant 0 : i32
    %c0_i32_0 = arith.constant 0 : i32
    %c0_i32_1 = arith.constant 0 : i32
    return %c0_i32, %c0_i32_0 : i32, i32
  }
  func.func @transform_3(%arg0: i32) -> (i32, i32) {
    %c0_i32 = arith.constant 0 : i32
    %c0_i32_0 = arith.constant 0 : i32
    %c0_i32_1 = arith.constant 0 : i32
    return %c0_i32, %c0_i32_0 : i32, i32
  }
  func.func @transform_4(%arg0: i32) -> (i32, i32) {
    %c0_i32 = arith.constant 0 : i32
    %c0_i32_0 = arith.constant 0 : i32
    %c0_i32_1 = arith.constant 0 : i32
    return %c0_i32, %c0_i32_0 : i32, i32
  }
  func.func @transform_5(%arg0: i32) -> (i32, i32) {
    %c0_i32 = arith.constant 0 : i32
    %c0_i32_0 = arith.constant 0 : i32
    return %arg0, %c0_i32 : i32, i32
  }
}

</mosaic_0001>

<sc_bundles>
// kernel: kernel.5.cloned.1.call-start
scs
__scs_entry_jumppad:
0x0: {  	(pc) =	sbr.rel $0x88, $3  }
0x1: {  	(tag) =	ssettag $0x0;
	lr =	simm.s32 $0x1  }
0x2: {  	[smem:$0x3F97] =	sst lr;
	_ =	strace $0xD0000000  }
0x3: {  	_ = 	snop  }
0x4: {  	_ = 	snop  }
0x5: {  	_ = 	snop  }
0x6: {  	_ = 	snop  }
0x7: {  	_ = 	snop  }
__scs_overlays_trampoline_lowered:
0x8: {  	[smem:$0x3FA6] =	sst s0  }
0x9: {  	[smem:$0x3FA7] =	sst s1  }
0xa: {  	[smem:$0x3FA8] =	sst s2  }
0xb: {  	[smem:$0x3FA9] =	sst s3  }
0xc: {  	[smem:$0x3FAA] =	sst s4  }
0xd: {  	[smem:$0x3FAB] =	sst s5  }
0xe: {  	[smem:$0x3FAC] =	sst s6  }
0xf: {  	[smem:$0x3FAD] =	sst s7  }
0x10: {  	[smem:$0x3FAE] =	sst s8  }
0x11: {  	[smem:$0x3FAF] =	sst s9;
	s0 =	simm.s32 @!p0 $0x0  }
0x12: {  	s1 =	sld [smem:$0x3F95];
	s0 =	simm.s32 @p0 $0x1  }
0x13: {  	[smem:$0x3FB0] =	sst s0;
	s0 =	simm.s32 @!p1 $0x0  }
0x14: {  	s2 =	sld [smem:$0x3F94];
	s0 =	simm.s32 @p1 $0x1  }
0x15: {  	[smem:$0x3FB1] =	sst s0;
	s0 =	simm.s32 @!p2 $0x0  }
0x16: {  	s3 =	sld [smem:$0x3FDB];
	s0 =	simm.s32 @p2 $0x1  }
0x17: {  	s4 =	simm.s32 $0x1BF5;
	[smem:$0x3FB3] =	sst s0  }
0x18: {  	s0 =	sld [smem:$0x3F96];
	_ =	swait.ge [sflag:s4], $0x0  }
0x19: {  	s7 =	sld [smem:$0x3F97]  }
0x1a: {  	s8 =	sadd.s32 $0xFFFFE003, lr  }
0x1b: {  	s9 =	sadd.s32 $0xFFFFFEF7, lr;
	s5 =	simm.s32 $0xFFFFFFFF;
	p2 =	slt.u32 s8, $0xFFFFF086  }
0x1c: {  	p1 =	slt.u32 s9, $0xF7A;
	s5 =	simm.s32 @!p2 $0x0  }
0x1d: {  	s5 =	simm.s32 @p1 $0x1;
	p0 =	seq.s32 s7, s2  }
0x1e: {  	s7 =	smul.u32 @!p0 $0xF7A, s2;
	p2 =	seq.s32 @!p0 s5, $0x0  }
0x1f: {  	s9 =	smul.u32 $0xF7A, s1;
	s8 =	simm.s32 @!p0 $0x1BF5;
	p2 =	por !p2, p0  }
0x20: {  	[sflag:s8] =	ssyncset.s32 @!p0 $0xFFFFF086;
	s6 =	sadd.s32 @!p0 s3, s7;
	s7 =	simm.s32 @!p0 $0x108  }
0x21: {  	s3 =	sadd.s32 s3, s9;
	s6 =	sadd.s32 @!p0 $0x88, s6;
	s7 =	simm.s32 @p2 $0x1082  }
0x22: {  	[simem:s7], [sflag:s8] =	dma.local @!p0 [hbm:s6], $0xF7A  }
0x23: {  	s9 =	sor.u32 $0xD0000000, s2;
	s6 =	simm.s32 $0x108;
	_ =	swait.ge @!p0 [sflag:s8], $0x0  }
0x24: {  	s3 =	sadd.s32 $0x88, s3;
	s6 =	simm.s32 @!p1 $0x1082;
	[sflag:s4] =	ssyncset.s32 $0xFFFFF086  }
0x25: {  	[simem:s6], [sflag:s4] =	dma.local [hbm:s3], $0xF7A  }
0x26: {  	[smem:$0x3F97] =	sst s1;
	(tag) =	ssettag s2;
	_ =	strace s9  }
0x27: {  	s1 =	sld [smem:$0x3FA7]  }
0x28: {  	s2 =	sld [smem:$0x3FA8]  }
0x29: {  	s4 =	sld [smem:$0x3FAA]  }
0x2a: {  	p0 =	seq.s32 s5, $0x0;
	s5 =	sld [smem:$0x3FAB]  }
0x2b: {  	s6 =	sld [smem:$0x3FAC]  }
0x2c: {  	s7 =	sld [smem:$0x3FAD]  }
0x2d: {  	s3 =	simm.s32 $0x108;
	s8 =	sld [smem:$0x3FAE]  }
0x2e: {  	s3 =	simm.s32 @!p0 $0x1082;
	s9 =	sld [smem:$0x3FAF]  }
0x2f: {  	lr =	sadd.s32 s0, s3;
	s0 =	sld [smem:$0x3FA6]  }
0x30: {  	s3 =	sld [smem:$0x3FA9]  }
0x31: {  	[smem:$0x3FB2] =	sst s10  }
0x32: {  	s10 =	sld [smem:$0x3FB0];
	_ =	sdelay $0x3  }
0x33: {  	p0 =	seq.s32 s10, $0x1;
	s10 =	sld [smem:$0x3FB2];
	_ =	sdelay $0x3  }
0x34: {  	[smem:$0x3FB2] =	sst s10  }
0x35: {  	s10 =	sld [smem:$0x3FB1];
	_ =	sdelay $0x3  }
0x36: {  	p1 =	seq.s32 s10, $0x1;
	s10 =	sld [smem:$0x3FB2];
	_ =	sdelay $0x3  }
0x37: {  	[smem:$0x3FB2] =	sst s10  }
0x38: {  	s10 =	sld [smem:$0x3FB3]  }
0x39: {  	_ = 	snop;
	(pc) =	sbr.ind lr, $3  }
0x3a: {  	_ = 	snop  }
0x3b: {  	_ = 	snop  }
0x3c: {  	p2 =	seq.s32 s10, $0x1;
	s10 =	sld [smem:$0x3FB2]  }
0x3d: {  	_ =	shalt  }
0x3e: {  	_ =	shalt  }
0x3f: {  	_ =	shalt  }
0x40: {  	_ =	shalt  }
0x41: {  	_ =	shalt  }
0x42: {  	_ =	shalt  }
0x43: {  	_ =	shalt  }
0x44: {  	_ =	shalt  }
0x45: {  	_ =	shalt  }
0x46: {  	_ =	shalt  }
0x47: {  	_ =	shalt  }
0x48: {  	_ =	shalt  }
0x49: {  	_ =	shalt  }
0x4a: {  	_ =	shalt  }
0x4b: {  	_ =	shalt  }
0x4c: {  	_ =	shalt  }
0x4d: {  	_ =	shalt  }
0x4e: {  	_ =	shalt  }
0x4f: {  	_ =	shalt  }
0x50: {  	_ =	shalt  }
0x51: {  	_ =	shalt  }
0x52: {  	_ =	shalt  }
0x53: {  	_ =	shalt  }
0x54: {  	_ =	shalt  }
0x55: {  	_ =	shalt  }
0x56: {  	_ =	shalt  }
0x57: {  	_ =	shalt  }
0x58: {  	_ =	shalt  }
0x59: {  	_ =	shalt  }
0x5a: {  	_ =	shalt  }
0x5b: {  	_ =	shalt  }
0x5c: {  	_ =	shalt  }
0x5d: {  	_ =	shalt  }
0x5e: {  	_ =	shalt  }
0x5f: {  	_ =	shalt  }
0x60: {  	_ =	shalt  }
0x61: {  	_ =	shalt  }
0x62: {  	_ =	shalt  }
0x63: {  	_ =	shalt  }
0x64: {  	_ =	shalt  }
0x65: {  	_ =	shalt  }
0x66: {  	_ =	shalt  }
0x67: {  	_ =	shalt  }
0x68: {  	_ =	shalt  }
0x69: {  	_ =	shalt  }
0x6a: {  	_ =	shalt  }
0x6b: {  	_ =	shalt  }
0x6c: {  	_ =	shalt  }
0x6d: {  	_ =	shalt  }
0x6e: {  	_ =	shalt  }
0x6f: {  	_ =	shalt  }
0x70: {  	_ =	shalt  }
0x71: {  	_ =	shalt  }
0x72: {  	_ =	shalt  }
0x73: {  	_ =	shalt  }
0x74: {  	_ =	shalt  }
0x75: {  	_ =	shalt  }
0x76: {  	_ =	shalt  }
0x77: {  	_ =	shalt  }
0x78: {  	_ =	shalt  }
0x79: {  	_ =	shalt  }
0x7a: {  	_ =	shalt  }
0x7b: {  	_ =	shalt  }
0x7c: {  	_ =	shalt  }
0x7d: {  	_ =	shalt  }
0x7e: {  	_ =	shalt  }
0x7f: {  	_ =	shalt  }
0x80: {  	_ =	shalt  }
0x81: {  	_ =	shalt  }
0x82: {  	_ =	shalt  }
0x83: {  	_ =	shalt  }
0x84: {  	_ =	shalt  }
0x85: {  	_ =	shalt  }
0x86: {  	_ =	shalt  }
0x87: {  	_ =	shalt  }
.Lfunc_end0:
.L_simem_size_0:
called_computation_lowered:
.L_overlay_start_0:
0x88: {  	s2 =	sld [smem:$0x3FD9]  }
0x89: {  	s3 =	sld [smem:$0x3FFE];
	_ =	sdelay $0x1  }
0x8a: {  	s1 =	srdreg.scid  }
0x8b: {  	s0 =	sand.u32 $0x1, s1  }
0x8c: {  	s17 =	sshll.u32 s0, $0xA;
	s2 =	sadd.s32 s3, s2  }
0x8d: {  	s2 =	sadd.s32 s2, s17  }
0x8e: {  	[smem:$0x3FBE] =	sst s2  }
0x8f: {  	_ = 	snop  }
0x90: {  	s2 =	sld [smem:$0x3FD0];
	(tm) =	ssettm $0x1  }
0x91: {  	s18 =	sld [smem:$0x3FFB];
	_ =	sdelay $0x3  }
0x92: {  	_ =	strace s18  }
0x93: {  	s3 =	sld [smem:$0x3FFC];
	_ =	sdelay $0x3  }
0x94: {  	_ =	strace s3  }
0x95: {  	s3 =	sld [smem:$0x3FFD];
	_ =	sdelay $0x3  }
0x96: {  	_ =	strace s3  }
0x97: {  	_ =	strace $0x8FFFFFFF  }
0x98: {  	s19 =	sld [smem:$0x3FDB];
	_ =	sdelay $0x1  }
0x99: {  	s4 =	simm.s32 $_scs_section_size  }
0x9a: {  	s5 =	simm.s32 $_size__tile_overlayer_lowered;
	s6 =	simm.s32 $_tile_overlayer_lowered  }
0x9b: {  	s22 =	simm.s32 $0x1BFF;
	s21 =	sshll.u32 s6, $0x1;
	s3 =	sadd.s32 s4, s19  }
0x9c: {  	s7 =	simm.s32 $0x0;
	s20 =	sshll.u32 s5, $0x1;
	s5 =	sadd.s32 s21, s3  }
0x9d: {  	[timem:s7], [sflag:s22] =	dma.local [hbm:s5], s20  }
0x9e: {  	_ =	swait.ge [sflag:s22], s20  }
0x9f: {  	s4 =	ssub.s32 $0x0, s20;
	[sflag:s22] =	ssyncset.done $0x0  }
0xa0: {  	[sflag:s22] =	ssyncadd.s32 s4;
	_ =	sdelay $0x1  }
0xa1: {  	s23 =	simm.s32 $0x1B8B  }
0xa2: {  	_ =	swait.ge [sflag:s23], $0x1  }
0xa3: {  	[sflag:s23] =	ssyncset.done $0x0  }
0xa4: {  	s25 =	simm.s32 $0x1B8E;
	s24 =	sld [smem:$0x3FFE];
	[sflag:s23] =	ssyncadd.s32 $0xFFFFFFFF  }
0xa5: {  	s26 =	simm.s32 $execute0_lowered;
	[smem:$0x3FD2] =	sst s25  }
0xa6: {  	s5 =	sshll.u32 s26, $0x1;
	_ =	strace $0x80000046;
	[dreg:$0x1] =	wrdreg $0xFFFFFFFF  }
0xa7: {  	s28 =	simm.s32 $_size_execute0_lowered;
	s3 =	sadd.s32 s3, s5;
	[dreg:$0x0] =	wrdreg $0x0  }
0xa8: {  	s5 =	sshll.u32 s28, $0x1;
	[dreg:$0x2] =	wrdreg s3  }
0xa9: {  	[dreg:$0x3] =	wrdreg s5  }
0xaa: {  	[dreg:$0x4] =	wrdreg $0xC0  }
0xab: {  	_ =	task [dreg:s7], $0x5FFFF  }
0xac: {  	[dreg:$0x1] =	wrdreg $0xFFFFFFFF  }
0xad: {  	[dreg:$0x0] =	wrdreg $0x60  }
0xae: {  	[dreg:$0x2] =	wrdreg s24  }
0xaf: {  	[dreg:$0x3] =	wrdreg s2  }
0xb0: {  	[dreg:$0x4] =	wrdreg $0x92D00  }
0xb1: {  	[dreg:$0x5] =	wrdreg $0x9  }
0xb2: {  	_ =	task.clear_ibuf [dreg:s7], $0x6FFFF;
	_ =	strace $0x90000046  }
0xb3: {  	s29 =	simm.s32 $0x9;
	_ =	strace $0x80000048  }
0xb4: {  	_ =	swait.ge [sflag:s29], $0x1  }
0xb5: {  	[sflag:s29] =	ssyncadd.s32 $0xFFFFFFFF  }
0xb6: {  	_ =	strace $0x90000048  }
0xb7: {  	_ =	sfence  }
0xb8: {  	s30 =	sld [smem:$0x0];
	_ =	sdelay $0x2  }
0xb9: {  	s31 =	sshll.u32 s1, $0xD;
	s1 =	sshrl.u32 s1, $0x2  }
0xba: {  	s3 =	sand.u32 $0x4000, s31;
	s1 =	sadd.s32 s1, s30  }
0xbb: {  	s0 =	sor.u32 s3, s0;
	s1 =	sshll.u32 s1, $0x11  }
0xbc: {  	s0 =	sor.u32 s1, s0  }
0xbd: {  	s0 =	sadd.s32 $0x8F2B, s0  }
0xbe: {  	[sflag:s0] =	ssyncadd.remote.s32 $0x1  }
0xbf: {  	_ =	sfence.sel $0xFFFF  }
0xc0: {  	[dreg:$0x0] =	wrdreg $0xFFFFFFFF;
	(pc) =	sbr.abs _section_cstart, $3  }
0xc1: {  	[dreg:$0x1] =	wrdreg $0xFFFFFFFF  }
0xc2: {  	_ =	task.clear_ibuf [dreg:s7], $0x2FFFF;
	_ =	strace $0x9FFFFFFF  }
0xc3: {  	(tm) =	ssettm $0x7FFFFFFF  }
tec
execute0_lowered:
.L_overlay_start_1:
0x0: {  	(tag) =	ssettag $0x1  }
0x1: {  	s0 =	rddreg [dreg:$0x0]  }
0x2: {  	s3 =	rddreg [dreg:$0x2];
	s2 =	simm.s32 $0x0  }
0x3: {  	s1 =	srdreg.scid;
	s9 =	stileid.u32;
	s18 =	simm.s32 $0x30  }
0x4: {  	s19 =	simm.s32 $0xB40;
	s28 =	simm.s32 $0x2;
	s29 =	simm.s32 $0x5  }
0x5: {  	s30 =	simm.s32 $0x6;
	s31 =	simm.s32 $0x3;
	[smem:$0x7FF] =	sst s2  }
0x6: {  	s1 =	sand.u32 $0x1, s1;
	s20 =	smul.u32 $0x16800, s9;
	s5 =	sadd.s32 $0xB000, s0  }
0x7: {  	s6 =	sadd.s32 $0x5B000, s0;
	s7 =	sadd.s32 $0x1200, s0;
	s21 =	sadd.s32 $0x38200, s0  }
0x8: {  	s22 =	sadd.s32 $0x38000, s0;
	_ =	strace $0x80000047;
	[dreg:$0x4] =	wrdreg s7  }
0x9: {  	s8 =	sshll.u32 s9, $0x1;
	s25 =	sshll.u32 s9, $0x6;
	[dreg:$0x5] =	wrdreg s21  }
0xa: {  	s9 =	simm.s32 $0x9;
	s4 =	smul.u32 $0x168000, s1;
	[dreg:$0x6] =	wrdreg s22  }
0xb: {  	s23 =	ssub.s32 $0x2, s1;
	s1 =	sor.u32 s1, s8;
	s7 =	sor.u32 $0x1C09, s25  }
0xc: {  	s21 =	simm.s32 $0x2640;
	s25 =	simm.s32 $0x4;
	s8 =	simm.s32 $0x0  }
0xd: {  	s24 =	sshrl.u32 s23, $0x1;
	s1 =	smul.u32 $0xD2, s1;
	s4 =	sadd.s32 s20, s4  }
0xe: {  	s2 =	sadd.s32 s20, s3;
	[dreg:$0x8] =	wrdreg s7;
	s4 =	sshrl.u32 s4, $0x3  }
.Ltmp0:
0xf: {  	[dreg:$0x7] =	wrdreg s1;
	s0 =	sadd.s32 s4, s0;
	(pc) =	sbr.rel .LBB2_1-.Ltmp0, $4  }
0x10: {  	v0 =	vlaneseq.u32;
	s4 =	ssub.s32 s23, s24;
	s23 =	simm.s32 $0x7740;
	s0 =	sadd.s32 $0x88000, s0  }
0x11: {  	v1 =	vmul.u32 $0xFFFFFFFF, v0;
	s24 =	simm.s32 $0x1;
	s26 =	smax.u32 s4, $0x1;
	[dreg:$0x9] =	wrdreg s0  }
0x12: {  	vm0 =	vcmask $0x300;
	v0 =	vimm.f32 $0.0e+00;
	s4 =	sshrl.u32 s2, $0x3;
	s2 =	simm.s32 $0x8;
	[dreg:$0xa] =	wrdreg s26  }
0x13: {  	v0 =	vsel vm0, $0x3F800000, v0;
	v1 =	vadd.s32 $0xF, v1;
	s26 =	simm.s32 $0x4140;
	s0 =	simm.s32 $0x7;
	[dreg:$0xb] =	wrdreg s4  }
.LBB2_18:
0x14: {  	[bflag:$0x0] =	sbarrier.arrive $0xFFFF  }
0x15: {  	s7 =	rddreg [dreg:$0x8]  }
0x16: {  	s1 =	rddreg [dreg:$0x9]  }
0x17: {  	s4 =	rddreg [dreg:$0xb]  }
0x18: {  	[hbm:s1], [sflag:s7] =	dma.local [spmem:s4], $0x2D00  }
0x19: {  	_ =	swait.ge [sflag:s9], $0x2D00  }
0x1a: {  	s8 =	rddreg [dreg:$0xc]  }
0x1b: {  	s22 =	rddreg [dreg:$0xa];
	s8 =	sadd.s32 $0x1, s8  }
0x1c: {  	p0 =	sne.s32 s8, s22  }
.Ltmp1:
0x1d: {  	_ = 	snop;
	(pc) =	sbr.rel @!p0 .LBB2_19-.Ltmp1, $3  }
0x1e: {  	_ =	sdelay $0x1  }
0x1f: {  	[sflag:s9] =	ssyncset.done $0x0  }
0x20: {  	[sflag:s9] =	ssyncadd.s32 $0xFFFFD300  }
.LBB2_1:
0x21: {  	[dreg:$0xc] =	wrdreg s8  }
0x22: {  	s1 =	rddreg [dreg:$0x5]  }
0x23: {  	[spmem:s4], [sflag:s7] =	dma.local [hbm:s1], $0x2D00  }
0x24: {  	_ =	swait.ge [sflag:s9], $0x2D00  }
0x25: {  	s17 =	simm.s32 $0x0;
	[sflag:s9] =	ssyncset.done $0x0  }
0x26: {  	s22 =	simm.s32 $0x9240;
	s20 =	rddreg [dreg:$0x6];
	[sflag:s9] =	ssyncadd.s32 $0xFFFFD300  }
0x27: {  	[tilespmem:s22], [sflag:$0x9] =	stream.linear.gather [hbm4b:s20+s17], $0x90, $0x38;
	[tilespmem:$0x1FAD0] =	vst v63  }
0x28: {  	_ =	swait.ge [sflag:s9], $0x90  }
0x29: {  	[sflag:s9] =	ssyncset.done $0x0  }
0x2a: {  	[sflag:s9] =	ssyncadd.s32 $0xFFFFFF70  }
0x2b: {  	v2 =	vld [tilespmem:$0x9240]  }
0x2c: {  	v3 =	vld [tilespmem:$0x9250]  }
0x2d: {  	v4 =	vld [tilespmem:$0x9260]  }
0x2e: {  	v5 =	vld [tilespmem:$0x9270]  }
0x2f: {  	v6 =	vld [tilespmem:$0x9280]  }
.Ltmp2:
0x30: {  	v7 =	vld [tilespmem:$0x9290];
	(pc) =	sbr.rel .LBB2_2-.Ltmp2, $4  }
0x31: {  	v8 =	vld [tilespmem:$0x92A0]  }
0x32: {  	v9 =	vld [tilespmem:$0x92B0]  }
0x33: {  	v10 =	vld [tilespmem:$0x92C0];
	[bflag:$0x0] =	sbarrier.arrive $0xFFFF  }
0x34: {  	s1 =	simm.s32 $0x0  }
.LBB2_17:
0x35: {  	_ =	swait.ge [sflag:s2], $0x1B00  }
0x36: {  	s1 =	rddreg [dreg:$0xd]  }
0x37: {  	s1 =	sadd.s32 $0x1, s1  }
0x38: {  	p0 =	sne.s32 s1, $0x7  }
.Ltmp3:
0x39: {  	_ = 	snop;
	(pc) =	sbr.rel @!p0 .LBB2_18-.Ltmp3, $3  }
0x3a: {  	_ =	sdelay $0x1  }
0x3b: {  	[sflag:s2] =	ssyncset.done $0x0  }
0x3c: {  	s9 =	simm.s32 $0x9;
	[sflag:s2] =	ssyncadd.s32 $0xFFFFE500  }
.LBB2_2:
0x3d: {  	s14 =	smul.u32 $0x1E, s1  }
0x3e: {  	s4 =	rddreg [dreg:$0x7]  }
0x3f: {  	[dreg:$0xd] =	wrdreg s1;
	s1 =	sadd.s32 s4, s14  }
0x40: {  	s1 =	smul.u32 $0x6, s1  }
0x41: {  	s15 =	rddreg [dreg:$0x1]  }
0x42: {  	s8 =	simm.s32 $0x0;
	s4 =	sadd.s32 s15, s1  }
0x43: {  	[tilespmem:s8], [sflag:$0x9] =	stream.linear.gather [hbm4b:s4+s8], $0x5A0, $0x38;
	[tilespmem:$0x1FAD0] =	vst v63  }
0x44: {  	_ =	swait.ge [sflag:s9], $0x5A0  }
0x45: {  	[sflag:s9] =	ssyncset.done $0x0;
	s16 =	rddreg [dreg:$0x4]  }
0x46: {  	s17 =	simm.s32 $0x5A0;
	[sflag:s9] =	ssyncadd.s32 $0xFFFFFA60;
	s1 =	sadd.s32 s16, s1  }
0x47: {  	[tilespmem:s17], [sflag:$0x9] =	stream.linear.gather [hbm4b:s1+s8], $0x5A0, $0x38;
	[tilespmem:$0x1FAD0] =	vst v63  }
0x48: {  	_ =	swait.ge [sflag:s9], $0x5A0  }
0x49: {  	[sflag:s9] =	ssyncset.done $0x0  }
0x4a: {  	[sflag:s9] =	ssyncadd.s32 $0xFFFFFA60  }
0x4b: {  	[tilespmem:s19], [sflag:$0x1] =	stream.indirect.gather [hbm4b:s5+s18], $0x90, s8, s18, $0xb8;
	[tilespmem:$0x1FAD0] =	vst v63  }
0x4c: {  	s20 =	simm.s32 $0x5C40  }
0x4d: {  	[tilespmem:s20], [sflag:$0x4] =	stream.indirect.gather [hbm4b:s6+s18], $0x90, s17, s18, $0xb8;
	[tilespmem:$0x1FAD0] =	vst v63  }
0x4e: {  	_ = 	snop  }
0x4f: {  	[tilespmem:s21], [sflag:$0x2] =	stream.indirect.gather [hbm4b:s5+s18], $0x90, s18, s18, $0xb8;
	[tilespmem:$0x1FAD0] =	vst v63  }
0x50: {  	s22 =	simm.s32 $0x5D0  }
0x51: {  	[tilespmem:s23], [sflag:$0x5] =	stream.indirect.gather [hbm4b:s6+s18], $0x90, s22, s18, $0xb8;
	[tilespmem:$0x1FAD0] =	vst v63  }
.LBB2_3:
0x52: {  	_ =	swait.ge [sflag:s24], $0x1B00  }
0x53: {  	[sflag:s24] =	ssyncset.done $0x0  }
0x54: {  	[sflag:s24] =	ssyncadd.s32 $0xFFFFE500  }
0x55: {  	_ =	swait.ge [sflag:s25], $0x1B00  }
0x56: {  	[sflag:s25] =	ssyncset.done $0x0  }
0x57: {  	s9 =	simm.s32 $0x0;
	[sflag:s25] =	ssyncadd.s32 $0xFFFFE500  }
0x58: {  	v11 =	vld [tilespmem:s9+$0x5CA0]  }
0x59: {  	v12 =	vld [tilespmem:s9+$0xBA0]  }
0x5a: {  	v17 =	vld [tilespmem:s9+$0x5C90]  }
0x5b: {  	v18 =	vld [tilespmem:s9+$0x5C80]  }
0x5c: {  	v19 =	vld [tilespmem:s9+$0x5C60]  }
0x5d: {  	v20 =	vld [tilespmem:s9+$0x5C50]  }
0x5e: {  	v21 =	vld [tilespmem:s9+$0x5CB0]  }
0x5f: {  	v22 =	vld [tilespmem:s9+$0x5C70]  }
0x60: {  	v15 =	vld [tilespmem:s9+$0xB90]  }
0x61: {  	v14 =	vld [tilespmem:s9+$0xBB0]  }
0x62: {  	v23 =	vld [tilespmem:s9+$0x5C40]  }
0x63: {  	v13 =	vld [tilespmem:s9+$0xB60]  }
0x64: {  	v28 =	vld [tilespmem:s9+$0xB50]  }
0x65: {  	v16 =	vld [tilespmem:s9+$0xB40]  }
0x66: {  	v27 =	vld [tilespmem:s9+$0xB70]  }
0x67: {  	v30 =	vld [tilespmem:s9+$0xB80]  }
0x68: {  	v24 =	vld [tilespmem:s9+$0x5CC0];
	v11 =	vadd.f32 v11, v12;
	v17 =	vadd.f32 v17, v15  }
0x69: {  	v19 =	vadd.f32 v19, v13;
	v20 =	vadd.f32 v20, v28  }
0x6a: {  	v21 =	vadd.f32 v21, v14;
	v23 =	vadd.f32 v23, v16  }
0x6b: {  	v22 =	vadd.f32 v22, v27;
	v25 =	vmul.f32 $2.000000030e-01, v11;
	v26 =	vmul.f32 $2.000000030e-01, v17  }
0x6c: {  	s11 =	simm.s32 $0x90;
	v18 =	vadd.f32 v18, v30;
	v29 =	vmul.f32 $2.000000030e-01, v19;
	v31 =	vmul.f32 $2.000000030e-01, v21  }
0x6d: {  	v33 =	vld [tilespmem:s11+$0x5CA0];
	v24 =	vadd.f32 v0, v24;
	v32 =	vmul.f32 $2.000000030e-01, v23;
	v34 =	vmul.f32 $2.000000030e-01, v20  }
0x6e: {  	v37 =	vld [tilespmem:s11+$0x5C90];
	v35 =	vmul.f32 $2.000000030e-01, v22;
	v36 =	vmul.f32 $2.000000030e-01, v18;
	v11 =	vmax.f32 v11, v25  }
0x6f: {  	v57 =	vld [tilespmem:s11+$0x5C80];
	v17 =	vmax.f32 v17, v26;
	v20 =	vmax.f32 v20, v34;
	v23 =	vmax.f32 v23, v32  }
0x70: {  	v58 =	vld [tilespmem:s11+$0x5C60];
	v22 =	vmax.f32 v22, v35;
	v18 =	vmax.f32 v18, v36;
	v25 =	vmul.f32 v11, v8  }
0x71: {  	v19 =	vmax.f32 v19, v29;
	v29 =	vld [tilespmem:s11+$0x5C50];
	v23 =	vmul.f32 v23, v2;
	v22 =	vmul.f32 v22, v5  }
0x72: {  	v21 =	vmax.f32 v21, v31;
	v31 =	vld [tilespmem:s11+$0x5CB0];
	v20 =	vmul.f32 v20, v3;
	v18 =	vmul.f32 v18, v6  }
0x73: {  	v11 =	vld [tilespmem:s11+$0xBA0];
	v17 =	vmul.f32 v17, v7;
	v19 =	vmul.f32 v19, v4  }
0x74: {  	v26 =	vmul.f32 $2.000000030e-01, v24;
	v20 =	vadd.f32 v18, v20;
	v18 =	vld [tilespmem:s11+$0xB90]  }
0x75: {  	v21 =	vmul.f32 v21, v9;
	v22 =	vadd.f32 v22, v23;
	v19 =	vadd.f32 v17, v19;
	v17 =	vld [tilespmem:s11+$0xBB0]  }
0x76: {  	v23 =	vmax.f32 v24, v26;
	v24 =	vld [tilespmem:s11+$0xB40]  }
0x77: {  	v22 =	vadd.f32 v25, v22;
	v20 =	vadd.f32 v21, v20;
	v25 =	vld [tilespmem:s11+$0x5C40]  }
0x78: {  	v21 =	vmul.f32 v23, v10;
	v23 =	vld [tilespmem:s11+$0xB50]  }
0x79: {  	v59 =	vld [tilespmem:s11+$0x5C70];
	v22 =	vadd.f32 v20, v22  }
0x7a: {  	v19 =	vadd.f32 v21, v19;
	v21 =	vld [tilespmem:s11+$0x5CC0];
	v60 =	vadd.f32 v37, v18  }
0x7b: {  	v33 =	vadd.f32 v33, v11;
	v20 =	vld [tilespmem:s11+$0xB60]  }
0x7c: {  	v31 =	vadd.f32 v31, v17;
	v26 =	vadd.f32 v19, v22;
	v19 =	vld [tilespmem:s11+$0xB70];
	v38 =	vmul.f32 $2.000000030e-01, v60  }
0x7d: {  	v39 =	vmul.f32 $2.000000030e-01, v33;
	v22 =	vld [tilespmem:s11+$0xB80];
	v29 =	vadd.f32 v29, v23;
	v25 =	vadd.f32 v25, v24  }
0x7e: {  	v49 =	vmul.f32 $2.000000030e-01, v31;
	v61 =	vperm.xlane v26, v1;
	v62 =	vmax.f32 v60, v38  }
0x7f: {  	v63 =	vadd.f32 v0, v21;
	v21 =	vmax.f32 v33, v39;
	v40 =	vmul.f32 $2.000000030e-01, v25  }
0x80: {  	s12 =	simm.s32 $0x120;
	v41 =	vmul.f32 $2.000000030e-01, v29;
	v31 =	vmax.f32 v31, v49;
	v37 =	vadd.f32 v26, v61  }
0x81: {  	v42 =	vld [tilespmem:s12+$0x5CA0];
	v26 =	vadd.f32 v58, v20;
	v33 =	vmul.f32 v21, v8;
	v34 =	vmul.f32 v62, v7  }
0x82: {  	v50 =	vld [tilespmem:s12+$0x5C90];
	v31 =	vmul.f32 v31, v9;
	v35 =	vadd.f32 v59, v19;
	v32 =	vadd.f32 v57, v22  }
0x83: {  	v51 =	vld [tilespmem:s12+$0x5C80];
	v44 =	vmul.f32 $2.000000030e-01, v63;
	v29 =	vmax.f32 v29, v41;
	(v2sf) =	vpush v37, $0x7  }
0x84: {  	v52 =	vld [tilespmem:s12+$0x5C60];
	v25 =	vmax.f32 v25, v40;
	v43 =	vmul.f32 $2.000000030e-01, v35;
	(v2sf) =	vpush v37, $0x6  }
0x85: {  	v53 =	vld [tilespmem:s12+$0x5C50];
	v48 =	vmul.f32 $2.000000030e-01, v26;
	v45 =	vmul.f32 $2.000000030e-01, v32;
	(v2sf) =	vpush v37, $0x4  }
0x86: {  	v59 =	vld [tilespmem:s12+$0x5CC0];
	v25 =	vmul.f32 v25, v2;
	v35 =	vmax.f32 v35, v43;
	(v2sf) =	vpush v37, $0x3  }
0x87: {  	v54 =	vld [tilespmem:s12+$0x5CB0];
	v32 =	vmax.f32 v32, v45;
	v35 =	vmul.f32 v35, v5;
	(v2sf) =	vpush v37, $0x2  }
0x88: {  	v21 =	vld [tilespmem:s12+$0xBA0];
	v29 =	vmul.f32 v29, v3;
	v32 =	vmul.f32 v32, v6;
	(v2sf) =	vpush v37, $0x5  }
0x89: {  	v58 =	vld [tilespmem:s12+$0x5C40];
	v26 =	vmax.f32 v26, v48;
	v25 =	vadd.f32 v35, v25;
	(v2sf) =	vpush v37, $0x1  }
0x8a: {  	v26 =	vmul.f32 v26, v4;
	v29 =	vadd.f32 v32, v29;
	v35 =	vld [tilespmem:s12+$0xB60];
	(v2sf) =	vpush v37, $0x0  }
0x8b: {  	v57 =	vmax.f32 v63, v44;
	v36 =	vadd.f32 v0, v59;
	v32 =	vld [tilespmem:s12+$0xB80];
	v56 =	vadd.f32 v33, v25  }
0x8c: {  	v25 =	vld [tilespmem:s12+$0xB90];
	v29 =	vadd.f32 v31, v29;
	v31 =	vadd.f32 v34, v26;
	v33 =	vmul.f32 v57, v10  }
0x8d: {  	v42 =	vadd.f32 v42, v21;
	v26 =	vld [tilespmem:s12+$0xBB0]  }
0x8e: {  	v48 =	vmul.f32 $2.000000030e-01, v36;
	v29 =	vadd.f32 v29, v56;
	v31 =	vadd.f32 v33, v31;
	v33 =	vld [tilespmem:s12+$0xB40]  }
0x8f: {  	v55 =	vld [tilespmem:s12+$0x5C70];
	v47 =	vmul.f32 $2.000000030e-01, v42;
	v62 =	vadd.f32 v52, v35  }
0x90: {  	v36 =	vmax.f32 v36, v48;
	v60 =	vadd.f32 v31, v29;
	v31 =	vld [tilespmem:s12+$0xB50]  }
0x91: {  	v56 =	vmax.f32 v42, v47;
	v29 =	vld [tilespmem:s12+$0xB70];
	v41 =	vadd.f32 v50, v25;
	v59 =	vmul.f32 $2.000000030e-01, v62  }
0x92: {  	v40 =	vadd.f32 v51, v32;
	v57 =	vadd.f32 v54, v26;
	v61 =	vperm.xlane v60, v1;
	s1 =	spop (v2sf)  }
0x93: {  	v46 =	vmul.f32 $2.000000030e-01, v41;
	v58 =	vadd.f32 v58, v33;
	v37 =	vmax.f32 v62, v59;
	s4 =	spop (v2sf)  }
0x94: {  	v62 =	vmul.f32 v36, v10;
	v44 =	vadd.f32 v60, v61;
	v60 =	vmul.f32 $2.000000030e-01, v57;
	s7 =	spop (v2sf)  }
0x95: {  	v37 =	vmul.f32 v37, v4;
	v63 =	vmax.f32 v41, v46;
	v39 =	vadd.f32 v53, v31;
	s10 =	spop (v2sf)  }
0x96: {  	s13 =	simm.s32 $0x1B0;
	v41 =	vmul.f32 v56, v8;
	v45 =	vadd.f32 v55, v29;
	v49 =	vmul.f32 $2.000000030e-01, v58;
	s14 =	spop (v2sf)  }
0x97: {  	v34 =	vld [tilespmem:s13+$0xBA0];
	v53 =	vmul.f32 $2.000000030e-01, v40;
	s1 =	sadd.f32 s1, s4;
	(v2sf) =	vpush v44, $0x7;
	v38 =	vmul.f32 v63, v7;
	s22 =	spop (v2sf)  }
0x98: {  	v47 =	vld [tilespmem:s13+$0x5C50];
	v50 =	vmul.f32 $2.000000030e-01, v39;
	v52 =	vmul.f32 $2.000000030e-01, v45;
	v43 =	vmax.f32 v58, v49;
	s10 =	sadd.f32 s10, s14;
	s15 =	spop (v2sf)  }
0x99: {  	v51 =	vld [tilespmem:s13+$0x5CA0];
	(v2sf) =	vpush v44, $0x6;
	v40 =	vmax.f32 v40, v53;
	v43 =	vmul.f32 v43, v2;
	s4 =	sadd.f32 s22, s7;
	s16 =	spop (v2sf)  }
0x9a: {  	v36 =	vld [tilespmem:s13+$0xBB0];
	v40 =	vmul.f32 v40, v6;
	v39 =	vmax.f32 v39, v50;
	v45 =	vmax.f32 v45, v52;
	s7 =	sadd.f32 s15, s16  }
0x9b: {  	v46 =	vld [tilespmem:s13+$0x5C60];
	(v2sf) =	vpush v44, $0x4;
	v45 =	vmul.f32 v45, v5;
	v39 =	vmul.f32 v39, v3;
	s1 =	sadd.f32 s1, s4  }
0x9c: {  	v42 =	vmax.f32 v57, v60;
	v38 =	vadd.f32 v38, v37;
	v37 =	vld [tilespmem:s13+$0xB90];
	(v2sf) =	vpush v44, $0x3;
	s17 =	sadd.f32 s10, s7  }
0x9d: {  	v42 =	vmul.f32 v42, v9;
	v50 =	vld [tilespmem:s13+$0x5C90];
	v43 =	vadd.f32 v45, v43;
	v39 =	vadd.f32 v40, v39  }
0x9e: {  	v63 =	vld [tilespmem:s13+$0x5C40];
	v56 =	vadd.f32 v62, v38;
	(v2sf) =	vpush v44, $0x2;
	s1 =	sadd.f32 s1, s17  }
0x9f: {  	v38 =	vld [tilespmem:s13+$0xB60];
	v61 =	vadd.f32 v41, v43;
	v39 =	vadd.f32 v42, v39  }
0xa0: {  	v51 =	vadd.f32 v51, v34;
	v58 =	vld [tilespmem:s13+$0x5CC0];
	v57 =	vmov s1  }
0xa1: {  	(v2sf) =	vpush v44, $0x5;
	v40 =	vld [tilespmem:s13+$0xB50];
	v39 =	vadd.f32 v39, v61;
	v59 =	vmul.f32 $1.442695020e+00, v57  }
0xa2: {  	v45 =	vld [tilespmem:s13+$0x5CB0];
	(v2sf) =	vpush v44, $0x1;
	v50 =	vadd.f32 v50, v37  }
0xa3: {  	(v2sf) =	vpush v44, $0x0;
	v42 =	vld [tilespmem:s13+$0xB40];
	v60 =	vadd.f32 v56, v39;
	v41 =	vbroadcast v59, $0x0  }
0xa4: {  	v55 =	vmul.f32 $2.000000030e-01, v51;
	v49 =	vld [tilespmem:s13+$0x5C80];
	v46 =	vadd.f32 v46, v38;
	v61 =	vmul.f32 $2.000000030e-01, v50  }
0xa5: {  	v52 =	vld [tilespmem:s13+$0x5C70];
	v54 =	vperm.xlane v60, v1;
	(erf) = vpow2.f32 v41  }
0xa6: {  	v51 =	vmax.f32 v51, v55;
	v47 =	vadd.f32 v47, v40;
	v62 =	vmul.f32 $2.000000030e-01, v46;
	v39 =	vld [tilespmem:s13+$0xB70]  }
0xa7: {  	v44 =	vmax.f32 v50, v61;
	v56 =	vadd.f32 v0, v58;
	v41 =	vld [tilespmem:s13+$0xB80];
	v43 =	vadd.f32 v60, v54  }
0xa8: {  	v50 =	vadd.f32 v45, v36;
	v45 =	vmul.f32 v51, v8;
	v48 =	vadd.f32 v63, v42  }
0xa9: {  	v44 =	vmul.f32 v44, v7;
	v63 =	vmul.f32 $2.000000030e-01, v56;
	s20 =	spop (v2sf);
	(v2sf) =	vpush v43, $0x7  }
0xaa: {  	v53 =	vmul.f32 $2.000000030e-01, v48;
	s22 =	spop (v2sf);
	v54 =	vmax.f32 v46, v62;
	(v2sf) =	vpush v43, $0x6  }
0xab: {  	v46 =	vmax.f32 v56, v63;
	v51 =	vadd.f32 v52, v39;
	s7 =	spop (v2sf);
	(v2sf) =	vpush v43, $0x4  }
0xac: {  	s15 =	simm.s32 $0x900;
	v52 =	vmul.f32 $2.000000030e-01, v50;
	s1 =	sadd.f32 s20, s22;
	s16 =	spop (v2sf);
	v49 =	vadd.f32 v49, v41;
	(v2sf) =	vpush v43, $0x3  }
.LBB2_4:
0xad: {  	s14 =	smov.u32 s15  }
0xae: {  	s10 =	sshra.s32 s15, $0x2;
	v55 =	vmul.f32 $2.000000030e-01, v47;
	v54 =	vmul.f32 v54, v4;
	v50 =	vmax.f32 v50, v52;
	s4 =	spop (v2sf);
	v52 =	vpop (erf);
	s14 =	sadd.s32 $0x240, s15  }
0xaf: {  	p0 =	sne.s32 s15, $0x69C0;
	v57 =	vmul.f32 $2.000000030e-01, v51;
	v50 =	vmul.f32 v50, v9;
	v56 =	vld [tilespmem:s10+$0x5CA0]  }
0xb0: {  	v47 =	vmax.f32 v47, v55;
	v55 =	vmul.f32 $2.000000030e-01, v49;
	v54 =	vadd.f32 v44, v54;
	v58 =	vld [tilespmem:s10+$0xBA0];
	s15 =	spop (v2sf)  }
0xb1: {  	v48 =	vmax.f32 v48, v53;
	s4 =	sadd.f32 s16, s4;
	v53 =	vmul.f32 v52, v16;
	v16 =	vmovc v24;
	v51 =	vmax.f32 v51, v57;
	v59 =	vld [tilespmem:s10+$0x5C90];
	s16 =	spop (v2sf)  }
0xb2: {  	v24 =	vmovc v33;
	v48 =	vmul.f32 v48, v2;
	v51 =	vmul.f32 v51, v5;
	v49 =	vmax.f32 v49, v55;
	s7 =	sadd.f32 s15, s7;
	v44 =	vld [tilespmem:s10+$0x5C80];
	s15 =	spop (v2sf)  }
0xb3: {  	v33 =	vmov v42;
	v47 =	vmul.f32 v47, v3;
	v49 =	vmul.f32 v49, v6;
	v55 =	vld [tilespmem:s10+$0x5C60];
	s15 =	sadd.f32 s16, s15;
	[tilespmem:s9+$0xB40] =	vst v53  }
0xb4: {  	v28 =	vmul.f32 v52, v28;
	v42 =	vadd.f32 v51, v48;
	v48 =	vmul.f32 v52, v13;
	v13 =	vmovc v20;
	s1 =	sadd.f32 s1, s7;
	v53 =	vld [tilespmem:s10+$0x5C50]  }
0xb5: {  	v27 =	vmul.f32 v52, v27;
	v30 =	vmul.f32 v52, v30;
	v20 =	vmovc v35;
	v47 =	vadd.f32 v49, v47;
	v51 =	vld [tilespmem:s10+$0x5CB0];
	s4 =	sadd.f32 s4, s15  }
0xb6: {  	v57 =	vmul.f32 v52, v12;
	v35 =	vadd.f32 v45, v42;
	v49 =	vld [tilespmem:s10+$0x5C70];
	[tilespmem:s9+$0xB50] =	vst v28;
	v28 =	vmul.f32 v52, v15  }
0xb7: {  	v46 =	vmul.f32 v46, v10;
	v45 =	vadd.f32 v50, v47;
	v47 =	vmul.f32 v52, v14;
	v42 =	vld [tilespmem:s10+$0xB90];
	s1 =	sadd.f32 s1, s4;
	[tilespmem:s9+$0xB60] =	vst v48  }
0xb8: {  	v12 =	vmovc v11;
	v11 =	vmovc v21;
	v21 =	vmov v34;
	v50 =	vmul.f32 v0, v52;
	v48 =	vld [tilespmem:s10+$0xBB0];
	(v2sf) =	vpush v43, $0x2;
	s4 =	spop (v2sf);
	[tilespmem:s9+$0xB80] =	vst v30  }
0xb9: {  	v54 =	vadd.f32 v46, v54;
	v34 =	vmovc v58;
	v15 =	vmovc v18;
	v30 =	vadd.f32 v45, v35;
	v52 =	vld [tilespmem:s10+$0x5C40];
	s7 =	spop (v2sf);
	v45 =	vmov s1;
	[tilespmem:s9+$0xBA0] =	vst v57  }
0xba: {  	v18 =	vmovc v25;
	v25 =	vmovc v37;
	v14 =	vmov v17;
	v46 =	vld [tilespmem:s10+$0x5CC0];
	s1 =	sadd.f32 s4, s7;
	(v2sf) =	vpush v43, $0x5;
	v45 =	vmul.f32 $1.442695020e+00, v45;
	[tilespmem:s9+$0xBC0] =	vst v50  }
0xbb: {  	v17 =	vmovc v26;
	v26 =	vmovc v36;
	v35 =	vmov v38;
	v30 =	vadd.f32 v54, v30;
	(v2sf) =	vpush v43, $0x1;
	s7 =	spop (v2sf);
	[tilespmem:s9+$0xB90] =	vst v28;
	v38 =	vld [tilespmem:s10+$0xB60]  }
0xbc: {  	v28 =	vmovc v23;
	v54 =	vld [tilespmem:s10+$0xB50];
	v50 =	vadd.f32 v59, v42;
	(v2sf) =	vpush v43, $0x0;
	s16 =	spop (v2sf);
	v43 =	vbroadcast v45, $0x0;
	[tilespmem:s9+$0xB70] =	vst v27;
	v37 =	vmovc v42  }
0xbd: {  	v23 =	vmovc v31;
	v45 =	vadd.f32 v56, v34;
	v56 =	vperm.xlane v30, v1;
	v42 =	vld [tilespmem:s10+$0xB40];
	[tilespmem:s9+$0xBB0] =	vst v47;
	v36 =	vmov v48;
	s9 =	smov.u32 s11;
	s11 =	smov.u32 s12;
	s12 =	smov.u32 s13  }
0xbe: {  	v31 =	vmovc v40;
	v27 =	vmovc v19;
	v19 =	vmov v29;
	s13 =	smov.u32 s10;
	v57 =	vld [tilespmem:s10+$0xB70];
	v47 =	vmul.f32 $2.000000030e-01, v50;
	(erf) = vpow2.f32 v43  }
0xbf: {  	v29 =	vmovc v39;
	v48 =	vmul.f32 $2.000000030e-01, v45;
	v43 =	vadd.f32 v30, v56;
	v30 =	vmovc v22;
	v22 =	vmov v32;
	v58 =	vld [tilespmem:s13+$0xB80]  }
0xc0: {  	v32 =	vmovc v41;
	v46 =	vadd.f32 v0, v46;
	v55 =	vadd.f32 v55, v38;
	v56 =	vmax.f32 v50, v47  }
0xc1: {  	v41 =	vmax.f32 v45, v48;
	v50 =	vadd.f32 v51, v36;
	v47 =	vadd.f32 v53, v54;
	v40 =	vmovc v54  }
.Ltmp4:
0xc2: {  	v45 =	vmul.f32 v41, v8;
	v48 =	vadd.f32 v52, v42;
	(v2sf) =	vpush v43, $0x7;
	(pc) =	sbr.rel @p0 .LBB2_4-.Ltmp4, $4  }
0xc3: {  	v53 =	vmul.f32 $2.000000030e-01, v55;
	v51 =	vadd.f32 v49, v57;
	(v2sf) =	vpush v43, $0x6;
	v39 =	vmovc v57  }
0xc4: {  	v52 =	vmul.f32 $2.000000030e-01, v50;
	v57 =	vmul.f32 $2.000000030e-01, v46;
	v49 =	vadd.f32 v44, v58;
	v41 =	vmovc v58  }
0xc5: {  	v54 =	vmax.f32 v55, v53;
	v44 =	vmul.f32 v56, v7;
	(v2sf) =	vpush v43, $0x4  }
0xc6: {  	s15 =	smov.u32 s14;
	v53 =	vmul.f32 $2.000000030e-01, v48;
	v46 =	vmax.f32 v46, v57;
	(v2sf) =	vpush v43, $0x3  }
0xc7: {  	v55 =	vmul.f32 $2.000000030e-01, v47;
	v56 =	vmul.f32 $2.000000030e-01, v51  }
0xc8: {  	v57 =	vmul.f32 $2.000000030e-01, v49  }
0xc9: {  	v48 =	vmax.f32 v48, v53;
	v47 =	vmax.f32 v47, v55;
	v51 =	vmax.f32 v51, v56  }
0xca: {  	v48 =	vmul.f32 v48, v2;
	v49 =	vmax.f32 v49, v57;
	v51 =	vmul.f32 v51, v5  }
0xcb: {  	v47 =	vmul.f32 v47, v3;
	v49 =	vmul.f32 v49, v6  }
0xcc: {  	v50 =	vmax.f32 v50, v52;
	v57 =	vmul.f32 v54, v4  }
0xcd: {  	v50 =	vmul.f32 v50, v9;
	v48 =	vadd.f32 v51, v48;
	v47 =	vadd.f32 v49, v47  }
0xce: {  	v44 =	vadd.f32 v44, v57  }
0xcf: {  	v46 =	vmul.f32 v46, v10;
	v45 =	vadd.f32 v45, v48;
	v47 =	vadd.f32 v50, v47;
	_ =	sdelay $0x1  }
0xd0: {  	v44 =	vadd.f32 v46, v44;
	v45 =	vadd.f32 v47, v45;
	_ =	sdelay $0x1  }
0xd1: {  	v44 =	vadd.f32 v44, v45  }
0xd2: {  	(v2sf) =	vpush v43, $0x2  }
0xd3: {  	(v2sf) =	vpush v43, $0x5;
	v45 =	vperm.xlane v44, v1  }
0xd4: {  	(v2sf) =	vpush v43, $0x1  }
0xd5: {  	(v2sf) =	vpush v43, $0x0;
	v58 =	vadd.f32 v44, v45  }
0xd6: {  	s4 =	spop (v2sf)  }
0xd7: {  	s10 =	spop (v2sf);
	(v2sf) =	vpush v58, $0x7  }
0xd8: {  	s4 =	sadd.f32 s16, s4;
	s14 =	spop (v2sf);
	(v2sf) =	vpush v58, $0x6  }
0xd9: {  	s7 =	sadd.f32 s10, s7;
	s16 =	spop (v2sf);
	(v2sf) =	vpush v58, $0x4  }
0xda: {  	s10 =	sadd.f32 s14, s16;
	(v2sf) =	vpush v58, $0x3  }
0xdb: {  	s1 =	sadd.f32 s1, s7;
	(v2sf) =	vpush v58, $0x2  }
0xdc: {  	s4 =	sadd.f32 s4, s10;
	(v2sf) =	vpush v58, $0x5  }
0xdd: {  	s17 =	spop (v2sf);
	(v2sf) =	vpush v58, $0x1  }
0xde: {  	s1 =	sadd.f32 s1, s4;
	s14 =	spop (v2sf);
	(v2sf) =	vpush v58, $0x0  }
0xdf: {  	s16 =	spop (v2sf)  }
0xe0: {  	v59 =	vmov s1;
	s15 =	spop (v2sf)  }
0xe1: {  	v43 =	vmul.f32 $1.442695020e+00, v59;
	s20 =	spop (v2sf)  }
0xe2: {  	s10 =	sadd.f32 s17, s14;
	s22 =	spop (v2sf)  }
0xe3: {  	v43 =	vbroadcast v43, $0x0;
	s4 =	sadd.f32 s15, s20;
	s17 =	spop (v2sf)  }
0xe4: {  	s20 =	sadd.f32 s22, s16;
	s22 =	spop (v2sf)  }
0xe5: {  	v60 =	vpop (erf);
	(erf) = vpow2.f32 v43;
	s7 =	sadd.f32 s17, s22  }
0xe6: {  	s1 =	sadd.f32 s10, s20;
	s15 =	spop (v2sf)  }
0xe7: {  	s4 =	sadd.f32 s4, s7;
	s16 =	spop (v2sf)  }
0xe8: {  	v16 =	vmul.f32 v60, v16;
	s14 =	spop (v2sf)  }
0xe9: {  	v28 =	vmul.f32 v60, v28;
	s1 =	sadd.f32 s1, s4;
	s17 =	spop (v2sf)  }
0xea: {  	v13 =	vmul.f32 v60, v13;
	v15 =	vmul.f32 v60, v15;
	[tilespmem:s9+$0xB40] =	vst v16;
	s20 =	spop (v2sf)  }
0xeb: {  	v12 =	vmul.f32 v60, v12;
	[tilespmem:s9+$0xB50] =	vst v28;
	v28 =	vmov s1;
	s22 =	sadd.f32 s15, s16;
	s10 =	spop (v2sf)  }
0xec: {  	[tilespmem:s9+$0xB60] =	vst v13;
	v13 =	vmul.f32 $1.442695020e+00, v28;
	s4 =	sadd.f32 s17, s20;
	s16 =	spop (v2sf)  }
0xed: {  	v14 =	vmul.f32 v60, v14;
	[tilespmem:s9+$0xBA0] =	vst v12;
	s7 =	sadd.f32 s10, s14;
	s17 =	spop (v2sf)  }
0xee: {  	v16 =	vmul.f32 v60, v30;
	[tilespmem:s9+$0xB90] =	vst v15;
	v15 =	vpop (erf);
	v12 =	vbroadcast v13, $0x0;
	s10 =	sadd.f32 s16, s17  }
0xef: {  	[tilespmem:s9+$0xBB0] =	vst v14;
	v14 =	vmul.f32 v15, v22;
	s1 =	sadd.f32 s22, s7  }
0xf0: {  	[tilespmem:s9+$0xB80] =	vst v16;
	v13 =	vmul.f32 v60, v27;
	(erf) = vpow2.f32 v12;
	s4 =	sadd.f32 s4, s10  }
0xf1: {  	[tilespmem:s11+$0xB80] =	vst v14;
	v12 =	vmul.f32 v15, v24  }
0xf2: {  	[tilespmem:s9+$0xB70] =	vst v13;
	v13 =	vmul.f32 v15, v23;
	s1 =	sadd.f32 s1, s4  }
0xf3: {  	[tilespmem:s11+$0xB40] =	vst v12;
	v12 =	vmul.f32 v15, v20  }
0xf4: {  	v16 =	vmul.f32 v0, v60;
	v11 =	vmul.f32 v15, v11;
	[tilespmem:s11+$0xB50] =	vst v13;
	v13 =	vmov s1  }
0xf5: {  	v14 =	vmul.f32 v15, v18;
	[tilespmem:s11+$0xB60] =	vst v12;
	v12 =	vmul.f32 $1.442695020e+00, v13  }
0xf6: {  	[tilespmem:s9+$0xBC0] =	vst v16  }
0xf7: {  	[tilespmem:s11+$0xBA0] =	vst v11;
	v13 =	vmul.f32 v0, v15;
	v11 =	vbroadcast v12, $0x0  }
0xf8: {  	[tilespmem:s11+$0xB90] =	vst v14;
	v12 =	vmul.f32 v15, v19  }
0xf9: {  	v14 =	vpop (erf);
	[tilespmem:s11+$0xBC0] =	vst v13;
	v13 =	vmul.f32 v15, v17;
	(erf) = vpow2.f32 v11  }
0xfa: {  	[tilespmem:s11+$0xB70] =	vst v12;
	v11 =	vmul.f32 v14, v33  }
0xfb: {  	[tilespmem:s11+$0xBB0] =	vst v13;
	v12 =	vmul.f32 v14, v31  }
0xfc: {  	v13 =	vmul.f32 v14, v32;
	[tilespmem:s12+$0xB40] =	vst v11  }
0xfd: {  	v11 =	vmul.f32 v14, v35;
	[tilespmem:s12+$0xB50] =	vst v12  }
0xfe: {  	v12 =	vmul.f32 v14, v21;
	[tilespmem:s12+$0xB80] =	vst v13;
	v13 =	vmul.f32 v14, v25  }
0xff: {  	[tilespmem:s12+$0xB60] =	vst v11  }
0x100: {  	v11 =	vmul.f32 v0, v14;
	[tilespmem:s12+$0xBA0] =	vst v12  }
0x101: {  	v12 =	vmul.f32 v14, v29;
	[tilespmem:s12+$0xB90] =	vst v13  }
0x102: {  	[tilespmem:s12+$0xBC0] =	vst v11;
	v11 =	vmul.f32 v14, v26;
	v13 =	vpop (erf)  }
0x103: {  	[tilespmem:s12+$0xB70] =	vst v12;
	v12 =	vmul.f32 v13, v42  }
0x104: {  	[tilespmem:s12+$0xBB0] =	vst v11;
	v11 =	vmul.f32 v13, v40  }
0x105: {  	v14 =	vmul.f32 v13, v41;
	[tilespmem:s13+$0xB40] =	vst v12  }
0x106: {  	v12 =	vmul.f32 v13, v38;
	[tilespmem:s13+$0xB50] =	vst v11  }
0x107: {  	v11 =	vmul.f32 v13, v34;
	[tilespmem:s13+$0xB80] =	vst v14  }
0x108: {  	v14 =	vmul.f32 v13, v37;
	[tilespmem:s13+$0xB60] =	vst v12  }
0x109: {  	v12 =	vmul.f32 v0, v13;
	[tilespmem:s13+$0xBA0] =	vst v11  }
0x10a: {  	s20 =	smul.u32 $0x480, s8;
	v11 =	vmul.f32 v13, v39;
	[tilespmem:s13+$0xB90] =	vst v14  }
0x10b: {  	[tilespmem:s13+$0xBC0] =	vst v12;
	v12 =	vmul.f32 v13, v36  }
0x10c: {  	s11 =	sshra.s32 s20, $0x2;
	[tilespmem:s13+$0xB70] =	vst v11  }
0x10d: {  	p0 =	seq.s32 s8, $0x0;
	s1 =	sadd.s32 $0x5A0, s11;
	[tilespmem:s13+$0xBB0] =	vst v12  }
0x10e: {  	[spmem:s3] =	stream.indirect.scatter.add.f32 [tilespmem:s19], [sflag:$0x6], $0x90, s1, s18, $0xb8;
	[tilespmem:$0x1FAD0] =	vst v63  }
0x10f: {  	s1 =	simm.s32 @!p0 $0x8  }
0x110: {  	s9 =	smul.u32 $0x120, s8;
	_ =	swait.ge @!p0 [sflag:s1], $0x1B00  }
0x111: {  	[sflag:s1] =	ssyncset.done @!p0 $0x0  }
0x112: {  	s22 =	sadd.s32 $0x60, s9;
	[sflag:s1] =	ssyncadd.s32 @!p0 $0xFFFFE500  }
0x113: {  	[tilespmem:s26], [sflag:$0x3] =	stream.indirect.gather [hbm4b:s5+s18], $0x90, s22, s18, $0xb8;
	[tilespmem:$0x1FAD0] =	vst v63  }
0x114: {  	s4 =	simm.s32 $0x5C40;
	s12 =	sadd.s32 $0x600, s9  }
0x115: {  	[tilespmem:s4], [sflag:$0x4] =	stream.indirect.gather [hbm4b:s6+s18], $0x90, s12, s18, $0xb8;
	[tilespmem:$0x1FAD0] =	vst v63  }
0x116: {  	_ =	swait.ge [sflag:s28], $0x1B00  }
0x117: {  	[sflag:s28] =	ssyncset.done $0x0  }
0x118: {  	[sflag:s28] =	ssyncadd.s32 $0xFFFFE500  }
0x119: {  	_ =	swait.ge [sflag:s29], $0x1B00  }
0x11a: {  	[sflag:s29] =	ssyncset.done $0x0  }
0x11b: {  	s13 =	simm.s32 $0x0;
	[sflag:s29] =	ssyncadd.s32 $0xFFFFE500  }
0x11c: {  	v11 =	vld [tilespmem:s13+$0x77A0]  }
0x11d: {  	v12 =	vld [tilespmem:s13+$0x26A0]  }
0x11e: {  	v17 =	vld [tilespmem:s13+$0x7790]  }
0x11f: {  	v18 =	vld [tilespmem:s13+$0x7780]  }
0x120: {  	v19 =	vld [tilespmem:s13+$0x7760]  }
0x121: {  	v20 =	vld [tilespmem:s13+$0x7750]  }
0x122: {  	v21 =	vld [tilespmem:s13+$0x77B0]  }
0x123: {  	v22 =	vld [tilespmem:s13+$0x7770]  }
0x124: {  	v15 =	vld [tilespmem:s13+$0x2690]  }
0x125: {  	v14 =	vld [tilespmem:s13+$0x26B0]  }
0x126: {  	v23 =	vld [tilespmem:s13+$0x7740]  }
0x127: {  	v13 =	vld [tilespmem:s13+$0x2660]  }
0x128: {  	v28 =	vld [tilespmem:s13+$0x2650]  }
0x129: {  	v16 =	vld [tilespmem:s13+$0x2640]  }
0x12a: {  	v27 =	vld [tilespmem:s13+$0x2670]  }
0x12b: {  	v30 =	vld [tilespmem:s13+$0x2680]  }
0x12c: {  	v24 =	vld [tilespmem:s13+$0x77C0];
	v11 =	vadd.f32 v11, v12;
	v17 =	vadd.f32 v17, v15  }
0x12d: {  	v19 =	vadd.f32 v19, v13;
	v20 =	vadd.f32 v20, v28  }
0x12e: {  	v21 =	vadd.f32 v21, v14;
	v23 =	vadd.f32 v23, v16  }
0x12f: {  	v22 =	vadd.f32 v22, v27;
	v25 =	vmul.f32 $2.000000030e-01, v11;
	v26 =	vmul.f32 $2.000000030e-01, v17  }
0x130: {  	s14 =	simm.s32 $0x90;
	v18 =	vadd.f32 v18, v30;
	v29 =	vmul.f32 $2.000000030e-01, v19;
	v31 =	vmul.f32 $2.000000030e-01, v21  }
0x131: {  	v62 =	vld [tilespmem:s14+$0x77A0];
	v24 =	vadd.f32 v0, v24;
	v61 =	vmul.f32 $2.000000030e-01, v23;
	v63 =	vmul.f32 $2.000000030e-01, v20  }
0x132: {  	v42 =	vld [tilespmem:s14+$0x7790];
	v40 =	vmul.f32 $2.000000030e-01, v22;
	v41 =	vmul.f32 $2.000000030e-01, v18;
	v11 =	vmax.f32 v11, v25  }
0x133: {  	v43 =	vld [tilespmem:s14+$0x7780];
	v17 =	vmax.f32 v17, v26;
	v20 =	vmax.f32 v20, v63;
	v23 =	vmax.f32 v23, v61  }
0x134: {  	v44 =	vld [tilespmem:s14+$0x7760];
	v22 =	vmax.f32 v22, v40;
	v18 =	vmax.f32 v18, v41;
	v25 =	vmul.f32 v11, v8  }
0x135: {  	v19 =	vmax.f32 v19, v29;
	v29 =	vld [tilespmem:s14+$0x7750];
	v23 =	vmul.f32 v23, v2;
	v22 =	vmul.f32 v22, v5  }
0x136: {  	v21 =	vmax.f32 v21, v31;
	v31 =	vld [tilespmem:s14+$0x77B0];
	v20 =	vmul.f32 v20, v3;
	v18 =	vmul.f32 v18, v6  }
0x137: {  	v11 =	vld [tilespmem:s14+$0x26A0];
	v17 =	vmul.f32 v17, v7;
	v19 =	vmul.f32 v19, v4  }
0x138: {  	v26 =	vmul.f32 $2.000000030e-01, v24;
	v20 =	vadd.f32 v18, v20;
	v18 =	vld [tilespmem:s14+$0x2690]  }
0x139: {  	v21 =	vmul.f32 v21, v9;
	v22 =	vadd.f32 v22, v23;
	v19 =	vadd.f32 v17, v19;
	v17 =	vld [tilespmem:s14+$0x26B0]  }
0x13a: {  	v23 =	vmax.f32 v24, v26;
	v24 =	vld [tilespmem:s14+$0x2640]  }
0x13b: {  	v22 =	vadd.f32 v25, v22;
	v20 =	vadd.f32 v21, v20;
	v21 =	vmul.f32 v23, v10;
	v25 =	vld [tilespmem:s14+$0x7740]  }
0x13c: {  	v23 =	vld [tilespmem:s14+$0x2650]  }
0x13d: {  	v33 =	vadd.f32 v62, v11;
	v19 =	vadd.f32 v21, v19;
	v21 =	vld [tilespmem:s14+$0x77C0]  }
0x13e: {  	v45 =	vld [tilespmem:s14+$0x7770];
	v22 =	vadd.f32 v20, v22;
	v46 =	vadd.f32 v42, v18  }
0x13f: {  	v20 =	vld [tilespmem:s14+$0x2660];
	v31 =	vadd.f32 v31, v17  }
0x140: {  	v49 =	vmul.f32 $2.000000030e-01, v33;
	v26 =	vadd.f32 v19, v22;
	v19 =	vld [tilespmem:s14+$0x2670];
	v48 =	vmul.f32 $2.000000030e-01, v46  }
0x141: {  	v22 =	vld [tilespmem:s14+$0x2680];
	v29 =	vadd.f32 v29, v23;
	v25 =	vadd.f32 v25, v24;
	v53 =	vmul.f32 $2.000000030e-01, v31  }
0x142: {  	v47 =	vperm.xlane v26, v1;
	v50 =	vmax.f32 v46, v48;
	v51 =	vadd.f32 v0, v21  }
0x143: {  	v21 =	vmax.f32 v33, v49;
	v54 =	vmul.f32 $2.000000030e-01, v25;
	v55 =	vmul.f32 $2.000000030e-01, v29  }
0x144: {  	s16 =	simm.s32 $0x120;
	v31 =	vmax.f32 v31, v53;
	v37 =	vadd.f32 v26, v47;
	v33 =	vmul.f32 v21, v8  }
0x145: {  	v56 =	vld [tilespmem:s16+$0x77A0];
	v26 =	vadd.f32 v44, v20;
	v34 =	vmul.f32 v50, v7;
	v31 =	vmul.f32 v31, v9  }
0x146: {  	v60 =	vld [tilespmem:s16+$0x7790];
	v35 =	vadd.f32 v45, v19;
	v32 =	vadd.f32 v43, v22;
	v58 =	vmul.f32 $2.000000030e-01, v51  }
0x147: {  	v40 =	vld [tilespmem:s16+$0x7780];
	v29 =	vmax.f32 v29, v55;
	v25 =	vmax.f32 v25, v54;
	(v2sf) =	vpush v37, $0x7  }
0x148: {  	v61 =	vld [tilespmem:s16+$0x7760];
	v52 =	vmul.f32 $2.000000030e-01, v26;
	v57 =	vmul.f32 $2.000000030e-01, v35;
	(v2sf) =	vpush v37, $0x6  }
0x149: {  	v63 =	vld [tilespmem:s16+$0x77B0];
	v25 =	vmul.f32 v25, v2;
	v59 =	vmul.f32 $2.000000030e-01, v32;
	(v2sf) =	vpush v37, $0x4  }
0x14a: {  	v21 =	vld [tilespmem:s16+$0x26A0];
	v29 =	vmul.f32 v29, v3;
	v35 =	vmax.f32 v35, v57;
	(v2sf) =	vpush v37, $0x3  }
0x14b: {  	v62 =	vld [tilespmem:s16+$0x7750];
	v32 =	vmax.f32 v32, v59;
	v35 =	vmul.f32 v35, v5;
	(v2sf) =	vpush v37, $0x2  }
0x14c: {  	v26 =	vmax.f32 v26, v52;
	v52 =	vld [tilespmem:s16+$0x77C0];
	v32 =	vmul.f32 v32, v6;
	(v2sf) =	vpush v37, $0x5  }
0x14d: {  	v50 =	vmax.f32 v51, v58;
	v51 =	vld [tilespmem:s16+$0x7740];
	v25 =	vadd.f32 v35, v25;
	(v2sf) =	vpush v37, $0x1  }
0x14e: {  	v26 =	vmul.f32 v26, v4;
	v29 =	vadd.f32 v32, v29;
	v35 =	vld [tilespmem:s16+$0x2660];
	(v2sf) =	vpush v37, $0x0  }
0x14f: {  	v42 =	vadd.f32 v56, v21;
	v32 =	vld [tilespmem:s16+$0x2680];
	v49 =	vadd.f32 v33, v25  }
0x150: {  	v25 =	vld [tilespmem:s16+$0x2690];
	v29 =	vadd.f32 v31, v29;
	v31 =	vadd.f32 v34, v26;
	v33 =	vmul.f32 v50, v10  }
0x151: {  	v36 =	vadd.f32 v0, v52;
	v26 =	vld [tilespmem:s16+$0x26B0]  }
0x152: {  	v56 =	vmul.f32 $2.000000030e-01, v42;
	v29 =	vadd.f32 v29, v49;
	v31 =	vadd.f32 v33, v31;
	v33 =	vld [tilespmem:s16+$0x2640]  }
0x153: {  	v48 =	vld [tilespmem:s16+$0x7770];
	v37 =	vadd.f32 v61, v35  }
0x154: {  	v58 =	vmax.f32 v42, v56;
	v61 =	vmul.f32 $2.000000030e-01, v36;
	v53 =	vadd.f32 v31, v29;
	v31 =	vld [tilespmem:s16+$0x2650]  }
0x155: {  	v40 =	vadd.f32 v40, v32;
	v29 =	vld [tilespmem:s16+$0x2670];
	v41 =	vadd.f32 v60, v25;
	v59 =	vmul.f32 $2.000000030e-01, v37  }
0x156: {  	v42 =	vadd.f32 v63, v26;
	v36 =	vmax.f32 v36, v61;
	v54 =	vperm.xlane v53, v1;
	s7 =	spop (v2sf)  }
0x157: {  	v55 =	vmul.f32 $2.000000030e-01, v41;
	v43 =	vadd.f32 v51, v33;
	v37 =	vmax.f32 v37, v59;
	s15 =	spop (v2sf)  }
0x158: {  	v60 =	vmul.f32 $2.000000030e-01, v42;
	v44 =	vadd.f32 v53, v54;
	v37 =	vmul.f32 v37, v4;
	s10 =	spop (v2sf)  }
0x159: {  	v57 =	vmax.f32 v41, v55;
	v39 =	vadd.f32 v62, v31;
	v41 =	vmul.f32 v58, v8;
	s20 =	spop (v2sf)  }
0x15a: {  	s1 =	simm.s32 $0x1B0;
	v45 =	vadd.f32 v48, v29;
	v62 =	vmul.f32 $2.000000030e-01, v43;
	v42 =	vmax.f32 v42, v60;
	s17 =	spop (v2sf)  }
0x15b: {  	v46 =	vld [tilespmem:s1+$0x7760];
	s4 =	sadd.f32 s7, s15;
	(v2sf) =	vpush v44, $0x7;
	v38 =	vmul.f32 v57, v7;
	v57 =	vmul.f32 $2.000000030e-01, v40;
	s22 =	spop (v2sf)  }
0x15c: {  	v47 =	vld [tilespmem:s1+$0x7750];
	v63 =	vmul.f32 $2.000000030e-01, v39;
	v56 =	vmul.f32 $2.000000030e-01, v45;
	v43 =	vmax.f32 v43, v62;
	s15 =	sadd.f32 s20, s17;
	s20 =	spop (v2sf)  }
0x15d: {  	v34 =	vld [tilespmem:s1+$0x26A0];
	(v2sf) =	vpush v44, $0x6;
	v43 =	vmul.f32 v43, v2;
	v40 =	vmax.f32 v40, v57;
	s7 =	sadd.f32 s22, s10;
	s22 =	spop (v2sf)  }
0x15e: {  	v51 =	vld [tilespmem:s1+$0x77A0];
	v39 =	vmax.f32 v39, v63;
	v45 =	vmax.f32 v45, v56;
	v40 =	vmul.f32 v40, v6;
	s10 =	sadd.f32 s20, s22  }
0x15f: {  	v58 =	vld [tilespmem:s1+$0x7790];
	(v2sf) =	vpush v44, $0x4;
	v45 =	vmul.f32 v45, v5;
	v39 =	vmul.f32 v39, v3;
	s4 =	sadd.f32 s4, s7  }
0x160: {  	v60 =	vmul.f32 v36, v10;
	v36 =	vld [tilespmem:s1+$0x26B0];
	v38 =	vadd.f32 v38, v37;
	(v2sf) =	vpush v44, $0x3;
	s17 =	sadd.f32 s15, s10  }
0x161: {  	v42 =	vmul.f32 v42, v9;
	v37 =	vld [tilespmem:s1+$0x2690];
	v43 =	vadd.f32 v45, v43;
	v39 =	vadd.f32 v40, v39  }
0x162: {  	v48 =	vld [tilespmem:s1+$0x7740];
	(v2sf) =	vpush v44, $0x2;
	s4 =	sadd.f32 s4, s17  }
0x163: {  	v63 =	vld [tilespmem:s1+$0x77C0];
	v59 =	vadd.f32 v41, v43;
	v39 =	vadd.f32 v42, v39  }
0x164: {  	v51 =	vadd.f32 v51, v34;
	v61 =	vadd.f32 v60, v38;
	v38 =	vld [tilespmem:s1+$0x2660];
	v62 =	vmov s4  }
0x165: {  	(v2sf) =	vpush v44, $0x5;
	v40 =	vld [tilespmem:s1+$0x2650];
	v39 =	vadd.f32 v39, v59;
	v56 =	vmul.f32 $1.442695020e+00, v62  }
0x166: {  	v45 =	vld [tilespmem:s1+$0x77B0];
	(v2sf) =	vpush v44, $0x1;
	v50 =	vadd.f32 v58, v37  }
0x167: {  	v42 =	vld [tilespmem:s1+$0x2640];
	(v2sf) =	vpush v44, $0x0;
	v57 =	vadd.f32 v61, v39;
	v41 =	vbroadcast v56, $0x0  }
0x168: {  	v52 =	vld [tilespmem:s1+$0x7770];
	v60 =	vmul.f32 $2.000000030e-01, v51;
	v59 =	vmul.f32 $2.000000030e-01, v50  }
0x169: {  	v49 =	vld [tilespmem:s1+$0x7780];
	v46 =	vadd.f32 v46, v38;
	v58 =	vperm.xlane v57, v1;
	(erf) = vpow2.f32 v41  }
0x16a: {  	v51 =	vmax.f32 v51, v60;
	v47 =	vadd.f32 v47, v40;
	v39 =	vld [tilespmem:s1+$0x2670];
	v61 =	vadd.f32 v0, v63  }
0x16b: {  	v44 =	vmax.f32 v50, v59;
	v50 =	vadd.f32 v45, v36;
	v41 =	vld [tilespmem:s1+$0x2680];
	v43 =	vadd.f32 v57, v58  }
0x16c: {  	v45 =	vmul.f32 v51, v8;
	v62 =	vmul.f32 $2.000000030e-01, v46;
	v48 =	vadd.f32 v48, v42  }
0x16d: {  	v44 =	vmul.f32 v44, v7;
	v63 =	vmul.f32 $2.000000030e-01, v61;
	s20 =	spop (v2sf);
	(v2sf) =	vpush v43, $0x7  }
0x16e: {  	v54 =	vmax.f32 v46, v62;
	v53 =	vmul.f32 $2.000000030e-01, v48;
	s22 =	spop (v2sf);
	(v2sf) =	vpush v43, $0x6  }
0x16f: {  	v46 =	vmax.f32 v61, v63;
	v51 =	vadd.f32 v52, v39;
	s10 =	spop (v2sf);
	(v2sf) =	vpush v43, $0x4  }
0x170: {  	s7 =	simm.s32 $0x900;
	v52 =	vmul.f32 $2.000000030e-01, v50;
	s22 =	sadd.f32 s20, s22;
	s15 =	spop (v2sf);
	v49 =	vadd.f32 v49, v41;
	(v2sf) =	vpush v43, $0x3  }
.LBB2_6:
0x171: {  	s4 =	smov.u32 s7  }
0x172: {  	s17 =	sshra.s32 s7, $0x2;
	v55 =	vmul.f32 $2.000000030e-01, v47;
	v54 =	vmul.f32 v54, v4;
	v50 =	vmax.f32 v50, v52;
	s20 =	spop (v2sf);
	v52 =	vpop (erf);
	s4 =	sadd.s32 $0x240, s7  }
0x173: {  	p0 =	sne.s32 s7, $0x69C0;
	v57 =	vmul.f32 $2.000000030e-01, v51;
	v50 =	vmul.f32 v50, v9;
	v56 =	vld [tilespmem:s17+$0x77A0]  }
0x174: {  	v47 =	vmax.f32 v47, v55;
	v55 =	vmul.f32 $2.000000030e-01, v49;
	v54 =	vadd.f32 v44, v54;
	v58 =	vld [tilespmem:s17+$0x26A0];
	s7 =	spop (v2sf)  }
0x175: {  	v48 =	vmax.f32 v48, v53;
	s15 =	sadd.f32 s15, s20;
	v53 =	vmul.f32 v52, v16;
	v16 =	vmovc v24;
	v51 =	vmax.f32 v51, v57;
	v59 =	vld [tilespmem:s17+$0x7790];
	s20 =	spop (v2sf)  }
0x176: {  	v24 =	vmovc v33;
	v48 =	vmul.f32 v48, v2;
	v51 =	vmul.f32 v51, v5;
	v49 =	vmax.f32 v49, v55;
	s7 =	sadd.f32 s7, s10;
	v44 =	vld [tilespmem:s17+$0x7780];
	s10 =	spop (v2sf)  }
0x177: {  	v33 =	vmov v42;
	v47 =	vmul.f32 v47, v3;
	v49 =	vmul.f32 v49, v6;
	v55 =	vld [tilespmem:s17+$0x7760];
	s10 =	sadd.f32 s20, s10;
	[tilespmem:s13+$0x2640] =	vst v53  }
0x178: {  	v28 =	vmul.f32 v52, v28;
	v42 =	vadd.f32 v51, v48;
	v48 =	vmul.f32 v52, v13;
	v13 =	vmovc v20;
	s7 =	sadd.f32 s22, s7;
	v53 =	vld [tilespmem:s17+$0x7750]  }
0x179: {  	v27 =	vmul.f32 v52, v27;
	v30 =	vmul.f32 v52, v30;
	v20 =	vmovc v35;
	v47 =	vadd.f32 v49, v47;
	v51 =	vld [tilespmem:s17+$0x77B0];
	s10 =	sadd.f32 s15, s10  }
0x17a: {  	v57 =	vmul.f32 v52, v12;
	v35 =	vadd.f32 v45, v42;
	v49 =	vld [tilespmem:s17+$0x7770];
	[tilespmem:s13+$0x2650] =	vst v28;
	v28 =	vmul.f32 v52, v15  }
0x17b: {  	v46 =	vmul.f32 v46, v10;
	v45 =	vadd.f32 v50, v47;
	v47 =	vmul.f32 v52, v14;
	v42 =	vld [tilespmem:s17+$0x2690];
	s7 =	sadd.f32 s7, s10;
	[tilespmem:s13+$0x2660] =	vst v48  }
0x17c: {  	v12 =	vmovc v11;
	v11 =	vmovc v21;
	v21 =	vmov v34;
	v50 =	vmul.f32 v0, v52;
	v48 =	vld [tilespmem:s17+$0x26B0];
	(v2sf) =	vpush v43, $0x2;
	s10 =	spop (v2sf);
	[tilespmem:s13+$0x2680] =	vst v30  }
0x17d: {  	v54 =	vadd.f32 v46, v54;
	v34 =	vmovc v58;
	v15 =	vmovc v18;
	v30 =	vadd.f32 v45, v35;
	v52 =	vld [tilespmem:s17+$0x7740];
	s15 =	spop (v2sf);
	v45 =	vmov s7;
	[tilespmem:s13+$0x26A0] =	vst v57  }
0x17e: {  	v18 =	vmovc v25;
	v25 =	vmovc v37;
	v14 =	vmov v17;
	v46 =	vld [tilespmem:s17+$0x77C0];
	s22 =	sadd.f32 s10, s15;
	(v2sf) =	vpush v43, $0x5;
	v45 =	vmul.f32 $1.442695020e+00, v45;
	[tilespmem:s13+$0x26C0] =	vst v50  }
0x17f: {  	v17 =	vmovc v26;
	v26 =	vmovc v36;
	v35 =	vmov v38;
	v30 =	vadd.f32 v54, v30;
	(v2sf) =	vpush v43, $0x1;
	s10 =	spop (v2sf);
	[tilespmem:s13+$0x2690] =	vst v28;
	v38 =	vld [tilespmem:s17+$0x2660]  }
0x180: {  	v28 =	vmovc v23;
	v54 =	vld [tilespmem:s17+$0x2650];
	v50 =	vadd.f32 v59, v42;
	(v2sf) =	vpush v43, $0x0;
	s15 =	spop (v2sf);
	v43 =	vbroadcast v45, $0x0;
	[tilespmem:s13+$0x2670] =	vst v27;
	v37 =	vmovc v42  }
0x181: {  	v23 =	vmovc v31;
	v45 =	vadd.f32 v56, v34;
	v56 =	vperm.xlane v30, v1;
	v42 =	vld [tilespmem:s17+$0x2640];
	[tilespmem:s13+$0x26B0] =	vst v47;
	v36 =	vmov v48;
	s13 =	smov.u32 s14;
	s14 =	smov.u32 s16;
	s16 =	smov.u32 s1  }
0x182: {  	v31 =	vmovc v40;
	v27 =	vmovc v19;
	v19 =	vmov v29;
	s1 =	smov.u32 s17;
	v57 =	vld [tilespmem:s17+$0x2670];
	v47 =	vmul.f32 $2.000000030e-01, v50;
	(erf) = vpow2.f32 v43  }
0x183: {  	v29 =	vmovc v39;
	v48 =	vmul.f32 $2.000000030e-01, v45;
	v43 =	vadd.f32 v30, v56;
	v30 =	vmovc v22;
	v22 =	vmov v32;
	v58 =	vld [tilespmem:s1+$0x2680]  }
0x184: {  	v32 =	vmovc v41;
	v46 =	vadd.f32 v0, v46;
	v55 =	vadd.f32 v55, v38;
	v56 =	vmax.f32 v50, v47  }
0x185: {  	v41 =	vmax.f32 v45, v48;
	v50 =	vadd.f32 v51, v36;
	v47 =	vadd.f32 v53, v54;
	v40 =	vmovc v54  }
.Ltmp5:
0x186: {  	v45 =	vmul.f32 v41, v8;
	v48 =	vadd.f32 v52, v42;
	(v2sf) =	vpush v43, $0x7;
	(pc) =	sbr.rel @p0 .LBB2_6-.Ltmp5, $4  }
0x187: {  	v53 =	vmul.f32 $2.000000030e-01, v55;
	v51 =	vadd.f32 v49, v57;
	(v2sf) =	vpush v43, $0x6;
	v39 =	vmovc v57  }
0x188: {  	v52 =	vmul.f32 $2.000000030e-01, v50;
	v57 =	vmul.f32 $2.000000030e-01, v46;
	v49 =	vadd.f32 v44, v58;
	v41 =	vmovc v58  }
0x189: {  	v54 =	vmax.f32 v55, v53;
	v44 =	vmul.f32 v56, v7;
	(v2sf) =	vpush v43, $0x4  }
0x18a: {  	s7 =	smov.u32 s4;
	v53 =	vmul.f32 $2.000000030e-01, v48;
	v46 =	vmax.f32 v46, v57;
	(v2sf) =	vpush v43, $0x3  }
0x18b: {  	v55 =	vmul.f32 $2.000000030e-01, v47;
	v56 =	vmul.f32 $2.000000030e-01, v51  }
0x18c: {  	v57 =	vmul.f32 $2.000000030e-01, v49  }
0x18d: {  	v48 =	vmax.f32 v48, v53;
	v47 =	vmax.f32 v47, v55;
	v51 =	vmax.f32 v51, v56  }
0x18e: {  	v48 =	vmul.f32 v48, v2;
	v49 =	vmax.f32 v49, v57;
	v51 =	vmul.f32 v51, v5  }
0x18f: {  	v47 =	vmul.f32 v47, v3;
	v49 =	vmul.f32 v49, v6  }
0x190: {  	v50 =	vmax.f32 v50, v52;
	v57 =	vmul.f32 v54, v4  }
0x191: {  	v50 =	vmul.f32 v50, v9;
	v48 =	vadd.f32 v51, v48;
	v47 =	vadd.f32 v49, v47  }
0x192: {  	v44 =	vadd.f32 v44, v57  }
0x193: {  	v46 =	vmul.f32 v46, v10;
	v45 =	vadd.f32 v45, v48;
	v47 =	vadd.f32 v50, v47;
	_ =	sdelay $0x1  }
0x194: {  	v44 =	vadd.f32 v46, v44;
	v45 =	vadd.f32 v47, v45;
	_ =	sdelay $0x1  }
0x195: {  	v44 =	vadd.f32 v44, v45  }
0x196: {  	(v2sf) =	vpush v43, $0x2  }
0x197: {  	(v2sf) =	vpush v43, $0x5;
	v45 =	vperm.xlane v44, v1  }
0x198: {  	(v2sf) =	vpush v43, $0x1  }
0x199: {  	(v2sf) =	vpush v43, $0x0;
	v58 =	vadd.f32 v44, v45  }
0x19a: {  	s4 =	spop (v2sf)  }
0x19b: {  	s7 =	spop (v2sf);
	(v2sf) =	vpush v58, $0x7  }
0x19c: {  	s4 =	sadd.f32 s15, s4;
	s17 =	spop (v2sf);
	(v2sf) =	vpush v58, $0x6  }
0x19d: {  	s7 =	sadd.f32 s7, s10;
	s20 =	spop (v2sf);
	(v2sf) =	vpush v58, $0x4  }
0x19e: {  	s10 =	sadd.f32 s17, s20;
	(v2sf) =	vpush v58, $0x3  }
0x19f: {  	s7 =	sadd.f32 s22, s7;
	(v2sf) =	vpush v58, $0x2  }
0x1a0: {  	s4 =	sadd.f32 s4, s10;
	(v2sf) =	vpush v58, $0x5  }
0x1a1: {  	s15 =	spop (v2sf);
	(v2sf) =	vpush v58, $0x1  }
0x1a2: {  	s4 =	sadd.f32 s7, s4;
	s10 =	spop (v2sf);
	(v2sf) =	vpush v58, $0x0  }
0x1a3: {  	s17 =	spop (v2sf)  }
0x1a4: {  	v59 =	vmov s4;
	s20 =	spop (v2sf)  }
0x1a5: {  	v43 =	vmul.f32 $1.442695020e+00, v59;
	s7 =	spop (v2sf)  }
0x1a6: {  	s10 =	sadd.f32 s15, s10;
	s22 =	spop (v2sf)  }
0x1a7: {  	v43 =	vbroadcast v43, $0x0;
	s7 =	sadd.f32 s20, s7;
	s15 =	spop (v2sf)  }
0x1a8: {  	s4 =	sadd.f32 s22, s17;
	s22 =	spop (v2sf)  }
0x1a9: {  	v60 =	vpop (erf);
	(erf) = vpow2.f32 v43;
	s15 =	sadd.f32 s15, s22  }
0x1aa: {  	s4 =	sadd.f32 s10, s4;
	s10 =	spop (v2sf)  }
0x1ab: {  	s7 =	sadd.f32 s7, s15;
	s15 =	spop (v2sf)  }
0x1ac: {  	v16 =	vmul.f32 v60, v16;
	s17 =	spop (v2sf)  }
0x1ad: {  	v28 =	vmul.f32 v60, v28;
	s4 =	sadd.f32 s4, s7;
	s20 =	spop (v2sf)  }
0x1ae: {  	v13 =	vmul.f32 v60, v13;
	v15 =	vmul.f32 v60, v15;
	[tilespmem:s13+$0x2640] =	vst v16;
	s22 =	spop (v2sf)  }
0x1af: {  	v12 =	vmul.f32 v60, v12;
	[tilespmem:s13+$0x2650] =	vst v28;
	v28 =	vmov s4;
	s4 =	sadd.f32 s10, s15;
	s15 =	spop (v2sf)  }
0x1b0: {  	[tilespmem:s13+$0x2660] =	vst v13;
	v13 =	vmul.f32 $1.442695020e+00, v28;
	s7 =	sadd.f32 s20, s22;
	s22 =	spop (v2sf)  }
0x1b1: {  	v14 =	vmul.f32 v60, v14;
	[tilespmem:s13+$0x26A0] =	vst v12;
	s10 =	sadd.f32 s15, s17;
	s20 =	spop (v2sf)  }
0x1b2: {  	v16 =	vmul.f32 v60, v30;
	[tilespmem:s13+$0x2690] =	vst v15;
	v15 =	vpop (erf);
	v12 =	vbroadcast v13, $0x0;
	s15 =	sadd.f32 s22, s20  }
0x1b3: {  	[tilespmem:s13+$0x26B0] =	vst v14;
	v14 =	vmul.f32 v15, v22;
	s4 =	sadd.f32 s4, s10  }
0x1b4: {  	[tilespmem:s13+$0x2680] =	vst v16;
	v13 =	vmul.f32 v60, v27;
	(erf) = vpow2.f32 v12;
	s7 =	sadd.f32 s7, s15  }
0x1b5: {  	[tilespmem:s14+$0x2680] =	vst v14;
	v12 =	vmul.f32 v15, v24  }
0x1b6: {  	[tilespmem:s13+$0x2670] =	vst v13;
	v13 =	vmul.f32 v15, v23;
	s4 =	sadd.f32 s4, s7  }
0x1b7: {  	[tilespmem:s14+$0x2640] =	vst v12;
	v12 =	vmul.f32 v15, v20  }
0x1b8: {  	v16 =	vmul.f32 v0, v60;
	v11 =	vmul.f32 v15, v11;
	[tilespmem:s14+$0x2650] =	vst v13;
	v13 =	vmov s4  }
0x1b9: {  	v14 =	vmul.f32 v15, v18;
	[tilespmem:s14+$0x2660] =	vst v12;
	v12 =	vmul.f32 $1.442695020e+00, v13  }
0x1ba: {  	[tilespmem:s13+$0x26C0] =	vst v16  }
0x1bb: {  	[tilespmem:s14+$0x26A0] =	vst v11;
	v13 =	vmul.f32 v0, v15;
	v11 =	vbroadcast v12, $0x0  }
0x1bc: {  	[tilespmem:s14+$0x2690] =	vst v14;
	v12 =	vmul.f32 v15, v19  }
0x1bd: {  	v14 =	vpop (erf);
	[tilespmem:s14+$0x26C0] =	vst v13;
	v13 =	vmul.f32 v15, v17;
	(erf) = vpow2.f32 v11  }
0x1be: {  	[tilespmem:s14+$0x2670] =	vst v12;
	v11 =	vmul.f32 v14, v33  }
0x1bf: {  	[tilespmem:s14+$0x26B0] =	vst v13;
	v12 =	vmul.f32 v14, v31  }
0x1c0: {  	v13 =	vmul.f32 v14, v32;
	[tilespmem:s16+$0x2640] =	vst v11  }
0x1c1: {  	v11 =	vmul.f32 v14, v35;
	[tilespmem:s16+$0x2650] =	vst v12  }
0x1c2: {  	v12 =	vmul.f32 v14, v21;
	[tilespmem:s16+$0x2680] =	vst v13;
	v13 =	vmul.f32 v14, v25  }
0x1c3: {  	[tilespmem:s16+$0x2660] =	vst v11  }
0x1c4: {  	v11 =	vmul.f32 v0, v14;
	[tilespmem:s16+$0x26A0] =	vst v12  }
0x1c5: {  	v12 =	vmul.f32 v14, v29;
	[tilespmem:s16+$0x2690] =	vst v13  }
0x1c6: {  	[tilespmem:s16+$0x26C0] =	vst v11;
	v11 =	vmul.f32 v14, v26;
	v13 =	vpop (erf)  }
0x1c7: {  	[tilespmem:s16+$0x2670] =	vst v12;
	v12 =	vmul.f32 v13, v42  }
0x1c8: {  	[tilespmem:s16+$0x26B0] =	vst v11;
	v11 =	vmul.f32 v13, v40  }
0x1c9: {  	v14 =	vmul.f32 v13, v41;
	[tilespmem:s1+$0x2640] =	vst v12  }
0x1ca: {  	v12 =	vmul.f32 v13, v38;
	[tilespmem:s1+$0x2650] =	vst v11  }
0x1cb: {  	v11 =	vmul.f32 v13, v34;
	[tilespmem:s1+$0x2680] =	vst v14  }
0x1cc: {  	v14 =	vmul.f32 v13, v37;
	[tilespmem:s1+$0x2660] =	vst v12  }
0x1cd: {  	v12 =	vmul.f32 v0, v13;
	[tilespmem:s1+$0x26A0] =	vst v11  }
0x1ce: {  	v11 =	vmul.f32 v13, v39;
	[tilespmem:s1+$0x2690] =	vst v14  }
0x1cf: {  	[tilespmem:s1+$0x26C0] =	vst v12;
	v12 =	vmul.f32 v13, v36  }
0x1d0: {  	[tilespmem:s1+$0x2670] =	vst v11  }
0x1d1: {  	s22 =	sadd.s32 $0x5D0, s11;
	[tilespmem:s1+$0x26B0] =	vst v12  }
0x1d2: {  	[spmem:s3] =	stream.indirect.scatter.add.f32 [tilespmem:s21], [sflag:$0x7], $0x90, s22, s18, $0xb8;
	[tilespmem:$0x1FAD0] =	vst v63  }
0x1d3: {  	_ =	swait.ge [sflag:s30], $0x1B00  }
0x1d4: {  	[sflag:s30] =	ssyncset.done $0x0  }
0x1d5: {  	s4 =	sadd.s32 $0x90, s9;
	[sflag:s30] =	ssyncadd.s32 $0xFFFFE500  }
0x1d6: {  	[tilespmem:s19], [sflag:$0x1] =	stream.indirect.gather [hbm4b:s5+s18], $0x90, s4, s18, $0xb8;
	[tilespmem:$0x1FAD0] =	vst v63  }
0x1d7: {  	s13 =	sadd.s32 $0x630, s9  }
0x1d8: {  	[tilespmem:s23], [sflag:$0x5] =	stream.indirect.gather [hbm4b:s6+s18], $0x90, s13, s18, $0xb8;
	[tilespmem:$0x1FAD0] =	vst v63  }
0x1d9: {  	_ =	swait.ge [sflag:s31], $0x1B00  }
0x1da: {  	[sflag:s31] =	ssyncset.done $0x0  }
0x1db: {  	[sflag:s31] =	ssyncadd.s32 $0xFFFFE500  }
0x1dc: {  	_ =	swait.ge [sflag:s25], $0x1B00  }
0x1dd: {  	[sflag:s25] =	ssyncset.done $0x0  }
0x1de: {  	s11 =	simm.s32 $0x0;
	[sflag:s25] =	ssyncadd.s32 $0xFFFFE500  }
0x1df: {  	v11 =	vld [tilespmem:s11+$0x5CA0]  }
0x1e0: {  	v12 =	vld [tilespmem:s11+$0x41A0]  }
0x1e1: {  	v17 =	vld [tilespmem:s11+$0x5C90]  }
0x1e2: {  	v18 =	vld [tilespmem:s11+$0x5C80]  }
0x1e3: {  	v19 =	vld [tilespmem:s11+$0x5C60]  }
0x1e4: {  	v20 =	vld [tilespmem:s11+$0x5C50]  }
0x1e5: {  	v21 =	vld [tilespmem:s11+$0x5CB0]  }
0x1e6: {  	v22 =	vld [tilespmem:s11+$0x5C70]  }
0x1e7: {  	v15 =	vld [tilespmem:s11+$0x4190]  }
0x1e8: {  	v14 =	vld [tilespmem:s11+$0x41B0]  }
0x1e9: {  	v23 =	vld [tilespmem:s11+$0x5C40]  }
0x1ea: {  	v13 =	vld [tilespmem:s11+$0x4160]  }
0x1eb: {  	v28 =	vld [tilespmem:s11+$0x4150]  }
0x1ec: {  	v16 =	vld [tilespmem:s11+$0x4140]  }
0x1ed: {  	v27 =	vld [tilespmem:s11+$0x4170]  }
0x1ee: {  	v30 =	vld [tilespmem:s11+$0x4180]  }
0x1ef: {  	v24 =	vld [tilespmem:s11+$0x5CC0];
	v11 =	vadd.f32 v11, v12;
	v17 =	vadd.f32 v17, v15  }
0x1f0: {  	v19 =	vadd.f32 v19, v13;
	v20 =	vadd.f32 v20, v28  }
0x1f1: {  	v21 =	vadd.f32 v21, v14;
	v23 =	vadd.f32 v23, v16  }
0x1f2: {  	v22 =	vadd.f32 v22, v27;
	v25 =	vmul.f32 $2.000000030e-01, v11;
	v26 =	vmul.f32 $2.000000030e-01, v17  }
0x1f3: {  	s14 =	simm.s32 $0x90;
	v18 =	vadd.f32 v18, v30;
	v29 =	vmul.f32 $2.000000030e-01, v19;
	v31 =	vmul.f32 $2.000000030e-01, v21  }
0x1f4: {  	v62 =	vld [tilespmem:s14+$0x5CA0];
	v24 =	vadd.f32 v0, v24;
	v61 =	vmul.f32 $2.000000030e-01, v23;
	v63 =	vmul.f32 $2.000000030e-01, v20  }
0x1f5: {  	v42 =	vld [tilespmem:s14+$0x5C90];
	v40 =	vmul.f32 $2.000000030e-01, v22;
	v41 =	vmul.f32 $2.000000030e-01, v18;
	v11 =	vmax.f32 v11, v25  }
0x1f6: {  	v43 =	vld [tilespmem:s14+$0x5C80];
	v17 =	vmax.f32 v17, v26;
	v20 =	vmax.f32 v20, v63;
	v23 =	vmax.f32 v23, v61  }
0x1f7: {  	v44 =	vld [tilespmem:s14+$0x5C60];
	v22 =	vmax.f32 v22, v40;
	v18 =	vmax.f32 v18, v41;
	v25 =	vmul.f32 v11, v8  }
0x1f8: {  	v19 =	vmax.f32 v19, v29;
	v29 =	vld [tilespmem:s14+$0x5C50];
	v23 =	vmul.f32 v23, v2;
	v22 =	vmul.f32 v22, v5  }
0x1f9: {  	v21 =	vmax.f32 v21, v31;
	v31 =	vld [tilespmem:s14+$0x5CB0];
	v20 =	vmul.f32 v20, v3;
	v18 =	vmul.f32 v18, v6  }
0x1fa: {  	v11 =	vld [tilespmem:s14+$0x41A0];
	v17 =	vmul.f32 v17, v7;
	v19 =	vmul.f32 v19, v4  }
0x1fb: {  	v26 =	vmul.f32 $2.000000030e-01, v24;
	v20 =	vadd.f32 v18, v20;
	v18 =	vld [tilespmem:s14+$0x4190]  }
0x1fc: {  	v21 =	vmul.f32 v21, v9;
	v22 =	vadd.f32 v22, v23;
	v19 =	vadd.f32 v17, v19;
	v17 =	vld [tilespmem:s14+$0x41B0]  }
0x1fd: {  	v23 =	vmax.f32 v24, v26;
	v24 =	vld [tilespmem:s14+$0x4140]  }
0x1fe: {  	v22 =	vadd.f32 v25, v22;
	v20 =	vadd.f32 v21, v20;
	v21 =	vmul.f32 v23, v10;
	v25 =	vld [tilespmem:s14+$0x5C40]  }
0x1ff: {  	v23 =	vld [tilespmem:s14+$0x4150]  }
0x200: {  	v33 =	vadd.f32 v62, v11;
	v19 =	vadd.f32 v21, v19;
	v21 =	vld [tilespmem:s14+$0x5CC0]  }
0x201: {  	v45 =	vld [tilespmem:s14+$0x5C70];
	v22 =	vadd.f32 v20, v22;
	v46 =	vadd.f32 v42, v18  }
0x202: {  	v20 =	vld [tilespmem:s14+$0x4160];
	v31 =	vadd.f32 v31, v17  }
0x203: {  	v49 =	vmul.f32 $2.000000030e-01, v33;
	v26 =	vadd.f32 v19, v22;
	v19 =	vld [tilespmem:s14+$0x4170];
	v48 =	vmul.f32 $2.000000030e-01, v46  }
0x204: {  	v22 =	vld [tilespmem:s14+$0x4180];
	v29 =	vadd.f32 v29, v23;
	v25 =	vadd.f32 v25, v24;
	v53 =	vmul.f32 $2.000000030e-01, v31  }
0x205: {  	v47 =	vperm.xlane v26, v1;
	v50 =	vmax.f32 v46, v48;
	v51 =	vadd.f32 v0, v21  }
0x206: {  	v21 =	vmax.f32 v33, v49;
	v54 =	vmul.f32 $2.000000030e-01, v25;
	v55 =	vmul.f32 $2.000000030e-01, v29  }
0x207: {  	s16 =	simm.s32 $0x120;
	v31 =	vmax.f32 v31, v53;
	v37 =	vadd.f32 v26, v47;
	v33 =	vmul.f32 v21, v8  }
0x208: {  	v56 =	vld [tilespmem:s16+$0x5CA0];
	v26 =	vadd.f32 v44, v20;
	v34 =	vmul.f32 v50, v7;
	v31 =	vmul.f32 v31, v9  }
0x209: {  	v60 =	vld [tilespmem:s16+$0x5C90];
	v35 =	vadd.f32 v45, v19;
	v32 =	vadd.f32 v43, v22;
	v58 =	vmul.f32 $2.000000030e-01, v51  }
0x20a: {  	v40 =	vld [tilespmem:s16+$0x5C80];
	v29 =	vmax.f32 v29, v55;
	v25 =	vmax.f32 v25, v54;
	(v2sf) =	vpush v37, $0x7  }
0x20b: {  	v61 =	vld [tilespmem:s16+$0x5C60];
	v52 =	vmul.f32 $2.000000030e-01, v26;
	v57 =	vmul.f32 $2.000000030e-01, v35;
	(v2sf) =	vpush v37, $0x6  }
0x20c: {  	v63 =	vld [tilespmem:s16+$0x5CB0];
	v25 =	vmul.f32 v25, v2;
	v59 =	vmul.f32 $2.000000030e-01, v32;
	(v2sf) =	vpush v37, $0x4  }
0x20d: {  	v21 =	vld [tilespmem:s16+$0x41A0];
	v29 =	vmul.f32 v29, v3;
	v35 =	vmax.f32 v35, v57;
	(v2sf) =	vpush v37, $0x3  }
0x20e: {  	v62 =	vld [tilespmem:s16+$0x5C50];
	v32 =	vmax.f32 v32, v59;
	v35 =	vmul.f32 v35, v5;
	(v2sf) =	vpush v37, $0x2  }
0x20f: {  	v26 =	vmax.f32 v26, v52;
	v52 =	vld [tilespmem:s16+$0x5CC0];
	v32 =	vmul.f32 v32, v6;
	(v2sf) =	vpush v37, $0x5  }
0x210: {  	v50 =	vmax.f32 v51, v58;
	v51 =	vld [tilespmem:s16+$0x5C40];
	v25 =	vadd.f32 v35, v25;
	(v2sf) =	vpush v37, $0x1  }
0x211: {  	v26 =	vmul.f32 v26, v4;
	v29 =	vadd.f32 v32, v29;
	v35 =	vld [tilespmem:s16+$0x4160];
	(v2sf) =	vpush v37, $0x0  }
0x212: {  	v42 =	vadd.f32 v56, v21;
	v32 =	vld [tilespmem:s16+$0x4180];
	v49 =	vadd.f32 v33, v25  }
0x213: {  	v25 =	vld [tilespmem:s16+$0x4190];
	v29 =	vadd.f32 v31, v29;
	v31 =	vadd.f32 v34, v26;
	v33 =	vmul.f32 v50, v10  }
0x214: {  	v36 =	vadd.f32 v0, v52;
	v26 =	vld [tilespmem:s16+$0x41B0]  }
0x215: {  	v56 =	vmul.f32 $2.000000030e-01, v42;
	v29 =	vadd.f32 v29, v49;
	v31 =	vadd.f32 v33, v31;
	v33 =	vld [tilespmem:s16+$0x4140]  }
0x216: {  	v48 =	vld [tilespmem:s16+$0x5C70];
	v37 =	vadd.f32 v61, v35  }
0x217: {  	v58 =	vmax.f32 v42, v56;
	v61 =	vmul.f32 $2.000000030e-01, v36;
	v53 =	vadd.f32 v31, v29;
	v31 =	vld [tilespmem:s16+$0x4150]  }
0x218: {  	v40 =	vadd.f32 v40, v32;
	v29 =	vld [tilespmem:s16+$0x4170];
	v41 =	vadd.f32 v60, v25;
	v59 =	vmul.f32 $2.000000030e-01, v37  }
0x219: {  	v42 =	vadd.f32 v63, v26;
	v36 =	vmax.f32 v36, v61;
	v54 =	vperm.xlane v53, v1;
	s7 =	spop (v2sf)  }
0x21a: {  	v55 =	vmul.f32 $2.000000030e-01, v41;
	v43 =	vadd.f32 v51, v33;
	v37 =	vmax.f32 v37, v59;
	s15 =	spop (v2sf)  }
0x21b: {  	v60 =	vmul.f32 $2.000000030e-01, v42;
	v44 =	vadd.f32 v53, v54;
	v37 =	vmul.f32 v37, v4;
	s10 =	spop (v2sf)  }
0x21c: {  	v57 =	vmax.f32 v41, v55;
	v39 =	vadd.f32 v62, v31;
	v41 =	vmul.f32 v58, v8;
	s17 =	spop (v2sf)  }
0x21d: {  	s1 =	simm.s32 $0x1B0;
	v45 =	vadd.f32 v48, v29;
	v62 =	vmul.f32 $2.000000030e-01, v43;
	v42 =	vmax.f32 v42, v60;
	s20 =	spop (v2sf)  }
0x21e: {  	v46 =	vld [tilespmem:s1+$0x5C60];
	s4 =	sadd.f32 s7, s15;
	(v2sf) =	vpush v44, $0x7;
	v38 =	vmul.f32 v57, v7;
	v57 =	vmul.f32 $2.000000030e-01, v40;
	s22 =	spop (v2sf)  }
0x21f: {  	v47 =	vld [tilespmem:s1+$0x5C50];
	v63 =	vmul.f32 $2.000000030e-01, v39;
	v56 =	vmul.f32 $2.000000030e-01, v45;
	v43 =	vmax.f32 v43, v62;
	s15 =	sadd.f32 s17, s20;
	s20 =	spop (v2sf)  }
0x220: {  	v34 =	vld [tilespmem:s1+$0x41A0];
	(v2sf) =	vpush v44, $0x6;
	v43 =	vmul.f32 v43, v2;
	v40 =	vmax.f32 v40, v57;
	s7 =	sadd.f32 s22, s10;
	s22 =	spop (v2sf)  }
0x221: {  	v51 =	vld [tilespmem:s1+$0x5CA0];
	v39 =	vmax.f32 v39, v63;
	v45 =	vmax.f32 v45, v56;
	v40 =	vmul.f32 v40, v6;
	s10 =	sadd.f32 s20, s22  }
0x222: {  	v58 =	vld [tilespmem:s1+$0x5C90];
	(v2sf) =	vpush v44, $0x4;
	v45 =	vmul.f32 v45, v5;
	v39 =	vmul.f32 v39, v3;
	s4 =	sadd.f32 s4, s7  }
0x223: {  	v60 =	vmul.f32 v36, v10;
	v36 =	vld [tilespmem:s1+$0x41B0];
	v38 =	vadd.f32 v38, v37;
	(v2sf) =	vpush v44, $0x3;
	s17 =	sadd.f32 s15, s10  }
0x224: {  	v42 =	vmul.f32 v42, v9;
	v37 =	vld [tilespmem:s1+$0x4190];
	v43 =	vadd.f32 v45, v43;
	v39 =	vadd.f32 v40, v39  }
0x225: {  	v48 =	vld [tilespmem:s1+$0x5C40];
	(v2sf) =	vpush v44, $0x2;
	s4 =	sadd.f32 s4, s17  }
0x226: {  	v63 =	vld [tilespmem:s1+$0x5CC0];
	v59 =	vadd.f32 v41, v43;
	v39 =	vadd.f32 v42, v39  }
0x227: {  	v51 =	vadd.f32 v51, v34;
	v61 =	vadd.f32 v60, v38;
	v38 =	vld [tilespmem:s1+$0x4160];
	v62 =	vmov s4  }
0x228: {  	(v2sf) =	vpush v44, $0x5;
	v40 =	vld [tilespmem:s1+$0x4150];
	v39 =	vadd.f32 v39, v59;
	v56 =	vmul.f32 $1.442695020e+00, v62  }
0x229: {  	v45 =	vld [tilespmem:s1+$0x5CB0];
	(v2sf) =	vpush v44, $0x1;
	v50 =	vadd.f32 v58, v37  }
0x22a: {  	v42 =	vld [tilespmem:s1+$0x4140];
	(v2sf) =	vpush v44, $0x0;
	v57 =	vadd.f32 v61, v39;
	v41 =	vbroadcast v56, $0x0  }
0x22b: {  	v52 =	vld [tilespmem:s1+$0x5C70];
	v60 =	vmul.f32 $2.000000030e-01, v51;
	v59 =	vmul.f32 $2.000000030e-01, v50  }
0x22c: {  	v49 =	vld [tilespmem:s1+$0x5C80];
	v46 =	vadd.f32 v46, v38;
	v58 =	vperm.xlane v57, v1;
	(erf) = vpow2.f32 v41  }
0x22d: {  	v51 =	vmax.f32 v51, v60;
	v47 =	vadd.f32 v47, v40;
	v39 =	vld [tilespmem:s1+$0x4170];
	v61 =	vadd.f32 v0, v63  }
0x22e: {  	v44 =	vmax.f32 v50, v59;
	v50 =	vadd.f32 v45, v36;
	v41 =	vld [tilespmem:s1+$0x4180];
	v43 =	vadd.f32 v57, v58  }
0x22f: {  	v45 =	vmul.f32 v51, v8;
	v62 =	vmul.f32 $2.000000030e-01, v46;
	v48 =	vadd.f32 v48, v42  }
0x230: {  	v44 =	vmul.f32 v44, v7;
	v63 =	vmul.f32 $2.000000030e-01, v61;
	s20 =	spop (v2sf);
	(v2sf) =	vpush v43, $0x7  }
0x231: {  	v54 =	vmax.f32 v46, v62;
	v53 =	vmul.f32 $2.000000030e-01, v48;
	s22 =	spop (v2sf);
	(v2sf) =	vpush v43, $0x6  }
0x232: {  	v46 =	vmax.f32 v61, v63;
	v51 =	vadd.f32 v52, v39;
	s10 =	spop (v2sf);
	(v2sf) =	vpush v43, $0x4  }
0x233: {  	s4 =	simm.s32 $0x900;
	v52 =	vmul.f32 $2.000000030e-01, v50;
	s22 =	sadd.f32 s20, s22;
	s15 =	spop (v2sf);
	v49 =	vadd.f32 v49, v41;
	(v2sf) =	vpush v43, $0x3  }
.LBB2_8:
0x234: {  	s7 =	smov.u32 s4  }
0x235: {  	s17 =	sshra.s32 s4, $0x2;
	v55 =	vmul.f32 $2.000000030e-01, v47;
	v54 =	vmul.f32 v54, v4;
	v50 =	vmax.f32 v50, v52;
	s20 =	spop (v2sf);
	v52 =	vpop (erf);
	s7 =	sadd.s32 $0x240, s4  }
0x236: {  	p0 =	sne.s32 s4, $0x69C0;
	v57 =	vmul.f32 $2.000000030e-01, v51;
	v50 =	vmul.f32 v50, v9;
	v56 =	vld [tilespmem:s17+$0x5CA0]  }
0x237: {  	v47 =	vmax.f32 v47, v55;
	v55 =	vmul.f32 $2.000000030e-01, v49;
	v54 =	vadd.f32 v44, v54;
	v58 =	vld [tilespmem:s17+$0x41A0];
	s4 =	spop (v2sf)  }
0x238: {  	v48 =	vmax.f32 v48, v53;
	s15 =	sadd.f32 s15, s20;
	v53 =	vmul.f32 v52, v16;
	v16 =	vmovc v24;
	v51 =	vmax.f32 v51, v57;
	v59 =	vld [tilespmem:s17+$0x5C90];
	s20 =	spop (v2sf)  }
0x239: {  	v24 =	vmovc v33;
	v48 =	vmul.f32 v48, v2;
	v51 =	vmul.f32 v51, v5;
	v49 =	vmax.f32 v49, v55;
	s4 =	sadd.f32 s4, s10;
	v44 =	vld [tilespmem:s17+$0x5C80];
	s10 =	spop (v2sf)  }
0x23a: {  	v33 =	vmov v42;
	v47 =	vmul.f32 v47, v3;
	v49 =	vmul.f32 v49, v6;
	v55 =	vld [tilespmem:s17+$0x5C60];
	s10 =	sadd.f32 s20, s10;
	[tilespmem:s11+$0x4140] =	vst v53  }
0x23b: {  	v28 =	vmul.f32 v52, v28;
	v42 =	vadd.f32 v51, v48;
	v48 =	vmul.f32 v52, v13;
	v13 =	vmovc v20;
	s4 =	sadd.f32 s22, s4;
	v53 =	vld [tilespmem:s17+$0x5C50]  }
0x23c: {  	v27 =	vmul.f32 v52, v27;
	v30 =	vmul.f32 v52, v30;
	v20 =	vmovc v35;
	v47 =	vadd.f32 v49, v47;
	v51 =	vld [tilespmem:s17+$0x5CB0];
	s10 =	sadd.f32 s15, s10  }
0x23d: {  	v57 =	vmul.f32 v52, v12;
	v35 =	vadd.f32 v45, v42;
	v49 =	vld [tilespmem:s17+$0x5C70];
	[tilespmem:s11+$0x4150] =	vst v28;
	v28 =	vmul.f32 v52, v15  }
0x23e: {  	v46 =	vmul.f32 v46, v10;
	v45 =	vadd.f32 v50, v47;
	v47 =	vmul.f32 v52, v14;
	v42 =	vld [tilespmem:s17+$0x4190];
	s4 =	sadd.f32 s4, s10;
	[tilespmem:s11+$0x4160] =	vst v48  }
0x23f: {  	v12 =	vmovc v11;
	v11 =	vmovc v21;
	v21 =	vmov v34;
	v50 =	vmul.f32 v0, v52;
	v48 =	vld [tilespmem:s17+$0x41B0];
	(v2sf) =	vpush v43, $0x2;
	s10 =	spop (v2sf);
	[tilespmem:s11+$0x4180] =	vst v30  }
0x240: {  	v54 =	vadd.f32 v46, v54;
	v34 =	vmovc v58;
	v15 =	vmovc v18;
	v30 =	vadd.f32 v45, v35;
	v52 =	vld [tilespmem:s17+$0x5C40];
	s15 =	spop (v2sf);
	v45 =	vmov s4;
	[tilespmem:s11+$0x41A0] =	vst v57  }
0x241: {  	v18 =	vmovc v25;
	v25 =	vmovc v37;
	v14 =	vmov v17;
	v46 =	vld [tilespmem:s17+$0x5CC0];
	s22 =	sadd.f32 s10, s15;
	(v2sf) =	vpush v43, $0x5;
	v45 =	vmul.f32 $1.442695020e+00, v45;
	[tilespmem:s11+$0x41C0] =	vst v50  }
0x242: {  	v17 =	vmovc v26;
	v26 =	vmovc v36;
	v35 =	vmov v38;
	v30 =	vadd.f32 v54, v30;
	(v2sf) =	vpush v43, $0x1;
	s10 =	spop (v2sf);
	[tilespmem:s11+$0x4190] =	vst v28;
	v38 =	vld [tilespmem:s17+$0x4160]  }
0x243: {  	v28 =	vmovc v23;
	v54 =	vld [tilespmem:s17+$0x4150];
	v50 =	vadd.f32 v59, v42;
	(v2sf) =	vpush v43, $0x0;
	s15 =	spop (v2sf);
	v43 =	vbroadcast v45, $0x0;
	[tilespmem:s11+$0x4170] =	vst v27;
	v37 =	vmovc v42  }
0x244: {  	v23 =	vmovc v31;
	v45 =	vadd.f32 v56, v34;
	v56 =	vperm.xlane v30, v1;
	v42 =	vld [tilespmem:s17+$0x4140];
	[tilespmem:s11+$0x41B0] =	vst v47;
	v36 =	vmov v48;
	s11 =	smov.u32 s14;
	s14 =	smov.u32 s16;
	s16 =	smov.u32 s1  }
0x245: {  	v31 =	vmovc v40;
	v27 =	vmovc v19;
	v19 =	vmov v29;
	s1 =	smov.u32 s17;
	v57 =	vld [tilespmem:s17+$0x4170];
	v47 =	vmul.f32 $2.000000030e-01, v50;
	(erf) = vpow2.f32 v43  }
0x246: {  	v29 =	vmovc v39;
	v48 =	vmul.f32 $2.000000030e-01, v45;
	v43 =	vadd.f32 v30, v56;
	v30 =	vmovc v22;
	v22 =	vmov v32;
	v58 =	vld [tilespmem:s1+$0x4180]  }
0x247: {  	v32 =	vmovc v41;
	v46 =	vadd.f32 v0, v46;
	v55 =	vadd.f32 v55, v38;
	v56 =	vmax.f32 v50, v47  }
0x248: {  	v41 =	vmax.f32 v45, v48;
	v50 =	vadd.f32 v51, v36;
	v47 =	vadd.f32 v53, v54;
	v40 =	vmovc v54  }
.Ltmp6:
0x249: {  	v45 =	vmul.f32 v41, v8;
	v48 =	vadd.f32 v52, v42;
	(v2sf) =	vpush v43, $0x7;
	(pc) =	sbr.rel @p0 .LBB2_8-.Ltmp6, $4  }
0x24a: {  	v53 =	vmul.f32 $2.000000030e-01, v55;
	v51 =	vadd.f32 v49, v57;
	(v2sf) =	vpush v43, $0x6;
	v39 =	vmovc v57  }
0x24b: {  	v52 =	vmul.f32 $2.000000030e-01, v50;
	v57 =	vmul.f32 $2.000000030e-01, v46;
	v49 =	vadd.f32 v44, v58;
	v41 =	vmovc v58  }
0x24c: {  	v54 =	vmax.f32 v55, v53;
	v44 =	vmul.f32 v56, v7;
	(v2sf) =	vpush v43, $0x4  }
0x24d: {  	s4 =	smov.u32 s7;
	v53 =	vmul.f32 $2.000000030e-01, v48;
	v46 =	vmax.f32 v46, v57;
	(v2sf) =	vpush v43, $0x3  }
0x24e: {  	v55 =	vmul.f32 $2.000000030e-01, v47;
	v56 =	vmul.f32 $2.000000030e-01, v51  }
0x24f: {  	v57 =	vmul.f32 $2.000000030e-01, v49  }
0x250: {  	v48 =	vmax.f32 v48, v53;
	v47 =	vmax.f32 v47, v55;
	v51 =	vmax.f32 v51, v56  }
0x251: {  	v48 =	vmul.f32 v48, v2;
	v49 =	vmax.f32 v49, v57;
	v51 =	vmul.f32 v51, v5  }
0x252: {  	v47 =	vmul.f32 v47, v3;
	v49 =	vmul.f32 v49, v6  }
0x253: {  	v50 =	vmax.f32 v50, v52;
	v57 =	vmul.f32 v54, v4  }
0x254: {  	v50 =	vmul.f32 v50, v9;
	v48 =	vadd.f32 v51, v48;
	v47 =	vadd.f32 v49, v47  }
0x255: {  	v44 =	vadd.f32 v44, v57  }
0x256: {  	v46 =	vmul.f32 v46, v10;
	v45 =	vadd.f32 v45, v48;
	v47 =	vadd.f32 v50, v47;
	_ =	sdelay $0x1  }
0x257: {  	v44 =	vadd.f32 v46, v44;
	v45 =	vadd.f32 v47, v45;
	_ =	sdelay $0x1  }
0x258: {  	v44 =	vadd.f32 v44, v45  }
0x259: {  	(v2sf) =	vpush v43, $0x2  }
0x25a: {  	(v2sf) =	vpush v43, $0x5;
	v45 =	vperm.xlane v44, v1  }
0x25b: {  	(v2sf) =	vpush v43, $0x1  }
0x25c: {  	(v2sf) =	vpush v43, $0x0;
	v58 =	vadd.f32 v44, v45  }
0x25d: {  	s4 =	spop (v2sf)  }
0x25e: {  	s7 =	spop (v2sf);
	(v2sf) =	vpush v58, $0x7  }
0x25f: {  	s4 =	sadd.f32 s15, s4;
	s17 =	spop (v2sf);
	(v2sf) =	vpush v58, $0x6  }
0x260: {  	s7 =	sadd.f32 s7, s10;
	s20 =	spop (v2sf);
	(v2sf) =	vpush v58, $0x4  }
0x261: {  	s10 =	sadd.f32 s17, s20;
	(v2sf) =	vpush v58, $0x3  }
0x262: {  	s7 =	sadd.f32 s22, s7;
	(v2sf) =	vpush v58, $0x2  }
0x263: {  	s4 =	sadd.f32 s4, s10;
	(v2sf) =	vpush v58, $0x5  }
0x264: {  	s15 =	spop (v2sf);
	(v2sf) =	vpush v58, $0x1  }
0x265: {  	s4 =	sadd.f32 s7, s4;
	s10 =	spop (v2sf);
	(v2sf) =	vpush v58, $0x0  }
0x266: {  	s17 =	spop (v2sf)  }
0x267: {  	v59 =	vmov s4;
	s20 =	spop (v2sf)  }
0x268: {  	v43 =	vmul.f32 $1.442695020e+00, v59;
	s7 =	spop (v2sf)  }
0x269: {  	s10 =	sadd.f32 s15, s10;
	s22 =	spop (v2sf)  }
0x26a: {  	v43 =	vbroadcast v43, $0x0;
	s7 =	sadd.f32 s20, s7;
	s15 =	spop (v2sf)  }
0x26b: {  	s4 =	sadd.f32 s22, s17;
	s22 =	spop (v2sf)  }
0x26c: {  	v60 =	vpop (erf);
	(erf) = vpow2.f32 v43;
	s15 =	sadd.f32 s15, s22  }
0x26d: {  	s4 =	sadd.f32 s10, s4;
	s10 =	spop (v2sf)  }
0x26e: {  	s7 =	sadd.f32 s7, s15;
	s15 =	spop (v2sf)  }
0x26f: {  	v16 =	vmul.f32 v60, v16;
	s17 =	spop (v2sf)  }
0x270: {  	v28 =	vmul.f32 v60, v28;
	s4 =	sadd.f32 s4, s7;
	s20 =	spop (v2sf)  }
0x271: {  	v13 =	vmul.f32 v60, v13;
	v15 =	vmul.f32 v60, v15;
	[tilespmem:s11+$0x4140] =	vst v16;
	s22 =	spop (v2sf)  }
0x272: {  	v12 =	vmul.f32 v60, v12;
	[tilespmem:s11+$0x4150] =	vst v28;
	v28 =	vmov s4;
	s4 =	sadd.f32 s10, s15;
	s15 =	spop (v2sf)  }
0x273: {  	[tilespmem:s11+$0x4160] =	vst v13;
	v13 =	vmul.f32 $1.442695020e+00, v28;
	s7 =	sadd.f32 s20, s22;
	s22 =	spop (v2sf)  }
0x274: {  	v14 =	vmul.f32 v60, v14;
	[tilespmem:s11+$0x41A0] =	vst v12;
	s10 =	sadd.f32 s15, s17;
	s20 =	spop (v2sf)  }
0x275: {  	v16 =	vmul.f32 v60, v30;
	[tilespmem:s11+$0x4190] =	vst v15;
	v15 =	vpop (erf);
	v12 =	vbroadcast v13, $0x0;
	s15 =	sadd.f32 s22, s20  }
0x276: {  	[tilespmem:s11+$0x41B0] =	vst v14;
	v14 =	vmul.f32 v15, v22;
	s4 =	sadd.f32 s4, s10  }
0x277: {  	[tilespmem:s11+$0x4180] =	vst v16;
	v13 =	vmul.f32 v60, v27;
	(erf) = vpow2.f32 v12;
	s7 =	sadd.f32 s7, s15  }
0x278: {  	[tilespmem:s14+$0x4180] =	vst v14;
	v12 =	vmul.f32 v15, v24  }
0x279: {  	[tilespmem:s11+$0x4170] =	vst v13;
	v13 =	vmul.f32 v15, v23;
	s4 =	sadd.f32 s4, s7  }
0x27a: {  	[tilespmem:s14+$0x4140] =	vst v12;
	v12 =	vmul.f32 v15, v20  }
0x27b: {  	v16 =	vmul.f32 v0, v60;
	v11 =	vmul.f32 v15, v11;
	[tilespmem:s14+$0x4150] =	vst v13;
	v13 =	vmov s4  }
0x27c: {  	v14 =	vmul.f32 v15, v18;
	[tilespmem:s14+$0x4160] =	vst v12;
	v12 =	vmul.f32 $1.442695020e+00, v13  }
0x27d: {  	[tilespmem:s11+$0x41C0] =	vst v16  }
0x27e: {  	[tilespmem:s14+$0x41A0] =	vst v11;
	v13 =	vmul.f32 v0, v15;
	v11 =	vbroadcast v12, $0x0  }
0x27f: {  	[tilespmem:s14+$0x4190] =	vst v14;
	v12 =	vmul.f32 v15, v19  }
0x280: {  	v14 =	vpop (erf);
	[tilespmem:s14+$0x41C0] =	vst v13;
	v13 =	vmul.f32 v15, v17;
	(erf) = vpow2.f32 v11  }
0x281: {  	[tilespmem:s14+$0x4170] =	vst v12;
	v11 =	vmul.f32 v14, v33  }
0x282: {  	[tilespmem:s14+$0x41B0] =	vst v13;
	v12 =	vmul.f32 v14, v31  }
0x283: {  	v13 =	vmul.f32 v14, v32;
	[tilespmem:s16+$0x4140] =	vst v11  }
0x284: {  	v11 =	vmul.f32 v14, v35;
	[tilespmem:s16+$0x4150] =	vst v12  }
0x285: {  	v12 =	vmul.f32 v14, v21;
	[tilespmem:s16+$0x4180] =	vst v13;
	v13 =	vmul.f32 v14, v25  }
0x286: {  	[tilespmem:s16+$0x4160] =	vst v11  }
0x287: {  	v11 =	vmul.f32 v0, v14;
	[tilespmem:s16+$0x41A0] =	vst v12  }
0x288: {  	v12 =	vmul.f32 v14, v29;
	[tilespmem:s16+$0x4190] =	vst v13  }
0x289: {  	[tilespmem:s16+$0x41C0] =	vst v11;
	v11 =	vmul.f32 v14, v26;
	v13 =	vpop (erf)  }
0x28a: {  	[tilespmem:s16+$0x4170] =	vst v12;
	v12 =	vmul.f32 v13, v42  }
0x28b: {  	[tilespmem:s16+$0x41B0] =	vst v11;
	v11 =	vmul.f32 v13, v40  }
0x28c: {  	v14 =	vmul.f32 v13, v41;
	[tilespmem:s1+$0x4140] =	vst v12  }
0x28d: {  	v12 =	vmul.f32 v13, v38;
	[tilespmem:s1+$0x4150] =	vst v11  }
0x28e: {  	v11 =	vmul.f32 v13, v34;
	[tilespmem:s1+$0x4180] =	vst v14  }
0x28f: {  	v14 =	vmul.f32 v13, v37;
	[tilespmem:s1+$0x4160] =	vst v12  }
0x290: {  	v12 =	vmul.f32 v0, v13;
	[tilespmem:s1+$0x41A0] =	vst v11  }
0x291: {  	v11 =	vmul.f32 v13, v39;
	[tilespmem:s1+$0x4190] =	vst v14  }
0x292: {  	[tilespmem:s1+$0x41C0] =	vst v12;
	v12 =	vmul.f32 v13, v36  }
0x293: {  	[tilespmem:s1+$0x4170] =	vst v11  }
0x294: {  	[tilespmem:s1+$0x41B0] =	vst v12  }
0x295: {  	[spmem:s3] =	stream.indirect.scatter.add.f32 [tilespmem:s26], [sflag:$0x8], $0x90, s12, s18, $0xb8;
	[tilespmem:$0x1FAD0] =	vst v63  }
0x296: {  	_ =	swait.ge [sflag:s0], $0x1B00  }
0x297: {  	[sflag:s0] =	ssyncset.done $0x0  }
0x298: {  	s22 =	sadd.s32 $0xC0, s9;
	[sflag:s0] =	ssyncadd.s32 $0xFFFFE500  }
0x299: {  	[tilespmem:s21], [sflag:$0x2] =	stream.indirect.gather [hbm4b:s5+s18], $0x90, s22, s18, $0xb8;
	[tilespmem:$0x1FAD0] =	vst v63  }
0x29a: {  	s11 =	sadd.s32 $0x660, s9;
	s4 =	simm.s32 $0x5C40  }
0x29b: {  	[tilespmem:s4], [sflag:$0x4] =	stream.indirect.gather [hbm4b:s6+s18], $0x90, s11, s18, $0xb8;
	[tilespmem:$0x1FAD0] =	vst v63  }
0x29c: {  	_ =	swait.ge [sflag:s24], $0x1B00  }
0x29d: {  	[sflag:s24] =	ssyncset.done $0x0  }
0x29e: {  	[sflag:s24] =	ssyncadd.s32 $0xFFFFE500  }
0x29f: {  	_ =	swait.ge [sflag:s29], $0x1B00  }
0x2a0: {  	[sflag:s29] =	ssyncset.done $0x0  }
0x2a1: {  	s12 =	simm.s32 $0x0;
	[sflag:s29] =	ssyncadd.s32 $0xFFFFE500  }
0x2a2: {  	v11 =	vld [tilespmem:s12+$0x77A0]  }
0x2a3: {  	v12 =	vld [tilespmem:s12+$0xBA0]  }
0x2a4: {  	v17 =	vld [tilespmem:s12+$0x7790]  }
0x2a5: {  	v18 =	vld [tilespmem:s12+$0x7780]  }
0x2a6: {  	v19 =	vld [tilespmem:s12+$0x7760]  }
0x2a7: {  	v20 =	vld [tilespmem:s12+$0x7750]  }
0x2a8: {  	v21 =	vld [tilespmem:s12+$0x77B0]  }
0x2a9: {  	v22 =	vld [tilespmem:s12+$0x7770]  }
0x2aa: {  	v15 =	vld [tilespmem:s12+$0xB90]  }
0x2ab: {  	v14 =	vld [tilespmem:s12+$0xBB0]  }
0x2ac: {  	v23 =	vld [tilespmem:s12+$0x7740]  }
0x2ad: {  	v13 =	vld [tilespmem:s12+$0xB60]  }
0x2ae: {  	v28 =	vld [tilespmem:s12+$0xB50]  }
0x2af: {  	v16 =	vld [tilespmem:s12+$0xB40]  }
0x2b0: {  	v27 =	vld [tilespmem:s12+$0xB70]  }
0x2b1: {  	v30 =	vld [tilespmem:s12+$0xB80]  }
0x2b2: {  	v24 =	vld [tilespmem:s12+$0x77C0];
	v11 =	vadd.f32 v11, v12;
	v17 =	vadd.f32 v17, v15  }
0x2b3: {  	v19 =	vadd.f32 v19, v13;
	v20 =	vadd.f32 v20, v28  }
0x2b4: {  	v21 =	vadd.f32 v21, v14;
	v23 =	vadd.f32 v23, v16  }
0x2b5: {  	v22 =	vadd.f32 v22, v27;
	v25 =	vmul.f32 $2.000000030e-01, v11;
	v26 =	vmul.f32 $2.000000030e-01, v17  }
0x2b6: {  	s14 =	simm.s32 $0x90;
	v18 =	vadd.f32 v18, v30;
	v29 =	vmul.f32 $2.000000030e-01, v19;
	v31 =	vmul.f32 $2.000000030e-01, v21  }
0x2b7: {  	v62 =	vld [tilespmem:s14+$0x77A0];
	v24 =	vadd.f32 v0, v24;
	v61 =	vmul.f32 $2.000000030e-01, v23;
	v63 =	vmul.f32 $2.000000030e-01, v20  }
0x2b8: {  	v42 =	vld [tilespmem:s14+$0x7790];
	v40 =	vmul.f32 $2.000000030e-01, v22;
	v41 =	vmul.f32 $2.000000030e-01, v18;
	v11 =	vmax.f32 v11, v25  }
0x2b9: {  	v43 =	vld [tilespmem:s14+$0x7780];
	v17 =	vmax.f32 v17, v26;
	v20 =	vmax.f32 v20, v63;
	v23 =	vmax.f32 v23, v61  }
0x2ba: {  	v44 =	vld [tilespmem:s14+$0x7760];
	v22 =	vmax.f32 v22, v40;
	v18 =	vmax.f32 v18, v41;
	v25 =	vmul.f32 v11, v8  }
0x2bb: {  	v19 =	vmax.f32 v19, v29;
	v29 =	vld [tilespmem:s14+$0x7750];
	v23 =	vmul.f32 v23, v2;
	v22 =	vmul.f32 v22, v5  }
0x2bc: {  	v21 =	vmax.f32 v21, v31;
	v31 =	vld [tilespmem:s14+$0x77B0];
	v20 =	vmul.f32 v20, v3;
	v18 =	vmul.f32 v18, v6  }
0x2bd: {  	v11 =	vld [tilespmem:s14+$0xBA0];
	v17 =	vmul.f32 v17, v7;
	v19 =	vmul.f32 v19, v4  }
0x2be: {  	v26 =	vmul.f32 $2.000000030e-01, v24;
	v20 =	vadd.f32 v18, v20;
	v18 =	vld [tilespmem:s14+$0xB90]  }
0x2bf: {  	v21 =	vmul.f32 v21, v9;
	v22 =	vadd.f32 v22, v23;
	v19 =	vadd.f32 v17, v19;
	v17 =	vld [tilespmem:s14+$0xBB0]  }
0x2c0: {  	v23 =	vmax.f32 v24, v26;
	v24 =	vld [tilespmem:s14+$0xB40]  }
0x2c1: {  	v22 =	vadd.f32 v25, v22;
	v20 =	vadd.f32 v21, v20;
	v21 =	vmul.f32 v23, v10;
	v25 =	vld [tilespmem:s14+$0x7740]  }
0x2c2: {  	v23 =	vld [tilespmem:s14+$0xB50]  }
0x2c3: {  	v33 =	vadd.f32 v62, v11;
	v19 =	vadd.f32 v21, v19;
	v21 =	vld [tilespmem:s14+$0x77C0]  }
0x2c4: {  	v45 =	vld [tilespmem:s14+$0x7770];
	v22 =	vadd.f32 v20, v22;
	v46 =	vadd.f32 v42, v18  }
0x2c5: {  	v20 =	vld [tilespmem:s14+$0xB60];
	v31 =	vadd.f32 v31, v17  }
0x2c6: {  	v49 =	vmul.f32 $2.000000030e-01, v33;
	v26 =	vadd.f32 v19, v22;
	v19 =	vld [tilespmem:s14+$0xB70];
	v48 =	vmul.f32 $2.000000030e-01, v46  }
0x2c7: {  	v22 =	vld [tilespmem:s14+$0xB80];
	v29 =	vadd.f32 v29, v23;
	v25 =	vadd.f32 v25, v24;
	v53 =	vmul.f32 $2.000000030e-01, v31  }
0x2c8: {  	v47 =	vperm.xlane v26, v1;
	v50 =	vmax.f32 v46, v48;
	v51 =	vadd.f32 v0, v21  }
0x2c9: {  	v21 =	vmax.f32 v33, v49;
	v54 =	vmul.f32 $2.000000030e-01, v25;
	v55 =	vmul.f32 $2.000000030e-01, v29  }
0x2ca: {  	s16 =	simm.s32 $0x120;
	v31 =	vmax.f32 v31, v53;
	v37 =	vadd.f32 v26, v47;
	v33 =	vmul.f32 v21, v8  }
0x2cb: {  	v56 =	vld [tilespmem:s16+$0x77A0];
	v26 =	vadd.f32 v44, v20;
	v34 =	vmul.f32 v50, v7;
	v31 =	vmul.f32 v31, v9  }
0x2cc: {  	v60 =	vld [tilespmem:s16+$0x7790];
	v35 =	vadd.f32 v45, v19;
	v32 =	vadd.f32 v43, v22;
	v58 =	vmul.f32 $2.000000030e-01, v51  }
0x2cd: {  	v40 =	vld [tilespmem:s16+$0x7780];
	v29 =	vmax.f32 v29, v55;
	v25 =	vmax.f32 v25, v54;
	(v2sf) =	vpush v37, $0x7  }
0x2ce: {  	v61 =	vld [tilespmem:s16+$0x7760];
	v52 =	vmul.f32 $2.000000030e-01, v26;
	v57 =	vmul.f32 $2.000000030e-01, v35;
	(v2sf) =	vpush v37, $0x6  }
0x2cf: {  	v63 =	vld [tilespmem:s16+$0x77B0];
	v25 =	vmul.f32 v25, v2;
	v59 =	vmul.f32 $2.000000030e-01, v32;
	(v2sf) =	vpush v37, $0x4  }
0x2d0: {  	v21 =	vld [tilespmem:s16+$0xBA0];
	v29 =	vmul.f32 v29, v3;
	v35 =	vmax.f32 v35, v57;
	(v2sf) =	vpush v37, $0x3  }
0x2d1: {  	v62 =	vld [tilespmem:s16+$0x7750];
	v32 =	vmax.f32 v32, v59;
	v35 =	vmul.f32 v35, v5;
	(v2sf) =	vpush v37, $0x2  }
0x2d2: {  	v26 =	vmax.f32 v26, v52;
	v52 =	vld [tilespmem:s16+$0x77C0];
	v32 =	vmul.f32 v32, v6;
	(v2sf) =	vpush v37, $0x5  }
0x2d3: {  	v50 =	vmax.f32 v51, v58;
	v51 =	vld [tilespmem:s16+$0x7740];
	v25 =	vadd.f32 v35, v25;
	(v2sf) =	vpush v37, $0x1  }
0x2d4: {  	v26 =	vmul.f32 v26, v4;
	v29 =	vadd.f32 v32, v29;
	v35 =	vld [tilespmem:s16+$0xB60];
	(v2sf) =	vpush v37, $0x0  }
0x2d5: {  	v42 =	vadd.f32 v56, v21;
	v32 =	vld [tilespmem:s16+$0xB80];
	v49 =	vadd.f32 v33, v25  }
0x2d6: {  	v25 =	vld [tilespmem:s16+$0xB90];
	v29 =	vadd.f32 v31, v29;
	v31 =	vadd.f32 v34, v26;
	v33 =	vmul.f32 v50, v10  }
0x2d7: {  	v36 =	vadd.f32 v0, v52;
	v26 =	vld [tilespmem:s16+$0xBB0]  }
0x2d8: {  	v56 =	vmul.f32 $2.000000030e-01, v42;
	v29 =	vadd.f32 v29, v49;
	v31 =	vadd.f32 v33, v31;
	v33 =	vld [tilespmem:s16+$0xB40]  }
0x2d9: {  	v48 =	vld [tilespmem:s16+$0x7770];
	v37 =	vadd.f32 v61, v35  }
0x2da: {  	v58 =	vmax.f32 v42, v56;
	v61 =	vmul.f32 $2.000000030e-01, v36;
	v53 =	vadd.f32 v31, v29;
	v31 =	vld [tilespmem:s16+$0xB50]  }
0x2db: {  	v40 =	vadd.f32 v40, v32;
	v29 =	vld [tilespmem:s16+$0xB70];
	v41 =	vadd.f32 v60, v25;
	v59 =	vmul.f32 $2.000000030e-01, v37  }
0x2dc: {  	v42 =	vadd.f32 v63, v26;
	v36 =	vmax.f32 v36, v61;
	v54 =	vperm.xlane v53, v1;
	s7 =	spop (v2sf)  }
0x2dd: {  	v55 =	vmul.f32 $2.000000030e-01, v41;
	v43 =	vadd.f32 v51, v33;
	v37 =	vmax.f32 v37, v59;
	s15 =	spop (v2sf)  }
0x2de: {  	v60 =	vmul.f32 $2.000000030e-01, v42;
	v44 =	vadd.f32 v53, v54;
	v37 =	vmul.f32 v37, v4;
	s10 =	spop (v2sf)  }
0x2df: {  	v57 =	vmax.f32 v41, v55;
	v39 =	vadd.f32 v62, v31;
	v41 =	vmul.f32 v58, v8;
	s17 =	spop (v2sf)  }
0x2e0: {  	s1 =	simm.s32 $0x1B0;
	v45 =	vadd.f32 v48, v29;
	v62 =	vmul.f32 $2.000000030e-01, v43;
	v42 =	vmax.f32 v42, v60;
	s20 =	spop (v2sf)  }
0x2e1: {  	v46 =	vld [tilespmem:s1+$0x7760];
	s4 =	sadd.f32 s7, s15;
	(v2sf) =	vpush v44, $0x7;
	v38 =	vmul.f32 v57, v7;
	v57 =	vmul.f32 $2.000000030e-01, v40;
	s22 =	spop (v2sf)  }
0x2e2: {  	v47 =	vld [tilespmem:s1+$0x7750];
	v63 =	vmul.f32 $2.000000030e-01, v39;
	v56 =	vmul.f32 $2.000000030e-01, v45;
	v43 =	vmax.f32 v43, v62;
	s15 =	sadd.f32 s17, s20;
	s20 =	spop (v2sf)  }
0x2e3: {  	v34 =	vld [tilespmem:s1+$0xBA0];
	(v2sf) =	vpush v44, $0x6;
	v43 =	vmul.f32 v43, v2;
	v40 =	vmax.f32 v40, v57;
	s7 =	sadd.f32 s22, s10;
	s22 =	spop (v2sf)  }
0x2e4: {  	v51 =	vld [tilespmem:s1+$0x77A0];
	v39 =	vmax.f32 v39, v63;
	v45 =	vmax.f32 v45, v56;
	v40 =	vmul.f32 v40, v6;
	s10 =	sadd.f32 s20, s22  }
0x2e5: {  	v58 =	vld [tilespmem:s1+$0x7790];
	(v2sf) =	vpush v44, $0x4;
	v45 =	vmul.f32 v45, v5;
	v39 =	vmul.f32 v39, v3;
	s4 =	sadd.f32 s4, s7  }
0x2e6: {  	v60 =	vmul.f32 v36, v10;
	v36 =	vld [tilespmem:s1+$0xBB0];
	v38 =	vadd.f32 v38, v37;
	(v2sf) =	vpush v44, $0x3;
	s17 =	sadd.f32 s15, s10  }
0x2e7: {  	v42 =	vmul.f32 v42, v9;
	v37 =	vld [tilespmem:s1+$0xB90];
	v43 =	vadd.f32 v45, v43;
	v39 =	vadd.f32 v40, v39  }
0x2e8: {  	v48 =	vld [tilespmem:s1+$0x7740];
	(v2sf) =	vpush v44, $0x2;
	s4 =	sadd.f32 s4, s17  }
0x2e9: {  	v63 =	vld [tilespmem:s1+$0x77C0];
	v59 =	vadd.f32 v41, v43;
	v39 =	vadd.f32 v42, v39  }
0x2ea: {  	v51 =	vadd.f32 v51, v34;
	v61 =	vadd.f32 v60, v38;
	v38 =	vld [tilespmem:s1+$0xB60];
	v62 =	vmov s4  }
0x2eb: {  	(v2sf) =	vpush v44, $0x5;
	v40 =	vld [tilespmem:s1+$0xB50];
	v39 =	vadd.f32 v39, v59;
	v56 =	vmul.f32 $1.442695020e+00, v62  }
0x2ec: {  	v45 =	vld [tilespmem:s1+$0x77B0];
	(v2sf) =	vpush v44, $0x1;
	v50 =	vadd.f32 v58, v37  }
0x2ed: {  	v42 =	vld [tilespmem:s1+$0xB40];
	(v2sf) =	vpush v44, $0x0;
	v57 =	vadd.f32 v61, v39;
	v41 =	vbroadcast v56, $0x0  }
0x2ee: {  	v52 =	vld [tilespmem:s1+$0x7770];
	v60 =	vmul.f32 $2.000000030e-01, v51;
	v59 =	vmul.f32 $2.000000030e-01, v50  }
0x2ef: {  	v49 =	vld [tilespmem:s1+$0x7780];
	v46 =	vadd.f32 v46, v38;
	v58 =	vperm.xlane v57, v1;
	(erf) = vpow2.f32 v41  }
0x2f0: {  	v51 =	vmax.f32 v51, v60;
	v47 =	vadd.f32 v47, v40;
	v39 =	vld [tilespmem:s1+$0xB70];
	v61 =	vadd.f32 v0, v63  }
0x2f1: {  	v44 =	vmax.f32 v50, v59;
	v50 =	vadd.f32 v45, v36;
	v41 =	vld [tilespmem:s1+$0xB80];
	v43 =	vadd.f32 v57, v58  }
0x2f2: {  	v45 =	vmul.f32 v51, v8;
	v62 =	vmul.f32 $2.000000030e-01, v46;
	v48 =	vadd.f32 v48, v42  }
0x2f3: {  	v44 =	vmul.f32 v44, v7;
	v63 =	vmul.f32 $2.000000030e-01, v61;
	s20 =	spop (v2sf);
	(v2sf) =	vpush v43, $0x7  }
0x2f4: {  	v54 =	vmax.f32 v46, v62;
	v53 =	vmul.f32 $2.000000030e-01, v48;
	s22 =	spop (v2sf);
	(v2sf) =	vpush v43, $0x6  }
0x2f5: {  	v46 =	vmax.f32 v61, v63;
	v51 =	vadd.f32 v52, v39;
	s10 =	spop (v2sf);
	(v2sf) =	vpush v43, $0x4  }
0x2f6: {  	s4 =	simm.s32 $0x900;
	v52 =	vmul.f32 $2.000000030e-01, v50;
	s22 =	sadd.f32 s20, s22;
	s15 =	spop (v2sf);
	v49 =	vadd.f32 v49, v41;
	(v2sf) =	vpush v43, $0x3  }
.LBB2_10:
0x2f7: {  	s7 =	smov.u32 s4  }
0x2f8: {  	s17 =	sshra.s32 s4, $0x2;
	v55 =	vmul.f32 $2.000000030e-01, v47;
	v54 =	vmul.f32 v54, v4;
	v50 =	vmax.f32 v50, v52;
	s20 =	spop (v2sf);
	v52 =	vpop (erf);
	s7 =	sadd.s32 $0x240, s4  }
0x2f9: {  	p0 =	sne.s32 s4, $0x69C0;
	v57 =	vmul.f32 $2.000000030e-01, v51;
	v50 =	vmul.f32 v50, v9;
	v56 =	vld [tilespmem:s17+$0x77A0]  }
0x2fa: {  	v47 =	vmax.f32 v47, v55;
	v55 =	vmul.f32 $2.000000030e-01, v49;
	v54 =	vadd.f32 v44, v54;
	v58 =	vld [tilespmem:s17+$0xBA0];
	s4 =	spop (v2sf)  }
0x2fb: {  	v48 =	vmax.f32 v48, v53;
	s15 =	sadd.f32 s15, s20;
	v53 =	vmul.f32 v52, v16;
	v16 =	vmovc v24;
	v51 =	vmax.f32 v51, v57;
	v59 =	vld [tilespmem:s17+$0x7790];
	s20 =	spop (v2sf)  }
0x2fc: {  	v24 =	vmovc v33;
	v48 =	vmul.f32 v48, v2;
	v51 =	vmul.f32 v51, v5;
	v49 =	vmax.f32 v49, v55;
	s4 =	sadd.f32 s4, s10;
	v44 =	vld [tilespmem:s17+$0x7780];
	s10 =	spop (v2sf)  }
0x2fd: {  	v33 =	vmov v42;
	v47 =	vmul.f32 v47, v3;
	v49 =	vmul.f32 v49, v6;
	v55 =	vld [tilespmem:s17+$0x7760];
	s10 =	sadd.f32 s20, s10;
	[tilespmem:s12+$0xB40] =	vst v53  }
0x2fe: {  	v28 =	vmul.f32 v52, v28;
	v42 =	vadd.f32 v51, v48;
	v48 =	vmul.f32 v52, v13;
	v13 =	vmovc v20;
	s4 =	sadd.f32 s22, s4;
	v53 =	vld [tilespmem:s17+$0x7750]  }
0x2ff: {  	v27 =	vmul.f32 v52, v27;
	v30 =	vmul.f32 v52, v30;
	v20 =	vmovc v35;
	v47 =	vadd.f32 v49, v47;
	v51 =	vld [tilespmem:s17+$0x77B0];
	s10 =	sadd.f32 s15, s10  }
0x300: {  	v57 =	vmul.f32 v52, v12;
	v35 =	vadd.f32 v45, v42;
	v49 =	vld [tilespmem:s17+$0x7770];
	[tilespmem:s12+$0xB50] =	vst v28;
	v28 =	vmul.f32 v52, v15  }
0x301: {  	v46 =	vmul.f32 v46, v10;
	v45 =	vadd.f32 v50, v47;
	v47 =	vmul.f32 v52, v14;
	v42 =	vld [tilespmem:s17+$0xB90];
	s4 =	sadd.f32 s4, s10;
	[tilespmem:s12+$0xB60] =	vst v48  }
0x302: {  	v12 =	vmovc v11;
	v11 =	vmovc v21;
	v21 =	vmov v34;
	v50 =	vmul.f32 v0, v52;
	v48 =	vld [tilespmem:s17+$0xBB0];
	(v2sf) =	vpush v43, $0x2;
	s10 =	spop (v2sf);
	[tilespmem:s12+$0xB80] =	vst v30  }
0x303: {  	v54 =	vadd.f32 v46, v54;
	v34 =	vmovc v58;
	v15 =	vmovc v18;
	v30 =	vadd.f32 v45, v35;
	v52 =	vld [tilespmem:s17+$0x7740];
	s15 =	spop (v2sf);
	v45 =	vmov s4;
	[tilespmem:s12+$0xBA0] =	vst v57  }
0x304: {  	v18 =	vmovc v25;
	v25 =	vmovc v37;
	v14 =	vmov v17;
	v46 =	vld [tilespmem:s17+$0x77C0];
	s22 =	sadd.f32 s10, s15;
	(v2sf) =	vpush v43, $0x5;
	v45 =	vmul.f32 $1.442695020e+00, v45;
	[tilespmem:s12+$0xBC0] =	vst v50  }
0x305: {  	v17 =	vmovc v26;
	v26 =	vmovc v36;
	v35 =	vmov v38;
	v30 =	vadd.f32 v54, v30;
	(v2sf) =	vpush v43, $0x1;
	s10 =	spop (v2sf);
	[tilespmem:s12+$0xB90] =	vst v28;
	v38 =	vld [tilespmem:s17+$0xB60]  }
0x306: {  	v28 =	vmovc v23;
	v54 =	vld [tilespmem:s17+$0xB50];
	v50 =	vadd.f32 v59, v42;
	(v2sf) =	vpush v43, $0x0;
	s15 =	spop (v2sf);
	v43 =	vbroadcast v45, $0x0;
	[tilespmem:s12+$0xB70] =	vst v27;
	v37 =	vmovc v42  }
0x307: {  	v23 =	vmovc v31;
	v45 =	vadd.f32 v56, v34;
	v56 =	vperm.xlane v30, v1;
	v42 =	vld [tilespmem:s17+$0xB40];
	[tilespmem:s12+$0xBB0] =	vst v47;
	v36 =	vmov v48;
	s12 =	smov.u32 s14;
	s14 =	smov.u32 s16;
	s16 =	smov.u32 s1  }
0x308: {  	v31 =	vmovc v40;
	v27 =	vmovc v19;
	v19 =	vmov v29;
	s1 =	smov.u32 s17;
	v57 =	vld [tilespmem:s17+$0xB70];
	v47 =	vmul.f32 $2.000000030e-01, v50;
	(erf) = vpow2.f32 v43  }
0x309: {  	v29 =	vmovc v39;
	v48 =	vmul.f32 $2.000000030e-01, v45;
	v43 =	vadd.f32 v30, v56;
	v30 =	vmovc v22;
	v22 =	vmov v32;
	v58 =	vld [tilespmem:s1+$0xB80]  }
0x30a: {  	v32 =	vmovc v41;
	v46 =	vadd.f32 v0, v46;
	v55 =	vadd.f32 v55, v38;
	v56 =	vmax.f32 v50, v47  }
0x30b: {  	v41 =	vmax.f32 v45, v48;
	v50 =	vadd.f32 v51, v36;
	v47 =	vadd.f32 v53, v54;
	v40 =	vmovc v54  }
.Ltmp7:
0x30c: {  	v45 =	vmul.f32 v41, v8;
	v48 =	vadd.f32 v52, v42;
	(v2sf) =	vpush v43, $0x7;
	(pc) =	sbr.rel @p0 .LBB2_10-.Ltmp7, $4  }
0x30d: {  	v53 =	vmul.f32 $2.000000030e-01, v55;
	v51 =	vadd.f32 v49, v57;
	(v2sf) =	vpush v43, $0x6;
	v39 =	vmovc v57  }
0x30e: {  	v52 =	vmul.f32 $2.000000030e-01, v50;
	v57 =	vmul.f32 $2.000000030e-01, v46;
	v49 =	vadd.f32 v44, v58;
	v41 =	vmovc v58  }
0x30f: {  	v54 =	vmax.f32 v55, v53;
	v44 =	vmul.f32 v56, v7;
	(v2sf) =	vpush v43, $0x4  }
0x310: {  	s4 =	smov.u32 s7;
	v53 =	vmul.f32 $2.000000030e-01, v48;
	v46 =	vmax.f32 v46, v57;
	(v2sf) =	vpush v43, $0x3  }
0x311: {  	v55 =	vmul.f32 $2.000000030e-01, v47;
	v56 =	vmul.f32 $2.000000030e-01, v51  }
0x312: {  	v57 =	vmul.f32 $2.000000030e-01, v49  }
0x313: {  	v48 =	vmax.f32 v48, v53;
	v47 =	vmax.f32 v47, v55;
	v51 =	vmax.f32 v51, v56  }
0x314: {  	v48 =	vmul.f32 v48, v2;
	v49 =	vmax.f32 v49, v57;
	v51 =	vmul.f32 v51, v5  }
0x315: {  	v47 =	vmul.f32 v47, v3;
	v49 =	vmul.f32 v49, v6  }
0x316: {  	v50 =	vmax.f32 v50, v52;
	v57 =	vmul.f32 v54, v4  }
0x317: {  	v50 =	vmul.f32 v50, v9;
	v48 =	vadd.f32 v51, v48;
	v47 =	vadd.f32 v49, v47  }
0x318: {  	v44 =	vadd.f32 v44, v57  }
0x319: {  	v46 =	vmul.f32 v46, v10;
	v45 =	vadd.f32 v45, v48;
	v47 =	vadd.f32 v50, v47;
	_ =	sdelay $0x1  }
0x31a: {  	v44 =	vadd.f32 v46, v44;
	v45 =	vadd.f32 v47, v45;
	_ =	sdelay $0x1  }
0x31b: {  	v44 =	vadd.f32 v44, v45  }
0x31c: {  	(v2sf) =	vpush v43, $0x2  }
0x31d: {  	(v2sf) =	vpush v43, $0x5;
	v45 =	vperm.xlane v44, v1  }
0x31e: {  	(v2sf) =	vpush v43, $0x1  }
0x31f: {  	(v2sf) =	vpush v43, $0x0;
	v58 =	vadd.f32 v44, v45  }
0x320: {  	s4 =	spop (v2sf)  }
0x321: {  	s7 =	spop (v2sf);
	(v2sf) =	vpush v58, $0x7  }
0x322: {  	s4 =	sadd.f32 s15, s4;
	s17 =	spop (v2sf);
	(v2sf) =	vpush v58, $0x6  }
0x323: {  	s7 =	sadd.f32 s7, s10;
	s20 =	spop (v2sf);
	(v2sf) =	vpush v58, $0x4  }
0x324: {  	s10 =	sadd.f32 s17, s20;
	(v2sf) =	vpush v58, $0x3  }
0x325: {  	s7 =	sadd.f32 s22, s7;
	(v2sf) =	vpush v58, $0x2  }
0x326: {  	s4 =	sadd.f32 s4, s10;
	(v2sf) =	vpush v58, $0x5  }
0x327: {  	s15 =	spop (v2sf);
	(v2sf) =	vpush v58, $0x1  }
0x328: {  	s4 =	sadd.f32 s7, s4;
	s10 =	spop (v2sf);
	(v2sf) =	vpush v58, $0x0  }
0x329: {  	s17 =	spop (v2sf)  }
0x32a: {  	v59 =	vmov s4;
	s20 =	spop (v2sf)  }
0x32b: {  	v43 =	vmul.f32 $1.442695020e+00, v59;
	s7 =	spop (v2sf)  }
0x32c: {  	s10 =	sadd.f32 s15, s10;
	s22 =	spop (v2sf)  }
0x32d: {  	v43 =	vbroadcast v43, $0x0;
	s7 =	sadd.f32 s20, s7;
	s15 =	spop (v2sf)  }
0x32e: {  	s4 =	sadd.f32 s22, s17;
	s22 =	spop (v2sf)  }
0x32f: {  	v60 =	vpop (erf);
	(erf) = vpow2.f32 v43;
	s15 =	sadd.f32 s15, s22  }
0x330: {  	s4 =	sadd.f32 s10, s4;
	s10 =	spop (v2sf)  }
0x331: {  	s7 =	sadd.f32 s7, s15;
	s15 =	spop (v2sf)  }
0x332: {  	v16 =	vmul.f32 v60, v16;
	s17 =	spop (v2sf)  }
0x333: {  	v28 =	vmul.f32 v60, v28;
	s4 =	sadd.f32 s4, s7;
	s20 =	spop (v2sf)  }
0x334: {  	v13 =	vmul.f32 v60, v13;
	v15 =	vmul.f32 v60, v15;
	[tilespmem:s12+$0xB40] =	vst v16;
	s22 =	spop (v2sf)  }
0x335: {  	v12 =	vmul.f32 v60, v12;
	[tilespmem:s12+$0xB50] =	vst v28;
	v28 =	vmov s4;
	s4 =	sadd.f32 s10, s15;
	s15 =	spop (v2sf)  }
0x336: {  	[tilespmem:s12+$0xB60] =	vst v13;
	v13 =	vmul.f32 $1.442695020e+00, v28;
	s7 =	sadd.f32 s20, s22;
	s20 =	spop (v2sf)  }
0x337: {  	v14 =	vmul.f32 v60, v14;
	[tilespmem:s12+$0xBA0] =	vst v12;
	s10 =	sadd.f32 s15, s17;
	s22 =	spop (v2sf)  }
0x338: {  	v16 =	vmul.f32 v60, v30;
	[tilespmem:s12+$0xB90] =	vst v15;
	v15 =	vpop (erf);
	v12 =	vbroadcast v13, $0x0;
	s15 =	sadd.f32 s20, s22  }
0x339: {  	[tilespmem:s12+$0xBB0] =	vst v14;
	v14 =	vmul.f32 v15, v22;
	s4 =	sadd.f32 s4, s10  }
0x33a: {  	[tilespmem:s12+$0xB80] =	vst v16;
	v13 =	vmul.f32 v60, v27;
	(erf) = vpow2.f32 v12;
	s7 =	sadd.f32 s7, s15  }
0x33b: {  	[tilespmem:s14+$0xB80] =	vst v14;
	v12 =	vmul.f32 v15, v24  }
0x33c: {  	[tilespmem:s12+$0xB70] =	vst v13;
	v13 =	vmul.f32 v15, v23;
	s4 =	sadd.f32 s4, s7  }
0x33d: {  	[tilespmem:s14+$0xB40] =	vst v12;
	v12 =	vmul.f32 v15, v20  }
0x33e: {  	v16 =	vmul.f32 v0, v60;
	v11 =	vmul.f32 v15, v11;
	[tilespmem:s14+$0xB50] =	vst v13;
	v13 =	vmov s4  }
0x33f: {  	v14 =	vmul.f32 v15, v18;
	[tilespmem:s14+$0xB60] =	vst v12;
	v12 =	vmul.f32 $1.442695020e+00, v13  }
0x340: {  	[tilespmem:s12+$0xBC0] =	vst v16  }
0x341: {  	[tilespmem:s14+$0xBA0] =	vst v11;
	v13 =	vmul.f32 v0, v15;
	v11 =	vbroadcast v12, $0x0  }
0x342: {  	[tilespmem:s14+$0xB90] =	vst v14;
	v12 =	vmul.f32 v15, v19  }
0x343: {  	v14 =	vpop (erf);
	[tilespmem:s14+$0xBC0] =	vst v13;
	v13 =	vmul.f32 v15, v17;
	(erf) = vpow2.f32 v11  }
0x344: {  	[tilespmem:s14+$0xB70] =	vst v12;
	v11 =	vmul.f32 v14, v33  }
0x345: {  	[tilespmem:s14+$0xBB0] =	vst v13;
	v12 =	vmul.f32 v14, v31  }
0x346: {  	v13 =	vmul.f32 v14, v32;
	[tilespmem:s16+$0xB40] =	vst v11  }
0x347: {  	v11 =	vmul.f32 v14, v35;
	[tilespmem:s16+$0xB50] =	vst v12  }
0x348: {  	v12 =	vmul.f32 v14, v21;
	[tilespmem:s16+$0xB80] =	vst v13;
	v13 =	vmul.f32 v14, v25  }
0x349: {  	[tilespmem:s16+$0xB60] =	vst v11  }
0x34a: {  	v11 =	vmul.f32 v0, v14;
	[tilespmem:s16+$0xBA0] =	vst v12  }
0x34b: {  	v12 =	vmul.f32 v14, v29;
	[tilespmem:s16+$0xB90] =	vst v13  }
0x34c: {  	[tilespmem:s16+$0xBC0] =	vst v11;
	v11 =	vmul.f32 v14, v26;
	v13 =	vpop (erf)  }
0x34d: {  	[tilespmem:s16+$0xB70] =	vst v12;
	v12 =	vmul.f32 v13, v42  }
0x34e: {  	[tilespmem:s16+$0xBB0] =	vst v11;
	v11 =	vmul.f32 v13, v40  }
0x34f: {  	v14 =	vmul.f32 v13, v41;
	[tilespmem:s1+$0xB40] =	vst v12  }
0x350: {  	v12 =	vmul.f32 v13, v38;
	[tilespmem:s1+$0xB50] =	vst v11  }
0x351: {  	v11 =	vmul.f32 v13, v34;
	[tilespmem:s1+$0xB80] =	vst v14  }
0x352: {  	v14 =	vmul.f32 v13, v37;
	[tilespmem:s1+$0xB60] =	vst v12  }
0x353: {  	v12 =	vmul.f32 v0, v13;
	[tilespmem:s1+$0xBA0] =	vst v11  }
0x354: {  	v11 =	vmul.f32 v13, v39;
	[tilespmem:s1+$0xB90] =	vst v14  }
0x355: {  	[tilespmem:s1+$0xBC0] =	vst v12;
	v12 =	vmul.f32 v13, v36  }
0x356: {  	[tilespmem:s1+$0xB70] =	vst v11  }
0x357: {  	[tilespmem:s1+$0xBB0] =	vst v12  }
0x358: {  	[spmem:s3] =	stream.indirect.scatter.add.f32 [tilespmem:s19], [sflag:$0x6], $0x90, s13, s18, $0xb8;
	[tilespmem:$0x1FAD0] =	vst v63  }
0x359: {  	_ =	swait.ge [sflag:s2], $0x1B00  }
0x35a: {  	[sflag:s2] =	ssyncset.done $0x0  }
0x35b: {  	s4 =	sadd.s32 $0xF0, s9;
	[sflag:s2] =	ssyncadd.s32 $0xFFFFE500  }
0x35c: {  	[tilespmem:s26], [sflag:$0x3] =	stream.indirect.gather [hbm4b:s5+s18], $0x90, s4, s18, $0xb8;
	[tilespmem:$0x1FAD0] =	vst v63  }
0x35d: {  	s12 =	sadd.s32 $0x690, s9  }
0x35e: {  	[tilespmem:s23], [sflag:$0x5] =	stream.indirect.gather [hbm4b:s6+s18], $0x90, s12, s18, $0xb8;
	[tilespmem:$0x1FAD0] =	vst v63  }
0x35f: {  	_ =	swait.ge [sflag:s28], $0x1B00  }
0x360: {  	[sflag:s28] =	ssyncset.done $0x0  }
0x361: {  	[sflag:s28] =	ssyncadd.s32 $0xFFFFE500  }
0x362: {  	_ =	swait.ge [sflag:s25], $0x1B00  }
0x363: {  	[sflag:s25] =	ssyncset.done $0x0  }
0x364: {  	s13 =	simm.s32 $0x0;
	[sflag:s25] =	ssyncadd.s32 $0xFFFFE500  }
0x365: {  	v11 =	vld [tilespmem:s13+$0x5CA0]  }
0x366: {  	v12 =	vld [tilespmem:s13+$0x26A0]  }
0x367: {  	v17 =	vld [tilespmem:s13+$0x5C90]  }
0x368: {  	v18 =	vld [tilespmem:s13+$0x5C80]  }
0x369: {  	v19 =	vld [tilespmem:s13+$0x5C60]  }
0x36a: {  	v20 =	vld [tilespmem:s13+$0x5C50]  }
0x36b: {  	v21 =	vld [tilespmem:s13+$0x5CB0]  }
0x36c: {  	v22 =	vld [tilespmem:s13+$0x5C70]  }
0x36d: {  	v15 =	vld [tilespmem:s13+$0x2690]  }
0x36e: {  	v14 =	vld [tilespmem:s13+$0x26B0]  }
0x36f: {  	v23 =	vld [tilespmem:s13+$0x5C40]  }
0x370: {  	v13 =	vld [tilespmem:s13+$0x2660]  }
0x371: {  	v28 =	vld [tilespmem:s13+$0x2650]  }
0x372: {  	v16 =	vld [tilespmem:s13+$0x2640]  }
0x373: {  	v27 =	vld [tilespmem:s13+$0x2670]  }
0x374: {  	v30 =	vld [tilespmem:s13+$0x2680]  }
0x375: {  	v24 =	vld [tilespmem:s13+$0x5CC0];
	v11 =	vadd.f32 v11, v12;
	v17 =	vadd.f32 v17, v15  }
0x376: {  	v19 =	vadd.f32 v19, v13;
	v20 =	vadd.f32 v20, v28  }
0x377: {  	v21 =	vadd.f32 v21, v14;
	v23 =	vadd.f32 v23, v16  }
0x378: {  	v22 =	vadd.f32 v22, v27;
	v25 =	vmul.f32 $2.000000030e-01, v11;
	v26 =	vmul.f32 $2.000000030e-01, v17  }
0x379: {  	s14 =	simm.s32 $0x90;
	v18 =	vadd.f32 v18, v30;
	v29 =	vmul.f32 $2.000000030e-01, v19;
	v31 =	vmul.f32 $2.000000030e-01, v21  }
0x37a: {  	v62 =	vld [tilespmem:s14+$0x5CA0];
	v24 =	vadd.f32 v0, v24;
	v61 =	vmul.f32 $2.000000030e-01, v23;
	v63 =	vmul.f32 $2.000000030e-01, v20  }
0x37b: {  	v42 =	vld [tilespmem:s14+$0x5C90];
	v40 =	vmul.f32 $2.000000030e-01, v22;
	v41 =	vmul.f32 $2.000000030e-01, v18;
	v11 =	vmax.f32 v11, v25  }
0x37c: {  	v43 =	vld [tilespmem:s14+$0x5C80];
	v17 =	vmax.f32 v17, v26;
	v20 =	vmax.f32 v20, v63;
	v23 =	vmax.f32 v23, v61  }
0x37d: {  	v44 =	vld [tilespmem:s14+$0x5C60];
	v22 =	vmax.f32 v22, v40;
	v18 =	vmax.f32 v18, v41;
	v25 =	vmul.f32 v11, v8  }
0x37e: {  	v19 =	vmax.f32 v19, v29;
	v29 =	vld [tilespmem:s14+$0x5C50];
	v23 =	vmul.f32 v23, v2;
	v22 =	vmul.f32 v22, v5  }
0x37f: {  	v21 =	vmax.f32 v21, v31;
	v31 =	vld [tilespmem:s14+$0x5CB0];
	v20 =	vmul.f32 v20, v3;
	v18 =	vmul.f32 v18, v6  }
0x380: {  	v11 =	vld [tilespmem:s14+$0x26A0];
	v17 =	vmul.f32 v17, v7;
	v19 =	vmul.f32 v19, v4  }
0x381: {  	v26 =	vmul.f32 $2.000000030e-01, v24;
	v20 =	vadd.f32 v18, v20;
	v18 =	vld [tilespmem:s14+$0x2690]  }
0x382: {  	v21 =	vmul.f32 v21, v9;
	v22 =	vadd.f32 v22, v23;
	v19 =	vadd.f32 v17, v19;
	v17 =	vld [tilespmem:s14+$0x26B0]  }
0x383: {  	v23 =	vmax.f32 v24, v26;
	v24 =	vld [tilespmem:s14+$0x2640]  }
0x384: {  	v22 =	vadd.f32 v25, v22;
	v20 =	vadd.f32 v21, v20;
	v21 =	vmul.f32 v23, v10;
	v25 =	vld [tilespmem:s14+$0x5C40]  }
0x385: {  	v23 =	vld [tilespmem:s14+$0x2650]  }
0x386: {  	v33 =	vadd.f32 v62, v11;
	v19 =	vadd.f32 v21, v19;
	v21 =	vld [tilespmem:s14+$0x5CC0]  }
0x387: {  	v45 =	vld [tilespmem:s14+$0x5C70];
	v22 =	vadd.f32 v20, v22;
	v46 =	vadd.f32 v42, v18  }
0x388: {  	v20 =	vld [tilespmem:s14+$0x2660];
	v31 =	vadd.f32 v31, v17  }
0x389: {  	v49 =	vmul.f32 $2.000000030e-01, v33;
	v26 =	vadd.f32 v19, v22;
	v19 =	vld [tilespmem:s14+$0x2670];
	v48 =	vmul.f32 $2.000000030e-01, v46  }
0x38a: {  	v22 =	vld [tilespmem:s14+$0x2680];
	v29 =	vadd.f32 v29, v23;
	v25 =	vadd.f32 v25, v24;
	v53 =	vmul.f32 $2.000000030e-01, v31  }
0x38b: {  	v47 =	vperm.xlane v26, v1;
	v50 =	vmax.f32 v46, v48;
	v51 =	vadd.f32 v0, v21  }
0x38c: {  	v21 =	vmax.f32 v33, v49;
	v54 =	vmul.f32 $2.000000030e-01, v25;
	v55 =	vmul.f32 $2.000000030e-01, v29  }
0x38d: {  	s16 =	simm.s32 $0x120;
	v31 =	vmax.f32 v31, v53;
	v37 =	vadd.f32 v26, v47;
	v33 =	vmul.f32 v21, v8  }
0x38e: {  	v56 =	vld [tilespmem:s16+$0x5CA0];
	v26 =	vadd.f32 v44, v20;
	v34 =	vmul.f32 v50, v7;
	v31 =	vmul.f32 v31, v9  }
0x38f: {  	v60 =	vld [tilespmem:s16+$0x5C90];
	v35 =	vadd.f32 v45, v19;
	v32 =	vadd.f32 v43, v22;
	v58 =	vmul.f32 $2.000000030e-01, v51  }
0x390: {  	v40 =	vld [tilespmem:s16+$0x5C80];
	v29 =	vmax.f32 v29, v55;
	v25 =	vmax.f32 v25, v54;
	(v2sf) =	vpush v37, $0x7  }
0x391: {  	v61 =	vld [tilespmem:s16+$0x5C60];
	v52 =	vmul.f32 $2.000000030e-01, v26;
	v57 =	vmul.f32 $2.000000030e-01, v35;
	(v2sf) =	vpush v37, $0x6  }
0x392: {  	v63 =	vld [tilespmem:s16+$0x5CB0];
	v25 =	vmul.f32 v25, v2;
	v59 =	vmul.f32 $2.000000030e-01, v32;
	(v2sf) =	vpush v37, $0x4  }
0x393: {  	v21 =	vld [tilespmem:s16+$0x26A0];
	v29 =	vmul.f32 v29, v3;
	v35 =	vmax.f32 v35, v57;
	(v2sf) =	vpush v37, $0x3  }
0x394: {  	v62 =	vld [tilespmem:s16+$0x5C50];
	v32 =	vmax.f32 v32, v59;
	v35 =	vmul.f32 v35, v5;
	(v2sf) =	vpush v37, $0x2  }
0x395: {  	v26 =	vmax.f32 v26, v52;
	v52 =	vld [tilespmem:s16+$0x5CC0];
	v32 =	vmul.f32 v32, v6;
	(v2sf) =	vpush v37, $0x5  }
0x396: {  	v50 =	vmax.f32 v51, v58;
	v51 =	vld [tilespmem:s16+$0x5C40];
	v25 =	vadd.f32 v35, v25;
	(v2sf) =	vpush v37, $0x1  }
0x397: {  	v26 =	vmul.f32 v26, v4;
	v29 =	vadd.f32 v32, v29;
	v35 =	vld [tilespmem:s16+$0x2660];
	(v2sf) =	vpush v37, $0x0  }
0x398: {  	v42 =	vadd.f32 v56, v21;
	v32 =	vld [tilespmem:s16+$0x2680];
	v49 =	vadd.f32 v33, v25  }
0x399: {  	v25 =	vld [tilespmem:s16+$0x2690];
	v29 =	vadd.f32 v31, v29;
	v31 =	vadd.f32 v34, v26;
	v33 =	vmul.f32 v50, v10  }
0x39a: {  	v36 =	vadd.f32 v0, v52;
	v26 =	vld [tilespmem:s16+$0x26B0]  }
0x39b: {  	v56 =	vmul.f32 $2.000000030e-01, v42;
	v29 =	vadd.f32 v29, v49;
	v31 =	vadd.f32 v33, v31;
	v33 =	vld [tilespmem:s16+$0x2640]  }
0x39c: {  	v48 =	vld [tilespmem:s16+$0x5C70];
	v37 =	vadd.f32 v61, v35  }
0x39d: {  	v58 =	vmax.f32 v42, v56;
	v61 =	vmul.f32 $2.000000030e-01, v36;
	v53 =	vadd.f32 v31, v29;
	v31 =	vld [tilespmem:s16+$0x2650]  }
0x39e: {  	v40 =	vadd.f32 v40, v32;
	v29 =	vld [tilespmem:s16+$0x2670];
	v41 =	vadd.f32 v60, v25;
	v59 =	vmul.f32 $2.000000030e-01, v37  }
0x39f: {  	v42 =	vadd.f32 v63, v26;
	v36 =	vmax.f32 v36, v61;
	v54 =	vperm.xlane v53, v1;
	s7 =	spop (v2sf)  }
0x3a0: {  	v55 =	vmul.f32 $2.000000030e-01, v41;
	v43 =	vadd.f32 v51, v33;
	v37 =	vmax.f32 v37, v59;
	s15 =	spop (v2sf)  }
0x3a1: {  	v60 =	vmul.f32 $2.000000030e-01, v42;
	v44 =	vadd.f32 v53, v54;
	v37 =	vmul.f32 v37, v4;
	s10 =	spop (v2sf)  }
0x3a2: {  	v57 =	vmax.f32 v41, v55;
	v39 =	vadd.f32 v62, v31;
	v41 =	vmul.f32 v58, v8;
	s17 =	spop (v2sf)  }
0x3a3: {  	s1 =	simm.s32 $0x1B0;
	v45 =	vadd.f32 v48, v29;
	v62 =	vmul.f32 $2.000000030e-01, v43;
	v42 =	vmax.f32 v42, v60;
	s20 =	spop (v2sf)  }
0x3a4: {  	v46 =	vld [tilespmem:s1+$0x5C60];
	s4 =	sadd.f32 s7, s15;
	(v2sf) =	vpush v44, $0x7;
	v38 =	vmul.f32 v57, v7;
	v57 =	vmul.f32 $2.000000030e-01, v40;
	s22 =	spop (v2sf)  }
0x3a5: {  	v47 =	vld [tilespmem:s1+$0x5C50];
	v63 =	vmul.f32 $2.000000030e-01, v39;
	v56 =	vmul.f32 $2.000000030e-01, v45;
	v43 =	vmax.f32 v43, v62;
	s15 =	sadd.f32 s17, s20;
	s20 =	spop (v2sf)  }
0x3a6: {  	v34 =	vld [tilespmem:s1+$0x26A0];
	(v2sf) =	vpush v44, $0x6;
	v43 =	vmul.f32 v43, v2;
	v40 =	vmax.f32 v40, v57;
	s7 =	sadd.f32 s22, s10;
	s22 =	spop (v2sf)  }
0x3a7: {  	v51 =	vld [tilespmem:s1+$0x5CA0];
	v39 =	vmax.f32 v39, v63;
	v45 =	vmax.f32 v45, v56;
	v40 =	vmul.f32 v40, v6;
	s10 =	sadd.f32 s20, s22  }
0x3a8: {  	v58 =	vld [tilespmem:s1+$0x5C90];
	(v2sf) =	vpush v44, $0x4;
	v45 =	vmul.f32 v45, v5;
	v39 =	vmul.f32 v39, v3;
	s4 =	sadd.f32 s4, s7  }
0x3a9: {  	v60 =	vmul.f32 v36, v10;
	v36 =	vld [tilespmem:s1+$0x26B0];
	v38 =	vadd.f32 v38, v37;
	(v2sf) =	vpush v44, $0x3;
	s17 =	sadd.f32 s15, s10  }
0x3aa: {  	v42 =	vmul.f32 v42, v9;
	v37 =	vld [tilespmem:s1+$0x2690];
	v43 =	vadd.f32 v45, v43;
	v39 =	vadd.f32 v40, v39  }
0x3ab: {  	v48 =	vld [tilespmem:s1+$0x5C40];
	(v2sf) =	vpush v44, $0x2;
	s4 =	sadd.f32 s4, s17  }
0x3ac: {  	v63 =	vld [tilespmem:s1+$0x5CC0];
	v59 =	vadd.f32 v41, v43;
	v39 =	vadd.f32 v42, v39  }
0x3ad: {  	v51 =	vadd.f32 v51, v34;
	v61 =	vadd.f32 v60, v38;
	v38 =	vld [tilespmem:s1+$0x2660];
	v62 =	vmov s4  }
0x3ae: {  	(v2sf) =	vpush v44, $0x5;
	v40 =	vld [tilespmem:s1+$0x2650];
	v39 =	vadd.f32 v39, v59;
	v56 =	vmul.f32 $1.442695020e+00, v62  }
0x3af: {  	v45 =	vld [tilespmem:s1+$0x5CB0];
	(v2sf) =	vpush v44, $0x1;
	v50 =	vadd.f32 v58, v37  }
0x3b0: {  	v42 =	vld [tilespmem:s1+$0x2640];
	(v2sf) =	vpush v44, $0x0;
	v57 =	vadd.f32 v61, v39;
	v41 =	vbroadcast v56, $0x0  }
0x3b1: {  	v52 =	vld [tilespmem:s1+$0x5C70];
	v60 =	vmul.f32 $2.000000030e-01, v51;
	v59 =	vmul.f32 $2.000000030e-01, v50  }
0x3b2: {  	v49 =	vld [tilespmem:s1+$0x5C80];
	v46 =	vadd.f32 v46, v38;
	v58 =	vperm.xlane v57, v1;
	(erf) = vpow2.f32 v41  }
0x3b3: {  	v51 =	vmax.f32 v51, v60;
	v47 =	vadd.f32 v47, v40;
	v39 =	vld [tilespmem:s1+$0x2670];
	v61 =	vadd.f32 v0, v63  }
0x3b4: {  	v44 =	vmax.f32 v50, v59;
	v50 =	vadd.f32 v45, v36;
	v41 =	vld [tilespmem:s1+$0x2680];
	v43 =	vadd.f32 v57, v58  }
0x3b5: {  	v45 =	vmul.f32 v51, v8;
	v62 =	vmul.f32 $2.000000030e-01, v46;
	v48 =	vadd.f32 v48, v42  }
0x3b6: {  	v44 =	vmul.f32 v44, v7;
	v63 =	vmul.f32 $2.000000030e-01, v61;
	s20 =	spop (v2sf);
	(v2sf) =	vpush v43, $0x7  }
0x3b7: {  	v54 =	vmax.f32 v46, v62;
	v53 =	vmul.f32 $2.000000030e-01, v48;
	s22 =	spop (v2sf);
	(v2sf) =	vpush v43, $0x6  }
0x3b8: {  	v46 =	vmax.f32 v61, v63;
	v51 =	vadd.f32 v52, v39;
	s10 =	spop (v2sf);
	(v2sf) =	vpush v43, $0x4  }
0x3b9: {  	s4 =	simm.s32 $0x900;
	v52 =	vmul.f32 $2.000000030e-01, v50;
	s22 =	sadd.f32 s20, s22;
	s15 =	spop (v2sf);
	v49 =	vadd.f32 v49, v41;
	(v2sf) =	vpush v43, $0x3  }
.LBB2_12:
0x3ba: {  	s7 =	smov.u32 s4  }
0x3bb: {  	s17 =	sshra.s32 s4, $0x2;
	v55 =	vmul.f32 $2.000000030e-01, v47;
	v54 =	vmul.f32 v54, v4;
	v50 =	vmax.f32 v50, v52;
	s20 =	spop (v2sf);
	v52 =	vpop (erf);
	s7 =	sadd.s32 $0x240, s4  }
0x3bc: {  	p0 =	sne.s32 s4, $0x69C0;
	v57 =	vmul.f32 $2.000000030e-01, v51;
	v50 =	vmul.f32 v50, v9;
	v56 =	vld [tilespmem:s17+$0x5CA0]  }
0x3bd: {  	v47 =	vmax.f32 v47, v55;
	v55 =	vmul.f32 $2.000000030e-01, v49;
	v54 =	vadd.f32 v44, v54;
	v58 =	vld [tilespmem:s17+$0x26A0];
	s4 =	spop (v2sf)  }
0x3be: {  	v48 =	vmax.f32 v48, v53;
	s15 =	sadd.f32 s15, s20;
	v53 =	vmul.f32 v52, v16;
	v16 =	vmovc v24;
	v51 =	vmax.f32 v51, v57;
	v59 =	vld [tilespmem:s17+$0x5C90];
	s20 =	spop (v2sf)  }
0x3bf: {  	v24 =	vmovc v33;
	v48 =	vmul.f32 v48, v2;
	v51 =	vmul.f32 v51, v5;
	v49 =	vmax.f32 v49, v55;
	s4 =	sadd.f32 s4, s10;
	v44 =	vld [tilespmem:s17+$0x5C80];
	s10 =	spop (v2sf)  }
0x3c0: {  	v33 =	vmov v42;
	v47 =	vmul.f32 v47, v3;
	v49 =	vmul.f32 v49, v6;
	v55 =	vld [tilespmem:s17+$0x5C60];
	s10 =	sadd.f32 s20, s10;
	[tilespmem:s13+$0x2640] =	vst v53  }
0x3c1: {  	v28 =	vmul.f32 v52, v28;
	v42 =	vadd.f32 v51, v48;
	v48 =	vmul.f32 v52, v13;
	v13 =	vmovc v20;
	s4 =	sadd.f32 s22, s4;
	v53 =	vld [tilespmem:s17+$0x5C50]  }
0x3c2: {  	v27 =	vmul.f32 v52, v27;
	v30 =	vmul.f32 v52, v30;
	v20 =	vmovc v35;
	v47 =	vadd.f32 v49, v47;
	v51 =	vld [tilespmem:s17+$0x5CB0];
	s10 =	sadd.f32 s15, s10  }
0x3c3: {  	v57 =	vmul.f32 v52, v12;
	v35 =	vadd.f32 v45, v42;
	v49 =	vld [tilespmem:s17+$0x5C70];
	[tilespmem:s13+$0x2650] =	vst v28;
	v28 =	vmul.f32 v52, v15  }
0x3c4: {  	v46 =	vmul.f32 v46, v10;
	v45 =	vadd.f32 v50, v47;
	v47 =	vmul.f32 v52, v14;
	v42 =	vld [tilespmem:s17+$0x2690];
	s4 =	sadd.f32 s4, s10;
	[tilespmem:s13+$0x2660] =	vst v48  }
0x3c5: {  	v12 =	vmovc v11;
	v11 =	vmovc v21;
	v21 =	vmov v34;
	v50 =	vmul.f32 v0, v52;
	v48 =	vld [tilespmem:s17+$0x26B0];
	(v2sf) =	vpush v43, $0x2;
	s10 =	spop (v2sf);
	[tilespmem:s13+$0x2680] =	vst v30  }
0x3c6: {  	v54 =	vadd.f32 v46, v54;
	v34 =	vmovc v58;
	v15 =	vmovc v18;
	v30 =	vadd.f32 v45, v35;
	v52 =	vld [tilespmem:s17+$0x5C40];
	s15 =	spop (v2sf);
	v45 =	vmov s4;
	[tilespmem:s13+$0x26A0] =	vst v57  }
0x3c7: {  	v18 =	vmovc v25;
	v25 =	vmovc v37;
	v14 =	vmov v17;
	v46 =	vld [tilespmem:s17+$0x5CC0];
	s22 =	sadd.f32 s10, s15;
	(v2sf) =	vpush v43, $0x5;
	v45 =	vmul.f32 $1.442695020e+00, v45;
	[tilespmem:s13+$0x26C0] =	vst v50  }
0x3c8: {  	v17 =	vmovc v26;
	v26 =	vmovc v36;
	v35 =	vmov v38;
	v30 =	vadd.f32 v54, v30;
	(v2sf) =	vpush v43, $0x1;
	s10 =	spop (v2sf);
	[tilespmem:s13+$0x2690] =	vst v28;
	v38 =	vld [tilespmem:s17+$0x2660]  }
0x3c9: {  	v28 =	vmovc v23;
	v54 =	vld [tilespmem:s17+$0x2650];
	v50 =	vadd.f32 v59, v42;
	(v2sf) =	vpush v43, $0x0;
	s15 =	spop (v2sf);
	v43 =	vbroadcast v45, $0x0;
	[tilespmem:s13+$0x2670] =	vst v27;
	v37 =	vmovc v42  }
0x3ca: {  	v23 =	vmovc v31;
	v45 =	vadd.f32 v56, v34;
	v56 =	vperm.xlane v30, v1;
	v42 =	vld [tilespmem:s17+$0x2640];
	[tilespmem:s13+$0x26B0] =	vst v47;
	v36 =	vmov v48;
	s13 =	smov.u32 s14;
	s14 =	smov.u32 s16;
	s16 =	smov.u32 s1  }
0x3cb: {  	v31 =	vmovc v40;
	v27 =	vmovc v19;
	v19 =	vmov v29;
	s1 =	smov.u32 s17;
	v57 =	vld [tilespmem:s17+$0x2670];
	v47 =	vmul.f32 $2.000000030e-01, v50;
	(erf) = vpow2.f32 v43  }
0x3cc: {  	v29 =	vmovc v39;
	v48 =	vmul.f32 $2.000000030e-01, v45;
	v43 =	vadd.f32 v30, v56;
	v30 =	vmovc v22;
	v22 =	vmov v32;
	v58 =	vld [tilespmem:s1+$0x2680]  }
0x3cd: {  	v32 =	vmovc v41;
	v46 =	vadd.f32 v0, v46;
	v55 =	vadd.f32 v55, v38;
	v56 =	vmax.f32 v50, v47  }
0x3ce: {  	v41 =	vmax.f32 v45, v48;
	v50 =	vadd.f32 v51, v36;
	v47 =	vadd.f32 v53, v54;
	v40 =	vmovc v54  }
.Ltmp8:
0x3cf: {  	v45 =	vmul.f32 v41, v8;
	v48 =	vadd.f32 v52, v42;
	(v2sf) =	vpush v43, $0x7;
	(pc) =	sbr.rel @p0 .LBB2_12-.Ltmp8, $4  }
0x3d0: {  	v53 =	vmul.f32 $2.000000030e-01, v55;
	v51 =	vadd.f32 v49, v57;
	(v2sf) =	vpush v43, $0x6;
	v39 =	vmovc v57  }
0x3d1: {  	v52 =	vmul.f32 $2.000000030e-01, v50;
	v57 =	vmul.f32 $2.000000030e-01, v46;
	v49 =	vadd.f32 v44, v58;
	v41 =	vmovc v58  }
0x3d2: {  	v54 =	vmax.f32 v55, v53;
	v44 =	vmul.f32 v56, v7;
	(v2sf) =	vpush v43, $0x4  }
0x3d3: {  	s4 =	smov.u32 s7;
	v53 =	vmul.f32 $2.000000030e-01, v48;
	v46 =	vmax.f32 v46, v57;
	(v2sf) =	vpush v43, $0x3  }
0x3d4: {  	v55 =	vmul.f32 $2.000000030e-01, v47;
	v56 =	vmul.f32 $2.000000030e-01, v51  }
0x3d5: {  	v57 =	vmul.f32 $2.000000030e-01, v49  }
0x3d6: {  	v48 =	vmax.f32 v48, v53;
	v47 =	vmax.f32 v47, v55;
	v51 =	vmax.f32 v51, v56  }
0x3d7: {  	v48 =	vmul.f32 v48, v2;
	v49 =	vmax.f32 v49, v57;
	v51 =	vmul.f32 v51, v5  }
0x3d8: {  	v47 =	vmul.f32 v47, v3;
	v49 =	vmul.f32 v49, v6  }
0x3d9: {  	v50 =	vmax.f32 v50, v52;
	v57 =	vmul.f32 v54, v4  }
0x3da: {  	v50 =	vmul.f32 v50, v9;
	v48 =	vadd.f32 v51, v48;
	v47 =	vadd.f32 v49, v47  }
0x3db: {  	v44 =	vadd.f32 v44, v57  }
0x3dc: {  	v46 =	vmul.f32 v46, v10;
	v45 =	vadd.f32 v45, v48;
	v47 =	vadd.f32 v50, v47;
	_ =	sdelay $0x1  }
0x3dd: {  	v44 =	vadd.f32 v46, v44;
	v45 =	vadd.f32 v47, v45;
	_ =	sdelay $0x1  }
0x3de: {  	v44 =	vadd.f32 v44, v45  }
0x3df: {  	(v2sf) =	vpush v43, $0x2  }
0x3e0: {  	(v2sf) =	vpush v43, $0x5;
	v45 =	vperm.xlane v44, v1  }
0x3e1: {  	(v2sf) =	vpush v43, $0x1  }
0x3e2: {  	(v2sf) =	vpush v43, $0x0;
	v58 =	vadd.f32 v44, v45  }
0x3e3: {  	s4 =	spop (v2sf)  }
0x3e4: {  	s7 =	spop (v2sf);
	(v2sf) =	vpush v58, $0x7  }
0x3e5: {  	s4 =	sadd.f32 s15, s4;
	s17 =	spop (v2sf);
	(v2sf) =	vpush v58, $0x6  }
0x3e6: {  	s7 =	sadd.f32 s7, s10;
	s20 =	spop (v2sf);
	(v2sf) =	vpush v58, $0x4  }
0x3e7: {  	s10 =	sadd.f32 s17, s20;
	(v2sf) =	vpush v58, $0x3  }
0x3e8: {  	s7 =	sadd.f32 s22, s7;
	(v2sf) =	vpush v58, $0x2  }
0x3e9: {  	s4 =	sadd.f32 s4, s10;
	(v2sf) =	vpush v58, $0x5  }
0x3ea: {  	s15 =	spop (v2sf);
	(v2sf) =	vpush v58, $0x1  }
0x3eb: {  	s4 =	sadd.f32 s7, s4;
	s10 =	spop (v2sf);
	(v2sf) =	vpush v58, $0x0  }
0x3ec: {  	s17 =	spop (v2sf)  }
0x3ed: {  	v59 =	vmov s4;
	s20 =	spop (v2sf)  }
0x3ee: {  	v43 =	vmul.f32 $1.442695020e+00, v59;
	s7 =	spop (v2sf)  }
0x3ef: {  	s10 =	sadd.f32 s15, s10;
	s22 =	spop (v2sf)  }
0x3f0: {  	v43 =	vbroadcast v43, $0x0;
	s7 =	sadd.f32 s20, s7;
	s15 =	spop (v2sf)  }
0x3f1: {  	s4 =	sadd.f32 s22, s17;
	s22 =	spop (v2sf)  }
0x3f2: {  	v60 =	vpop (erf);
	(erf) = vpow2.f32 v43;
	s15 =	sadd.f32 s15, s22  }
0x3f3: {  	s4 =	sadd.f32 s10, s4;
	s10 =	spop (v2sf)  }
0x3f4: {  	s7 =	sadd.f32 s7, s15;
	s15 =	spop (v2sf)  }
0x3f5: {  	v16 =	vmul.f32 v60, v16;
	s17 =	spop (v2sf)  }
0x3f6: {  	v28 =	vmul.f32 v60, v28;
	s4 =	sadd.f32 s4, s7;
	s20 =	spop (v2sf)  }
0x3f7: {  	v13 =	vmul.f32 v60, v13;
	v15 =	vmul.f32 v60, v15;
	[tilespmem:s13+$0x2640] =	vst v16;
	s22 =	spop (v2sf)  }
0x3f8: {  	v12 =	vmul.f32 v60, v12;
	[tilespmem:s13+$0x2650] =	vst v28;
	v16 =	vmov s4;
	s4 =	sadd.f32 s10, s15;
	s15 =	spop (v2sf)  }
0x3f9: {  	[tilespmem:s13+$0x2660] =	vst v13;
	v13 =	vmul.f32 $1.442695020e+00, v16;
	s7 =	sadd.f32 s20, s22;
	s20 =	spop (v2sf)  }
0x3fa: {  	v14 =	vmul.f32 v60, v14;
	[tilespmem:s13+$0x26A0] =	vst v12;
	s10 =	sadd.f32 s15, s17;
	s22 =	spop (v2sf)  }
0x3fb: {  	v30 =	vmul.f32 v60, v30;
	[tilespmem:s13+$0x2690] =	vst v15;
	v15 =	vpop (erf);
	v12 =	vbroadcast v13, $0x0;
	s15 =	sadd.f32 s20, s22  }
0x3fc: {  	[tilespmem:s13+$0x26B0] =	vst v14;
	v14 =	vmul.f32 v15, v22;
	s4 =	sadd.f32 s4, s10  }
0x3fd: {  	[tilespmem:s13+$0x2680] =	vst v30;
	v13 =	vmul.f32 v60, v27;
	(erf) = vpow2.f32 v12;
	s7 =	sadd.f32 s7, s15  }
0x3fe: {  	[tilespmem:s14+$0x2680] =	vst v14;
	v12 =	vmul.f32 v15, v24  }
0x3ff: {  	[tilespmem:s13+$0x2670] =	vst v13;
	v13 =	vmul.f32 v15, v23;
	s4 =	sadd.f32 s4, s7  }
0x400: {  	[tilespmem:s14+$0x2640] =	vst v12;
	v12 =	vmul.f32 v15, v20  }
0x401: {  	v16 =	vmul.f32 v0, v60;
	v11 =	vmul.f32 v15, v11;
	[tilespmem:s14+$0x2650] =	vst v13;
	v13 =	vmov s4  }
0x402: {  	v14 =	vmul.f32 v15, v18;
	[tilespmem:s14+$0x2660] =	vst v12;
	v12 =	vmul.f32 $1.442695020e+00, v13  }
0x403: {  	[tilespmem:s13+$0x26C0] =	vst v16  }
0x404: {  	[tilespmem:s14+$0x26A0] =	vst v11;
	v13 =	vmul.f32 v0, v15;
	v11 =	vbroadcast v12, $0x0  }
0x405: {  	[tilespmem:s14+$0x2690] =	vst v14;
	v12 =	vmul.f32 v15, v19  }
0x406: {  	v14 =	vpop (erf);
	[tilespmem:s14+$0x26C0] =	vst v13;
	v13 =	vmul.f32 v15, v17;
	(erf) = vpow2.f32 v11  }
0x407: {  	[tilespmem:s14+$0x2670] =	vst v12;
	v11 =	vmul.f32 v14, v33  }
0x408: {  	[tilespmem:s14+$0x26B0] =	vst v13;
	v12 =	vmul.f32 v14, v31  }
0x409: {  	v13 =	vmul.f32 v14, v32;
	[tilespmem:s16+$0x2640] =	vst v11  }
0x40a: {  	v11 =	vmul.f32 v14, v35;
	[tilespmem:s16+$0x2650] =	vst v12  }
0x40b: {  	v12 =	vmul.f32 v14, v21;
	[tilespmem:s16+$0x2680] =	vst v13;
	v13 =	vmul.f32 v14, v25  }
0x40c: {  	[tilespmem:s16+$0x2660] =	vst v11  }
0x40d: {  	v11 =	vmul.f32 v0, v14;
	[tilespmem:s16+$0x26A0] =	vst v12  }
0x40e: {  	v12 =	vmul.f32 v14, v29;
	[tilespmem:s16+$0x2690] =	vst v13  }
0x40f: {  	[tilespmem:s16+$0x26C0] =	vst v11;
	v11 =	vmul.f32 v14, v26;
	v13 =	vpop (erf)  }
0x410: {  	[tilespmem:s16+$0x2670] =	vst v12;
	v12 =	vmul.f32 v13, v42  }
0x411: {  	[tilespmem:s16+$0x26B0] =	vst v11;
	v11 =	vmul.f32 v13, v40  }
0x412: {  	v14 =	vmul.f32 v13, v41;
	[tilespmem:s1+$0x2640] =	vst v12  }
0x413: {  	v12 =	vmul.f32 v13, v38;
	[tilespmem:s1+$0x2650] =	vst v11  }
0x414: {  	v11 =	vmul.f32 v13, v34;
	[tilespmem:s1+$0x2680] =	vst v14  }
0x415: {  	v14 =	vmul.f32 v13, v37;
	[tilespmem:s1+$0x2660] =	vst v12  }
0x416: {  	v12 =	vmul.f32 v0, v13;
	[tilespmem:s1+$0x26A0] =	vst v11  }
0x417: {  	v11 =	vmul.f32 v13, v39;
	[tilespmem:s1+$0x2690] =	vst v14  }
0x418: {  	[tilespmem:s1+$0x26C0] =	vst v12;
	v12 =	vmul.f32 v13, v36  }
0x419: {  	[tilespmem:s1+$0x2670] =	vst v11  }
0x41a: {  	[tilespmem:s1+$0x26B0] =	vst v12  }
0x41b: {  	[spmem:s3] =	stream.indirect.scatter.add.f32 [tilespmem:s21], [sflag:$0x7], $0x90, s11, s18, $0xb8;
	[tilespmem:$0x1FAD0] =	vst v63  }
0x41c: {  	p0 =	seq.s32 s8, $0x4;
	_ =	swait.ge [sflag:s30], $0x1B00  }
0x41d: {  	s7 =	simm.s32 @!p0 $0xB40;
	[sflag:s30] =	ssyncset.done $0x0  }
0x41e: {  	s4 =	simm.s32 @!p0 $0x30;
	s1 =	sadd.s32 @!p0 $0x120, s9;
	[sflag:s30] =	ssyncadd.s32 $0xFFFFE500  }
0x41f: {  	[tilespmem:s7], [sflag:$0x1] =	stream.indirect.gather @!p0 [hbm4b:s5+s4], $0x90, s1, s4, $0xb8;
	[tilespmem:$0x1FAD0] =	vst v63  }
0x420: {  	s1 =	sadd.s32 @!p0 $0x6C0, s9;
	s7 =	simm.s32 @!p0 $0x5C40  }
0x421: {  	[tilespmem:s7], [sflag:$0x4] =	stream.indirect.gather @!p0 [hbm4b:s6+s4], $0x90, s1, s4, $0xb8;
	[tilespmem:$0x1FAD0] =	vst v63  }
0x422: {  	_ =	swait.ge [sflag:s31], $0x1B00  }
0x423: {  	[sflag:s31] =	ssyncset.done $0x0  }
0x424: {  	[sflag:s31] =	ssyncadd.s32 $0xFFFFE500  }
0x425: {  	_ =	swait.ge [sflag:s29], $0x1B00  }
0x426: {  	[sflag:s29] =	ssyncset.done $0x0  }
0x427: {  	s11 =	simm.s32 $0x0;
	[sflag:s29] =	ssyncadd.s32 $0xFFFFE500  }
0x428: {  	v11 =	vld [tilespmem:s11+$0x77A0]  }
0x429: {  	v12 =	vld [tilespmem:s11+$0x41A0]  }
0x42a: {  	v17 =	vld [tilespmem:s11+$0x7790]  }
0x42b: {  	v18 =	vld [tilespmem:s11+$0x7780]  }
0x42c: {  	v19 =	vld [tilespmem:s11+$0x7760]  }
0x42d: {  	v20 =	vld [tilespmem:s11+$0x7750]  }
0x42e: {  	v21 =	vld [tilespmem:s11+$0x77B0]  }
0x42f: {  	v22 =	vld [tilespmem:s11+$0x7770]  }
0x430: {  	v15 =	vld [tilespmem:s11+$0x4190]  }
0x431: {  	v14 =	vld [tilespmem:s11+$0x41B0]  }
0x432: {  	v23 =	vld [tilespmem:s11+$0x7740]  }
0x433: {  	v13 =	vld [tilespmem:s11+$0x4160]  }
0x434: {  	v28 =	vld [tilespmem:s11+$0x4150]  }
0x435: {  	v16 =	vld [tilespmem:s11+$0x4140]  }
0x436: {  	v27 =	vld [tilespmem:s11+$0x4170]  }
0x437: {  	v30 =	vld [tilespmem:s11+$0x4180]  }
0x438: {  	v24 =	vld [tilespmem:s11+$0x77C0];
	v11 =	vadd.f32 v11, v12;
	v17 =	vadd.f32 v17, v15  }
0x439: {  	v19 =	vadd.f32 v19, v13;
	v20 =	vadd.f32 v20, v28  }
0x43a: {  	v21 =	vadd.f32 v21, v14;
	v23 =	vadd.f32 v23, v16  }
0x43b: {  	v22 =	vadd.f32 v22, v27;
	v25 =	vmul.f32 $2.000000030e-01, v11;
	v26 =	vmul.f32 $2.000000030e-01, v17  }
0x43c: {  	s13 =	simm.s32 $0x90;
	v18 =	vadd.f32 v18, v30;
	v29 =	vmul.f32 $2.000000030e-01, v19;
	v31 =	vmul.f32 $2.000000030e-01, v21  }
0x43d: {  	v62 =	vld [tilespmem:s13+$0x77A0];
	v24 =	vadd.f32 v0, v24;
	v61 =	vmul.f32 $2.000000030e-01, v23;
	v63 =	vmul.f32 $2.000000030e-01, v20  }
0x43e: {  	v42 =	vld [tilespmem:s13+$0x7790];
	v40 =	vmul.f32 $2.000000030e-01, v22;
	v41 =	vmul.f32 $2.000000030e-01, v18;
	v11 =	vmax.f32 v11, v25  }
0x43f: {  	v43 =	vld [tilespmem:s13+$0x7780];
	v17 =	vmax.f32 v17, v26;
	v20 =	vmax.f32 v20, v63;
	v23 =	vmax.f32 v23, v61  }
0x440: {  	v44 =	vld [tilespmem:s13+$0x7760];
	v22 =	vmax.f32 v22, v40;
	v18 =	vmax.f32 v18, v41;
	v25 =	vmul.f32 v11, v8  }
0x441: {  	v19 =	vmax.f32 v19, v29;
	v29 =	vld [tilespmem:s13+$0x7750];
	v23 =	vmul.f32 v23, v2;
	v22 =	vmul.f32 v22, v5  }
0x442: {  	v21 =	vmax.f32 v21, v31;
	v31 =	vld [tilespmem:s13+$0x77B0];
	v20 =	vmul.f32 v20, v3;
	v18 =	vmul.f32 v18, v6  }
0x443: {  	v11 =	vld [tilespmem:s13+$0x41A0];
	v17 =	vmul.f32 v17, v7;
	v19 =	vmul.f32 v19, v4  }
0x444: {  	v26 =	vmul.f32 $2.000000030e-01, v24;
	v20 =	vadd.f32 v18, v20;
	v18 =	vld [tilespmem:s13+$0x4190]  }
0x445: {  	v21 =	vmul.f32 v21, v9;
	v22 =	vadd.f32 v22, v23;
	v19 =	vadd.f32 v17, v19;
	v17 =	vld [tilespmem:s13+$0x41B0]  }
0x446: {  	v23 =	vmax.f32 v24, v26;
	v24 =	vld [tilespmem:s13+$0x4140]  }
0x447: {  	v22 =	vadd.f32 v25, v22;
	v20 =	vadd.f32 v21, v20;
	v21 =	vmul.f32 v23, v10;
	v25 =	vld [tilespmem:s13+$0x7740]  }
0x448: {  	v23 =	vld [tilespmem:s13+$0x4150]  }
0x449: {  	v33 =	vadd.f32 v62, v11;
	v19 =	vadd.f32 v21, v19;
	v21 =	vld [tilespmem:s13+$0x77C0]  }
0x44a: {  	v45 =	vld [tilespmem:s13+$0x7770];
	v22 =	vadd.f32 v20, v22;
	v46 =	vadd.f32 v42, v18  }
0x44b: {  	v20 =	vld [tilespmem:s13+$0x4160];
	v31 =	vadd.f32 v31, v17  }
0x44c: {  	v49 =	vmul.f32 $2.000000030e-01, v33;
	v26 =	vadd.f32 v19, v22;
	v19 =	vld [tilespmem:s13+$0x4170];
	v48 =	vmul.f32 $2.000000030e-01, v46  }
0x44d: {  	v22 =	vld [tilespmem:s13+$0x4180];
	v29 =	vadd.f32 v29, v23;
	v25 =	vadd.f32 v25, v24;
	v53 =	vmul.f32 $2.000000030e-01, v31  }
0x44e: {  	v47 =	vperm.xlane v26, v1;
	v50 =	vmax.f32 v46, v48;
	v51 =	vadd.f32 v0, v21  }
0x44f: {  	v21 =	vmax.f32 v33, v49;
	v54 =	vmul.f32 $2.000000030e-01, v25;
	v55 =	vmul.f32 $2.000000030e-01, v29  }
0x450: {  	s14 =	simm.s32 $0x120;
	v31 =	vmax.f32 v31, v53;
	v37 =	vadd.f32 v26, v47;
	v33 =	vmul.f32 v21, v8  }
0x451: {  	v56 =	vld [tilespmem:s14+$0x77A0];
	v26 =	vadd.f32 v44, v20;
	v34 =	vmul.f32 v50, v7;
	v31 =	vmul.f32 v31, v9  }
0x452: {  	v60 =	vld [tilespmem:s14+$0x7790];
	v35 =	vadd.f32 v45, v19;
	v32 =	vadd.f32 v43, v22;
	v58 =	vmul.f32 $2.000000030e-01, v51  }
0x453: {  	v40 =	vld [tilespmem:s14+$0x7780];
	v29 =	vmax.f32 v29, v55;
	v25 =	vmax.f32 v25, v54;
	(v2sf) =	vpush v37, $0x7  }
0x454: {  	v61 =	vld [tilespmem:s14+$0x7760];
	v52 =	vmul.f32 $2.000000030e-01, v26;
	v57 =	vmul.f32 $2.000000030e-01, v35;
	(v2sf) =	vpush v37, $0x6  }
0x455: {  	v63 =	vld [tilespmem:s14+$0x77B0];
	v25 =	vmul.f32 v25, v2;
	v59 =	vmul.f32 $2.000000030e-01, v32;
	(v2sf) =	vpush v37, $0x4  }
0x456: {  	v21 =	vld [tilespmem:s14+$0x41A0];
	v29 =	vmul.f32 v29, v3;
	v35 =	vmax.f32 v35, v57;
	(v2sf) =	vpush v37, $0x3  }
0x457: {  	v62 =	vld [tilespmem:s14+$0x7750];
	v32 =	vmax.f32 v32, v59;
	v35 =	vmul.f32 v35, v5;
	(v2sf) =	vpush v37, $0x2  }
0x458: {  	v26 =	vmax.f32 v26, v52;
	v52 =	vld [tilespmem:s14+$0x77C0];
	v32 =	vmul.f32 v32, v6;
	(v2sf) =	vpush v37, $0x5  }
0x459: {  	v50 =	vmax.f32 v51, v58;
	v51 =	vld [tilespmem:s14+$0x7740];
	v25 =	vadd.f32 v35, v25;
	(v2sf) =	vpush v37, $0x1  }
0x45a: {  	v26 =	vmul.f32 v26, v4;
	v29 =	vadd.f32 v32, v29;
	v35 =	vld [tilespmem:s14+$0x4160];
	(v2sf) =	vpush v37, $0x0  }
0x45b: {  	v42 =	vadd.f32 v56, v21;
	v32 =	vld [tilespmem:s14+$0x4180];
	v49 =	vadd.f32 v33, v25  }
0x45c: {  	v25 =	vld [tilespmem:s14+$0x4190];
	v29 =	vadd.f32 v31, v29;
	v31 =	vadd.f32 v34, v26;
	v33 =	vmul.f32 v50, v10  }
0x45d: {  	v36 =	vadd.f32 v0, v52;
	v26 =	vld [tilespmem:s14+$0x41B0]  }
0x45e: {  	v56 =	vmul.f32 $2.000000030e-01, v42;
	v29 =	vadd.f32 v29, v49;
	v31 =	vadd.f32 v33, v31;
	v33 =	vld [tilespmem:s14+$0x4140]  }
0x45f: {  	v48 =	vld [tilespmem:s14+$0x7770];
	v37 =	vadd.f32 v61, v35  }
0x460: {  	v58 =	vmax.f32 v42, v56;
	v61 =	vmul.f32 $2.000000030e-01, v36;
	v53 =	vadd.f32 v31, v29;
	v31 =	vld [tilespmem:s14+$0x4150]  }
0x461: {  	v40 =	vadd.f32 v40, v32;
	v29 =	vld [tilespmem:s14+$0x4170];
	v41 =	vadd.f32 v60, v25;
	v59 =	vmul.f32 $2.000000030e-01, v37  }
0x462: {  	v42 =	vadd.f32 v63, v26;
	v36 =	vmax.f32 v36, v61;
	v54 =	vperm.xlane v53, v1;
	s16 =	spop (v2sf)  }
0x463: {  	v55 =	vmul.f32 $2.000000030e-01, v41;
	v43 =	vadd.f32 v51, v33;
	v37 =	vmax.f32 v37, v59;
	s17 =	spop (v2sf)  }
0x464: {  	v60 =	vmul.f32 $2.000000030e-01, v42;
	v44 =	vadd.f32 v53, v54;
	v37 =	vmul.f32 v37, v4;
	s10 =	spop (v2sf)  }
0x465: {  	v57 =	vmax.f32 v41, v55;
	v39 =	vadd.f32 v62, v31;
	v41 =	vmul.f32 v58, v8;
	s20 =	spop (v2sf)  }
0x466: {  	s1 =	simm.s32 $0x1B0;
	v45 =	vadd.f32 v48, v29;
	v62 =	vmul.f32 $2.000000030e-01, v43;
	v42 =	vmax.f32 v42, v60;
	s22 =	spop (v2sf)  }
0x467: {  	v46 =	vld [tilespmem:s1+$0x7760];
	s4 =	sadd.f32 s16, s17;
	(v2sf) =	vpush v44, $0x7;
	v38 =	vmul.f32 v57, v7;
	v57 =	vmul.f32 $2.000000030e-01, v40;
	s17 =	spop (v2sf)  }
0x468: {  	v47 =	vld [tilespmem:s1+$0x7750];
	v63 =	vmul.f32 $2.000000030e-01, v39;
	v56 =	vmul.f32 $2.000000030e-01, v45;
	v43 =	vmax.f32 v43, v62;
	s15 =	sadd.f32 s20, s22;
	s20 =	spop (v2sf)  }
0x469: {  	v34 =	vld [tilespmem:s1+$0x41A0];
	(v2sf) =	vpush v44, $0x6;
	v43 =	vmul.f32 v43, v2;
	v40 =	vmax.f32 v40, v57;
	s7 =	sadd.f32 s17, s10;
	s22 =	spop (v2sf)  }
0x46a: {  	v51 =	vld [tilespmem:s1+$0x77A0];
	v39 =	vmax.f32 v39, v63;
	v45 =	vmax.f32 v45, v56;
	v40 =	vmul.f32 v40, v6;
	s10 =	sadd.f32 s20, s22  }
0x46b: {  	v58 =	vld [tilespmem:s1+$0x7790];
	(v2sf) =	vpush v44, $0x4;
	v45 =	vmul.f32 v45, v5;
	v39 =	vmul.f32 v39, v3;
	s4 =	sadd.f32 s4, s7  }
0x46c: {  	v60 =	vmul.f32 v36, v10;
	v36 =	vld [tilespmem:s1+$0x41B0];
	v38 =	vadd.f32 v38, v37;
	(v2sf) =	vpush v44, $0x3;
	s17 =	sadd.f32 s15, s10  }
0x46d: {  	v42 =	vmul.f32 v42, v9;
	v37 =	vld [tilespmem:s1+$0x4190];
	v43 =	vadd.f32 v45, v43;
	v39 =	vadd.f32 v40, v39  }
0x46e: {  	v48 =	vld [tilespmem:s1+$0x7740];
	(v2sf) =	vpush v44, $0x2;
	s4 =	sadd.f32 s4, s17  }
0x46f: {  	v63 =	vld [tilespmem:s1+$0x77C0];
	v59 =	vadd.f32 v41, v43;
	v39 =	vadd.f32 v42, v39  }
0x470: {  	v51 =	vadd.f32 v51, v34;
	v61 =	vadd.f32 v60, v38;
	v38 =	vld [tilespmem:s1+$0x4160];
	v62 =	vmov s4  }
0x471: {  	(v2sf) =	vpush v44, $0x5;
	v40 =	vld [tilespmem:s1+$0x4150];
	v39 =	vadd.f32 v39, v59;
	v56 =	vmul.f32 $1.442695020e+00, v62  }
0x472: {  	v45 =	vld [tilespmem:s1+$0x77B0];
	(v2sf) =	vpush v44, $0x1;
	v50 =	vadd.f32 v58, v37  }
0x473: {  	v42 =	vld [tilespmem:s1+$0x4140];
	(v2sf) =	vpush v44, $0x0;
	v57 =	vadd.f32 v61, v39;
	v41 =	vbroadcast v56, $0x0  }
0x474: {  	v52 =	vld [tilespmem:s1+$0x7770];
	v60 =	vmul.f32 $2.000000030e-01, v51;
	v59 =	vmul.f32 $2.000000030e-01, v50  }
0x475: {  	v49 =	vld [tilespmem:s1+$0x7780];
	v46 =	vadd.f32 v46, v38;
	v58 =	vperm.xlane v57, v1;
	(erf) = vpow2.f32 v41  }
0x476: {  	v51 =	vmax.f32 v51, v60;
	v47 =	vadd.f32 v47, v40;
	v39 =	vld [tilespmem:s1+$0x4170];
	v61 =	vadd.f32 v0, v63  }
0x477: {  	v44 =	vmax.f32 v50, v59;
	v50 =	vadd.f32 v45, v36;
	v41 =	vld [tilespmem:s1+$0x4180];
	v43 =	vadd.f32 v57, v58  }
0x478: {  	v45 =	vmul.f32 v51, v8;
	v62 =	vmul.f32 $2.000000030e-01, v46;
	v48 =	vadd.f32 v48, v42  }
0x479: {  	v44 =	vmul.f32 v44, v7;
	v63 =	vmul.f32 $2.000000030e-01, v61;
	s20 =	spop (v2sf);
	(v2sf) =	vpush v43, $0x7  }
0x47a: {  	v54 =	vmax.f32 v46, v62;
	v53 =	vmul.f32 $2.000000030e-01, v48;
	s22 =	spop (v2sf);
	(v2sf) =	vpush v43, $0x6  }
0x47b: {  	v46 =	vmax.f32 v61, v63;
	v51 =	vadd.f32 v52, v39;
	s10 =	spop (v2sf);
	(v2sf) =	vpush v43, $0x4  }
0x47c: {  	s4 =	simm.s32 $0x900;
	v52 =	vmul.f32 $2.000000030e-01, v50;
	s16 =	sadd.f32 s20, s22;
	s15 =	spop (v2sf);
	v49 =	vadd.f32 v49, v41;
	(v2sf) =	vpush v43, $0x3  }
.LBB2_14:
0x47d: {  	s7 =	smov.u32 s4  }
0x47e: {  	s17 =	sshra.s32 s4, $0x2;
	v55 =	vmul.f32 $2.000000030e-01, v47;
	v54 =	vmul.f32 v54, v4;
	v50 =	vmax.f32 v50, v52;
	s20 =	spop (v2sf);
	v52 =	vpop (erf);
	s7 =	sadd.s32 $0x240, s4  }
0x47f: {  	p1 =	sne.s32 s4, $0x69C0;
	v57 =	vmul.f32 $2.000000030e-01, v51;
	v50 =	vmul.f32 v50, v9;
	v56 =	vld [tilespmem:s17+$0x77A0]  }
0x480: {  	v47 =	vmax.f32 v47, v55;
	v55 =	vmul.f32 $2.000000030e-01, v49;
	v54 =	vadd.f32 v44, v54;
	v58 =	vld [tilespmem:s17+$0x41A0];
	s4 =	spop (v2sf)  }
0x481: {  	v48 =	vmax.f32 v48, v53;
	s15 =	sadd.f32 s15, s20;
	v53 =	vmul.f32 v52, v16;
	v16 =	vmovc v24;
	v51 =	vmax.f32 v51, v57;
	v59 =	vld [tilespmem:s17+$0x7790];
	s20 =	spop (v2sf)  }
0x482: {  	v24 =	vmovc v33;
	v48 =	vmul.f32 v48, v2;
	v51 =	vmul.f32 v51, v5;
	v49 =	vmax.f32 v49, v55;
	s4 =	sadd.f32 s4, s10;
	v44 =	vld [tilespmem:s17+$0x7780];
	s10 =	spop (v2sf)  }
0x483: {  	v33 =	vmov v42;
	v47 =	vmul.f32 v47, v3;
	v49 =	vmul.f32 v49, v6;
	v55 =	vld [tilespmem:s17+$0x7760];
	s10 =	sadd.f32 s20, s10;
	[tilespmem:s11+$0x4140] =	vst v53  }
0x484: {  	v28 =	vmul.f32 v52, v28;
	v42 =	vadd.f32 v51, v48;
	v48 =	vmul.f32 v52, v13;
	v13 =	vmovc v20;
	s4 =	sadd.f32 s16, s4;
	v53 =	vld [tilespmem:s17+$0x7750]  }
0x485: {  	v27 =	vmul.f32 v52, v27;
	v30 =	vmul.f32 v52, v30;
	v20 =	vmovc v35;
	v47 =	vadd.f32 v49, v47;
	v51 =	vld [tilespmem:s17+$0x77B0];
	s10 =	sadd.f32 s15, s10  }
0x486: {  	v57 =	vmul.f32 v52, v12;
	v35 =	vadd.f32 v45, v42;
	v49 =	vld [tilespmem:s17+$0x7770];
	[tilespmem:s11+$0x4150] =	vst v28;
	v28 =	vmul.f32 v52, v15  }
0x487: {  	v46 =	vmul.f32 v46, v10;
	v45 =	vadd.f32 v50, v47;
	v47 =	vmul.f32 v52, v14;
	v42 =	vld [tilespmem:s17+$0x4190];
	s4 =	sadd.f32 s4, s10;
	[tilespmem:s11+$0x4160] =	vst v48  }
0x488: {  	v12 =	vmovc v11;
	v11 =	vmovc v21;
	v21 =	vmov v34;
	v50 =	vmul.f32 v0, v52;
	v48 =	vld [tilespmem:s17+$0x41B0];
	(v2sf) =	vpush v43, $0x2;
	s10 =	spop (v2sf);
	[tilespmem:s11+$0x4180] =	vst v30  }
0x489: {  	v54 =	vadd.f32 v46, v54;
	v34 =	vmovc v58;
	v15 =	vmovc v18;
	v30 =	vadd.f32 v45, v35;
	v52 =	vld [tilespmem:s17+$0x7740];
	s15 =	spop (v2sf);
	v45 =	vmov s4;
	[tilespmem:s11+$0x41A0] =	vst v57  }
0x48a: {  	v18 =	vmovc v25;
	v25 =	vmovc v37;
	v14 =	vmov v17;
	v46 =	vld [tilespmem:s17+$0x77C0];
	s16 =	sadd.f32 s10, s15;
	(v2sf) =	vpush v43, $0x5;
	v45 =	vmul.f32 $1.442695020e+00, v45;
	[tilespmem:s11+$0x41C0] =	vst v50  }
0x48b: {  	v17 =	vmovc v26;
	v26 =	vmovc v36;
	v35 =	vmov v38;
	v30 =	vadd.f32 v54, v30;
	(v2sf) =	vpush v43, $0x1;
	s10 =	spop (v2sf);
	[tilespmem:s11+$0x4190] =	vst v28;
	v38 =	vld [tilespmem:s17+$0x4160]  }
0x48c: {  	v28 =	vmovc v23;
	v54 =	vld [tilespmem:s17+$0x4150];
	v50 =	vadd.f32 v59, v42;
	(v2sf) =	vpush v43, $0x0;
	s15 =	spop (v2sf);
	v43 =	vbroadcast v45, $0x0;
	[tilespmem:s11+$0x4170] =	vst v27;
	v37 =	vmovc v42  }
0x48d: {  	v23 =	vmovc v31;
	v45 =	vadd.f32 v56, v34;
	v56 =	vperm.xlane v30, v1;
	v42 =	vld [tilespmem:s17+$0x4140];
	[tilespmem:s11+$0x41B0] =	vst v47;
	v36 =	vmov v48;
	s11 =	smov.u32 s13;
	s13 =	smov.u32 s14;
	s14 =	smov.u32 s1  }
0x48e: {  	v31 =	vmovc v40;
	v27 =	vmovc v19;
	v19 =	vmov v29;
	s1 =	smov.u32 s17;
	v57 =	vld [tilespmem:s17+$0x4170];
	v47 =	vmul.f32 $2.000000030e-01, v50;
	(erf) = vpow2.f32 v43  }
0x48f: {  	v29 =	vmovc v39;
	v48 =	vmul.f32 $2.000000030e-01, v45;
	v43 =	vadd.f32 v30, v56;
	v30 =	vmovc v22;
	v22 =	vmov v32;
	v58 =	vld [tilespmem:s1+$0x4180]  }
0x490: {  	v32 =	vmovc v41;
	v46 =	vadd.f32 v0, v46;
	v55 =	vadd.f32 v55, v38;
	v56 =	vmax.f32 v50, v47  }
0x491: {  	v41 =	vmax.f32 v45, v48;
	v50 =	vadd.f32 v51, v36;
	v47 =	vadd.f32 v53, v54;
	v40 =	vmovc v54  }
.Ltmp9:
0x492: {  	v45 =	vmul.f32 v41, v8;
	v48 =	vadd.f32 v52, v42;
	(v2sf) =	vpush v43, $0x7;
	(pc) =	sbr.rel @p1 .LBB2_14-.Ltmp9, $4  }
0x493: {  	v53 =	vmul.f32 $2.000000030e-01, v55;
	v51 =	vadd.f32 v49, v57;
	(v2sf) =	vpush v43, $0x6;
	v39 =	vmovc v57  }
0x494: {  	v52 =	vmul.f32 $2.000000030e-01, v50;
	v57 =	vmul.f32 $2.000000030e-01, v46;
	v49 =	vadd.f32 v44, v58;
	v41 =	vmovc v58  }
0x495: {  	v54 =	vmax.f32 v55, v53;
	v44 =	vmul.f32 v56, v7;
	(v2sf) =	vpush v43, $0x4  }
0x496: {  	s4 =	smov.u32 s7;
	v53 =	vmul.f32 $2.000000030e-01, v48;
	v46 =	vmax.f32 v46, v57;
	(v2sf) =	vpush v43, $0x3  }
0x497: {  	v55 =	vmul.f32 $2.000000030e-01, v47;
	v56 =	vmul.f32 $2.000000030e-01, v51  }
0x498: {  	v57 =	vmul.f32 $2.000000030e-01, v49  }
0x499: {  	v48 =	vmax.f32 v48, v53;
	v47 =	vmax.f32 v47, v55;
	v51 =	vmax.f32 v51, v56  }
0x49a: {  	v48 =	vmul.f32 v48, v2;
	v49 =	vmax.f32 v49, v57;
	v51 =	vmul.f32 v51, v5  }
0x49b: {  	v47 =	vmul.f32 v47, v3;
	v49 =	vmul.f32 v49, v6  }
0x49c: {  	v63 =	vmul.f32 v54, v4;
	v50 =	vmax.f32 v50, v52  }
0x49d: {  	v50 =	vmul.f32 v50, v9;
	v48 =	vadd.f32 v51, v48;
	v47 =	vadd.f32 v49, v47  }
0x49e: {  	v44 =	vadd.f32 v44, v63  }
0x49f: {  	v46 =	vmul.f32 v46, v10;
	v45 =	vadd.f32 v45, v48;
	v47 =	vadd.f32 v50, v47;
	_ =	sdelay $0x1  }
0x4a0: {  	v44 =	vadd.f32 v46, v44;
	v45 =	vadd.f32 v47, v45;
	_ =	sdelay $0x1  }
0x4a1: {  	v44 =	vadd.f32 v44, v45  }
0x4a2: {  	(v2sf) =	vpush v43, $0x2  }
0x4a3: {  	(v2sf) =	vpush v43, $0x5;
	v45 =	vperm.xlane v44, v1  }
0x4a4: {  	(v2sf) =	vpush v43, $0x1  }
0x4a5: {  	(v2sf) =	vpush v43, $0x0;
	v56 =	vadd.f32 v44, v45;
	_ =	sdelay $0x1  }
0x4a6: {  	(v2sf) =	vpush v56, $0x7  }
0x4a7: {  	s4 =	spop (v2sf);
	(v2sf) =	vpush v56, $0x6  }
0x4a8: {  	s7 =	spop (v2sf);
	(v2sf) =	vpush v56, $0x4  }
0x4a9: {  	s4 =	sadd.f32 s15, s4;
	s22 =	spop (v2sf);
	(v2sf) =	vpush v56, $0x3  }
0x4aa: {  	s7 =	sadd.f32 s7, s10;
	s17 =	spop (v2sf);
	(v2sf) =	vpush v56, $0x2  }
0x4ab: {  	s10 =	sadd.f32 s22, s17;
	(v2sf) =	vpush v56, $0x5  }
0x4ac: {  	s7 =	sadd.f32 s16, s7;
	s15 =	spop (v2sf);
	(v2sf) =	vpush v56, $0x1  }
0x4ad: {  	s4 =	sadd.f32 s4, s10;
	s20 =	spop (v2sf);
	(v2sf) =	vpush v56, $0x0  }
0x4ae: {  	s16 =	spop (v2sf)  }
0x4af: {  	s4 =	sadd.f32 s7, s4;
	s17 =	spop (v2sf)  }
0x4b0: {  	s22 =	spop (v2sf)  }
0x4b1: {  	v57 =	vmov s4;
	s10 =	sadd.f32 s15, s20;
	s4 =	spop (v2sf)  }
0x4b2: {  	v43 =	vmul.f32 $1.442695020e+00, v57;
	s7 =	sadd.f32 s17, s22;
	s20 =	spop (v2sf)  }
0x4b3: {  	s4 =	sadd.f32 s4, s16;
	s22 =	spop (v2sf)  }
0x4b4: {  	v43 =	vbroadcast v43, $0x0;
	s15 =	sadd.f32 s20, s22  }
0x4b5: {  	s4 =	sadd.f32 s10, s4;
	s10 =	spop (v2sf)  }
0x4b6: {  	v58 =	vpop (erf);
	(erf) = vpow2.f32 v43;
	s7 =	sadd.f32 s7, s15;
	s17 =	spop (v2sf)  }
0x4b7: {  	v16 =	vmul.f32 v58, v16;
	s16 =	spop (v2sf)  }
0x4b8: {  	v28 =	vmul.f32 v58, v28;
	s4 =	sadd.f32 s4, s7;
	s20 =	spop (v2sf)  }
0x4b9: {  	v13 =	vmul.f32 v58, v13;
	[tilespmem:s11+$0x4140] =	vst v16;
	s22 =	spop (v2sf)  }
0x4ba: {  	v30 =	vmul.f32 v58, v30;
	[tilespmem:s11+$0x4150] =	vst v28;
	v59 =	vmov s4;
	s4 =	sadd.f32 s10, s17;
	s15 =	spop (v2sf)  }
0x4bb: {  	v12 =	vmul.f32 v58, v12;
	[tilespmem:s11+$0x4160] =	vst v13;
	v60 =	vmul.f32 $1.442695020e+00, v59;
	s7 =	sadd.f32 s20, s22;
	s20 =	spop (v2sf)  }
0x4bc: {  	v61 =	vmul.f32 v0, v58;
	[tilespmem:s11+$0x4180] =	vst v30;
	s10 =	sadd.f32 s15, s16;
	s22 =	spop (v2sf)  }
0x4bd: {  	v15 =	vmul.f32 v58, v15;
	[tilespmem:s11+$0x41A0] =	vst v12;
	v62 =	vbroadcast v60, $0x0;
	s15 =	sadd.f32 s20, s22  }
0x4be: {  	v14 =	vmul.f32 v58, v14;
	[tilespmem:s11+$0x41C0] =	vst v61;
	s4 =	sadd.f32 s4, s10  }
0x4bf: {  	v63 =	vmul.f32 v58, v27;
	[tilespmem:s11+$0x4190] =	vst v15;
	v27 =	vpop (erf);
	(erf) = vpow2.f32 v62;
	s7 =	sadd.f32 s7, s15  }
0x4c0: {  	[tilespmem:s11+$0x41B0] =	vst v14;
	v28 =	vmul.f32 v27, v24  }
0x4c1: {  	[tilespmem:s11+$0x4170] =	vst v63;
	v30 =	vmul.f32 v27, v23;
	s4 =	sadd.f32 s4, s7  }
0x4c2: {  	v43 =	vmul.f32 v27, v20;
	[tilespmem:s13+$0x4140] =	vst v28  }
0x4c3: {  	v44 =	vmul.f32 v27, v22;
	[tilespmem:s13+$0x4150] =	vst v30;
	v45 =	vmov s4  }
0x4c4: {  	v11 =	vmul.f32 v27, v11;
	[tilespmem:s13+$0x4160] =	vst v43;
	v46 =	vmul.f32 $1.442695020e+00, v45  }
0x4c5: {  	v47 =	vmul.f32 v0, v27;
	[tilespmem:s13+$0x4180] =	vst v44  }
0x4c6: {  	v48 =	vmul.f32 v27, v18;
	[tilespmem:s13+$0x41A0] =	vst v11;
	v11 =	vbroadcast v46, $0x0  }
0x4c7: {  	v49 =	vmul.f32 v27, v19;
	[tilespmem:s13+$0x41C0] =	vst v47  }
0x4c8: {  	v50 =	vmul.f32 v27, v17;
	[tilespmem:s13+$0x4190] =	vst v48;
	v51 =	vpop (erf);
	(erf) = vpow2.f32 v11  }
0x4c9: {  	[tilespmem:s13+$0x4170] =	vst v49;
	v52 =	vmul.f32 v51, v31  }
0x4ca: {  	[tilespmem:s13+$0x41B0] =	vst v50;
	v53 =	vmul.f32 v51, v32  }
0x4cb: {  	[tilespmem:s14+$0x4150] =	vst v52;
	v11 =	vmul.f32 v51, v33  }
0x4cc: {  	v54 =	vmul.f32 v51, v21;
	[tilespmem:s14+$0x4180] =	vst v53  }
0x4cd: {  	[tilespmem:s14+$0x4140] =	vst v11;
	v11 =	vmul.f32 v51, v35  }
0x4ce: {  	v55 =	vmul.f32 v51, v25;
	[tilespmem:s14+$0x41A0] =	vst v54  }
0x4cf: {  	[tilespmem:s14+$0x4160] =	vst v11;
	v11 =	vmul.f32 v0, v51  }
0x4d0: {  	v56 =	vmul.f32 v51, v29;
	[tilespmem:s14+$0x4190] =	vst v55  }
0x4d1: {  	[tilespmem:s14+$0x41C0] =	vst v11;
	v11 =	vmul.f32 v51, v26;
	v57 =	vpop (erf)  }
0x4d2: {  	[tilespmem:s14+$0x4170] =	vst v56;
	v58 =	vmul.f32 v57, v42  }
0x4d3: {  	[tilespmem:s14+$0x41B0] =	vst v11;
	v11 =	vmul.f32 v57, v40  }
0x4d4: {  	v59 =	vmul.f32 v57, v38;
	[tilespmem:s1+$0x4140] =	vst v58  }
0x4d5: {  	v60 =	vmul.f32 v57, v41;
	[tilespmem:s1+$0x4150] =	vst v11  }
0x4d6: {  	v61 =	vmul.f32 v0, v57;
	[tilespmem:s1+$0x4160] =	vst v59  }
0x4d7: {  	v62 =	vmul.f32 v57, v37;
	[tilespmem:s1+$0x4180] =	vst v60  }
0x4d8: {  	v11 =	vmul.f32 v57, v34;
	[tilespmem:s1+$0x41C0] =	vst v61  }
0x4d9: {  	v63 =	vmul.f32 v57, v36;
	[tilespmem:s1+$0x4190] =	vst v62  }
0x4da: {  	[tilespmem:s1+$0x41A0] =	vst v11;
	v11 =	vmul.f32 v57, v39  }
0x4db: {  	[tilespmem:s1+$0x41B0] =	vst v63  }
.Ltmp10:
0x4dc: {  	[tilespmem:s1+$0x4170] =	vst v11;
	(pc) =	sbr.rel @p0 .LBB2_17-.Ltmp10, $4  }
0x4dd: {  	[spmem:s3] =	stream.indirect.scatter.add.f32 [tilespmem:s26], [sflag:$0x8], $0x90, s12, s18, $0xb8;
	[tilespmem:$0x1FAD0] =	vst v63  }
0x4de: {  	_ =	swait.ge [sflag:s0], $0x1B00  }
0x4df: {  	[sflag:s0] =	ssyncset.done $0x0  }
0x4e0: {  	[sflag:s0] =	ssyncadd.s32 $0xFFFFE500  }
.Ltmp11:
0x4e1: {  	(pc) =	sbr.rel .LBB2_3-.Ltmp11, $4  }
0x4e2: {  	s1 =	sadd.s32 $0x150, s9  }
0x4e3: {  	[tilespmem:s21], [sflag:$0x2] =	stream.indirect.gather [hbm4b:s5+s18], $0x90, s1, s18, $0xb8;
	[tilespmem:$0x1FAD0] =	vst v63  }
0x4e4: {  	s22 =	sadd.s32 $0x6F0, s9;
	s8 =	sadd.s32 $0x1, s8  }
0x4e5: {  	[tilespmem:s23], [sflag:$0x5] =	stream.indirect.gather [hbm4b:s6+s18], $0x90, s22, s18, $0xb8;
	[tilespmem:$0x1FAD0] =	vst v63  }
.LBB2_19:
0x4e6: {  	_ =	sfence.sel $0x180000  }
0x4e7: {  	[bflag:$0x0] =	sbarrier.arrive $0xFFFF  }
0x4e8: {  	_ =	strace $0x90000047  }
0x4e9: {  	s0 =	stileid.u32;
	[bflag:$0x2] =	sbarrier.arrive $0xFFFF  }
0x4ea: {  	p0 =	sne.s32 s0, $0x0;
	s0 =	rddreg [dreg:$0x3]  }
0x4eb: {  	s0 =	sadd.s32 @!p0 $0x100000, s0  }
0x4ec: {  	[sflag:s0] =	ssyncadd.tile.s32 @!p0 $0x1;
	_ =	shalt  }
.Lfunc_end2:
_tile_overlayer_lowered:
.L_overlay_start_2:
0x4ed: {  	(tag) =	ssettag $0x2  }
0x4ee: {  	s0 =	rddreg [dreg:$0x0];
	s2 =	stileid.u32  }
0x4ef: {  	s1 =	rddreg [dreg:$0x1];
	p0 =	sne.s32 s2, $0x0  }
0x4f0: {  	s3 =	rddreg [dreg:$0x2];
	[bflag:$0x3] =	sbarrier.arrive $0xFFFF;
	s2 =	simm.s32 @!p0 $0x1C09  }
0x4f1: {  	[timem:s3], [sflag:s2] =	dma.local @!p0 [hbm:s0], s1  }
0x4f2: {  	s0 =	simm.s32 @!p0 $0x9  }
0x4f3: {  	_ =	swait.ge @!p0 [sflag:s0], s1  }
0x4f4: {  	s1 =	ssub.s32 @!p0 $0x0, s1;
	[sflag:s0] =	ssyncset.done @!p0 $0x0  }
0x4f5: {  	[sflag:s0] =	ssyncadd.s32 @!p0 s1  }
0x4f6: {  	[bflag:$0x3] =	sbarrier.arrive $0xFFFF  }
0x4f7: {  	_ =	shalt  }

</sc_bundles>
